<compile_context>
chip_gen: v7x
topology: tpu7x:2x2x1
jax: 0.10.2.dev20260603
libtpu: 0.0.44.dev20260713+nightly
codegen_flags: <defaults>
</compile_context>

<pallas_src>
import functools

import jax
import jax.numpy as jnp
from jax import lax
from jax.experimental import pallas as pl
from jax.experimental.pallas import tpu as pltpu
from jax.experimental.pallas import tpu_sc as plsc

_N = 10000
_N_PAD = 10240
_NC = 2
_NS = 16
_NW = _NC * _NS
_CH = 128
_ROWS_PER_TILE = _N_PAD // _NS


def _make_sc_scatter(w: int, ch: int, nbuf: int, n_chunks: int, npass: int):
    mesh = plsc.VectorSubcoreMesh(core_axis_name="c", subcore_axis_name="s",
                                  num_cores=_NC, num_subcores=_NS)
    hc = n_chunks // npass
    assert n_chunks % npass == 0 and hc % nbuf == 0 and hc >= 2 * nbuf

    def body(y_hbm, src_hbm, dst_hbm, zeros_hbm, out_hbm,
             src_v, dst_v, *rest):
        bufs = rest[:nbuf]
        acc_sh = rest[nbuf]
        sems = rest[nbuf + 1:]
        c = lax.axis_index("c")
        s = lax.axis_index("s")
        gid = c * _NS + s
        row0 = s * _ROWS_PER_TILE

        pltpu.sync_copy(zeros_hbm.at[pl.ds(row0, _ROWS_PER_TILE), :],
                        acc_sh.at[pl.ds(row0, _ROWS_PER_TILE), :])

        for p in range(npass):
            if npass == 1:
                pltpu.sync_copy(src_hbm.at[gid], src_v)
                pltpu.sync_copy(dst_hbm.at[gid], dst_v)
            else:
                pltpu.sync_copy(src_hbm.at[gid, pl.ds(p * hc, hc), :], src_v)
                pltpu.sync_copy(dst_hbm.at[gid, pl.ds(p * hc, hc), :], dst_v)
            if p == 0:
                plsc.subcore_barrier()

            if nbuf == 1:
                @pl.loop(0, hc)
                def _chunk(j):
                    pltpu.async_copy(y_hbm.at[src_v.at[j]], bufs[0],
                                     sems[0]).wait()
                    pltpu.sync_copy(bufs[0], acc_sh.at[dst_v.at[j]], add=True)
            else:
                for b in range(nbuf):
                    pltpu.async_copy(y_hbm.at[src_v.at[b]], bufs[b], sems[b])

                @pl.loop(0, hc - nbuf, step=nbuf)
                def _chunk(j):
                    for b in range(nbuf):
                        jj = j + b
                        pltpu.make_async_copy(y_hbm.at[src_v.at[jj]],
                                              bufs[b], sems[b]).wait()
                        pltpu.sync_copy(bufs[b], acc_sh.at[dst_v.at[jj]],
                                        add=True)
                        pltpu.async_copy(y_hbm.at[src_v.at[jj + nbuf]],
                                         bufs[b], sems[b])

                for b in range(nbuf):
                    jj = hc - nbuf + b
                    pltpu.make_async_copy(y_hbm.at[src_v.at[jj]],
                                          bufs[b], sems[b]).wait()
                    pltpu.sync_copy(bufs[b], acc_sh.at[dst_v.at[jj]], add=True)

        plsc.subcore_barrier()
        pltpu.sync_copy(acc_sh.at[pl.ds(row0, _ROWS_PER_TILE), :],
                        out_hbm.at[c, pl.ds(row0, _ROWS_PER_TILE), :])

    return pl.kernel(
        body,
        out_type=jax.ShapeDtypeStruct((_NC, _N_PAD, w), jnp.float32),
        mesh=mesh,
        compiler_params=pltpu.CompilerParams(use_tc_tiling_on_sc=False),
        scratch_types=[
            pltpu.VMEM((hc, ch), jnp.int32),
            pltpu.VMEM((hc, ch), jnp.int32),
            *[pltpu.VMEM((ch, w), jnp.float32) for _ in range(nbuf)],
            pltpu.VMEM_SHARED((_N_PAD, w), jnp.float32),
            *[pltpu.SemaphoreType.DMA for _ in range(nbuf)],
        ],
    )


def _pre_body(h_ref, wr_ref, wo_ref, b_ref, yr_ref, yo_ref):
    h = h_ref[...]
    yr_ref[...] = jnp.dot(h, wr_ref[...], preferred_element_type=jnp.float32)
    yo_ref[...] = (jnp.dot(h, wo_ref[...], preferred_element_type=jnp.float32)
                   + b_ref[...])


def _bn_relu(z, g, be):
    mask = lax.broadcasted_iota(jnp.int32, (_N_PAD, 1), 0) < _N
    z = jnp.where(mask, z, 0.0)
    mu = jnp.sum(z, axis=0, keepdims=True) / _N
    d = jnp.where(mask, z - mu, 0.0)
    var = jnp.sum(d * d, axis=0, keepdims=True) / _N
    hn = (z - mu) * lax.rsqrt(var + 1e-5) * g + be
    hn = jnp.maximum(hn, 0.0)
    return jnp.where(mask, hn, 0.0)


def _mid_body(acc_ref, yo_ref, g_ref, be_ref, wr_ref, wo_ref, b_ref,
              yr2_ref, yo2_ref):
    z = acc_ref[0] + acc_ref[1] + yo_ref[...]
    h = _bn_relu(z, g_ref[...], be_ref[...])
    yr2_ref[...] = jnp.dot(h, wr_ref[...], preferred_element_type=jnp.float32)
    yo2_ref[...] = (jnp.dot(h, wo_ref[...], preferred_element_type=jnp.float32)
                    + b_ref[...])


def _post_body(acc_ref, yo_ref, g_ref, be_ref, h_ref):
    z = acc_ref[0] + acc_ref[1] + yo_ref[...]
    h_ref[...] = _bn_relu(z, g_ref[...], be_ref[...])


def _tc_call(body, out_shapes, *args):
    return pl.pallas_call(
        body,
        out_shape=out_shapes,
    )(*args)


def kernel(x, edge_index, params):
    n, d = x.shape
    e = edge_index.shape[1]
    ch1, nbuf1, npass1 = 128, 2, 2
    ch2, nbuf2, npass2 = 128, 2, 1
    quantum = _NW * 128 * 4
    e_pad = ((e + quantum - 1) // quantum) * quantum
    nck1 = e_pad // (_NW * ch1)
    nck2 = e_pad // (_NW * ch2)
    src = edge_index[0].astype(jnp.int32)
    dst = edge_index[1].astype(jnp.int32)
    pad_src = _N + jnp.arange(e_pad - e, dtype=jnp.int32) % (_N_PAD - _N)
    pad_dst = jnp.arange(e_pad - e, dtype=jnp.int32) % _N_PAD
    src = jnp.concatenate([src, pad_src])
    dst = jnp.concatenate([dst, pad_dst])
    src1 = src.reshape(_NW, nck1, ch1)
    dst1 = dst.reshape(_NW, nck1, ch1)
    src2 = src.reshape(_NW, nck2, ch2)
    dst2 = dst.reshape(_NW, nck2, ch2)

    xp = jnp.zeros((_N_PAD, d), jnp.float32).at[:n].set(x)

    scatter_128 = _make_sc_scatter(128, ch1, nbuf1, nck1, npass1)
    scatter_32 = _make_sc_scatter(32, ch2, nbuf2, nck2, npass2)
    zeros_128 = jnp.zeros((_N_PAD, 128), jnp.float32)
    zeros_32 = jnp.zeros((_N_PAD, 32), jnp.float32)

    xs = [xp]
    for p in params:
        h_cat = jnp.concatenate(xs, axis=-1)
        dmid = p['W1_rel'].shape[1]
        hdim = p['W2_rel'].shape[1]
        y1r, y1o = _tc_call(
            _pre_body,
            (jax.ShapeDtypeStruct((_N_PAD, dmid), jnp.float32),
             jax.ShapeDtypeStruct((_N_PAD, dmid), jnp.float32)),
            h_cat, p['W1_rel'], p['W1_root'], p['b1'].reshape(1, -1))
        acc1 = scatter_128(y1r, src1, dst1, zeros_128)
        y2r, y2o = _tc_call(
            _mid_body,
            (jax.ShapeDtypeStruct((_N_PAD, hdim), jnp.float32),
             jax.ShapeDtypeStruct((_N_PAD, hdim), jnp.float32)),
            acc1, y1o, p['g1'].reshape(1, -1), p['be1'].reshape(1, -1),
            p['W2_rel'], p['W2_root'], p['b2'].reshape(1, -1))
        acc2 = scatter_32(y2r, src2, dst2, zeros_32)
        h2 = _tc_call(
            _post_body,
            jax.ShapeDtypeStruct((_N_PAD, hdim), jnp.float32),
            acc2, y2o, p['g2'].reshape(1, -1), p['be2'].reshape(1, -1))
        xs.append(h2)

    return jnp.concatenate(xs, axis=-1)[:n]

# --- scband reference (transcript-rebuilt; emitter-appended) ---
"""Pipeline reference for scband-gnndense-block-36919538876773 (READ-ONLY COPY).

The authoritative reference and input builder live on the scoring server;
editing this copy changes nothing except your own understanding.
"""

import jax, jax.numpy as jnp
import numpy as np

N = 10000
E = 320000
D = 128
H = 32
G = 4
L = 3


def setup_inputs(seed: int = 0) -> dict:
    key = jax.random.key(seed)
    ks = jax.random.split(key, 2 + 4 * L)
    x = jax.random.normal(ks[0], (N, D), dtype=jnp.float32)
    edge_index = jax.random.randint(ks[1], (2, E), 0, N)
    params = []
    dims_in = [D + H * i for i in range(L)]
    kidx = 2
    for i, din in enumerate(dims_in):
        dmid = H * G
        k1, k2, k3, k4 = ks[kidx], ks[kidx + 1], ks[kidx + 2], ks[kidx + 3]
        kidx += 4
        p = {
            'W1_rel': jax.random.normal(k1, (din, dmid), dtype=jnp.float32) / np.sqrt(din),
            'W1_root': jax.random.normal(k2, (din, dmid), dtype=jnp.float32) / np.sqrt(din),
            'b1': jnp.zeros((dmid,), dtype=jnp.float32),
            'g1': jnp.ones((dmid,), dtype=jnp.float32),
            'be1': jnp.zeros((dmid,), dtype=jnp.float32),
            'W2_rel': jax.random.normal(k3, (dmid, H), dtype=jnp.float32) / np.sqrt(dmid),
            'W2_root': jax.random.normal(k4, (dmid, H), dtype=jnp.float32) / np.sqrt(dmid),
            'b2': jnp.zeros((H,), dtype=jnp.float32),
            'g2': jnp.ones((H,), dtype=jnp.float32),
            'be2': jnp.zeros((H,), dtype=jnp.float32),
        }
        params.append(p)
    return {'x': x, 'edge_index': edge_index, 'params': params}


def _batch_norm(h, g, b, eps=1e-5):
    mu = h.mean(axis=0)
    var = h.var(axis=0)
    return (h - mu) / jnp.sqrt(var + eps) * g + b


def _graph_conv(x, edge_index, W_rel, b_rel, W_root):
    # PyG GraphConv: out_i = lin_rel(sum_{j in N(i)} x_j) + lin_root(x_i)
    src = edge_index[0]
    dst = edge_index[1]
    msg = x[src]
    aggr = jnp.zeros_like(x).at[dst].add(msg)
    return aggr @ W_rel + b_rel + x @ W_root


def reference(x, edge_index, params):
    xs = [x]
    for p in params:
        h = jnp.concatenate(xs, axis=-1)
        h = _graph_conv(h, edge_index, p['W1_rel'], p['b1'], p['W1_root'])
        h = jax.nn.relu(_batch_norm(h, p['g1'], p['be1']))
        h = _graph_conv(h, edge_index, p['W2_rel'], p['b2'], p['W2_root'])
        h = jax.nn.relu(_batch_norm(h, p['g2'], p['be2']))
        xs.append(h)
    return jnp.concatenate(xs, axis=-1)

if __name__ == "__main__":
    import jax
    _d = setup_inputs()
    print(jax.jit(kernel)(*tuple(_d.values())))

</pallas_src>

<mosaic_0001>
#map = affine_map<(d0, d1) -> (0, 0)>
#map1 = affine_map<(d0, d1) -> (0, 0, 0)>
module attributes {stable_mosaic.version = 14 : i64} {
  func.func @body(%arg0: i32, %arg1: i32, %arg2: memref<10240x32xf32, #tpu.memory_space<hbm>>, %arg3: memref<32x80x128xi32, #tpu.memory_space<hbm>>, %arg4: memref<32x80x128xi32, #tpu.memory_space<hbm>>, %arg5: memref<10240x32xf32, #tpu.memory_space<hbm>>, %arg6: memref<2x10240x32xf32, #tpu.memory_space<hbm>>, %arg7: memref<80x128xi32, #tpu.memory_space<vmem>>, %arg8: memref<80x128xi32, #tpu.memory_space<vmem>>, %arg9: memref<128x32xf32, #tpu.memory_space<vmem>>, %arg10: memref<128x32xf32, #tpu.memory_space<vmem>>, %arg11: memref<10240x32xf32, #tpu.memory_space<vmem_shared>>, %arg12: memref<!tpu.dma_semaphore, #tpu.memory_space<semaphore_mem>>, %arg13: memref<!tpu.dma_semaphore, #tpu.memory_space<semaphore_mem>>) attributes {dimension_semantics = [#tpu.dimension_semantics<core_parallel>, #tpu.dimension_semantics<subcore_parallel>], iteration_bounds = array<i64: 2, 16>, scalar_prefetch = 0 : i64, scratch_operands = 7 : i64, tpu.core_type = #tpu.core_type<sc_vector_subcore>, window_params = [{transform_indices = #map}, {transform_indices = #map1}, {transform_indices = #map1}, {transform_indices = #map}, {transform_indices = #map1}]} {
    %mul3A = arith.constant 16 : i32
    %mul3A_0 = arith.muli %arg0, %mul3A : i32
    %add3A = arith.addi %mul3A_0, %arg1 : i32
    %mul3A_1 = arith.constant 640 : i32
    %mul3A_2 = arith.muli %arg1, %mul3A_1 : i32
    "tpu.region"() ({
      %run_scoped3A_35 = tpu.sem_alloc : memref<!tpu.dma_semaphore, #tpu.memory_space<semaphore_mem>>
      %dma_start3A_36 = arith.constant 0 : i32
      %dma_start3A_37 = tpu.memref_slice %arg11[%mul3A_2, %dma_start3A_36] : memref<10240x32xf32, #tpu.memory_space<vmem_shared>> -> memref<640x32xf32, #tpu.memory_space<vmem_shared>>
      %dma_start3A_38 = arith.constant 0 : i32
      %dma_start3A_39 = tpu.memref_slice %arg5[%mul3A_2, %dma_start3A_38] : memref<10240x32xf32, #tpu.memory_space<hbm>> -> memref<640x32xf32, #tpu.memory_space<hbm>>
      tpu.enqueue_dma source(%dma_start3A_39 : memref<640x32xf32, #tpu.memory_space<hbm>>) target(%dma_start3A_37 : memref<640x32xf32, #tpu.memory_space<vmem_shared>>) target_semaphore(%run_scoped3A_35 : memref<!tpu.dma_semaphore, #tpu.memory_space<semaphore_mem>>)
      %dma_wait3A_40 = arith.constant 0 : i32
      %dma_wait3A_41 = tpu.memref_slice %arg11[%mul3A_2, %dma_wait3A_40] : memref<10240x32xf32, #tpu.memory_space<vmem_shared>> -> memref<640x32xf32, #tpu.memory_space<vmem_shared>>
      %dma_wait3A_42 = arith.constant 0 : i32
      %dma_wait3A_43 = tpu.memref_slice %arg5[%mul3A_2, %dma_wait3A_42] : memref<10240x32xf32, #tpu.memory_space<hbm>> -> memref<640x32xf32, #tpu.memory_space<hbm>>
      tpu.wait_dma2 semaphore(%run_scoped3A_35 : memref<!tpu.dma_semaphore, #tpu.memory_space<semaphore_mem>>) src(%dma_wait3A_43 : memref<640x32xf32, #tpu.memory_space<hbm>>) dst(%dma_wait3A_41 : memref<640x32xf32, #tpu.memory_space<vmem_shared>>)
      tpu.yield
    }) : () -> ()
    "tpu.region"() ({
      %run_scoped3A_35 = tpu.sem_alloc : memref<!tpu.dma_semaphore, #tpu.memory_space<semaphore_mem>>
      %dma_start3A_36 = arith.constant 0 : i32
      %dma_start3A_37 = arith.constant 0 : i32
      %dma_start3A_38 = tpu.memref_slice %arg3[%add3A, %dma_start3A_36, %dma_start3A_37] : memref<32x80x128xi32, #tpu.memory_space<hbm>> -> memref<1x80x128xi32, #tpu.memory_space<hbm>>
      %dma_start3A_39 = tpu.memref_squeeze %dma_start3A_38 : memref<1x80x128xi32, #tpu.memory_space<hbm>> -> memref<80x128xi32, #tpu.memory_space<hbm>>
      %dma_start3A_40 = arith.constant 0 : i32
      %dma_start3A_41 = arith.constant 0 : i32
      %dma_start3A_42 = tpu.memref_slice %arg3[%add3A, %dma_start3A_40, %dma_start3A_41] : memref<32x80x128xi32, #tpu.memory_space<hbm>> -> memref<1x80x128xi32, #tpu.memory_space<hbm>>
      %dma_start3A_43 = tpu.memref_squeeze %dma_start3A_42 : memref<1x80x128xi32, #tpu.memory_space<hbm>> -> memref<80x128xi32, #tpu.memory_space<hbm>>
      tpu.enqueue_dma source(%dma_start3A_43 : memref<80x128xi32, #tpu.memory_space<hbm>>) target(%arg7 : memref<80x128xi32, #tpu.memory_space<vmem>>) target_semaphore(%run_scoped3A_35 : memref<!tpu.dma_semaphore, #tpu.memory_space<semaphore_mem>>)
      %dma_wait3A_44 = arith.constant 0 : i32
      %dma_wait3A_45 = arith.constant 0 : i32
      %dma_wait3A_46 = tpu.memref_slice %arg3[%add3A, %dma_wait3A_44, %dma_wait3A_45] : memref<32x80x128xi32, #tpu.memory_space<hbm>> -> memref<1x80x128xi32, #tpu.memory_space<hbm>>
      %dma_wait3A_47 = tpu.memref_squeeze %dma_wait3A_46 : memref<1x80x128xi32, #tpu.memory_space<hbm>> -> memref<80x128xi32, #tpu.memory_space<hbm>>
      %dma_wait3A_48 = arith.constant 0 : i32
      %dma_wait3A_49 = arith.constant 0 : i32
      %dma_wait3A_50 = tpu.memref_slice %arg3[%add3A, %dma_wait3A_48, %dma_wait3A_49] : memref<32x80x128xi32, #tpu.memory_space<hbm>> -> memref<1x80x128xi32, #tpu.memory_space<hbm>>
      %dma_wait3A_51 = tpu.memref_squeeze %dma_wait3A_50 : memref<1x80x128xi32, #tpu.memory_space<hbm>> -> memref<80x128xi32, #tpu.memory_space<hbm>>
      tpu.wait_dma2 semaphore(%run_scoped3A_35 : memref<!tpu.dma_semaphore, #tpu.memory_space<semaphore_mem>>) src(%dma_wait3A_51 : memref<80x128xi32, #tpu.memory_space<hbm>>) dst(%arg7 : memref<80x128xi32, #tpu.memory_space<vmem>>)
      tpu.yield
    }) : () -> ()
    "tpu.region"() ({
      %run_scoped3A_35 = tpu.sem_alloc : memref<!tpu.dma_semaphore, #tpu.memory_space<semaphore_mem>>
      %dma_start3A_36 = arith.constant 0 : i32
      %dma_start3A_37 = arith.constant 0 : i32
      %dma_start3A_38 = tpu.memref_slice %arg4[%add3A, %dma_start3A_36, %dma_start3A_37] : memref<32x80x128xi32, #tpu.memory_space<hbm>> -> memref<1x80x128xi32, #tpu.memory_space<hbm>>
      %dma_start3A_39 = tpu.memref_squeeze %dma_start3A_38 : memref<1x80x128xi32, #tpu.memory_space<hbm>> -> memref<80x128xi32, #tpu.memory_space<hbm>>
      %dma_start3A_40 = arith.constant 0 : i32
      %dma_start3A_41 = arith.constant 0 : i32
      %dma_start3A_42 = tpu.memref_slice %arg4[%add3A, %dma_start3A_40, %dma_start3A_41] : memref<32x80x128xi32, #tpu.memory_space<hbm>> -> memref<1x80x128xi32, #tpu.memory_space<hbm>>
      %dma_start3A_43 = tpu.memref_squeeze %dma_start3A_42 : memref<1x80x128xi32, #tpu.memory_space<hbm>> -> memref<80x128xi32, #tpu.memory_space<hbm>>
      tpu.enqueue_dma source(%dma_start3A_43 : memref<80x128xi32, #tpu.memory_space<hbm>>) target(%arg8 : memref<80x128xi32, #tpu.memory_space<vmem>>) target_semaphore(%run_scoped3A_35 : memref<!tpu.dma_semaphore, #tpu.memory_space<semaphore_mem>>)
      %dma_wait3A_44 = arith.constant 0 : i32
      %dma_wait3A_45 = arith.constant 0 : i32
      %dma_wait3A_46 = tpu.memref_slice %arg4[%add3A, %dma_wait3A_44, %dma_wait3A_45] : memref<32x80x128xi32, #tpu.memory_space<hbm>> -> memref<1x80x128xi32, #tpu.memory_space<hbm>>
      %dma_wait3A_47 = tpu.memref_squeeze %dma_wait3A_46 : memref<1x80x128xi32, #tpu.memory_space<hbm>> -> memref<80x128xi32, #tpu.memory_space<hbm>>
      %dma_wait3A_48 = arith.constant 0 : i32
      %dma_wait3A_49 = arith.constant 0 : i32
      %dma_wait3A_50 = tpu.memref_slice %arg4[%add3A, %dma_wait3A_48, %dma_wait3A_49] : memref<32x80x128xi32, #tpu.memory_space<hbm>> -> memref<1x80x128xi32, #tpu.memory_space<hbm>>
      %dma_wait3A_51 = tpu.memref_squeeze %dma_wait3A_50 : memref<1x80x128xi32, #tpu.memory_space<hbm>> -> memref<80x128xi32, #tpu.memory_space<hbm>>
      tpu.wait_dma2 semaphore(%run_scoped3A_35 : memref<!tpu.dma_semaphore, #tpu.memory_space<semaphore_mem>>) src(%dma_wait3A_51 : memref<80x128xi32, #tpu.memory_space<hbm>>) dst(%arg8 : memref<80x128xi32, #tpu.memory_space<vmem>>)
      tpu.yield
    }) : () -> ()
    %barrier3A = arith.constant 0 : index
    tpu.barrier barrier_id(%barrier3A)
    %dma_start3A = arith.constant 0 : i32
    %dma_start3A_3 = arith.constant 0 : i32
    %dma_start3A_4 = tpu.memref_slice %arg7[%dma_start3A, %dma_start3A_3] : memref<80x128xi32, #tpu.memory_space<vmem>> -> memref<1x128xi32, #tpu.memory_space<vmem>>
    %dma_start3A_5 = tpu.memref_squeeze %dma_start3A_4 : memref<1x128xi32, #tpu.memory_space<vmem>> -> memref<128xi32, #tpu.memory_space<vmem>>
    %dma_start3A_6 = arith.constant 0 : i32
    %dma_start3A_7 = arith.constant 0 : i32
    %dma_start3A_8 = tpu.memref_slice %arg2[%dma_start3A_6, %dma_start3A_7] : memref<10240x32xf32, #tpu.memory_space<hbm>> -> memref<10240x32xf32, #tpu.memory_space<hbm>>
    tpu.enqueue_indirect_dma source(%dma_start3A_8 : memref<10240x32xf32, #tpu.memory_space<hbm>>) target(%arg9 : memref<128x32xf32, #tpu.memory_space<vmem>>) offsets(%dma_start3A_5 : memref<128xi32, #tpu.memory_space<vmem>>) semaphore(%arg12 : memref<!tpu.dma_semaphore, #tpu.memory_space<semaphore_mem>>)
    %dma_start3A_9 = arith.constant 1 : i32
    %dma_start3A_10 = arith.constant 0 : i32
    %dma_start3A_11 = tpu.memref_slice %arg7[%dma_start3A_9, %dma_start3A_10] : memref<80x128xi32, #tpu.memory_space<vmem>> -> memref<1x128xi32, #tpu.memory_space<vmem>>
    %dma_start3A_12 = tpu.memref_squeeze %dma_start3A_11 : memref<1x128xi32, #tpu.memory_space<vmem>> -> memref<128xi32, #tpu.memory_space<vmem>>
    %dma_start3A_13 = arith.constant 0 : i32
    %dma_start3A_14 = arith.constant 0 : i32
    %dma_start3A_15 = tpu.memref_slice %arg2[%dma_start3A_13, %dma_start3A_14] : memref<10240x32xf32, #tpu.memory_space<hbm>> -> memref<10240x32xf32, #tpu.memory_space<hbm>>
    tpu.enqueue_indirect_dma source(%dma_start3A_15 : memref<10240x32xf32, #tpu.memory_space<hbm>>) target(%arg10 : memref<128x32xf32, #tpu.memory_space<vmem>>) offsets(%dma_start3A_12 : memref<128xi32, #tpu.memory_space<vmem>>) semaphore(%arg13 : memref<!tpu.dma_semaphore, #tpu.memory_space<semaphore_mem>>)
    %scan3A = arith.constant 0 : i32
    %scan3A_16 = arith.constant 39 : i32
    %scan3A_17 = arith.addi %scan3A, %scan3A_16 : i32
    %scan3A_18 = arith.constant 1 : i32
    scf.for %scan3A_35 = %scan3A to %scan3A_17 step %scan3A_18  : i32 {
      %mul3A_36 = arith.constant 2 : i32
      %mul3A_37 = arith.muli %scan3A_35, %mul3A_36 : i32
      %add3A_38 = arith.constant 0 : i32
      %add3A_39 = arith.addi %add3A_38, %mul3A_37 : i32
      %add3A_40 = arith.constant 0 : i32
      %add3A_41 = arith.addi %add3A_39, %add3A_40 : i32
      %dma_wait3A_42 = arith.constant 0 : i32
      %dma_wait3A_43 = tpu.memref_slice %arg7[%add3A_41, %dma_wait3A_42] : memref<80x128xi32, #tpu.memory_space<vmem>> -> memref<1x128xi32, #tpu.memory_space<vmem>>
      %dma_wait3A_44 = tpu.memref_squeeze %dma_wait3A_43 : memref<1x128xi32, #tpu.memory_space<vmem>> -> memref<128xi32, #tpu.memory_space<vmem>>
      %dma_wait3A_45 = arith.constant 0 : i32
      %dma_wait3A_46 = arith.constant 0 : i32
      %dma_wait3A_47 = tpu.memref_slice %arg2[%dma_wait3A_45, %dma_wait3A_46] : memref<10240x32xf32, #tpu.memory_space<hbm>> -> memref<10240x32xf32, #tpu.memory_space<hbm>>
      tpu.wait_indirect_dma semaphore(%arg12 : memref<!tpu.dma_semaphore, #tpu.memory_space<semaphore_mem>>) src(%dma_wait3A_47 : memref<10240x32xf32, #tpu.memory_space<hbm>>) dst(%arg9 : memref<128x32xf32, #tpu.memory_space<vmem>>)
      "tpu.region"() ({
        %run_scoped3A_72 = tpu.sem_alloc : memref<!tpu.dma_semaphore, #tpu.memory_space<semaphore_mem>>
        %dma_start3A_73 = arith.constant 0 : i32
        %dma_start3A_74 = tpu.memref_slice %arg8[%add3A_41, %dma_start3A_73] : memref<80x128xi32, #tpu.memory_space<vmem>> -> memref<1x128xi32, #tpu.memory_space<vmem>>
        %dma_start3A_75 = tpu.memref_squeeze %dma_start3A_74 : memref<1x128xi32, #tpu.memory_space<vmem>> -> memref<128xi32, #tpu.memory_space<vmem>>
        %dma_start3A_76 = arith.constant 0 : i32
        %dma_start3A_77 = arith.constant 0 : i32
        %dma_start3A_78 = tpu.memref_slice %arg11[%dma_start3A_76, %dma_start3A_77] : memref<10240x32xf32, #tpu.memory_space<vmem_shared>> -> memref<10240x32xf32, #tpu.memory_space<vmem_shared>>
        tpu.enqueue_indirect_dma source(%arg9 : memref<128x32xf32, #tpu.memory_space<vmem>>) target(%dma_start3A_78 : memref<10240x32xf32, #tpu.memory_space<vmem_shared>>) offsets(%dma_start3A_75 : memref<128xi32, #tpu.memory_space<vmem>>) semaphore(%run_scoped3A_72 : memref<!tpu.dma_semaphore, #tpu.memory_space<semaphore_mem>>) {add = true}
        %dma_wait3A_79 = arith.constant 0 : i32
        %dma_wait3A_80 = tpu.memref_slice %arg8[%add3A_41, %dma_wait3A_79] : memref<80x128xi32, #tpu.memory_space<vmem>> -> memref<1x128xi32, #tpu.memory_space<vmem>>
        %dma_wait3A_81 = tpu.memref_squeeze %dma_wait3A_80 : memref<1x128xi32, #tpu.memory_space<vmem>> -> memref<128xi32, #tpu.memory_space<vmem>>
        %dma_wait3A_82 = arith.constant 0 : i32
        %dma_wait3A_83 = arith.constant 0 : i32
        %dma_wait3A_84 = tpu.memref_slice %arg11[%dma_wait3A_82, %dma_wait3A_83] : memref<10240x32xf32, #tpu.memory_space<vmem_shared>> -> memref<10240x32xf32, #tpu.memory_space<vmem_shared>>
        tpu.wait_indirect_dma semaphore(%run_scoped3A_72 : memref<!tpu.dma_semaphore, #tpu.memory_space<semaphore_mem>>) src(%arg9 : memref<128x32xf32, #tpu.memory_space<vmem>>) dst(%dma_wait3A_84 : memref<10240x32xf32, #tpu.memory_space<vmem_shared>>)
        tpu.yield
      }) : () -> ()
      %add3A_48 = arith.constant 2 : i32
      %add3A_49 = arith.addi %add3A_41, %add3A_48 : i32
      %dma_start3A_50 = arith.constant 0 : i32
      %dma_start3A_51 = tpu.memref_slice %arg7[%add3A_49, %dma_start3A_50] : memref<80x128xi32, #tpu.memory_space<vmem>> -> memref<1x128xi32, #tpu.memory_space<vmem>>
      %dma_start3A_52 = tpu.memref_squeeze %dma_start3A_51 : memref<1x128xi32, #tpu.memory_space<vmem>> -> memref<128xi32, #tpu.memory_space<vmem>>
      %dma_start3A_53 = arith.constant 0 : i32
      %dma_start3A_54 = arith.constant 0 : i32
      %dma_start3A_55 = tpu.memref_slice %arg2[%dma_start3A_53, %dma_start3A_54] : memref<10240x32xf32, #tpu.memory_space<hbm>> -> memref<10240x32xf32, #tpu.memory_space<hbm>>
      tpu.enqueue_indirect_dma source(%dma_start3A_55 : memref<10240x32xf32, #tpu.memory_space<hbm>>) target(%arg9 : memref<128x32xf32, #tpu.memory_space<vmem>>) offsets(%dma_start3A_52 : memref<128xi32, #tpu.memory_space<vmem>>) semaphore(%arg12 : memref<!tpu.dma_semaphore, #tpu.memory_space<semaphore_mem>>)
      %add3A_56 = arith.constant 1 : i32
      %add3A_57 = arith.addi %add3A_39, %add3A_56 : i32
      %dma_wait3A_58 = arith.constant 0 : i32
      %dma_wait3A_59 = tpu.memref_slice %arg7[%add3A_57, %dma_wait3A_58] : memref<80x128xi32, #tpu.memory_space<vmem>> -> memref<1x128xi32, #tpu.memory_space<vmem>>
      %dma_wait3A_60 = tpu.memref_squeeze %dma_wait3A_59 : memref<1x128xi32, #tpu.memory_space<vmem>> -> memref<128xi32, #tpu.memory_space<vmem>>
      %dma_wait3A_61 = arith.constant 0 : i32
      %dma_wait3A_62 = arith.constant 0 : i32
      %dma_wait3A_63 = tpu.memref_slice %arg2[%dma_wait3A_61, %dma_wait3A_62] : memref<10240x32xf32, #tpu.memory_space<hbm>> -> memref<10240x32xf32, #tpu.memory_space<hbm>>
      tpu.wait_indirect_dma semaphore(%arg13 : memref<!tpu.dma_semaphore, #tpu.memory_space<semaphore_mem>>) src(%dma_wait3A_63 : memref<10240x32xf32, #tpu.memory_space<hbm>>) dst(%arg10 : memref<128x32xf32, #tpu.memory_space<vmem>>)
      "tpu.region"() ({
        %run_scoped3A_72 = tpu.sem_alloc : memref<!tpu.dma_semaphore, #tpu.memory_space<semaphore_mem>>
        %dma_start3A_73 = arith.constant 0 : i32
        %dma_start3A_74 = tpu.memref_slice %arg8[%add3A_57, %dma_start3A_73] : memref<80x128xi32, #tpu.memory_space<vmem>> -> memref<1x128xi32, #tpu.memory_space<vmem>>
        %dma_start3A_75 = tpu.memref_squeeze %dma_start3A_74 : memref<1x128xi32, #tpu.memory_space<vmem>> -> memref<128xi32, #tpu.memory_space<vmem>>
        %dma_start3A_76 = arith.constant 0 : i32
        %dma_start3A_77 = arith.constant 0 : i32
        %dma_start3A_78 = tpu.memref_slice %arg11[%dma_start3A_76, %dma_start3A_77] : memref<10240x32xf32, #tpu.memory_space<vmem_shared>> -> memref<10240x32xf32, #tpu.memory_space<vmem_shared>>
        tpu.enqueue_indirect_dma source(%arg10 : memref<128x32xf32, #tpu.memory_space<vmem>>) target(%dma_start3A_78 : memref<10240x32xf32, #tpu.memory_space<vmem_shared>>) offsets(%dma_start3A_75 : memref<128xi32, #tpu.memory_space<vmem>>) semaphore(%run_scoped3A_72 : memref<!tpu.dma_semaphore, #tpu.memory_space<semaphore_mem>>) {add = true}
        %dma_wait3A_79 = arith.constant 0 : i32
        %dma_wait3A_80 = tpu.memref_slice %arg8[%add3A_57, %dma_wait3A_79] : memref<80x128xi32, #tpu.memory_space<vmem>> -> memref<1x128xi32, #tpu.memory_space<vmem>>
        %dma_wait3A_81 = tpu.memref_squeeze %dma_wait3A_80 : memref<1x128xi32, #tpu.memory_space<vmem>> -> memref<128xi32, #tpu.memory_space<vmem>>
        %dma_wait3A_82 = arith.constant 0 : i32
        %dma_wait3A_83 = arith.constant 0 : i32
        %dma_wait3A_84 = tpu.memref_slice %arg11[%dma_wait3A_82, %dma_wait3A_83] : memref<10240x32xf32, #tpu.memory_space<vmem_shared>> -> memref<10240x32xf32, #tpu.memory_space<vmem_shared>>
        tpu.wait_indirect_dma semaphore(%run_scoped3A_72 : memref<!tpu.dma_semaphore, #tpu.memory_space<semaphore_mem>>) src(%arg10 : memref<128x32xf32, #tpu.memory_space<vmem>>) dst(%dma_wait3A_84 : memref<10240x32xf32, #tpu.memory_space<vmem_shared>>)
        tpu.yield
      }) : () -> ()
      %add3A_64 = arith.constant 2 : i32
      %add3A_65 = arith.addi %add3A_57, %add3A_64 : i32
      %dma_start3A_66 = arith.constant 0 : i32
      %dma_start3A_67 = tpu.memref_slice %arg7[%add3A_65, %dma_start3A_66] : memref<80x128xi32, #tpu.memory_space<vmem>> -> memref<1x128xi32, #tpu.memory_space<vmem>>
      %dma_start3A_68 = tpu.memref_squeeze %dma_start3A_67 : memref<1x128xi32, #tpu.memory_space<vmem>> -> memref<128xi32, #tpu.memory_space<vmem>>
      %dma_start3A_69 = arith.constant 0 : i32
      %dma_start3A_70 = arith.constant 0 : i32
      %dma_start3A_71 = tpu.memref_slice %arg2[%dma_start3A_69, %dma_start3A_70] : memref<10240x32xf32, #tpu.memory_space<hbm>> -> memref<10240x32xf32, #tpu.memory_space<hbm>>
      tpu.enqueue_indirect_dma source(%dma_start3A_71 : memref<10240x32xf32, #tpu.memory_space<hbm>>) target(%arg10 : memref<128x32xf32, #tpu.memory_space<vmem>>) offsets(%dma_start3A_68 : memref<128xi32, #tpu.memory_space<vmem>>) semaphore(%arg13 : memref<!tpu.dma_semaphore, #tpu.memory_space<semaphore_mem>>)
    }
    %scan3A_19 = arith.constant 39 : i32
    %dma_wait3A = arith.constant 78 : i32
    %dma_wait3A_20 = arith.constant 0 : i32
    %dma_wait3A_21 = tpu.memref_slice %arg7[%dma_wait3A, %dma_wait3A_20] : memref<80x128xi32, #tpu.memory_space<vmem>> -> memref<1x128xi32, #tpu.memory_space<vmem>>
    %dma_wait3A_22 = tpu.memref_squeeze %dma_wait3A_21 : memref<1x128xi32, #tpu.memory_space<vmem>> -> memref<128xi32, #tpu.memory_space<vmem>>
    %dma_wait3A_23 = arith.constant 0 : i32
    %dma_wait3A_24 = arith.constant 0 : i32
    %dma_wait3A_25 = tpu.memref_slice %arg2[%dma_wait3A_23, %dma_wait3A_24] : memref<10240x32xf32, #tpu.memory_space<hbm>> -> memref<10240x32xf32, #tpu.memory_space<hbm>>
    tpu.wait_indirect_dma semaphore(%arg12 : memref<!tpu.dma_semaphore, #tpu.memory_space<semaphore_mem>>) src(%dma_wait3A_25 : memref<10240x32xf32, #tpu.memory_space<hbm>>) dst(%arg9 : memref<128x32xf32, #tpu.memory_space<vmem>>)
    %run_scoped3A = arith.constant 78 : i32
    "tpu.region"() ({
      %run_scoped3A_35 = tpu.sem_alloc : memref<!tpu.dma_semaphore, #tpu.memory_space<semaphore_mem>>
      %dma_start3A_36 = arith.constant 0 : i32
      %dma_start3A_37 = tpu.memref_slice %arg8[%run_scoped3A, %dma_start3A_36] : memref<80x128xi32, #tpu.memory_space<vmem>> -> memref<1x128xi32, #tpu.memory_space<vmem>>
      %dma_start3A_38 = tpu.memref_squeeze %dma_start3A_37 : memref<1x128xi32, #tpu.memory_space<vmem>> -> memref<128xi32, #tpu.memory_space<vmem>>
      %dma_start3A_39 = arith.constant 0 : i32
      %dma_start3A_40 = arith.constant 0 : i32
      %dma_start3A_41 = tpu.memref_slice %arg11[%dma_start3A_39, %dma_start3A_40] : memref<10240x32xf32, #tpu.memory_space<vmem_shared>> -> memref<10240x32xf32, #tpu.memory_space<vmem_shared>>
      tpu.enqueue_indirect_dma source(%arg9 : memref<128x32xf32, #tpu.memory_space<vmem>>) target(%dma_start3A_41 : memref<10240x32xf32, #tpu.memory_space<vmem_shared>>) offsets(%dma_start3A_38 : memref<128xi32, #tpu.memory_space<vmem>>) semaphore(%run_scoped3A_35 : memref<!tpu.dma_semaphore, #tpu.memory_space<semaphore_mem>>) {add = true}
      %dma_wait3A_42 = arith.constant 0 : i32
      %dma_wait3A_43 = tpu.memref_slice %arg8[%run_scoped3A, %dma_wait3A_42] : memref<80x128xi32, #tpu.memory_space<vmem>> -> memref<1x128xi32, #tpu.memory_space<vmem>>
      %dma_wait3A_44 = tpu.memref_squeeze %dma_wait3A_43 : memref<1x128xi32, #tpu.memory_space<vmem>> -> memref<128xi32, #tpu.memory_space<vmem>>
      %dma_wait3A_45 = arith.constant 0 : i32
      %dma_wait3A_46 = arith.constant 0 : i32
      %dma_wait3A_47 = tpu.memref_slice %arg11[%dma_wait3A_45, %dma_wait3A_46] : memref<10240x32xf32, #tpu.memory_space<vmem_shared>> -> memref<10240x32xf32, #tpu.memory_space<vmem_shared>>
      tpu.wait_indirect_dma semaphore(%run_scoped3A_35 : memref<!tpu.dma_semaphore, #tpu.memory_space<semaphore_mem>>) src(%arg9 : memref<128x32xf32, #tpu.memory_space<vmem>>) dst(%dma_wait3A_47 : memref<10240x32xf32, #tpu.memory_space<vmem_shared>>)
      tpu.yield
    }) : () -> ()
    %dma_wait3A_26 = arith.constant 79 : i32
    %dma_wait3A_27 = arith.constant 0 : i32
    %dma_wait3A_28 = tpu.memref_slice %arg7[%dma_wait3A_26, %dma_wait3A_27] : memref<80x128xi32, #tpu.memory_space<vmem>> -> memref<1x128xi32, #tpu.memory_space<vmem>>
    %dma_wait3A_29 = tpu.memref_squeeze %dma_wait3A_28 : memref<1x128xi32, #tpu.memory_space<vmem>> -> memref<128xi32, #tpu.memory_space<vmem>>
    %dma_wait3A_30 = arith.constant 0 : i32
    %dma_wait3A_31 = arith.constant 0 : i32
    %dma_wait3A_32 = tpu.memref_slice %arg2[%dma_wait3A_30, %dma_wait3A_31] : memref<10240x32xf32, #tpu.memory_space<hbm>> -> memref<10240x32xf32, #tpu.memory_space<hbm>>
    tpu.wait_indirect_dma semaphore(%arg13 : memref<!tpu.dma_semaphore, #tpu.memory_space<semaphore_mem>>) src(%dma_wait3A_32 : memref<10240x32xf32, #tpu.memory_space<hbm>>) dst(%arg10 : memref<128x32xf32, #tpu.memory_space<vmem>>)
    %run_scoped3A_33 = arith.constant 79 : i32
    "tpu.region"() ({
      %run_scoped3A_35 = tpu.sem_alloc : memref<!tpu.dma_semaphore, #tpu.memory_space<semaphore_mem>>
      %dma_start3A_36 = arith.constant 0 : i32
      %dma_start3A_37 = tpu.memref_slice %arg8[%run_scoped3A_33, %dma_start3A_36] : memref<80x128xi32, #tpu.memory_space<vmem>> -> memref<1x128xi32, #tpu.memory_space<vmem>>
      %dma_start3A_38 = tpu.memref_squeeze %dma_start3A_37 : memref<1x128xi32, #tpu.memory_space<vmem>> -> memref<128xi32, #tpu.memory_space<vmem>>
      %dma_start3A_39 = arith.constant 0 : i32
      %dma_start3A_40 = arith.constant 0 : i32
      %dma_start3A_41 = tpu.memref_slice %arg11[%dma_start3A_39, %dma_start3A_40] : memref<10240x32xf32, #tpu.memory_space<vmem_shared>> -> memref<10240x32xf32, #tpu.memory_space<vmem_shared>>
      tpu.enqueue_indirect_dma source(%arg10 : memref<128x32xf32, #tpu.memory_space<vmem>>) target(%dma_start3A_41 : memref<10240x32xf32, #tpu.memory_space<vmem_shared>>) offsets(%dma_start3A_38 : memref<128xi32, #tpu.memory_space<vmem>>) semaphore(%run_scoped3A_35 : memref<!tpu.dma_semaphore, #tpu.memory_space<semaphore_mem>>) {add = true}
      %dma_wait3A_42 = arith.constant 0 : i32
      %dma_wait3A_43 = tpu.memref_slice %arg8[%run_scoped3A_33, %dma_wait3A_42] : memref<80x128xi32, #tpu.memory_space<vmem>> -> memref<1x128xi32, #tpu.memory_space<vmem>>
      %dma_wait3A_44 = tpu.memref_squeeze %dma_wait3A_43 : memref<1x128xi32, #tpu.memory_space<vmem>> -> memref<128xi32, #tpu.memory_space<vmem>>
      %dma_wait3A_45 = arith.constant 0 : i32
      %dma_wait3A_46 = arith.constant 0 : i32
      %dma_wait3A_47 = tpu.memref_slice %arg11[%dma_wait3A_45, %dma_wait3A_46] : memref<10240x32xf32, #tpu.memory_space<vmem_shared>> -> memref<10240x32xf32, #tpu.memory_space<vmem_shared>>
      tpu.wait_indirect_dma semaphore(%run_scoped3A_35 : memref<!tpu.dma_semaphore, #tpu.memory_space<semaphore_mem>>) src(%arg10 : memref<128x32xf32, #tpu.memory_space<vmem>>) dst(%dma_wait3A_47 : memref<10240x32xf32, #tpu.memory_space<vmem_shared>>)
      tpu.yield
    }) : () -> ()
    %barrier3A_34 = arith.constant 0 : index
    tpu.barrier barrier_id(%barrier3A_34)
    "tpu.region"() ({
      %run_scoped3A_35 = tpu.sem_alloc : memref<!tpu.dma_semaphore, #tpu.memory_space<semaphore_mem>>
      %dma_start3A_36 = arith.constant 0 : i32
      %dma_start3A_37 = tpu.memref_slice %arg6[%arg0, %mul3A_2, %dma_start3A_36] : memref<2x10240x32xf32, #tpu.memory_space<hbm>> -> memref<1x640x32xf32, #tpu.memory_space<hbm>>
      %dma_start3A_38 = tpu.memref_squeeze %dma_start3A_37 : memref<1x640x32xf32, #tpu.memory_space<hbm>> -> memref<640x32xf32, #tpu.memory_space<hbm>>
      %dma_start3A_39 = arith.constant 0 : i32
      %dma_start3A_40 = tpu.memref_slice %arg11[%mul3A_2, %dma_start3A_39] : memref<10240x32xf32, #tpu.memory_space<vmem_shared>> -> memref<640x32xf32, #tpu.memory_space<vmem_shared>>
      tpu.enqueue_dma source(%dma_start3A_40 : memref<640x32xf32, #tpu.memory_space<vmem_shared>>) target(%dma_start3A_38 : memref<640x32xf32, #tpu.memory_space<hbm>>) target_semaphore(%run_scoped3A_35 : memref<!tpu.dma_semaphore, #tpu.memory_space<semaphore_mem>>)
      %dma_wait3A_41 = arith.constant 0 : i32
      %dma_wait3A_42 = tpu.memref_slice %arg6[%arg0, %mul3A_2, %dma_wait3A_41] : memref<2x10240x32xf32, #tpu.memory_space<hbm>> -> memref<1x640x32xf32, #tpu.memory_space<hbm>>
      %dma_wait3A_43 = tpu.memref_squeeze %dma_wait3A_42 : memref<1x640x32xf32, #tpu.memory_space<hbm>> -> memref<640x32xf32, #tpu.memory_space<hbm>>
      %dma_wait3A_44 = arith.constant 0 : i32
      %dma_wait3A_45 = tpu.memref_slice %arg11[%mul3A_2, %dma_wait3A_44] : memref<10240x32xf32, #tpu.memory_space<vmem_shared>> -> memref<640x32xf32, #tpu.memory_space<vmem_shared>>
      tpu.wait_dma2 semaphore(%run_scoped3A_35 : memref<!tpu.dma_semaphore, #tpu.memory_space<semaphore_mem>>) src(%dma_wait3A_45 : memref<640x32xf32, #tpu.memory_space<vmem_shared>>) dst(%dma_wait3A_43 : memref<640x32xf32, #tpu.memory_space<hbm>>)
      tpu.yield
    }) : () -> ()
    return
  }
}

#map = affine_map<(d0, d1) -> (0, 0)>
#map1 = affine_map<(d0, d1) -> (0, 0, 0)>
module attributes {stable_mosaic.version = 14 : i64} {
  func.func @body(%arg0: i32, %arg1: i32, %arg2: memref<10240x128xf32, #tpu.memory_space<hbm>>, %arg3: memref<32x80x128xi32, #tpu.memory_space<hbm>>, %arg4: memref<32x80x128xi32, #tpu.memory_space<hbm>>, %arg5: memref<10240x128xf32, #tpu.memory_space<hbm>>, %arg6: memref<2x10240x128xf32, #tpu.memory_space<hbm>>, %arg7: memref<40x128xi32, #tpu.memory_space<vmem>>, %arg8: memref<40x128xi32, #tpu.memory_space<vmem>>, %arg9: memref<128x128xf32, #tpu.memory_space<vmem>>, %arg10: memref<128x128xf32, #tpu.memory_space<vmem>>, %arg11: memref<10240x128xf32, #tpu.memory_space<vmem_shared>>, %arg12: memref<!tpu.dma_semaphore, #tpu.memory_space<semaphore_mem>>, %arg13: memref<!tpu.dma_semaphore, #tpu.memory_space<semaphore_mem>>) attributes {dimension_semantics = [#tpu.dimension_semantics<core_parallel>, #tpu.dimension_semantics<subcore_parallel>], iteration_bounds = array<i64: 2, 16>, scalar_prefetch = 0 : i64, scratch_operands = 7 : i64, tpu.core_type = #tpu.core_type<sc_vector_subcore>, window_params = [{transform_indices = #map}, {transform_indices = #map1}, {transform_indices = #map1}, {transform_indices = #map}, {transform_indices = #map1}]} {
    %mul3A = arith.constant 16 : i32
    %mul3A_0 = arith.muli %arg0, %mul3A : i32
    %add3A = arith.addi %mul3A_0, %arg1 : i32
    %mul3A_1 = arith.constant 640 : i32
    %mul3A_2 = arith.muli %arg1, %mul3A_1 : i32
    "tpu.region"() ({
      %run_scoped3A_70 = tpu.sem_alloc : memref<!tpu.dma_semaphore, #tpu.memory_space<semaphore_mem>>
      %dma_start3A_71 = arith.constant 0 : i32
      %dma_start3A_72 = tpu.memref_slice %arg11[%mul3A_2, %dma_start3A_71] : memref<10240x128xf32, #tpu.memory_space<vmem_shared>> -> memref<640x128xf32, #tpu.memory_space<vmem_shared>>
      %dma_start3A_73 = arith.constant 0 : i32
      %dma_start3A_74 = tpu.memref_slice %arg5[%mul3A_2, %dma_start3A_73] : memref<10240x128xf32, #tpu.memory_space<hbm>> -> memref<640x128xf32, #tpu.memory_space<hbm>>
      tpu.enqueue_dma source(%dma_start3A_74 : memref<640x128xf32, #tpu.memory_space<hbm>>) target(%dma_start3A_72 : memref<640x128xf32, #tpu.memory_space<vmem_shared>>) target_semaphore(%run_scoped3A_70 : memref<!tpu.dma_semaphore, #tpu.memory_space<semaphore_mem>>)
      %dma_wait3A_75 = arith.constant 0 : i32
      %dma_wait3A_76 = tpu.memref_slice %arg11[%mul3A_2, %dma_wait3A_75] : memref<10240x128xf32, #tpu.memory_space<vmem_shared>> -> memref<640x128xf32, #tpu.memory_space<vmem_shared>>
      %dma_wait3A_77 = arith.constant 0 : i32
      %dma_wait3A_78 = tpu.memref_slice %arg5[%mul3A_2, %dma_wait3A_77] : memref<10240x128xf32, #tpu.memory_space<hbm>> -> memref<640x128xf32, #tpu.memory_space<hbm>>
      tpu.wait_dma2 semaphore(%run_scoped3A_70 : memref<!tpu.dma_semaphore, #tpu.memory_space<semaphore_mem>>) src(%dma_wait3A_78 : memref<640x128xf32, #tpu.memory_space<hbm>>) dst(%dma_wait3A_76 : memref<640x128xf32, #tpu.memory_space<vmem_shared>>)
      tpu.yield
    }) : () -> ()
    "tpu.region"() ({
      %run_scoped3A_70 = tpu.sem_alloc : memref<!tpu.dma_semaphore, #tpu.memory_space<semaphore_mem>>
      %dma_start3A_71 = arith.constant 0 : i32
      %dma_start3A_72 = arith.constant 0 : i32
      %dma_start3A_73 = tpu.memref_slice %arg3[%add3A, %dma_start3A_71, %dma_start3A_72] : memref<32x80x128xi32, #tpu.memory_space<hbm>> -> memref<1x40x128xi32, #tpu.memory_space<hbm>>
      %dma_start3A_74 = tpu.memref_squeeze %dma_start3A_73 : memref<1x40x128xi32, #tpu.memory_space<hbm>> -> memref<40x128xi32, #tpu.memory_space<hbm>>
      %dma_start3A_75 = arith.constant 0 : i32
      %dma_start3A_76 = arith.constant 0 : i32
      %dma_start3A_77 = tpu.memref_slice %arg3[%add3A, %dma_start3A_75, %dma_start3A_76] : memref<32x80x128xi32, #tpu.memory_space<hbm>> -> memref<1x40x128xi32, #tpu.memory_space<hbm>>
      %dma_start3A_78 = tpu.memref_squeeze %dma_start3A_77 : memref<1x40x128xi32, #tpu.memory_space<hbm>> -> memref<40x128xi32, #tpu.memory_space<hbm>>
      tpu.enqueue_dma source(%dma_start3A_78 : memref<40x128xi32, #tpu.memory_space<hbm>>) target(%arg7 : memref<40x128xi32, #tpu.memory_space<vmem>>) target_semaphore(%run_scoped3A_70 : memref<!tpu.dma_semaphore, #tpu.memory_space<semaphore_mem>>)
      %dma_wait3A_79 = arith.constant 0 : i32
      %dma_wait3A_80 = arith.constant 0 : i32
      %dma_wait3A_81 = tpu.memref_slice %arg3[%add3A, %dma_wait3A_79, %dma_wait3A_80] : memref<32x80x128xi32, #tpu.memory_space<hbm>> -> memref<1x40x128xi32, #tpu.memory_space<hbm>>
      %dma_wait3A_82 = tpu.memref_squeeze %dma_wait3A_81 : memref<1x40x128xi32, #tpu.memory_space<hbm>> -> memref<40x128xi32, #tpu.memory_space<hbm>>
      %dma_wait3A_83 = arith.constant 0 : i32
      %dma_wait3A_84 = arith.constant 0 : i32
      %dma_wait3A_85 = tpu.memref_slice %arg3[%add3A, %dma_wait3A_83, %dma_wait3A_84] : memref<32x80x128xi32, #tpu.memory_space<hbm>> -> memref<1x40x128xi32, #tpu.memory_space<hbm>>
      %dma_wait3A_86 = tpu.memref_squeeze %dma_wait3A_85 : memref<1x40x128xi32, #tpu.memory_space<hbm>> -> memref<40x128xi32, #tpu.memory_space<hbm>>
      tpu.wait_dma2 semaphore(%run_scoped3A_70 : memref<!tpu.dma_semaphore, #tpu.memory_space<semaphore_mem>>) src(%dma_wait3A_86 : memref<40x128xi32, #tpu.memory_space<hbm>>) dst(%arg7 : memref<40x128xi32, #tpu.memory_space<vmem>>)
      tpu.yield
    }) : () -> ()
    "tpu.region"() ({
      %run_scoped3A_70 = tpu.sem_alloc : memref<!tpu.dma_semaphore, #tpu.memory_space<semaphore_mem>>
      %dma_start3A_71 = arith.constant 0 : i32
      %dma_start3A_72 = arith.constant 0 : i32
      %dma_start3A_73 = tpu.memref_slice %arg4[%add3A, %dma_start3A_71, %dma_start3A_72] : memref<32x80x128xi32, #tpu.memory_space<hbm>> -> memref<1x40x128xi32, #tpu.memory_space<hbm>>
      %dma_start3A_74 = tpu.memref_squeeze %dma_start3A_73 : memref<1x40x128xi32, #tpu.memory_space<hbm>> -> memref<40x128xi32, #tpu.memory_space<hbm>>
      %dma_start3A_75 = arith.constant 0 : i32
      %dma_start3A_76 = arith.constant 0 : i32
      %dma_start3A_77 = tpu.memref_slice %arg4[%add3A, %dma_start3A_75, %dma_start3A_76] : memref<32x80x128xi32, #tpu.memory_space<hbm>> -> memref<1x40x128xi32, #tpu.memory_space<hbm>>
      %dma_start3A_78 = tpu.memref_squeeze %dma_start3A_77 : memref<1x40x128xi32, #tpu.memory_space<hbm>> -> memref<40x128xi32, #tpu.memory_space<hbm>>
      tpu.enqueue_dma source(%dma_start3A_78 : memref<40x128xi32, #tpu.memory_space<hbm>>) target(%arg8 : memref<40x128xi32, #tpu.memory_space<vmem>>) target_semaphore(%run_scoped3A_70 : memref<!tpu.dma_semaphore, #tpu.memory_space<semaphore_mem>>)
      %dma_wait3A_79 = arith.constant 0 : i32
      %dma_wait3A_80 = arith.constant 0 : i32
      %dma_wait3A_81 = tpu.memref_slice %arg4[%add3A, %dma_wait3A_79, %dma_wait3A_80] : memref<32x80x128xi32, #tpu.memory_space<hbm>> -> memref<1x40x128xi32, #tpu.memory_space<hbm>>
      %dma_wait3A_82 = tpu.memref_squeeze %dma_wait3A_81 : memref<1x40x128xi32, #tpu.memory_space<hbm>> -> memref<40x128xi32, #tpu.memory_space<hbm>>
      %dma_wait3A_83 = arith.constant 0 : i32
      %dma_wait3A_84 = arith.constant 0 : i32
      %dma_wait3A_85 = tpu.memref_slice %arg4[%add3A, %dma_wait3A_83, %dma_wait3A_84] : memref<32x80x128xi32, #tpu.memory_space<hbm>> -> memref<1x40x128xi32, #tpu.memory_space<hbm>>
      %dma_wait3A_86 = tpu.memref_squeeze %dma_wait3A_85 : memref<1x40x128xi32, #tpu.memory_space<hbm>> -> memref<40x128xi32, #tpu.memory_space<hbm>>
      tpu.wait_dma2 semaphore(%run_scoped3A_70 : memref<!tpu.dma_semaphore, #tpu.memory_space<semaphore_mem>>) src(%dma_wait3A_86 : memref<40x128xi32, #tpu.memory_space<hbm>>) dst(%arg8 : memref<40x128xi32, #tpu.memory_space<vmem>>)
      tpu.yield
    }) : () -> ()
    %barrier3A = arith.constant 0 : index
    tpu.barrier barrier_id(%barrier3A)
    %dma_start3A = arith.constant 0 : i32
    %dma_start3A_3 = arith.constant 0 : i32
    %dma_start3A_4 = tpu.memref_slice %arg7[%dma_start3A, %dma_start3A_3] : memref<40x128xi32, #tpu.memory_space<vmem>> -> memref<1x128xi32, #tpu.memory_space<vmem>>
    %dma_start3A_5 = tpu.memref_squeeze %dma_start3A_4 : memref<1x128xi32, #tpu.memory_space<vmem>> -> memref<128xi32, #tpu.memory_space<vmem>>
    %dma_start3A_6 = arith.constant 0 : i32
    %dma_start3A_7 = arith.constant 0 : i32
    %dma_start3A_8 = tpu.memref_slice %arg2[%dma_start3A_6, %dma_start3A_7] : memref<10240x128xf32, #tpu.memory_space<hbm>> -> memref<10240x128xf32, #tpu.memory_space<hbm>>
    tpu.enqueue_indirect_dma source(%dma_start3A_8 : memref<10240x128xf32, #tpu.memory_space<hbm>>) target(%arg9 : memref<128x128xf32, #tpu.memory_space<vmem>>) offsets(%dma_start3A_5 : memref<128xi32, #tpu.memory_space<vmem>>) semaphore(%arg12 : memref<!tpu.dma_semaphore, #tpu.memory_space<semaphore_mem>>)
    %dma_start3A_9 = arith.constant 1 : i32
    %dma_start3A_10 = arith.constant 0 : i32
    %dma_start3A_11 = tpu.memref_slice %arg7[%dma_start3A_9, %dma_start3A_10] : memref<40x128xi32, #tpu.memory_space<vmem>> -> memref<1x128xi32, #tpu.memory_space<vmem>>
    %dma_start3A_12 = tpu.memref_squeeze %dma_start3A_11 : memref<1x128xi32, #tpu.memory_space<vmem>> -> memref<128xi32, #tpu.memory_space<vmem>>
    %dma_start3A_13 = arith.constant 0 : i32
    %dma_start3A_14 = arith.constant 0 : i32
    %dma_start3A_15 = tpu.memref_slice %arg2[%dma_start3A_13, %dma_start3A_14] : memref<10240x128xf32, #tpu.memory_space<hbm>> -> memref<10240x128xf32, #tpu.memory_space<hbm>>
    tpu.enqueue_indirect_dma source(%dma_start3A_15 : memref<10240x128xf32, #tpu.memory_space<hbm>>) target(%arg10 : memref<128x128xf32, #tpu.memory_space<vmem>>) offsets(%dma_start3A_12 : memref<128xi32, #tpu.memory_space<vmem>>) semaphore(%arg13 : memref<!tpu.dma_semaphore, #tpu.memory_space<semaphore_mem>>)
    %scan3A = arith.constant 0 : i32
    %scan3A_16 = arith.constant 19 : i32
    %scan3A_17 = arith.addi %scan3A, %scan3A_16 : i32
    %scan3A_18 = arith.constant 1 : i32
    scf.for %scan3A_70 = %scan3A to %scan3A_17 step %scan3A_18  : i32 {
      %mul3A_71 = arith.constant 2 : i32
      %mul3A_72 = arith.muli %scan3A_70, %mul3A_71 : i32
      %add3A_73 = arith.constant 0 : i32
      %add3A_74 = arith.addi %add3A_73, %mul3A_72 : i32
      %add3A_75 = arith.constant 0 : i32
      %add3A_76 = arith.addi %add3A_74, %add3A_75 : i32
      %dma_wait3A_77 = arith.constant 0 : i32
      %dma_wait3A_78 = tpu.memref_slice %arg7[%add3A_76, %dma_wait3A_77] : memref<40x128xi32, #tpu.memory_space<vmem>> -> memref<1x128xi32, #tpu.memory_space<vmem>>
      %dma_wait3A_79 = tpu.memref_squeeze %dma_wait3A_78 : memref<1x128xi32, #tpu.memory_space<vmem>> -> memref<128xi32, #tpu.memory_space<vmem>>
      %dma_wait3A_80 = arith.constant 0 : i32
      %dma_wait3A_81 = arith.constant 0 : i32
      %dma_wait3A_82 = tpu.memref_slice %arg2[%dma_wait3A_80, %dma_wait3A_81] : memref<10240x128xf32, #tpu.memory_space<hbm>> -> memref<10240x128xf32, #tpu.memory_space<hbm>>
      tpu.wait_indirect_dma semaphore(%arg12 : memref<!tpu.dma_semaphore, #tpu.memory_space<semaphore_mem>>) src(%dma_wait3A_82 : memref<10240x128xf32, #tpu.memory_space<hbm>>) dst(%arg9 : memref<128x128xf32, #tpu.memory_space<vmem>>)
      "tpu.region"() ({
        %run_scoped3A_107 = tpu.sem_alloc : memref<!tpu.dma_semaphore, #tpu.memory_space<semaphore_mem>>
        %dma_start3A_108 = arith.constant 0 : i32
        %dma_start3A_109 = tpu.memref_slice %arg8[%add3A_76, %dma_start3A_108] : memref<40x128xi32, #tpu.memory_space<vmem>> -> memref<1x128xi32, #tpu.memory_space<vmem>>
        %dma_start3A_110 = tpu.memref_squeeze %dma_start3A_109 : memref<1x128xi32, #tpu.memory_space<vmem>> -> memref<128xi32, #tpu.memory_space<vmem>>
        %dma_start3A_111 = arith.constant 0 : i32
        %dma_start3A_112 = arith.constant 0 : i32
        %dma_start3A_113 = tpu.memref_slice %arg11[%dma_start3A_111, %dma_start3A_112] : memref<10240x128xf32, #tpu.memory_space<vmem_shared>> -> memref<10240x128xf32, #tpu.memory_space<vmem_shared>>
        tpu.enqueue_indirect_dma source(%arg9 : memref<128x128xf32, #tpu.memory_space<vmem>>) target(%dma_start3A_113 : memref<10240x128xf32, #tpu.memory_space<vmem_shared>>) offsets(%dma_start3A_110 : memref<128xi32, #tpu.memory_space<vmem>>) semaphore(%run_scoped3A_107 : memref<!tpu.dma_semaphore, #tpu.memory_space<semaphore_mem>>) {add = true}
        %dma_wait3A_114 = arith.constant 0 : i32
        %dma_wait3A_115 = tpu.memref_slice %arg8[%add3A_76, %dma_wait3A_114] : memref<40x128xi32, #tpu.memory_space<vmem>> -> memref<1x128xi32, #tpu.memory_space<vmem>>
        %dma_wait3A_116 = tpu.memref_squeeze %dma_wait3A_115 : memref<1x128xi32, #tpu.memory_space<vmem>> -> memref<128xi32, #tpu.memory_space<vmem>>
        %dma_wait3A_117 = arith.constant 0 : i32
        %dma_wait3A_118 = arith.constant 0 : i32
        %dma_wait3A_119 = tpu.memref_slice %arg11[%dma_wait3A_117, %dma_wait3A_118] : memref<10240x128xf32, #tpu.memory_space<vmem_shared>> -> memref<10240x128xf32, #tpu.memory_space<vmem_shared>>
        tpu.wait_indirect_dma semaphore(%run_scoped3A_107 : memref<!tpu.dma_semaphore, #tpu.memory_space<semaphore_mem>>) src(%arg9 : memref<128x128xf32, #tpu.memory_space<vmem>>) dst(%dma_wait3A_119 : memref<10240x128xf32, #tpu.memory_space<vmem_shared>>)
        tpu.yield
      }) : () -> ()
      %add3A_83 = arith.constant 2 : i32
      %add3A_84 = arith.addi %add3A_76, %add3A_83 : i32
      %dma_start3A_85 = arith.constant 0 : i32
      %dma_start3A_86 = tpu.memref_slice %arg7[%add3A_84, %dma_start3A_85] : memref<40x128xi32, #tpu.memory_space<vmem>> -> memref<1x128xi32, #tpu.memory_space<vmem>>
      %dma_start3A_87 = tpu.memref_squeeze %dma_start3A_86 : memref<1x128xi32, #tpu.memory_space<vmem>> -> memref<128xi32, #tpu.memory_space<vmem>>
      %dma_start3A_88 = arith.constant 0 : i32
      %dma_start3A_89 = arith.constant 0 : i32
      %dma_start3A_90 = tpu.memref_slice %arg2[%dma_start3A_88, %dma_start3A_89] : memref<10240x128xf32, #tpu.memory_space<hbm>> -> memref<10240x128xf32, #tpu.memory_space<hbm>>
      tpu.enqueue_indirect_dma source(%dma_start3A_90 : memref<10240x128xf32, #tpu.memory_space<hbm>>) target(%arg9 : memref<128x128xf32, #tpu.memory_space<vmem>>) offsets(%dma_start3A_87 : memref<128xi32, #tpu.memory_space<vmem>>) semaphore(%arg12 : memref<!tpu.dma_semaphore, #tpu.memory_space<semaphore_mem>>)
      %add3A_91 = arith.constant 1 : i32
      %add3A_92 = arith.addi %add3A_74, %add3A_91 : i32
      %dma_wait3A_93 = arith.constant 0 : i32
      %dma_wait3A_94 = tpu.memref_slice %arg7[%add3A_92, %dma_wait3A_93] : memref<40x128xi32, #tpu.memory_space<vmem>> -> memref<1x128xi32, #tpu.memory_space<vmem>>
      %dma_wait3A_95 = tpu.memref_squeeze %dma_wait3A_94 : memref<1x128xi32, #tpu.memory_space<vmem>> -> memref<128xi32, #tpu.memory_space<vmem>>
      %dma_wait3A_96 = arith.constant 0 : i32
      %dma_wait3A_97 = arith.constant 0 : i32
      %dma_wait3A_98 = tpu.memref_slice %arg2[%dma_wait3A_96, %dma_wait3A_97] : memref<10240x128xf32, #tpu.memory_space<hbm>> -> memref<10240x128xf32, #tpu.memory_space<hbm>>
      tpu.wait_indirect_dma semaphore(%arg13 : memref<!tpu.dma_semaphore, #tpu.memory_space<semaphore_mem>>) src(%dma_wait3A_98 : memref<10240x128xf32, #tpu.memory_space<hbm>>) dst(%arg10 : memref<128x128xf32, #tpu.memory_space<vmem>>)
      "tpu.region"() ({
        %run_scoped3A_107 = tpu.sem_alloc : memref<!tpu.dma_semaphore, #tpu.memory_space<semaphore_mem>>
        %dma_start3A_108 = arith.constant 0 : i32
        %dma_start3A_109 = tpu.memref_slice %arg8[%add3A_92, %dma_start3A_108] : memref<40x128xi32, #tpu.memory_space<vmem>> -> memref<1x128xi32, #tpu.memory_space<vmem>>
        %dma_start3A_110 = tpu.memref_squeeze %dma_start3A_109 : memref<1x128xi32, #tpu.memory_space<vmem>> -> memref<128xi32, #tpu.memory_space<vmem>>
        %dma_start3A_111 = arith.constant 0 : i32
        %dma_start3A_112 = arith.constant 0 : i32
        %dma_start3A_113 = tpu.memref_slice %arg11[%dma_start3A_111, %dma_start3A_112] : memref<10240x128xf32, #tpu.memory_space<vmem_shared>> -> memref<10240x128xf32, #tpu.memory_space<vmem_shared>>
        tpu.enqueue_indirect_dma source(%arg10 : memref<128x128xf32, #tpu.memory_space<vmem>>) target(%dma_start3A_113 : memref<10240x128xf32, #tpu.memory_space<vmem_shared>>) offsets(%dma_start3A_110 : memref<128xi32, #tpu.memory_space<vmem>>) semaphore(%run_scoped3A_107 : memref<!tpu.dma_semaphore, #tpu.memory_space<semaphore_mem>>) {add = true}
        %dma_wait3A_114 = arith.constant 0 : i32
        %dma_wait3A_115 = tpu.memref_slice %arg8[%add3A_92, %dma_wait3A_114] : memref<40x128xi32, #tpu.memory_space<vmem>> -> memref<1x128xi32, #tpu.memory_space<vmem>>
        %dma_wait3A_116 = tpu.memref_squeeze %dma_wait3A_115 : memref<1x128xi32, #tpu.memory_space<vmem>> -> memref<128xi32, #tpu.memory_space<vmem>>
        %dma_wait3A_117 = arith.constant 0 : i32
        %dma_wait3A_118 = arith.constant 0 : i32
        %dma_wait3A_119 = tpu.memref_slice %arg11[%dma_wait3A_117, %dma_wait3A_118] : memref<10240x128xf32, #tpu.memory_space<vmem_shared>> -> memref<10240x128xf32, #tpu.memory_space<vmem_shared>>
        tpu.wait_indirect_dma semaphore(%run_scoped3A_107 : memref<!tpu.dma_semaphore, #tpu.memory_space<semaphore_mem>>) src(%arg10 : memref<128x128xf32, #tpu.memory_space<vmem>>) dst(%dma_wait3A_119 : memref<10240x128xf32, #tpu.memory_space<vmem_shared>>)
        tpu.yield
      }) : () -> ()
      %add3A_99 = arith.constant 2 : i32
      %add3A_100 = arith.addi %add3A_92, %add3A_99 : i32
      %dma_start3A_101 = arith.constant 0 : i32
      %dma_start3A_102 = tpu.memref_slice %arg7[%add3A_100, %dma_start3A_101] : memref<40x128xi32, #tpu.memory_space<vmem>> -> memref<1x128xi32, #tpu.memory_space<vmem>>
      %dma_start3A_103 = tpu.memref_squeeze %dma_start3A_102 : memref<1x128xi32, #tpu.memory_space<vmem>> -> memref<128xi32, #tpu.memory_space<vmem>>
      %dma_start3A_104 = arith.constant 0 : i32
      %dma_start3A_105 = arith.constant 0 : i32
      %dma_start3A_106 = tpu.memref_slice %arg2[%dma_start3A_104, %dma_start3A_105] : memref<10240x128xf32, #tpu.memory_space<hbm>> -> memref<10240x128xf32, #tpu.memory_space<hbm>>
      tpu.enqueue_indirect_dma source(%dma_start3A_106 : memref<10240x128xf32, #tpu.memory_space<hbm>>) target(%arg10 : memref<128x128xf32, #tpu.memory_space<vmem>>) offsets(%dma_start3A_103 : memref<128xi32, #tpu.memory_space<vmem>>) semaphore(%arg13 : memref<!tpu.dma_semaphore, #tpu.memory_space<semaphore_mem>>)
    }
    %scan3A_19 = arith.constant 19 : i32
    %dma_wait3A = arith.constant 38 : i32
    %dma_wait3A_20 = arith.constant 0 : i32
    %dma_wait3A_21 = tpu.memref_slice %arg7[%dma_wait3A, %dma_wait3A_20] : memref<40x128xi32, #tpu.memory_space<vmem>> -> memref<1x128xi32, #tpu.memory_space<vmem>>
    %dma_wait3A_22 = tpu.memref_squeeze %dma_wait3A_21 : memref<1x128xi32, #tpu.memory_space<vmem>> -> memref<128xi32, #tpu.memory_space<vmem>>
    %dma_wait3A_23 = arith.constant 0 : i32
    %dma_wait3A_24 = arith.constant 0 : i32
    %dma_wait3A_25 = tpu.memref_slice %arg2[%dma_wait3A_23, %dma_wait3A_24] : memref<10240x128xf32, #tpu.memory_space<hbm>> -> memref<10240x128xf32, #tpu.memory_space<hbm>>
    tpu.wait_indirect_dma semaphore(%arg12 : memref<!tpu.dma_semaphore, #tpu.memory_space<semaphore_mem>>) src(%dma_wait3A_25 : memref<10240x128xf32, #tpu.memory_space<hbm>>) dst(%arg9 : memref<128x128xf32, #tpu.memory_space<vmem>>)
    %run_scoped3A = arith.constant 38 : i32
    "tpu.region"() ({
      %run_scoped3A_70 = tpu.sem_alloc : memref<!tpu.dma_semaphore, #tpu.memory_space<semaphore_mem>>
      %dma_start3A_71 = arith.constant 0 : i32
      %dma_start3A_72 = tpu.memref_slice %arg8[%run_scoped3A, %dma_start3A_71] : memref<40x128xi32, #tpu.memory_space<vmem>> -> memref<1x128xi32, #tpu.memory_space<vmem>>
      %dma_start3A_73 = tpu.memref_squeeze %dma_start3A_72 : memref<1x128xi32, #tpu.memory_space<vmem>> -> memref<128xi32, #tpu.memory_space<vmem>>
      %dma_start3A_74 = arith.constant 0 : i32
      %dma_start3A_75 = arith.constant 0 : i32
      %dma_start3A_76 = tpu.memref_slice %arg11[%dma_start3A_74, %dma_start3A_75] : memref<10240x128xf32, #tpu.memory_space<vmem_shared>> -> memref<10240x128xf32, #tpu.memory_space<vmem_shared>>
      tpu.enqueue_indirect_dma source(%arg9 : memref<128x128xf32, #tpu.memory_space<vmem>>) target(%dma_start3A_76 : memref<10240x128xf32, #tpu.memory_space<vmem_shared>>) offsets(%dma_start3A_73 : memref<128xi32, #tpu.memory_space<vmem>>) semaphore(%run_scoped3A_70 : memref<!tpu.dma_semaphore, #tpu.memory_space<semaphore_mem>>) {add = true}
      %dma_wait3A_77 = arith.constant 0 : i32
      %dma_wait3A_78 = tpu.memref_slice %arg8[%run_scoped3A, %dma_wait3A_77] : memref<40x128xi32, #tpu.memory_space<vmem>> -> memref<1x128xi32, #tpu.memory_space<vmem>>
      %dma_wait3A_79 = tpu.memref_squeeze %dma_wait3A_78 : memref<1x128xi32, #tpu.memory_space<vmem>> -> memref<128xi32, #tpu.memory_space<vmem>>
      %dma_wait3A_80 = arith.constant 0 : i32
      %dma_wait3A_81 = arith.constant 0 : i32
      %dma_wait3A_82 = tpu.memref_slice %arg11[%dma_wait3A_80, %dma_wait3A_81] : memref<10240x128xf32, #tpu.memory_space<vmem_shared>> -> memref<10240x128xf32, #tpu.memory_space<vmem_shared>>
      tpu.wait_indirect_dma semaphore(%run_scoped3A_70 : memref<!tpu.dma_semaphore, #tpu.memory_space<semaphore_mem>>) src(%arg9 : memref<128x128xf32, #tpu.memory_space<vmem>>) dst(%dma_wait3A_82 : memref<10240x128xf32, #tpu.memory_space<vmem_shared>>)
      tpu.yield
    }) : () -> ()
    %dma_wait3A_26 = arith.constant 39 : i32
    %dma_wait3A_27 = arith.constant 0 : i32
    %dma_wait3A_28 = tpu.memref_slice %arg7[%dma_wait3A_26, %dma_wait3A_27] : memref<40x128xi32, #tpu.memory_space<vmem>> -> memref<1x128xi32, #tpu.memory_space<vmem>>
    %dma_wait3A_29 = tpu.memref_squeeze %dma_wait3A_28 : memref<1x128xi32, #tpu.memory_space<vmem>> -> memref<128xi32, #tpu.memory_space<vmem>>
    %dma_wait3A_30 = arith.constant 0 : i32
    %dma_wait3A_31 = arith.constant 0 : i32
    %dma_wait3A_32 = tpu.memref_slice %arg2[%dma_wait3A_30, %dma_wait3A_31] : memref<10240x128xf32, #tpu.memory_space<hbm>> -> memref<10240x128xf32, #tpu.memory_space<hbm>>
    tpu.wait_indirect_dma semaphore(%arg13 : memref<!tpu.dma_semaphore, #tpu.memory_space<semaphore_mem>>) src(%dma_wait3A_32 : memref<10240x128xf32, #tpu.memory_space<hbm>>) dst(%arg10 : memref<128x128xf32, #tpu.memory_space<vmem>>)
    %run_scoped3A_33 = arith.constant 39 : i32
    "tpu.region"() ({
      %run_scoped3A_70 = tpu.sem_alloc : memref<!tpu.dma_semaphore, #tpu.memory_space<semaphore_mem>>
      %dma_start3A_71 = arith.constant 0 : i32
      %dma_start3A_72 = tpu.memref_slice %arg8[%run_scoped3A_33, %dma_start3A_71] : memref<40x128xi32, #tpu.memory_space<vmem>> -> memref<1x128xi32, #tpu.memory_space<vmem>>
      %dma_start3A_73 = tpu.memref_squeeze %dma_start3A_72 : memref<1x128xi32, #tpu.memory_space<vmem>> -> memref<128xi32, #tpu.memory_space<vmem>>
      %dma_start3A_74 = arith.constant 0 : i32
      %dma_start3A_75 = arith.constant 0 : i32
      %dma_start3A_76 = tpu.memref_slice %arg11[%dma_start3A_74, %dma_start3A_75] : memref<10240x128xf32, #tpu.memory_space<vmem_shared>> -> memref<10240x128xf32, #tpu.memory_space<vmem_shared>>
      tpu.enqueue_indirect_dma source(%arg10 : memref<128x128xf32, #tpu.memory_space<vmem>>) target(%dma_start3A_76 : memref<10240x128xf32, #tpu.memory_space<vmem_shared>>) offsets(%dma_start3A_73 : memref<128xi32, #tpu.memory_space<vmem>>) semaphore(%run_scoped3A_70 : memref<!tpu.dma_semaphore, #tpu.memory_space<semaphore_mem>>) {add = true}
      %dma_wait3A_77 = arith.constant 0 : i32
      %dma_wait3A_78 = tpu.memref_slice %arg8[%run_scoped3A_33, %dma_wait3A_77] : memref<40x128xi32, #tpu.memory_space<vmem>> -> memref<1x128xi32, #tpu.memory_space<vmem>>
      %dma_wait3A_79 = tpu.memref_squeeze %dma_wait3A_78 : memref<1x128xi32, #tpu.memory_space<vmem>> -> memref<128xi32, #tpu.memory_space<vmem>>
      %dma_wait3A_80 = arith.constant 0 : i32
      %dma_wait3A_81 = arith.constant 0 : i32
      %dma_wait3A_82 = tpu.memref_slice %arg11[%dma_wait3A_80, %dma_wait3A_81] : memref<10240x128xf32, #tpu.memory_space<vmem_shared>> -> memref<10240x128xf32, #tpu.memory_space<vmem_shared>>
      tpu.wait_indirect_dma semaphore(%run_scoped3A_70 : memref<!tpu.dma_semaphore, #tpu.memory_space<semaphore_mem>>) src(%arg10 : memref<128x128xf32, #tpu.memory_space<vmem>>) dst(%dma_wait3A_82 : memref<10240x128xf32, #tpu.memory_space<vmem_shared>>)
      tpu.yield
    }) : () -> ()
    "tpu.region"() ({
      %run_scoped3A_70 = tpu.sem_alloc : memref<!tpu.dma_semaphore, #tpu.memory_space<semaphore_mem>>
      %dma_start3A_71 = arith.constant 40 : i32
      %dma_start3A_72 = arith.constant 0 : i32
      %dma_start3A_73 = tpu.memref_slice %arg3[%add3A, %dma_start3A_71, %dma_start3A_72] : memref<32x80x128xi32, #tpu.memory_space<hbm>> -> memref<1x40x128xi32, #tpu.memory_space<hbm>>
      %dma_start3A_74 = tpu.memref_squeeze %dma_start3A_73 : memref<1x40x128xi32, #tpu.memory_space<hbm>> -> memref<40x128xi32, #tpu.memory_space<hbm>>
      %dma_start3A_75 = arith.constant 40 : i32
      %dma_start3A_76 = arith.constant 0 : i32
      %dma_start3A_77 = tpu.memref_slice %arg3[%add3A, %dma_start3A_75, %dma_start3A_76] : memref<32x80x128xi32, #tpu.memory_space<hbm>> -> memref<1x40x128xi32, #tpu.memory_space<hbm>>
      %dma_start3A_78 = tpu.memref_squeeze %dma_start3A_77 : memref<1x40x128xi32, #tpu.memory_space<hbm>> -> memref<40x128xi32, #tpu.memory_space<hbm>>
      tpu.enqueue_dma source(%dma_start3A_78 : memref<40x128xi32, #tpu.memory_space<hbm>>) target(%arg7 : memref<40x128xi32, #tpu.memory_space<vmem>>) target_semaphore(%run_scoped3A_70 : memref<!tpu.dma_semaphore, #tpu.memory_space<semaphore_mem>>)
      %dma_wait3A_79 = arith.constant 40 : i32
      %dma_wait3A_80 = arith.constant 0 : i32
      %dma_wait3A_81 = tpu.memref_slice %arg3[%add3A, %dma_wait3A_79, %dma_wait3A_80] : memref<32x80x128xi32, #tpu.memory_space<hbm>> -> memref<1x40x128xi32, #tpu.memory_space<hbm>>
      %dma_wait3A_82 = tpu.memref_squeeze %dma_wait3A_81 : memref<1x40x128xi32, #tpu.memory_space<hbm>> -> memref<40x128xi32, #tpu.memory_space<hbm>>
      %dma_wait3A_83 = arith.constant 40 : i32
      %dma_wait3A_84 = arith.constant 0 : i32
      %dma_wait3A_85 = tpu.memref_slice %arg3[%add3A, %dma_wait3A_83, %dma_wait3A_84] : memref<32x80x128xi32, #tpu.memory_space<hbm>> -> memref<1x40x128xi32, #tpu.memory_space<hbm>>
      %dma_wait3A_86 = tpu.memref_squeeze %dma_wait3A_85 : memref<1x40x128xi32, #tpu.memory_space<hbm>> -> memref<40x128xi32, #tpu.memory_space<hbm>>
      tpu.wait_dma2 semaphore(%run_scoped3A_70 : memref<!tpu.dma_semaphore, #tpu.memory_space<semaphore_mem>>) src(%dma_wait3A_86 : memref<40x128xi32, #tpu.memory_space<hbm>>) dst(%arg7 : memref<40x128xi32, #tpu.memory_space<vmem>>)
      tpu.yield
    }) : () -> ()
    "tpu.region"() ({
      %run_scoped3A_70 = tpu.sem_alloc : memref<!tpu.dma_semaphore, #tpu.memory_space<semaphore_mem>>
      %dma_start3A_71 = arith.constant 40 : i32
      %dma_start3A_72 = arith.constant 0 : i32
      %dma_start3A_73 = tpu.memref_slice %arg4[%add3A, %dma_start3A_71, %dma_start3A_72] : memref<32x80x128xi32, #tpu.memory_space<hbm>> -> memref<1x40x128xi32, #tpu.memory_space<hbm>>
      %dma_start3A_74 = tpu.memref_squeeze %dma_start3A_73 : memref<1x40x128xi32, #tpu.memory_space<hbm>> -> memref<40x128xi32, #tpu.memory_space<hbm>>
      %dma_start3A_75 = arith.constant 40 : i32
      %dma_start3A_76 = arith.constant 0 : i32
      %dma_start3A_77 = tpu.memref_slice %arg4[%add3A, %dma_start3A_75, %dma_start3A_76] : memref<32x80x128xi32, #tpu.memory_space<hbm>> -> memref<1x40x128xi32, #tpu.memory_space<hbm>>
      %dma_start3A_78 = tpu.memref_squeeze %dma_start3A_77 : memref<1x40x128xi32, #tpu.memory_space<hbm>> -> memref<40x128xi32, #tpu.memory_space<hbm>>
      tpu.enqueue_dma source(%dma_start3A_78 : memref<40x128xi32, #tpu.memory_space<hbm>>) target(%arg8 : memref<40x128xi32, #tpu.memory_space<vmem>>) target_semaphore(%run_scoped3A_70 : memref<!tpu.dma_semaphore, #tpu.memory_space<semaphore_mem>>)
      %dma_wait3A_79 = arith.constant 40 : i32
      %dma_wait3A_80 = arith.constant 0 : i32
      %dma_wait3A_81 = tpu.memref_slice %arg4[%add3A, %dma_wait3A_79, %dma_wait3A_80] : memref<32x80x128xi32, #tpu.memory_space<hbm>> -> memref<1x40x128xi32, #tpu.memory_space<hbm>>
      %dma_wait3A_82 = tpu.memref_squeeze %dma_wait3A_81 : memref<1x40x128xi32, #tpu.memory_space<hbm>> -> memref<40x128xi32, #tpu.memory_space<hbm>>
      %dma_wait3A_83 = arith.constant 40 : i32
      %dma_wait3A_84 = arith.constant 0 : i32
      %dma_wait3A_85 = tpu.memref_slice %arg4[%add3A, %dma_wait3A_83, %dma_wait3A_84] : memref<32x80x128xi32, #tpu.memory_space<hbm>> -> memref<1x40x128xi32, #tpu.memory_space<hbm>>
      %dma_wait3A_86 = tpu.memref_squeeze %dma_wait3A_85 : memref<1x40x128xi32, #tpu.memory_space<hbm>> -> memref<40x128xi32, #tpu.memory_space<hbm>>
      tpu.wait_dma2 semaphore(%run_scoped3A_70 : memref<!tpu.dma_semaphore, #tpu.memory_space<semaphore_mem>>) src(%dma_wait3A_86 : memref<40x128xi32, #tpu.memory_space<hbm>>) dst(%arg8 : memref<40x128xi32, #tpu.memory_space<vmem>>)
      tpu.yield
    }) : () -> ()
    %dma_start3A_34 = arith.constant 0 : i32
    %dma_start3A_35 = arith.constant 0 : i32
    %dma_start3A_36 = tpu.memref_slice %arg7[%dma_start3A_34, %dma_start3A_35] : memref<40x128xi32, #tpu.memory_space<vmem>> -> memref<1x128xi32, #tpu.memory_space<vmem>>
    %dma_start3A_37 = tpu.memref_squeeze %dma_start3A_36 : memref<1x128xi32, #tpu.memory_space<vmem>> -> memref<128xi32, #tpu.memory_space<vmem>>
    %dma_start3A_38 = arith.constant 0 : i32
    %dma_start3A_39 = arith.constant 0 : i32
    %dma_start3A_40 = tpu.memref_slice %arg2[%dma_start3A_38, %dma_start3A_39] : memref<10240x128xf32, #tpu.memory_space<hbm>> -> memref<10240x128xf32, #tpu.memory_space<hbm>>
    tpu.enqueue_indirect_dma source(%dma_start3A_40 : memref<10240x128xf32, #tpu.memory_space<hbm>>) target(%arg9 : memref<128x128xf32, #tpu.memory_space<vmem>>) offsets(%dma_start3A_37 : memref<128xi32, #tpu.memory_space<vmem>>) semaphore(%arg12 : memref<!tpu.dma_semaphore, #tpu.memory_space<semaphore_mem>>)
    %dma_start3A_41 = arith.constant 1 : i32
    %dma_start3A_42 = arith.constant 0 : i32
    %dma_start3A_43 = tpu.memref_slice %arg7[%dma_start3A_41, %dma_start3A_42] : memref<40x128xi32, #tpu.memory_space<vmem>> -> memref<1x128xi32, #tpu.memory_space<vmem>>
    %dma_start3A_44 = tpu.memref_squeeze %dma_start3A_43 : memref<1x128xi32, #tpu.memory_space<vmem>> -> memref<128xi32, #tpu.memory_space<vmem>>
    %dma_start3A_45 = arith.constant 0 : i32
    %dma_start3A_46 = arith.constant 0 : i32
    %dma_start3A_47 = tpu.memref_slice %arg2[%dma_start3A_45, %dma_start3A_46] : memref<10240x128xf32, #tpu.memory_space<hbm>> -> memref<10240x128xf32, #tpu.memory_space<hbm>>
    tpu.enqueue_indirect_dma source(%dma_start3A_47 : memref<10240x128xf32, #tpu.memory_space<hbm>>) target(%arg10 : memref<128x128xf32, #tpu.memory_space<vmem>>) offsets(%dma_start3A_44 : memref<128xi32, #tpu.memory_space<vmem>>) semaphore(%arg13 : memref<!tpu.dma_semaphore, #tpu.memory_space<semaphore_mem>>)
    %scan3A_48 = arith.constant 0 : i32
    %scan3A_49 = arith.constant 19 : i32
    %scan3A_50 = arith.addi %scan3A_48, %scan3A_49 : i32
    %scan3A_51 = arith.constant 1 : i32
    scf.for %scan3A_70 = %scan3A_48 to %scan3A_50 step %scan3A_51  : i32 {
      %mul3A_71 = arith.constant 2 : i32
      %mul3A_72 = arith.muli %scan3A_70, %mul3A_71 : i32
      %add3A_73 = arith.constant 0 : i32
      %add3A_74 = arith.addi %add3A_73, %mul3A_72 : i32
      %add3A_75 = arith.constant 0 : i32
      %add3A_76 = arith.addi %add3A_74, %add3A_75 : i32
      %dma_wait3A_77 = arith.constant 0 : i32
      %dma_wait3A_78 = tpu.memref_slice %arg7[%add3A_76, %dma_wait3A_77] : memref<40x128xi32, #tpu.memory_space<vmem>> -> memref<1x128xi32, #tpu.memory_space<vmem>>
      %dma_wait3A_79 = tpu.memref_squeeze %dma_wait3A_78 : memref<1x128xi32, #tpu.memory_space<vmem>> -> memref<128xi32, #tpu.memory_space<vmem>>
      %dma_wait3A_80 = arith.constant 0 : i32
      %dma_wait3A_81 = arith.constant 0 : i32
      %dma_wait3A_82 = tpu.memref_slice %arg2[%dma_wait3A_80, %dma_wait3A_81] : memref<10240x128xf32, #tpu.memory_space<hbm>> -> memref<10240x128xf32, #tpu.memory_space<hbm>>
      tpu.wait_indirect_dma semaphore(%arg12 : memref<!tpu.dma_semaphore, #tpu.memory_space<semaphore_mem>>) src(%dma_wait3A_82 : memref<10240x128xf32, #tpu.memory_space<hbm>>) dst(%arg9 : memref<128x128xf32, #tpu.memory_space<vmem>>)
      "tpu.region"() ({
        %run_scoped3A_107 = tpu.sem_alloc : memref<!tpu.dma_semaphore, #tpu.memory_space<semaphore_mem>>
        %dma_start3A_108 = arith.constant 0 : i32
        %dma_start3A_109 = tpu.memref_slice %arg8[%add3A_76, %dma_start3A_108] : memref<40x128xi32, #tpu.memory_space<vmem>> -> memref<1x128xi32, #tpu.memory_space<vmem>>
        %dma_start3A_110 = tpu.memref_squeeze %dma_start3A_109 : memref<1x128xi32, #tpu.memory_space<vmem>> -> memref<128xi32, #tpu.memory_space<vmem>>
        %dma_start3A_111 = arith.constant 0 : i32
        %dma_start3A_112 = arith.constant 0 : i32
        %dma_start3A_113 = tpu.memref_slice %arg11[%dma_start3A_111, %dma_start3A_112] : memref<10240x128xf32, #tpu.memory_space<vmem_shared>> -> memref<10240x128xf32, #tpu.memory_space<vmem_shared>>
        tpu.enqueue_indirect_dma source(%arg9 : memref<128x128xf32, #tpu.memory_space<vmem>>) target(%dma_start3A_113 : memref<10240x128xf32, #tpu.memory_space<vmem_shared>>) offsets(%dma_start3A_110 : memref<128xi32, #tpu.memory_space<vmem>>) semaphore(%run_scoped3A_107 : memref<!tpu.dma_semaphore, #tpu.memory_space<semaphore_mem>>) {add = true}
        %dma_wait3A_114 = arith.constant 0 : i32
        %dma_wait3A_115 = tpu.memref_slice %arg8[%add3A_76, %dma_wait3A_114] : memref<40x128xi32, #tpu.memory_space<vmem>> -> memref<1x128xi32, #tpu.memory_space<vmem>>
        %dma_wait3A_116 = tpu.memref_squeeze %dma_wait3A_115 : memref<1x128xi32, #tpu.memory_space<vmem>> -> memref<128xi32, #tpu.memory_space<vmem>>
        %dma_wait3A_117 = arith.constant 0 : i32
        %dma_wait3A_118 = arith.constant 0 : i32
        %dma_wait3A_119 = tpu.memref_slice %arg11[%dma_wait3A_117, %dma_wait3A_118] : memref<10240x128xf32, #tpu.memory_space<vmem_shared>> -> memref<10240x128xf32, #tpu.memory_space<vmem_shared>>
        tpu.wait_indirect_dma semaphore(%run_scoped3A_107 : memref<!tpu.dma_semaphore, #tpu.memory_space<semaphore_mem>>) src(%arg9 : memref<128x128xf32, #tpu.memory_space<vmem>>) dst(%dma_wait3A_119 : memref<10240x128xf32, #tpu.memory_space<vmem_shared>>)
        tpu.yield
      }) : () -> ()
      %add3A_83 = arith.constant 2 : i32
      %add3A_84 = arith.addi %add3A_76, %add3A_83 : i32
      %dma_start3A_85 = arith.constant 0 : i32
      %dma_start3A_86 = tpu.memref_slice %arg7[%add3A_84, %dma_start3A_85] : memref<40x128xi32, #tpu.memory_space<vmem>> -> memref<1x128xi32, #tpu.memory_space<vmem>>
      %dma_start3A_87 = tpu.memref_squeeze %dma_start3A_86 : memref<1x128xi32, #tpu.memory_space<vmem>> -> memref<128xi32, #tpu.memory_space<vmem>>
      %dma_start3A_88 = arith.constant 0 : i32
      %dma_start3A_89 = arith.constant 0 : i32
      %dma_start3A_90 = tpu.memref_slice %arg2[%dma_start3A_88, %dma_start3A_89] : memref<10240x128xf32, #tpu.memory_space<hbm>> -> memref<10240x128xf32, #tpu.memory_space<hbm>>
      tpu.enqueue_indirect_dma source(%dma_start3A_90 : memref<10240x128xf32, #tpu.memory_space<hbm>>) target(%arg9 : memref<128x128xf32, #tpu.memory_space<vmem>>) offsets(%dma_start3A_87 : memref<128xi32, #tpu.memory_space<vmem>>) semaphore(%arg12 : memref<!tpu.dma_semaphore, #tpu.memory_space<semaphore_mem>>)
      %add3A_91 = arith.constant 1 : i32
      %add3A_92 = arith.addi %add3A_74, %add3A_91 : i32
      %dma_wait3A_93 = arith.constant 0 : i32
      %dma_wait3A_94 = tpu.memref_slice %arg7[%add3A_92, %dma_wait3A_93] : memref<40x128xi32, #tpu.memory_space<vmem>> -> memref<1x128xi32, #tpu.memory_space<vmem>>
      %dma_wait3A_95 = tpu.memref_squeeze %dma_wait3A_94 : memref<1x128xi32, #tpu.memory_space<vmem>> -> memref<128xi32, #tpu.memory_space<vmem>>
      %dma_wait3A_96 = arith.constant 0 : i32
      %dma_wait3A_97 = arith.constant 0 : i32
      %dma_wait3A_98 = tpu.memref_slice %arg2[%dma_wait3A_96, %dma_wait3A_97] : memref<10240x128xf32, #tpu.memory_space<hbm>> -> memref<10240x128xf32, #tpu.memory_space<hbm>>
      tpu.wait_indirect_dma semaphore(%arg13 : memref<!tpu.dma_semaphore, #tpu.memory_space<semaphore_mem>>) src(%dma_wait3A_98 : memref<10240x128xf32, #tpu.memory_space<hbm>>) dst(%arg10 : memref<128x128xf32, #tpu.memory_space<vmem>>)
      "tpu.region"() ({
        %run_scoped3A_107 = tpu.sem_alloc : memref<!tpu.dma_semaphore, #tpu.memory_space<semaphore_mem>>
        %dma_start3A_108 = arith.constant 0 : i32
        %dma_start3A_109 = tpu.memref_slice %arg8[%add3A_92, %dma_start3A_108] : memref<40x128xi32, #tpu.memory_space<vmem>> -> memref<1x128xi32, #tpu.memory_space<vmem>>
        %dma_start3A_110 = tpu.memref_squeeze %dma_start3A_109 : memref<1x128xi32, #tpu.memory_space<vmem>> -> memref<128xi32, #tpu.memory_space<vmem>>
        %dma_start3A_111 = arith.constant 0 : i32
        %dma_start3A_112 = arith.constant 0 : i32
        %dma_start3A_113 = tpu.memref_slice %arg11[%dma_start3A_111, %dma_start3A_112] : memref<10240x128xf32, #tpu.memory_space<vmem_shared>> -> memref<10240x128xf32, #tpu.memory_space<vmem_shared>>
        tpu.enqueue_indirect_dma source(%arg10 : memref<128x128xf32, #tpu.memory_space<vmem>>) target(%dma_start3A_113 : memref<10240x128xf32, #tpu.memory_space<vmem_shared>>) offsets(%dma_start3A_110 : memref<128xi32, #tpu.memory_space<vmem>>) semaphore(%run_scoped3A_107 : memref<!tpu.dma_semaphore, #tpu.memory_space<semaphore_mem>>) {add = true}
        %dma_wait3A_114 = arith.constant 0 : i32
        %dma_wait3A_115 = tpu.memref_slice %arg8[%add3A_92, %dma_wait3A_114] : memref<40x128xi32, #tpu.memory_space<vmem>> -> memref<1x128xi32, #tpu.memory_space<vmem>>
        %dma_wait3A_116 = tpu.memref_squeeze %dma_wait3A_115 : memref<1x128xi32, #tpu.memory_space<vmem>> -> memref<128xi32, #tpu.memory_space<vmem>>
        %dma_wait3A_117 = arith.constant 0 : i32
        %dma_wait3A_118 = arith.constant 0 : i32
        %dma_wait3A_119 = tpu.memref_slice %arg11[%dma_wait3A_117, %dma_wait3A_118] : memref<10240x128xf32, #tpu.memory_space<vmem_shared>> -> memref<10240x128xf32, #tpu.memory_space<vmem_shared>>
        tpu.wait_indirect_dma semaphore(%run_scoped3A_107 : memref<!tpu.dma_semaphore, #tpu.memory_space<semaphore_mem>>) src(%arg10 : memref<128x128xf32, #tpu.memory_space<vmem>>) dst(%dma_wait3A_119 : memref<10240x128xf32, #tpu.memory_space<vmem_shared>>)
        tpu.yield
      }) : () -> ()
      %add3A_99 = arith.constant 2 : i32
      %add3A_100 = arith.addi %add3A_92, %add3A_99 : i32
      %dma_start3A_101 = arith.constant 0 : i32
      %dma_start3A_102 = tpu.memref_slice %arg7[%add3A_100, %dma_start3A_101] : memref<40x128xi32, #tpu.memory_space<vmem>> -> memref<1x128xi32, #tpu.memory_space<vmem>>
      %dma_start3A_103 = tpu.memref_squeeze %dma_start3A_102 : memref<1x128xi32, #tpu.memory_space<vmem>> -> memref<128xi32, #tpu.memory_space<vmem>>
      %dma_start3A_104 = arith.constant 0 : i32
      %dma_start3A_105 = arith.constant 0 : i32
      %dma_start3A_106 = tpu.memref_slice %arg2[%dma_start3A_104, %dma_start3A_105] : memref<10240x128xf32, #tpu.memory_space<hbm>> -> memref<10240x128xf32, #tpu.memory_space<hbm>>
      tpu.enqueue_indirect_dma source(%dma_start3A_106 : memref<10240x128xf32, #tpu.memory_space<hbm>>) target(%arg10 : memref<128x128xf32, #tpu.memory_space<vmem>>) offsets(%dma_start3A_103 : memref<128xi32, #tpu.memory_space<vmem>>) semaphore(%arg13 : memref<!tpu.dma_semaphore, #tpu.memory_space<semaphore_mem>>)
    }
    %scan3A_52 = arith.constant 19 : i32
    %dma_wait3A_53 = arith.constant 38 : i32
    %dma_wait3A_54 = arith.constant 0 : i32
    %dma_wait3A_55 = tpu.memref_slice %arg7[%dma_wait3A_53, %dma_wait3A_54] : memref<40x128xi32, #tpu.memory_space<vmem>> -> memref<1x128xi32, #tpu.memory_space<vmem>>
    %dma_wait3A_56 = tpu.memref_squeeze %dma_wait3A_55 : memref<1x128xi32, #tpu.memory_space<vmem>> -> memref<128xi32, #tpu.memory_space<vmem>>
    %dma_wait3A_57 = arith.constant 0 : i32
    %dma_wait3A_58 = arith.constant 0 : i32
    %dma_wait3A_59 = tpu.memref_slice %arg2[%dma_wait3A_57, %dma_wait3A_58] : memref<10240x128xf32, #tpu.memory_space<hbm>> -> memref<10240x128xf32, #tpu.memory_space<hbm>>
    tpu.wait_indirect_dma semaphore(%arg12 : memref<!tpu.dma_semaphore, #tpu.memory_space<semaphore_mem>>) src(%dma_wait3A_59 : memref<10240x128xf32, #tpu.memory_space<hbm>>) dst(%arg9 : memref<128x128xf32, #tpu.memory_space<vmem>>)
    %run_scoped3A_60 = arith.constant 38 : i32
    "tpu.region"() ({
      %run_scoped3A_70 = tpu.sem_alloc : memref<!tpu.dma_semaphore, #tpu.memory_space<semaphore_mem>>
      %dma_start3A_71 = arith.constant 0 : i32
      %dma_start3A_72 = tpu.memref_slice %arg8[%run_scoped3A_60, %dma_start3A_71] : memref<40x128xi32, #tpu.memory_space<vmem>> -> memref<1x128xi32, #tpu.memory_space<vmem>>
      %dma_start3A_73 = tpu.memref_squeeze %dma_start3A_72 : memref<1x128xi32, #tpu.memory_space<vmem>> -> memref<128xi32, #tpu.memory_space<vmem>>
      %dma_start3A_74 = arith.constant 0 : i32
      %dma_start3A_75 = arith.constant 0 : i32
      %dma_start3A_76 = tpu.memref_slice %arg11[%dma_start3A_74, %dma_start3A_75] : memref<10240x128xf32, #tpu.memory_space<vmem_shared>> -> memref<10240x128xf32, #tpu.memory_space<vmem_shared>>
      tpu.enqueue_indirect_dma source(%arg9 : memref<128x128xf32, #tpu.memory_space<vmem>>) target(%dma_start3A_76 : memref<10240x128xf32, #tpu.memory_space<vmem_shared>>) offsets(%dma_start3A_73 : memref<128xi32, #tpu.memory_space<vmem>>) semaphore(%run_scoped3A_70 : memref<!tpu.dma_semaphore, #tpu.memory_space<semaphore_mem>>) {add = true}
      %dma_wait3A_77 = arith.constant 0 : i32
      %dma_wait3A_78 = tpu.memref_slice %arg8[%run_scoped3A_60, %dma_wait3A_77] : memref<40x128xi32, #tpu.memory_space<vmem>> -> memref<1x128xi32, #tpu.memory_space<vmem>>
      %dma_wait3A_79 = tpu.memref_squeeze %dma_wait3A_78 : memref<1x128xi32, #tpu.memory_space<vmem>> -> memref<128xi32, #tpu.memory_space<vmem>>
      %dma_wait3A_80 = arith.constant 0 : i32
      %dma_wait3A_81 = arith.constant 0 : i32
      %dma_wait3A_82 = tpu.memref_slice %arg11[%dma_wait3A_80, %dma_wait3A_81] : memref<10240x128xf32, #tpu.memory_space<vmem_shared>> -> memref<10240x128xf32, #tpu.memory_space<vmem_shared>>
      tpu.wait_indirect_dma semaphore(%run_scoped3A_70 : memref<!tpu.dma_semaphore, #tpu.memory_space<semaphore_mem>>) src(%arg9 : memref<128x128xf32, #tpu.memory_space<vmem>>) dst(%dma_wait3A_82 : memref<10240x128xf32, #tpu.memory_space<vmem_shared>>)
      tpu.yield
    }) : () -> ()
    %dma_wait3A_61 = arith.constant 39 : i32
    %dma_wait3A_62 = arith.constant 0 : i32
    %dma_wait3A_63 = tpu.memref_slice %arg7[%dma_wait3A_61, %dma_wait3A_62] : memref<40x128xi32, #tpu.memory_space<vmem>> -> memref<1x128xi32, #tpu.memory_space<vmem>>
    %dma_wait3A_64 = tpu.memref_squeeze %dma_wait3A_63 : memref<1x128xi32, #tpu.memory_space<vmem>> -> memref<128xi32, #tpu.memory_space<vmem>>
    %dma_wait3A_65 = arith.constant 0 : i32
    %dma_wait3A_66 = arith.constant 0 : i32
    %dma_wait3A_67 = tpu.memref_slice %arg2[%dma_wait3A_65, %dma_wait3A_66] : memref<10240x128xf32, #tpu.memory_space<hbm>> -> memref<10240x128xf32, #tpu.memory_space<hbm>>
    tpu.wait_indirect_dma semaphore(%arg13 : memref<!tpu.dma_semaphore, #tpu.memory_space<semaphore_mem>>) src(%dma_wait3A_67 : memref<10240x128xf32, #tpu.memory_space<hbm>>) dst(%arg10 : memref<128x128xf32, #tpu.memory_space<vmem>>)
    %run_scoped3A_68 = arith.constant 39 : i32
    "tpu.region"() ({
      %run_scoped3A_70 = tpu.sem_alloc : memref<!tpu.dma_semaphore, #tpu.memory_space<semaphore_mem>>
      %dma_start3A_71 = arith.constant 0 : i32
      %dma_start3A_72 = tpu.memref_slice %arg8[%run_scoped3A_68, %dma_start3A_71] : memref<40x128xi32, #tpu.memory_space<vmem>> -> memref<1x128xi32, #tpu.memory_space<vmem>>
      %dma_start3A_73 = tpu.memref_squeeze %dma_start3A_72 : memref<1x128xi32, #tpu.memory_space<vmem>> -> memref<128xi32, #tpu.memory_space<vmem>>
      %dma_start3A_74 = arith.constant 0 : i32
      %dma_start3A_75 = arith.constant 0 : i32
      %dma_start3A_76 = tpu.memref_slice %arg11[%dma_start3A_74, %dma_start3A_75] : memref<10240x128xf32, #tpu.memory_space<vmem_shared>> -> memref<10240x128xf32, #tpu.memory_space<vmem_shared>>
      tpu.enqueue_indirect_dma source(%arg10 : memref<128x128xf32, #tpu.memory_space<vmem>>) target(%dma_start3A_76 : memref<10240x128xf32, #tpu.memory_space<vmem_shared>>) offsets(%dma_start3A_73 : memref<128xi32, #tpu.memory_space<vmem>>) semaphore(%run_scoped3A_70 : memref<!tpu.dma_semaphore, #tpu.memory_space<semaphore_mem>>) {add = true}
      %dma_wait3A_77 = arith.constant 0 : i32
      %dma_wait3A_78 = tpu.memref_slice %arg8[%run_scoped3A_68, %dma_wait3A_77] : memref<40x128xi32, #tpu.memory_space<vmem>> -> memref<1x128xi32, #tpu.memory_space<vmem>>
      %dma_wait3A_79 = tpu.memref_squeeze %dma_wait3A_78 : memref<1x128xi32, #tpu.memory_space<vmem>> -> memref<128xi32, #tpu.memory_space<vmem>>
      %dma_wait3A_80 = arith.constant 0 : i32
      %dma_wait3A_81 = arith.constant 0 : i32
      %dma_wait3A_82 = tpu.memref_slice %arg11[%dma_wait3A_80, %dma_wait3A_81] : memref<10240x128xf32, #tpu.memory_space<vmem_shared>> -> memref<10240x128xf32, #tpu.memory_space<vmem_shared>>
      tpu.wait_indirect_dma semaphore(%run_scoped3A_70 : memref<!tpu.dma_semaphore, #tpu.memory_space<semaphore_mem>>) src(%arg10 : memref<128x128xf32, #tpu.memory_space<vmem>>) dst(%dma_wait3A_82 : memref<10240x128xf32, #tpu.memory_space<vmem_shared>>)
      tpu.yield
    }) : () -> ()
    %barrier3A_69 = arith.constant 0 : index
    tpu.barrier barrier_id(%barrier3A_69)
    "tpu.region"() ({
      %run_scoped3A_70 = tpu.sem_alloc : memref<!tpu.dma_semaphore, #tpu.memory_space<semaphore_mem>>
      %dma_start3A_71 = arith.constant 0 : i32
      %dma_start3A_72 = tpu.memref_slice %arg6[%arg0, %mul3A_2, %dma_start3A_71] : memref<2x10240x128xf32, #tpu.memory_space<hbm>> -> memref<1x640x128xf32, #tpu.memory_space<hbm>>
      %dma_start3A_73 = tpu.memref_squeeze %dma_start3A_72 : memref<1x640x128xf32, #tpu.memory_space<hbm>> -> memref<640x128xf32, #tpu.memory_space<hbm>>
      %dma_start3A_74 = arith.constant 0 : i32
      %dma_start3A_75 = tpu.memref_slice %arg11[%mul3A_2, %dma_start3A_74] : memref<10240x128xf32, #tpu.memory_space<vmem_shared>> -> memref<640x128xf32, #tpu.memory_space<vmem_shared>>
      tpu.enqueue_dma source(%dma_start3A_75 : memref<640x128xf32, #tpu.memory_space<vmem_shared>>) target(%dma_start3A_73 : memref<640x128xf32, #tpu.memory_space<hbm>>) target_semaphore(%run_scoped3A_70 : memref<!tpu.dma_semaphore, #tpu.memory_space<semaphore_mem>>)
      %dma_wait3A_76 = arith.constant 0 : i32
      %dma_wait3A_77 = tpu.memref_slice %arg6[%arg0, %mul3A_2, %dma_wait3A_76] : memref<2x10240x128xf32, #tpu.memory_space<hbm>> -> memref<1x640x128xf32, #tpu.memory_space<hbm>>
      %dma_wait3A_78 = tpu.memref_squeeze %dma_wait3A_77 : memref<1x640x128xf32, #tpu.memory_space<hbm>> -> memref<640x128xf32, #tpu.memory_space<hbm>>
      %dma_wait3A_79 = arith.constant 0 : i32
      %dma_wait3A_80 = tpu.memref_slice %arg11[%mul3A_2, %dma_wait3A_79] : memref<10240x128xf32, #tpu.memory_space<vmem_shared>> -> memref<640x128xf32, #tpu.memory_space<vmem_shared>>
      tpu.wait_dma2 semaphore(%run_scoped3A_70 : memref<!tpu.dma_semaphore, #tpu.memory_space<semaphore_mem>>) src(%dma_wait3A_80 : memref<640x128xf32, #tpu.memory_space<vmem_shared>>) dst(%dma_wait3A_78 : memref<640x128xf32, #tpu.memory_space<hbm>>)
      tpu.yield
    }) : () -> ()
    return
  }
}

#map = affine_map<(d0, d1) -> (0, 0)>
#map1 = affine_map<(d0, d1) -> (0, 0, 0)>
module attributes {stable_mosaic.version = 14 : i64} {
  func.func @body(%arg0: i32, %arg1: i32, %arg2: memref<10240x128xf32, #tpu.memory_space<hbm>>, %arg3: memref<32x80x128xi32, #tpu.memory_space<hbm>>, %arg4: memref<32x80x128xi32, #tpu.memory_space<hbm>>, %arg5: memref<10240x128xf32, #tpu.memory_space<hbm>>, %arg6: memref<2x10240x128xf32, #tpu.memory_space<hbm>>, %arg7: memref<40x128xi32, #tpu.memory_space<vmem>>, %arg8: memref<40x128xi32, #tpu.memory_space<vmem>>, %arg9: memref<128x128xf32, #tpu.memory_space<vmem>>, %arg10: memref<128x128xf32, #tpu.memory_space<vmem>>, %arg11: memref<10240x128xf32, #tpu.memory_space<vmem_shared>>, %arg12: memref<!tpu.dma_semaphore, #tpu.memory_space<semaphore_mem>>, %arg13: memref<!tpu.dma_semaphore, #tpu.memory_space<semaphore_mem>>) attributes {dimension_semantics = [#tpu.dimension_semantics<core_parallel>, #tpu.dimension_semantics<subcore_parallel>], iteration_bounds = array<i64: 2, 16>, scalar_prefetch = 0 : i64, scratch_operands = 7 : i64, tpu.core_type = #tpu.core_type<sc_vector_subcore>, window_params = [{transform_indices = #map}, {transform_indices = #map1}, {transform_indices = #map1}, {transform_indices = #map}, {transform_indices = #map1}]} {
    %mul3A = arith.constant 16 : i32
    %mul3A_0 = arith.muli %arg0, %mul3A : i32
    %add3A = arith.addi %mul3A_0, %arg1 : i32
    %mul3A_1 = arith.constant 640 : i32
    %mul3A_2 = arith.muli %arg1, %mul3A_1 : i32
    "tpu.region"() ({
      %run_scoped3A_70 = tpu.sem_alloc : memref<!tpu.dma_semaphore, #tpu.memory_space<semaphore_mem>>
      %dma_start3A_71 = arith.constant 0 : i32
      %dma_start3A_72 = tpu.memref_slice %arg11[%mul3A_2, %dma_start3A_71] : memref<10240x128xf32, #tpu.memory_space<vmem_shared>> -> memref<640x128xf32, #tpu.memory_space<vmem_shared>>
      %dma_start3A_73 = arith.constant 0 : i32
      %dma_start3A_74 = tpu.memref_slice %arg5[%mul3A_2, %dma_start3A_73] : memref<10240x128xf32, #tpu.memory_space<hbm>> -> memref<640x128xf32, #tpu.memory_space<hbm>>
      tpu.enqueue_dma source(%dma_start3A_74 : memref<640x128xf32, #tpu.memory_space<hbm>>) target(%dma_start3A_72 : memref<640x128xf32, #tpu.memory_space<vmem_shared>>) target_semaphore(%run_scoped3A_70 : memref<!tpu.dma_semaphore, #tpu.memory_space<semaphore_mem>>)
      %dma_wait3A_75 = arith.constant 0 : i32
      %dma_wait3A_76 = tpu.memref_slice %arg11[%mul3A_2, %dma_wait3A_75] : memref<10240x128xf32, #tpu.memory_space<vmem_shared>> -> memref<640x128xf32, #tpu.memory_space<vmem_shared>>
      %dma_wait3A_77 = arith.constant 0 : i32
      %dma_wait3A_78 = tpu.memref_slice %arg5[%mul3A_2, %dma_wait3A_77] : memref<10240x128xf32, #tpu.memory_space<hbm>> -> memref<640x128xf32, #tpu.memory_space<hbm>>
      tpu.wait_dma2 semaphore(%run_scoped3A_70 : memref<!tpu.dma_semaphore, #tpu.memory_space<semaphore_mem>>) src(%dma_wait3A_78 : memref<640x128xf32, #tpu.memory_space<hbm>>) dst(%dma_wait3A_76 : memref<640x128xf32, #tpu.memory_space<vmem_shared>>)
      tpu.yield
    }) : () -> ()
    "tpu.region"() ({
      %run_scoped3A_70 = tpu.sem_alloc : memref<!tpu.dma_semaphore, #tpu.memory_space<semaphore_mem>>
      %dma_start3A_71 = arith.constant 0 : i32
      %dma_start3A_72 = arith.constant 0 : i32
      %dma_start3A_73 = tpu.memref_slice %arg3[%add3A, %dma_start3A_71, %dma_start3A_72] : memref<32x80x128xi32, #tpu.memory_space<hbm>> -> memref<1x40x128xi32, #tpu.memory_space<hbm>>
      %dma_start3A_74 = tpu.memref_squeeze %dma_start3A_73 : memref<1x40x128xi32, #tpu.memory_space<hbm>> -> memref<40x128xi32, #tpu.memory_space<hbm>>
      %dma_start3A_75 = arith.constant 0 : i32
      %dma_start3A_76 = arith.constant 0 : i32
      %dma_start3A_77 = tpu.memref_slice %arg3[%add3A, %dma_start3A_75, %dma_start3A_76] : memref<32x80x128xi32, #tpu.memory_space<hbm>> -> memref<1x40x128xi32, #tpu.memory_space<hbm>>
      %dma_start3A_78 = tpu.memref_squeeze %dma_start3A_77 : memref<1x40x128xi32, #tpu.memory_space<hbm>> -> memref<40x128xi32, #tpu.memory_space<hbm>>
      tpu.enqueue_dma source(%dma_start3A_78 : memref<40x128xi32, #tpu.memory_space<hbm>>) target(%arg7 : memref<40x128xi32, #tpu.memory_space<vmem>>) target_semaphore(%run_scoped3A_70 : memref<!tpu.dma_semaphore, #tpu.memory_space<semaphore_mem>>)
      %dma_wait3A_79 = arith.constant 0 : i32
      %dma_wait3A_80 = arith.constant 0 : i32
      %dma_wait3A_81 = tpu.memref_slice %arg3[%add3A, %dma_wait3A_79, %dma_wait3A_80] : memref<32x80x128xi32, #tpu.memory_space<hbm>> -> memref<1x40x128xi32, #tpu.memory_space<hbm>>
      %dma_wait3A_82 = tpu.memref_squeeze %dma_wait3A_81 : memref<1x40x128xi32, #tpu.memory_space<hbm>> -> memref<40x128xi32, #tpu.memory_space<hbm>>
      %dma_wait3A_83 = arith.constant 0 : i32
      %dma_wait3A_84 = arith.constant 0 : i32
      %dma_wait3A_85 = tpu.memref_slice %arg3[%add3A, %dma_wait3A_83, %dma_wait3A_84] : memref<32x80x128xi32, #tpu.memory_space<hbm>> -> memref<1x40x128xi32, #tpu.memory_space<hbm>>
      %dma_wait3A_86 = tpu.memref_squeeze %dma_wait3A_85 : memref<1x40x128xi32, #tpu.memory_space<hbm>> -> memref<40x128xi32, #tpu.memory_space<hbm>>
      tpu.wait_dma2 semaphore(%run_scoped3A_70 : memref<!tpu.dma_semaphore, #tpu.memory_space<semaphore_mem>>) src(%dma_wait3A_86 : memref<40x128xi32, #tpu.memory_space<hbm>>) dst(%arg7 : memref<40x128xi32, #tpu.memory_space<vmem>>)
      tpu.yield
    }) : () -> ()
    "tpu.region"() ({
      %run_scoped3A_70 = tpu.sem_alloc : memref<!tpu.dma_semaphore, #tpu.memory_space<semaphore_mem>>
      %dma_start3A_71 = arith.constant 0 : i32
      %dma_start3A_72 = arith.constant 0 : i32
      %dma_start3A_73 = tpu.memref_slice %arg4[%add3A, %dma_start3A_71, %dma_start3A_72] : memref<32x80x128xi32, #tpu.memory_space<hbm>> -> memref<1x40x128xi32, #tpu.memory_space<hbm>>
      %dma_start3A_74 = tpu.memref_squeeze %dma_start3A_73 : memref<1x40x128xi32, #tpu.memory_space<hbm>> -> memref<40x128xi32, #tpu.memory_space<hbm>>
      %dma_start3A_75 = arith.constant 0 : i32
      %dma_start3A_76 = arith.constant 0 : i32
      %dma_start3A_77 = tpu.memref_slice %arg4[%add3A, %dma_start3A_75, %dma_start3A_76] : memref<32x80x128xi32, #tpu.memory_space<hbm>> -> memref<1x40x128xi32, #tpu.memory_space<hbm>>
      %dma_start3A_78 = tpu.memref_squeeze %dma_start3A_77 : memref<1x40x128xi32, #tpu.memory_space<hbm>> -> memref<40x128xi32, #tpu.memory_space<hbm>>
      tpu.enqueue_dma source(%dma_start3A_78 : memref<40x128xi32, #tpu.memory_space<hbm>>) target(%arg8 : memref<40x128xi32, #tpu.memory_space<vmem>>) target_semaphore(%run_scoped3A_70 : memref<!tpu.dma_semaphore, #tpu.memory_space<semaphore_mem>>)
      %dma_wait3A_79 = arith.constant 0 : i32
      %dma_wait3A_80 = arith.constant 0 : i32
      %dma_wait3A_81 = tpu.memref_slice %arg4[%add3A, %dma_wait3A_79, %dma_wait3A_80] : memref<32x80x128xi32, #tpu.memory_space<hbm>> -> memref<1x40x128xi32, #tpu.memory_space<hbm>>
      %dma_wait3A_82 = tpu.memref_squeeze %dma_wait3A_81 : memref<1x40x128xi32, #tpu.memory_space<hbm>> -> memref<40x128xi32, #tpu.memory_space<hbm>>
      %dma_wait3A_83 = arith.constant 0 : i32
      %dma_wait3A_84 = arith.constant 0 : i32
      %dma_wait3A_85 = tpu.memref_slice %arg4[%add3A, %dma_wait3A_83, %dma_wait3A_84] : memref<32x80x128xi32, #tpu.memory_space<hbm>> -> memref<1x40x128xi32, #tpu.memory_space<hbm>>
      %dma_wait3A_86 = tpu.memref_squeeze %dma_wait3A_85 : memref<1x40x128xi32, #tpu.memory_space<hbm>> -> memref<40x128xi32, #tpu.memory_space<hbm>>
      tpu.wait_dma2 semaphore(%run_scoped3A_70 : memref<!tpu.dma_semaphore, #tpu.memory_space<semaphore_mem>>) src(%dma_wait3A_86 : memref<40x128xi32, #tpu.memory_space<hbm>>) dst(%arg8 : memref<40x128xi32, #tpu.memory_space<vmem>>)
      tpu.yield
    }) : () -> ()
    %barrier3A = arith.constant 0 : index
    tpu.barrier barrier_id(%barrier3A)
    %dma_start3A = arith.constant 0 : i32
    %dma_start3A_3 = arith.constant 0 : i32
    %dma_start3A_4 = tpu.memref_slice %arg7[%dma_start3A, %dma_start3A_3] : memref<40x128xi32, #tpu.memory_space<vmem>> -> memref<1x128xi32, #tpu.memory_space<vmem>>
    %dma_start3A_5 = tpu.memref_squeeze %dma_start3A_4 : memref<1x128xi32, #tpu.memory_space<vmem>> -> memref<128xi32, #tpu.memory_space<vmem>>
    %dma_start3A_6 = arith.constant 0 : i32
    %dma_start3A_7 = arith.constant 0 : i32
    %dma_start3A_8 = tpu.memref_slice %arg2[%dma_start3A_6, %dma_start3A_7] : memref<10240x128xf32, #tpu.memory_space<hbm>> -> memref<10240x128xf32, #tpu.memory_space<hbm>>
    tpu.enqueue_indirect_dma source(%dma_start3A_8 : memref<10240x128xf32, #tpu.memory_space<hbm>>) target(%arg9 : memref<128x128xf32, #tpu.memory_space<vmem>>) offsets(%dma_start3A_5 : memref<128xi32, #tpu.memory_space<vmem>>) semaphore(%arg12 : memref<!tpu.dma_semaphore, #tpu.memory_space<semaphore_mem>>)
    %dma_start3A_9 = arith.constant 1 : i32
    %dma_start3A_10 = arith.constant 0 : i32
    %dma_start3A_11 = tpu.memref_slice %arg7[%dma_start3A_9, %dma_start3A_10] : memref<40x128xi32, #tpu.memory_space<vmem>> -> memref<1x128xi32, #tpu.memory_space<vmem>>
    %dma_start3A_12 = tpu.memref_squeeze %dma_start3A_11 : memref<1x128xi32, #tpu.memory_space<vmem>> -> memref<128xi32, #tpu.memory_space<vmem>>
    %dma_start3A_13 = arith.constant 0 : i32
    %dma_start3A_14 = arith.constant 0 : i32
    %dma_start3A_15 = tpu.memref_slice %arg2[%dma_start3A_13, %dma_start3A_14] : memref<10240x128xf32, #tpu.memory_space<hbm>> -> memref<10240x128xf32, #tpu.memory_space<hbm>>
    tpu.enqueue_indirect_dma source(%dma_start3A_15 : memref<10240x128xf32, #tpu.memory_space<hbm>>) target(%arg10 : memref<128x128xf32, #tpu.memory_space<vmem>>) offsets(%dma_start3A_12 : memref<128xi32, #tpu.memory_space<vmem>>) semaphore(%arg13 : memref<!tpu.dma_semaphore, #tpu.memory_space<semaphore_mem>>)
    %scan3A = arith.constant 0 : i32
    %scan3A_16 = arith.constant 19 : i32
    %scan3A_17 = arith.addi %scan3A, %scan3A_16 : i32
    %scan3A_18 = arith.constant 1 : i32
    scf.for %scan3A_70 = %scan3A to %scan3A_17 step %scan3A_18  : i32 {
      %mul3A_71 = arith.constant 2 : i32
      %mul3A_72 = arith.muli %scan3A_70, %mul3A_71 : i32
      %add3A_73 = arith.constant 0 : i32
      %add3A_74 = arith.addi %add3A_73, %mul3A_72 : i32
      %add3A_75 = arith.constant 0 : i32
      %add3A_76 = arith.addi %add3A_74, %add3A_75 : i32
      %dma_wait3A_77 = arith.constant 0 : i32
      %dma_wait3A_78 = tpu.memref_slice %arg7[%add3A_76, %dma_wait3A_77] : memref<40x128xi32, #tpu.memory_space<vmem>> -> memref<1x128xi32, #tpu.memory_space<vmem>>
      %dma_wait3A_79 = tpu.memref_squeeze %dma_wait3A_78 : memref<1x128xi32, #tpu.memory_space<vmem>> -> memref<128xi32, #tpu.memory_space<vmem>>
      %dma_wait3A_80 = arith.constant 0 : i32
      %dma_wait3A_81 = arith.constant 0 : i32
      %dma_wait3A_82 = tpu.memref_slice %arg2[%dma_wait3A_80, %dma_wait3A_81] : memref<10240x128xf32, #tpu.memory_space<hbm>> -> memref<10240x128xf32, #tpu.memory_space<hbm>>
      tpu.wait_indirect_dma semaphore(%arg12 : memref<!tpu.dma_semaphore, #tpu.memory_space<semaphore_mem>>) src(%dma_wait3A_82 : memref<10240x128xf32, #tpu.memory_space<hbm>>) dst(%arg9 : memref<128x128xf32, #tpu.memory_space<vmem>>)
      "tpu.region"() ({
        %run_scoped3A_107 = tpu.sem_alloc : memref<!tpu.dma_semaphore, #tpu.memory_space<semaphore_mem>>
        %dma_start3A_108 = arith.constant 0 : i32
        %dma_start3A_109 = tpu.memref_slice %arg8[%add3A_76, %dma_start3A_108] : memref<40x128xi32, #tpu.memory_space<vmem>> -> memref<1x128xi32, #tpu.memory_space<vmem>>
        %dma_start3A_110 = tpu.memref_squeeze %dma_start3A_109 : memref<1x128xi32, #tpu.memory_space<vmem>> -> memref<128xi32, #tpu.memory_space<vmem>>
        %dma_start3A_111 = arith.constant 0 : i32
        %dma_start3A_112 = arith.constant 0 : i32
        %dma_start3A_113 = tpu.memref_slice %arg11[%dma_start3A_111, %dma_start3A_112] : memref<10240x128xf32, #tpu.memory_space<vmem_shared>> -> memref<10240x128xf32, #tpu.memory_space<vmem_shared>>
        tpu.enqueue_indirect_dma source(%arg9 : memref<128x128xf32, #tpu.memory_space<vmem>>) target(%dma_start3A_113 : memref<10240x128xf32, #tpu.memory_space<vmem_shared>>) offsets(%dma_start3A_110 : memref<128xi32, #tpu.memory_space<vmem>>) semaphore(%run_scoped3A_107 : memref<!tpu.dma_semaphore, #tpu.memory_space<semaphore_mem>>) {add = true}
        %dma_wait3A_114 = arith.constant 0 : i32
        %dma_wait3A_115 = tpu.memref_slice %arg8[%add3A_76, %dma_wait3A_114] : memref<40x128xi32, #tpu.memory_space<vmem>> -> memref<1x128xi32, #tpu.memory_space<vmem>>
        %dma_wait3A_116 = tpu.memref_squeeze %dma_wait3A_115 : memref<1x128xi32, #tpu.memory_space<vmem>> -> memref<128xi32, #tpu.memory_space<vmem>>
        %dma_wait3A_117 = arith.constant 0 : i32
        %dma_wait3A_118 = arith.constant 0 : i32
        %dma_wait3A_119 = tpu.memref_slice %arg11[%dma_wait3A_117, %dma_wait3A_118] : memref<10240x128xf32, #tpu.memory_space<vmem_shared>> -> memref<10240x128xf32, #tpu.memory_space<vmem_shared>>
        tpu.wait_indirect_dma semaphore(%run_scoped3A_107 : memref<!tpu.dma_semaphore, #tpu.memory_space<semaphore_mem>>) src(%arg9 : memref<128x128xf32, #tpu.memory_space<vmem>>) dst(%dma_wait3A_119 : memref<10240x128xf32, #tpu.memory_space<vmem_shared>>)
        tpu.yield
      }) : () -> ()
      %add3A_83 = arith.constant 2 : i32
      %add3A_84 = arith.addi %add3A_76, %add3A_83 : i32
      %dma_start3A_85 = arith.constant 0 : i32
      %dma_start3A_86 = tpu.memref_slice %arg7[%add3A_84, %dma_start3A_85] : memref<40x128xi32, #tpu.memory_space<vmem>> -> memref<1x128xi32, #tpu.memory_space<vmem>>
      %dma_start3A_87 = tpu.memref_squeeze %dma_start3A_86 : memref<1x128xi32, #tpu.memory_space<vmem>> -> memref<128xi32, #tpu.memory_space<vmem>>
      %dma_start3A_88 = arith.constant 0 : i32
      %dma_start3A_89 = arith.constant 0 : i32
      %dma_start3A_90 = tpu.memref_slice %arg2[%dma_start3A_88, %dma_start3A_89] : memref<10240x128xf32, #tpu.memory_space<hbm>> -> memref<10240x128xf32, #tpu.memory_space<hbm>>
      tpu.enqueue_indirect_dma source(%dma_start3A_90 : memref<10240x128xf32, #tpu.memory_space<hbm>>) target(%arg9 : memref<128x128xf32, #tpu.memory_space<vmem>>) offsets(%dma_start3A_87 : memref<128xi32, #tpu.memory_space<vmem>>) semaphore(%arg12 : memref<!tpu.dma_semaphore, #tpu.memory_space<semaphore_mem>>)
      %add3A_91 = arith.constant 1 : i32
      %add3A_92 = arith.addi %add3A_74, %add3A_91 : i32
      %dma_wait3A_93 = arith.constant 0 : i32
      %dma_wait3A_94 = tpu.memref_slice %arg7[%add3A_92, %dma_wait3A_93] : memref<40x128xi32, #tpu.memory_space<vmem>> -> memref<1x128xi32, #tpu.memory_space<vmem>>
      %dma_wait3A_95 = tpu.memref_squeeze %dma_wait3A_94 : memref<1x128xi32, #tpu.memory_space<vmem>> -> memref<128xi32, #tpu.memory_space<vmem>>
      %dma_wait3A_96 = arith.constant 0 : i32
      %dma_wait3A_97 = arith.constant 0 : i32
      %dma_wait3A_98 = tpu.memref_slice %arg2[%dma_wait3A_96, %dma_wait3A_97] : memref<10240x128xf32, #tpu.memory_space<hbm>> -> memref<10240x128xf32, #tpu.memory_space<hbm>>
      tpu.wait_indirect_dma semaphore(%arg13 : memref<!tpu.dma_semaphore, #tpu.memory_space<semaphore_mem>>) src(%dma_wait3A_98 : memref<10240x128xf32, #tpu.memory_space<hbm>>) dst(%arg10 : memref<128x128xf32, #tpu.memory_space<vmem>>)
      "tpu.region"() ({
        %run_scoped3A_107 = tpu.sem_alloc : memref<!tpu.dma_semaphore, #tpu.memory_space<semaphore_mem>>
        %dma_start3A_108 = arith.constant 0 : i32
        %dma_start3A_109 = tpu.memref_slice %arg8[%add3A_92, %dma_start3A_108] : memref<40x128xi32, #tpu.memory_space<vmem>> -> memref<1x128xi32, #tpu.memory_space<vmem>>
        %dma_start3A_110 = tpu.memref_squeeze %dma_start3A_109 : memref<1x128xi32, #tpu.memory_space<vmem>> -> memref<128xi32, #tpu.memory_space<vmem>>
        %dma_start3A_111 = arith.constant 0 : i32
        %dma_start3A_112 = arith.constant 0 : i32
        %dma_start3A_113 = tpu.memref_slice %arg11[%dma_start3A_111, %dma_start3A_112] : memref<10240x128xf32, #tpu.memory_space<vmem_shared>> -> memref<10240x128xf32, #tpu.memory_space<vmem_shared>>
        tpu.enqueue_indirect_dma source(%arg10 : memref<128x128xf32, #tpu.memory_space<vmem>>) target(%dma_start3A_113 : memref<10240x128xf32, #tpu.memory_space<vmem_shared>>) offsets(%dma_start3A_110 : memref<128xi32, #tpu.memory_space<vmem>>) semaphore(%run_scoped3A_107 : memref<!tpu.dma_semaphore, #tpu.memory_space<semaphore_mem>>) {add = true}
        %dma_wait3A_114 = arith.constant 0 : i32
        %dma_wait3A_115 = tpu.memref_slice %arg8[%add3A_92, %dma_wait3A_114] : memref<40x128xi32, #tpu.memory_space<vmem>> -> memref<1x128xi32, #tpu.memory_space<vmem>>
        %dma_wait3A_116 = tpu.memref_squeeze %dma_wait3A_115 : memref<1x128xi32, #tpu.memory_space<vmem>> -> memref<128xi32, #tpu.memory_space<vmem>>
        %dma_wait3A_117 = arith.constant 0 : i32
        %dma_wait3A_118 = arith.constant 0 : i32
        %dma_wait3A_119 = tpu.memref_slice %arg11[%dma_wait3A_117, %dma_wait3A_118] : memref<10240x128xf32, #tpu.memory_space<vmem_shared>> -> memref<10240x128xf32, #tpu.memory_space<vmem_shared>>
        tpu.wait_indirect_dma semaphore(%run_scoped3A_107 : memref<!tpu.dma_semaphore, #tpu.memory_space<semaphore_mem>>) src(%arg10 : memref<128x128xf32, #tpu.memory_space<vmem>>) dst(%dma_wait3A_119 : memref<10240x128xf32, #tpu.memory_space<vmem_shared>>)
        tpu.yield
      }) : () -> ()
      %add3A_99 = arith.constant 2 : i32
      %add3A_100 = arith.addi %add3A_92, %add3A_99 : i32
      %dma_start3A_101 = arith.constant 0 : i32
      %dma_start3A_102 = tpu.memref_slice %arg7[%add3A_100, %dma_start3A_101] : memref<40x128xi32, #tpu.memory_space<vmem>> -> memref<1x128xi32, #tpu.memory_space<vmem>>
      %dma_start3A_103 = tpu.memref_squeeze %dma_start3A_102 : memref<1x128xi32, #tpu.memory_space<vmem>> -> memref<128xi32, #tpu.memory_space<vmem>>
      %dma_start3A_104 = arith.constant 0 : i32
      %dma_start3A_105 = arith.constant 0 : i32
      %dma_start3A_106 = tpu.memref_slice %arg2[%dma_start3A_104, %dma_start3A_105] : memref<10240x128xf32, #tpu.memory_space<hbm>> -> memref<10240x128xf32, #tpu.memory_space<hbm>>
      tpu.enqueue_indirect_dma source(%dma_start3A_106 : memref<10240x128xf32, #tpu.memory_space<hbm>>) target(%arg10 : memref<128x128xf32, #tpu.memory_space<vmem>>) offsets(%dma_start3A_103 : memref<128xi32, #tpu.memory_space<vmem>>) semaphore(%arg13 : memref<!tpu.dma_semaphore, #tpu.memory_space<semaphore_mem>>)
    }
    %scan3A_19 = arith.constant 19 : i32
    %dma_wait3A = arith.constant 38 : i32
    %dma_wait3A_20 = arith.constant 0 : i32
    %dma_wait3A_21 = tpu.memref_slice %arg7[%dma_wait3A, %dma_wait3A_20] : memref<40x128xi32, #tpu.memory_space<vmem>> -> memref<1x128xi32, #tpu.memory_space<vmem>>
    %dma_wait3A_22 = tpu.memref_squeeze %dma_wait3A_21 : memref<1x128xi32, #tpu.memory_space<vmem>> -> memref<128xi32, #tpu.memory_space<vmem>>
    %dma_wait3A_23 = arith.constant 0 : i32
    %dma_wait3A_24 = arith.constant 0 : i32
    %dma_wait3A_25 = tpu.memref_slice %arg2[%dma_wait3A_23, %dma_wait3A_24] : memref<10240x128xf32, #tpu.memory_space<hbm>> -> memref<10240x128xf32, #tpu.memory_space<hbm>>
    tpu.wait_indirect_dma semaphore(%arg12 : memref<!tpu.dma_semaphore, #tpu.memory_space<semaphore_mem>>) src(%dma_wait3A_25 : memref<10240x128xf32, #tpu.memory_space<hbm>>) dst(%arg9 : memref<128x128xf32, #tpu.memory_space<vmem>>)
    %run_scoped3A = arith.constant 38 : i32
    "tpu.region"() ({
      %run_scoped3A_70 = tpu.sem_alloc : memref<!tpu.dma_semaphore, #tpu.memory_space<semaphore_mem>>
      %dma_start3A_71 = arith.constant 0 : i32
      %dma_start3A_72 = tpu.memref_slice %arg8[%run_scoped3A, %dma_start3A_71] : memref<40x128xi32, #tpu.memory_space<vmem>> -> memref<1x128xi32, #tpu.memory_space<vmem>>
      %dma_start3A_73 = tpu.memref_squeeze %dma_start3A_72 : memref<1x128xi32, #tpu.memory_space<vmem>> -> memref<128xi32, #tpu.memory_space<vmem>>
      %dma_start3A_74 = arith.constant 0 : i32
      %dma_start3A_75 = arith.constant 0 : i32
      %dma_start3A_76 = tpu.memref_slice %arg11[%dma_start3A_74, %dma_start3A_75] : memref<10240x128xf32, #tpu.memory_space<vmem_shared>> -> memref<10240x128xf32, #tpu.memory_space<vmem_shared>>
      tpu.enqueue_indirect_dma source(%arg9 : memref<128x128xf32, #tpu.memory_space<vmem>>) target(%dma_start3A_76 : memref<10240x128xf32, #tpu.memory_space<vmem_shared>>) offsets(%dma_start3A_73 : memref<128xi32, #tpu.memory_space<vmem>>) semaphore(%run_scoped3A_70 : memref<!tpu.dma_semaphore, #tpu.memory_space<semaphore_mem>>) {add = true}
      %dma_wait3A_77 = arith.constant 0 : i32
      %dma_wait3A_78 = tpu.memref_slice %arg8[%run_scoped3A, %dma_wait3A_77] : memref<40x128xi32, #tpu.memory_space<vmem>> -> memref<1x128xi32, #tpu.memory_space<vmem>>
      %dma_wait3A_79 = tpu.memref_squeeze %dma_wait3A_78 : memref<1x128xi32, #tpu.memory_space<vmem>> -> memref<128xi32, #tpu.memory_space<vmem>>
      %dma_wait3A_80 = arith.constant 0 : i32
      %dma_wait3A_81 = arith.constant 0 : i32
      %dma_wait3A_82 = tpu.memref_slice %arg11[%dma_wait3A_80, %dma_wait3A_81] : memref<10240x128xf32, #tpu.memory_space<vmem_shared>> -> memref<10240x128xf32, #tpu.memory_space<vmem_shared>>
      tpu.wait_indirect_dma semaphore(%run_scoped3A_70 : memref<!tpu.dma_semaphore, #tpu.memory_space<semaphore_mem>>) src(%arg9 : memref<128x128xf32, #tpu.memory_space<vmem>>) dst(%dma_wait3A_82 : memref<10240x128xf32, #tpu.memory_space<vmem_shared>>)
      tpu.yield
    }) : () -> ()
    %dma_wait3A_26 = arith.constant 39 : i32
    %dma_wait3A_27 = arith.constant 0 : i32
    %dma_wait3A_28 = tpu.memref_slice %arg7[%dma_wait3A_26, %dma_wait3A_27] : memref<40x128xi32, #tpu.memory_space<vmem>> -> memref<1x128xi32, #tpu.memory_space<vmem>>
    %dma_wait3A_29 = tpu.memref_squeeze %dma_wait3A_28 : memref<1x128xi32, #tpu.memory_space<vmem>> -> memref<128xi32, #tpu.memory_space<vmem>>
    %dma_wait3A_30 = arith.constant 0 : i32
    %dma_wait3A_31 = arith.constant 0 : i32
    %dma_wait3A_32 = tpu.memref_slice %arg2[%dma_wait3A_30, %dma_wait3A_31] : memref<10240x128xf32, #tpu.memory_space<hbm>> -> memref<10240x128xf32, #tpu.memory_space<hbm>>
    tpu.wait_indirect_dma semaphore(%arg13 : memref<!tpu.dma_semaphore, #tpu.memory_space<semaphore_mem>>) src(%dma_wait3A_32 : memref<10240x128xf32, #tpu.memory_space<hbm>>) dst(%arg10 : memref<128x128xf32, #tpu.memory_space<vmem>>)
    %run_scoped3A_33 = arith.constant 39 : i32
    "tpu.region"() ({
      %run_scoped3A_70 = tpu.sem_alloc : memref<!tpu.dma_semaphore, #tpu.memory_space<semaphore_mem>>
      %dma_start3A_71 = arith.constant 0 : i32
      %dma_start3A_72 = tpu.memref_slice %arg8[%run_scoped3A_33, %dma_start3A_71] : memref<40x128xi32, #tpu.memory_space<vmem>> -> memref<1x128xi32, #tpu.memory_space<vmem>>
      %dma_start3A_73 = tpu.memref_squeeze %dma_start3A_72 : memref<1x128xi32, #tpu.memory_space<vmem>> -> memref<128xi32, #tpu.memory_space<vmem>>
      %dma_start3A_74 = arith.constant 0 : i32
      %dma_start3A_75 = arith.constant 0 : i32
      %dma_start3A_76 = tpu.memref_slice %arg11[%dma_start3A_74, %dma_start3A_75] : memref<10240x128xf32, #tpu.memory_space<vmem_shared>> -> memref<10240x128xf32, #tpu.memory_space<vmem_shared>>
      tpu.enqueue_indirect_dma source(%arg10 : memref<128x128xf32, #tpu.memory_space<vmem>>) target(%dma_start3A_76 : memref<10240x128xf32, #tpu.memory_space<vmem_shared>>) offsets(%dma_start3A_73 : memref<128xi32, #tpu.memory_space<vmem>>) semaphore(%run_scoped3A_70 : memref<!tpu.dma_semaphore, #tpu.memory_space<semaphore_mem>>) {add = true}
      %dma_wait3A_77 = arith.constant 0 : i32
      %dma_wait3A_78 = tpu.memref_slice %arg8[%run_scoped3A_33, %dma_wait3A_77] : memref<40x128xi32, #tpu.memory_space<vmem>> -> memref<1x128xi32, #tpu.memory_space<vmem>>
      %dma_wait3A_79 = tpu.memref_squeeze %dma_wait3A_78 : memref<1x128xi32, #tpu.memory_space<vmem>> -> memref<128xi32, #tpu.memory_space<vmem>>
      %dma_wait3A_80 = arith.constant 0 : i32
      %dma_wait3A_81 = arith.constant 0 : i32
      %dma_wait3A_82 = tpu.memref_slice %arg11[%dma_wait3A_80, %dma_wait3A_81] : memref<10240x128xf32, #tpu.memory_space<vmem_shared>> -> memref<10240x128xf32, #tpu.memory_space<vmem_shared>>
      tpu.wait_indirect_dma semaphore(%run_scoped3A_70 : memref<!tpu.dma_semaphore, #tpu.memory_space<semaphore_mem>>) src(%arg10 : memref<128x128xf32, #tpu.memory_space<vmem>>) dst(%dma_wait3A_82 : memref<10240x128xf32, #tpu.memory_space<vmem_shared>>)
      tpu.yield
    }) : () -> ()
    "tpu.region"() ({
      %run_scoped3A_70 = tpu.sem_alloc : memref<!tpu.dma_semaphore, #tpu.memory_space<semaphore_mem>>
      %dma_start3A_71 = arith.constant 40 : i32
      %dma_start3A_72 = arith.constant 0 : i32
      %dma_start3A_73 = tpu.memref_slice %arg3[%add3A, %dma_start3A_71, %dma_start3A_72] : memref<32x80x128xi32, #tpu.memory_space<hbm>> -> memref<1x40x128xi32, #tpu.memory_space<hbm>>
      %dma_start3A_74 = tpu.memref_squeeze %dma_start3A_73 : memref<1x40x128xi32, #tpu.memory_space<hbm>> -> memref<40x128xi32, #tpu.memory_space<hbm>>
      %dma_start3A_75 = arith.constant 40 : i32
      %dma_start3A_76 = arith.constant 0 : i32
      %dma_start3A_77 = tpu.memref_slice %arg3[%add3A, %dma_start3A_75, %dma_start3A_76] : memref<32x80x128xi32, #tpu.memory_space<hbm>> -> memref<1x40x128xi32, #tpu.memory_space<hbm>>
      %dma_start3A_78 = tpu.memref_squeeze %dma_start3A_77 : memref<1x40x128xi32, #tpu.memory_space<hbm>> -> memref<40x128xi32, #tpu.memory_space<hbm>>
      tpu.enqueue_dma source(%dma_start3A_78 : memref<40x128xi32, #tpu.memory_space<hbm>>) target(%arg7 : memref<40x128xi32, #tpu.memory_space<vmem>>) target_semaphore(%run_scoped3A_70 : memref<!tpu.dma_semaphore, #tpu.memory_space<semaphore_mem>>)
      %dma_wait3A_79 = arith.constant 40 : i32
      %dma_wait3A_80 = arith.constant 0 : i32
      %dma_wait3A_81 = tpu.memref_slice %arg3[%add3A, %dma_wait3A_79, %dma_wait3A_80] : memref<32x80x128xi32, #tpu.memory_space<hbm>> -> memref<1x40x128xi32, #tpu.memory_space<hbm>>
      %dma_wait3A_82 = tpu.memref_squeeze %dma_wait3A_81 : memref<1x40x128xi32, #tpu.memory_space<hbm>> -> memref<40x128xi32, #tpu.memory_space<hbm>>
      %dma_wait3A_83 = arith.constant 40 : i32
      %dma_wait3A_84 = arith.constant 0 : i32
      %dma_wait3A_85 = tpu.memref_slice %arg3[%add3A, %dma_wait3A_83, %dma_wait3A_84] : memref<32x80x128xi32, #tpu.memory_space<hbm>> -> memref<1x40x128xi32, #tpu.memory_space<hbm>>
      %dma_wait3A_86 = tpu.memref_squeeze %dma_wait3A_85 : memref<1x40x128xi32, #tpu.memory_space<hbm>> -> memref<40x128xi32, #tpu.memory_space<hbm>>
      tpu.wait_dma2 semaphore(%run_scoped3A_70 : memref<!tpu.dma_semaphore, #tpu.memory_space<semaphore_mem>>) src(%dma_wait3A_86 : memref<40x128xi32, #tpu.memory_space<hbm>>) dst(%arg7 : memref<40x128xi32, #tpu.memory_space<vmem>>)
      tpu.yield
    }) : () -> ()
    "tpu.region"() ({
      %run_scoped3A_70 = tpu.sem_alloc : memref<!tpu.dma_semaphore, #tpu.memory_space<semaphore_mem>>
      %dma_start3A_71 = arith.constant 40 : i32
      %dma_start3A_72 = arith.constant 0 : i32
      %dma_start3A_73 = tpu.memref_slice %arg4[%add3A, %dma_start3A_71, %dma_start3A_72] : memref<32x80x128xi32, #tpu.memory_space<hbm>> -> memref<1x40x128xi32, #tpu.memory_space<hbm>>
      %dma_start3A_74 = tpu.memref_squeeze %dma_start3A_73 : memref<1x40x128xi32, #tpu.memory_space<hbm>> -> memref<40x128xi32, #tpu.memory_space<hbm>>
      %dma_start3A_75 = arith.constant 40 : i32
      %dma_start3A_76 = arith.constant 0 : i32
      %dma_start3A_77 = tpu.memref_slice %arg4[%add3A, %dma_start3A_75, %dma_start3A_76] : memref<32x80x128xi32, #tpu.memory_space<hbm>> -> memref<1x40x128xi32, #tpu.memory_space<hbm>>
      %dma_start3A_78 = tpu.memref_squeeze %dma_start3A_77 : memref<1x40x128xi32, #tpu.memory_space<hbm>> -> memref<40x128xi32, #tpu.memory_space<hbm>>
      tpu.enqueue_dma source(%dma_start3A_78 : memref<40x128xi32, #tpu.memory_space<hbm>>) target(%arg8 : memref<40x128xi32, #tpu.memory_space<vmem>>) target_semaphore(%run_scoped3A_70 : memref<!tpu.dma_semaphore, #tpu.memory_space<semaphore_mem>>)
      %dma_wait3A_79 = arith.constant 40 : i32
      %dma_wait3A_80 = arith.constant 0 : i32
      %dma_wait3A_81 = tpu.memref_slice %arg4[%add3A, %dma_wait3A_79, %dma_wait3A_80] : memref<32x80x128xi32, #tpu.memory_space<hbm>> -> memref<1x40x128xi32, #tpu.memory_space<hbm>>
      %dma_wait3A_82 = tpu.memref_squeeze %dma_wait3A_81 : memref<1x40x128xi32, #tpu.memory_space<hbm>> -> memref<40x128xi32, #tpu.memory_space<hbm>>
      %dma_wait3A_83 = arith.constant 40 : i32
      %dma_wait3A_84 = arith.constant 0 : i32
      %dma_wait3A_85 = tpu.memref_slice %arg4[%add3A, %dma_wait3A_83, %dma_wait3A_84] : memref<32x80x128xi32, #tpu.memory_space<hbm>> -> memref<1x40x128xi32, #tpu.memory_space<hbm>>
      %dma_wait3A_86 = tpu.memref_squeeze %dma_wait3A_85 : memref<1x40x128xi32, #tpu.memory_space<hbm>> -> memref<40x128xi32, #tpu.memory_space<hbm>>
      tpu.wait_dma2 semaphore(%run_scoped3A_70 : memref<!tpu.dma_semaphore, #tpu.memory_space<semaphore_mem>>) src(%dma_wait3A_86 : memref<40x128xi32, #tpu.memory_space<hbm>>) dst(%arg8 : memref<40x128xi32, #tpu.memory_space<vmem>>)
      tpu.yield
    }) : () -> ()
    %dma_start3A_34 = arith.constant 0 : i32
    %dma_start3A_35 = arith.constant 0 : i32
    %dma_start3A_36 = tpu.memref_slice %arg7[%dma_start3A_34, %dma_start3A_35] : memref<40x128xi32, #tpu.memory_space<vmem>> -> memref<1x128xi32, #tpu.memory_space<vmem>>
    %dma_start3A_37 = tpu.memref_squeeze %dma_start3A_36 : memref<1x128xi32, #tpu.memory_space<vmem>> -> memref<128xi32, #tpu.memory_space<vmem>>
    %dma_start3A_38 = arith.constant 0 : i32
    %dma_start3A_39 = arith.constant 0 : i32
    %dma_start3A_40 = tpu.memref_slice %arg2[%dma_start3A_38, %dma_start3A_39] : memref<10240x128xf32, #tpu.memory_space<hbm>> -> memref<10240x128xf32, #tpu.memory_space<hbm>>
    tpu.enqueue_indirect_dma source(%dma_start3A_40 : memref<10240x128xf32, #tpu.memory_space<hbm>>) target(%arg9 : memref<128x128xf32, #tpu.memory_space<vmem>>) offsets(%dma_start3A_37 : memref<128xi32, #tpu.memory_space<vmem>>) semaphore(%arg12 : memref<!tpu.dma_semaphore, #tpu.memory_space<semaphore_mem>>)
    %dma_start3A_41 = arith.constant 1 : i32
    %dma_start3A_42 = arith.constant 0 : i32
    %dma_start3A_43 = tpu.memref_slice %arg7[%dma_start3A_41, %dma_start3A_42] : memref<40x128xi32, #tpu.memory_space<vmem>> -> memref<1x128xi32, #tpu.memory_space<vmem>>
    %dma_start3A_44 = tpu.memref_squeeze %dma_start3A_43 : memref<1x128xi32, #tpu.memory_space<vmem>> -> memref<128xi32, #tpu.memory_space<vmem>>
    %dma_start3A_45 = arith.constant 0 : i32
    %dma_start3A_46 = arith.constant 0 : i32
    %dma_start3A_47 = tpu.memref_slice %arg2[%dma_start3A_45, %dma_start3A_46] : memref<10240x128xf32, #tpu.memory_space<hbm>> -> memref<10240x128xf32, #tpu.memory_space<hbm>>
    tpu.enqueue_indirect_dma source(%dma_start3A_47 : memref<10240x128xf32, #tpu.memory_space<hbm>>) target(%arg10 : memref<128x128xf32, #tpu.memory_space<vmem>>) offsets(%dma_start3A_44 : memref<128xi32, #tpu.memory_space<vmem>>) semaphore(%arg13 : memref<!tpu.dma_semaphore, #tpu.memory_space<semaphore_mem>>)
    %scan3A_48 = arith.constant 0 : i32
    %scan3A_49 = arith.constant 19 : i32
    %scan3A_50 = arith.addi %scan3A_48, %scan3A_49 : i32
    %scan3A_51 = arith.constant 1 : i32
    scf.for %scan3A_70 = %scan3A_48 to %scan3A_50 step %scan3A_51  : i32 {
      %mul3A_71 = arith.constant 2 : i32
      %mul3A_72 = arith.muli %scan3A_70, %mul3A_71 : i32
      %add3A_73 = arith.constant 0 : i32
      %add3A_74 = arith.addi %add3A_73, %mul3A_72 : i32
      %add3A_75 = arith.constant 0 : i32
      %add3A_76 = arith.addi %add3A_74, %add3A_75 : i32
      %dma_wait3A_77 = arith.constant 0 : i32
      %dma_wait3A_78 = tpu.memref_slice %arg7[%add3A_76, %dma_wait3A_77] : memref<40x128xi32, #tpu.memory_space<vmem>> -> memref<1x128xi32, #tpu.memory_space<vmem>>
      %dma_wait3A_79 = tpu.memref_squeeze %dma_wait3A_78 : memref<1x128xi32, #tpu.memory_space<vmem>> -> memref<128xi32, #tpu.memory_space<vmem>>
      %dma_wait3A_80 = arith.constant 0 : i32
      %dma_wait3A_81 = arith.constant 0 : i32
      %dma_wait3A_82 = tpu.memref_slice %arg2[%dma_wait3A_80, %dma_wait3A_81] : memref<10240x128xf32, #tpu.memory_space<hbm>> -> memref<10240x128xf32, #tpu.memory_space<hbm>>
      tpu.wait_indirect_dma semaphore(%arg12 : memref<!tpu.dma_semaphore, #tpu.memory_space<semaphore_mem>>) src(%dma_wait3A_82 : memref<10240x128xf32, #tpu.memory_space<hbm>>) dst(%arg9 : memref<128x128xf32, #tpu.memory_space<vmem>>)
      "tpu.region"() ({
        %run_scoped3A_107 = tpu.sem_alloc : memref<!tpu.dma_semaphore, #tpu.memory_space<semaphore_mem>>
        %dma_start3A_108 = arith.constant 0 : i32
        %dma_start3A_109 = tpu.memref_slice %arg8[%add3A_76, %dma_start3A_108] : memref<40x128xi32, #tpu.memory_space<vmem>> -> memref<1x128xi32, #tpu.memory_space<vmem>>
        %dma_start3A_110 = tpu.memref_squeeze %dma_start3A_109 : memref<1x128xi32, #tpu.memory_space<vmem>> -> memref<128xi32, #tpu.memory_space<vmem>>
        %dma_start3A_111 = arith.constant 0 : i32
        %dma_start3A_112 = arith.constant 0 : i32
        %dma_start3A_113 = tpu.memref_slice %arg11[%dma_start3A_111, %dma_start3A_112] : memref<10240x128xf32, #tpu.memory_space<vmem_shared>> -> memref<10240x128xf32, #tpu.memory_space<vmem_shared>>
        tpu.enqueue_indirect_dma source(%arg9 : memref<128x128xf32, #tpu.memory_space<vmem>>) target(%dma_start3A_113 : memref<10240x128xf32, #tpu.memory_space<vmem_shared>>) offsets(%dma_start3A_110 : memref<128xi32, #tpu.memory_space<vmem>>) semaphore(%run_scoped3A_107 : memref<!tpu.dma_semaphore, #tpu.memory_space<semaphore_mem>>) {add = true}
        %dma_wait3A_114 = arith.constant 0 : i32
        %dma_wait3A_115 = tpu.memref_slice %arg8[%add3A_76, %dma_wait3A_114] : memref<40x128xi32, #tpu.memory_space<vmem>> -> memref<1x128xi32, #tpu.memory_space<vmem>>
        %dma_wait3A_116 = tpu.memref_squeeze %dma_wait3A_115 : memref<1x128xi32, #tpu.memory_space<vmem>> -> memref<128xi32, #tpu.memory_space<vmem>>
        %dma_wait3A_117 = arith.constant 0 : i32
        %dma_wait3A_118 = arith.constant 0 : i32
        %dma_wait3A_119 = tpu.memref_slice %arg11[%dma_wait3A_117, %dma_wait3A_118] : memref<10240x128xf32, #tpu.memory_space<vmem_shared>> -> memref<10240x128xf32, #tpu.memory_space<vmem_shared>>
        tpu.wait_indirect_dma semaphore(%run_scoped3A_107 : memref<!tpu.dma_semaphore, #tpu.memory_space<semaphore_mem>>) src(%arg9 : memref<128x128xf32, #tpu.memory_space<vmem>>) dst(%dma_wait3A_119 : memref<10240x128xf32, #tpu.memory_space<vmem_shared>>)
        tpu.yield
      }) : () -> ()
      %add3A_83 = arith.constant 2 : i32
      %add3A_84 = arith.addi %add3A_76, %add3A_83 : i32
      %dma_start3A_85 = arith.constant 0 : i32
      %dma_start3A_86 = tpu.memref_slice %arg7[%add3A_84, %dma_start3A_85] : memref<40x128xi32, #tpu.memory_space<vmem>> -> memref<1x128xi32, #tpu.memory_space<vmem>>
      %dma_start3A_87 = tpu.memref_squeeze %dma_start3A_86 : memref<1x128xi32, #tpu.memory_space<vmem>> -> memref<128xi32, #tpu.memory_space<vmem>>
      %dma_start3A_88 = arith.constant 0 : i32
      %dma_start3A_89 = arith.constant 0 : i32
      %dma_start3A_90 = tpu.memref_slice %arg2[%dma_start3A_88, %dma_start3A_89] : memref<10240x128xf32, #tpu.memory_space<hbm>> -> memref<10240x128xf32, #tpu.memory_space<hbm>>
      tpu.enqueue_indirect_dma source(%dma_start3A_90 : memref<10240x128xf32, #tpu.memory_space<hbm>>) target(%arg9 : memref<128x128xf32, #tpu.memory_space<vmem>>) offsets(%dma_start3A_87 : memref<128xi32, #tpu.memory_space<vmem>>) semaphore(%arg12 : memref<!tpu.dma_semaphore, #tpu.memory_space<semaphore_mem>>)
      %add3A_91 = arith.constant 1 : i32
      %add3A_92 = arith.addi %add3A_74, %add3A_91 : i32
      %dma_wait3A_93 = arith.constant 0 : i32
      %dma_wait3A_94 = tpu.memref_slice %arg7[%add3A_92, %dma_wait3A_93] : memref<40x128xi32, #tpu.memory_space<vmem>> -> memref<1x128xi32, #tpu.memory_space<vmem>>
      %dma_wait3A_95 = tpu.memref_squeeze %dma_wait3A_94 : memref<1x128xi32, #tpu.memory_space<vmem>> -> memref<128xi32, #tpu.memory_space<vmem>>
      %dma_wait3A_96 = arith.constant 0 : i32
      %dma_wait3A_97 = arith.constant 0 : i32
      %dma_wait3A_98 = tpu.memref_slice %arg2[%dma_wait3A_96, %dma_wait3A_97] : memref<10240x128xf32, #tpu.memory_space<hbm>> -> memref<10240x128xf32, #tpu.memory_space<hbm>>
      tpu.wait_indirect_dma semaphore(%arg13 : memref<!tpu.dma_semaphore, #tpu.memory_space<semaphore_mem>>) src(%dma_wait3A_98 : memref<10240x128xf32, #tpu.memory_space<hbm>>) dst(%arg10 : memref<128x128xf32, #tpu.memory_space<vmem>>)
      "tpu.region"() ({
        %run_scoped3A_107 = tpu.sem_alloc : memref<!tpu.dma_semaphore, #tpu.memory_space<semaphore_mem>>
        %dma_start3A_108 = arith.constant 0 : i32
        %dma_start3A_109 = tpu.memref_slice %arg8[%add3A_92, %dma_start3A_108] : memref<40x128xi32, #tpu.memory_space<vmem>> -> memref<1x128xi32, #tpu.memory_space<vmem>>
        %dma_start3A_110 = tpu.memref_squeeze %dma_start3A_109 : memref<1x128xi32, #tpu.memory_space<vmem>> -> memref<128xi32, #tpu.memory_space<vmem>>
        %dma_start3A_111 = arith.constant 0 : i32
        %dma_start3A_112 = arith.constant 0 : i32
        %dma_start3A_113 = tpu.memref_slice %arg11[%dma_start3A_111, %dma_start3A_112] : memref<10240x128xf32, #tpu.memory_space<vmem_shared>> -> memref<10240x128xf32, #tpu.memory_space<vmem_shared>>
        tpu.enqueue_indirect_dma source(%arg10 : memref<128x128xf32, #tpu.memory_space<vmem>>) target(%dma_start3A_113 : memref<10240x128xf32, #tpu.memory_space<vmem_shared>>) offsets(%dma_start3A_110 : memref<128xi32, #tpu.memory_space<vmem>>) semaphore(%run_scoped3A_107 : memref<!tpu.dma_semaphore, #tpu.memory_space<semaphore_mem>>) {add = true}
        %dma_wait3A_114 = arith.constant 0 : i32
        %dma_wait3A_115 = tpu.memref_slice %arg8[%add3A_92, %dma_wait3A_114] : memref<40x128xi32, #tpu.memory_space<vmem>> -> memref<1x128xi32, #tpu.memory_space<vmem>>
        %dma_wait3A_116 = tpu.memref_squeeze %dma_wait3A_115 : memref<1x128xi32, #tpu.memory_space<vmem>> -> memref<128xi32, #tpu.memory_space<vmem>>
        %dma_wait3A_117 = arith.constant 0 : i32
        %dma_wait3A_118 = arith.constant 0 : i32
        %dma_wait3A_119 = tpu.memref_slice %arg11[%dma_wait3A_117, %dma_wait3A_118] : memref<10240x128xf32, #tpu.memory_space<vmem_shared>> -> memref<10240x128xf32, #tpu.memory_space<vmem_shared>>
        tpu.wait_indirect_dma semaphore(%run_scoped3A_107 : memref<!tpu.dma_semaphore, #tpu.memory_space<semaphore_mem>>) src(%arg10 : memref<128x128xf32, #tpu.memory_space<vmem>>) dst(%dma_wait3A_119 : memref<10240x128xf32, #tpu.memory_space<vmem_shared>>)
        tpu.yield
      }) : () -> ()
      %add3A_99 = arith.constant 2 : i32
      %add3A_100 = arith.addi %add3A_92, %add3A_99 : i32
      %dma_start3A_101 = arith.constant 0 : i32
      %dma_start3A_102 = tpu.memref_slice %arg7[%add3A_100, %dma_start3A_101] : memref<40x128xi32, #tpu.memory_space<vmem>> -> memref<1x128xi32, #tpu.memory_space<vmem>>
      %dma_start3A_103 = tpu.memref_squeeze %dma_start3A_102 : memref<1x128xi32, #tpu.memory_space<vmem>> -> memref<128xi32, #tpu.memory_space<vmem>>
      %dma_start3A_104 = arith.constant 0 : i32
      %dma_start3A_105 = arith.constant 0 : i32
      %dma_start3A_106 = tpu.memref_slice %arg2[%dma_start3A_104, %dma_start3A_105] : memref<10240x128xf32, #tpu.memory_space<hbm>> -> memref<10240x128xf32, #tpu.memory_space<hbm>>
      tpu.enqueue_indirect_dma source(%dma_start3A_106 : memref<10240x128xf32, #tpu.memory_space<hbm>>) target(%arg10 : memref<128x128xf32, #tpu.memory_space<vmem>>) offsets(%dma_start3A_103 : memref<128xi32, #tpu.memory_space<vmem>>) semaphore(%arg13 : memref<!tpu.dma_semaphore, #tpu.memory_space<semaphore_mem>>)
    }
    %scan3A_52 = arith.constant 19 : i32
    %dma_wait3A_53 = arith.constant 38 : i32
    %dma_wait3A_54 = arith.constant 0 : i32
    %dma_wait3A_55 = tpu.memref_slice %arg7[%dma_wait3A_53, %dma_wait3A_54] : memref<40x128xi32, #tpu.memory_space<vmem>> -> memref<1x128xi32, #tpu.memory_space<vmem>>
    %dma_wait3A_56 = tpu.memref_squeeze %dma_wait3A_55 : memref<1x128xi32, #tpu.memory_space<vmem>> -> memref<128xi32, #tpu.memory_space<vmem>>
    %dma_wait3A_57 = arith.constant 0 : i32
    %dma_wait3A_58 = arith.constant 0 : i32
    %dma_wait3A_59 = tpu.memref_slice %arg2[%dma_wait3A_57, %dma_wait3A_58] : memref<10240x128xf32, #tpu.memory_space<hbm>> -> memref<10240x128xf32, #tpu.memory_space<hbm>>
    tpu.wait_indirect_dma semaphore(%arg12 : memref<!tpu.dma_semaphore, #tpu.memory_space<semaphore_mem>>) src(%dma_wait3A_59 : memref<10240x128xf32, #tpu.memory_space<hbm>>) dst(%arg9 : memref<128x128xf32, #tpu.memory_space<vmem>>)
    %run_scoped3A_60 = arith.constant 38 : i32
    "tpu.region"() ({
      %run_scoped3A_70 = tpu.sem_alloc : memref<!tpu.dma_semaphore, #tpu.memory_space<semaphore_mem>>
      %dma_start3A_71 = arith.constant 0 : i32
      %dma_start3A_72 = tpu.memref_slice %arg8[%run_scoped3A_60, %dma_start3A_71] : memref<40x128xi32, #tpu.memory_space<vmem>> -> memref<1x128xi32, #tpu.memory_space<vmem>>
      %dma_start3A_73 = tpu.memref_squeeze %dma_start3A_72 : memref<1x128xi32, #tpu.memory_space<vmem>> -> memref<128xi32, #tpu.memory_space<vmem>>
      %dma_start3A_74 = arith.constant 0 : i32
      %dma_start3A_75 = arith.constant 0 : i32
      %dma_start3A_76 = tpu.memref_slice %arg11[%dma_start3A_74, %dma_start3A_75] : memref<10240x128xf32, #tpu.memory_space<vmem_shared>> -> memref<10240x128xf32, #tpu.memory_space<vmem_shared>>
      tpu.enqueue_indirect_dma source(%arg9 : memref<128x128xf32, #tpu.memory_space<vmem>>) target(%dma_start3A_76 : memref<10240x128xf32, #tpu.memory_space<vmem_shared>>) offsets(%dma_start3A_73 : memref<128xi32, #tpu.memory_space<vmem>>) semaphore(%run_scoped3A_70 : memref<!tpu.dma_semaphore, #tpu.memory_space<semaphore_mem>>) {add = true}
      %dma_wait3A_77 = arith.constant 0 : i32
      %dma_wait3A_78 = tpu.memref_slice %arg8[%run_scoped3A_60, %dma_wait3A_77] : memref<40x128xi32, #tpu.memory_space<vmem>> -> memref<1x128xi32, #tpu.memory_space<vmem>>
      %dma_wait3A_79 = tpu.memref_squeeze %dma_wait3A_78 : memref<1x128xi32, #tpu.memory_space<vmem>> -> memref<128xi32, #tpu.memory_space<vmem>>
      %dma_wait3A_80 = arith.constant 0 : i32
      %dma_wait3A_81 = arith.constant 0 : i32
      %dma_wait3A_82 = tpu.memref_slice %arg11[%dma_wait3A_80, %dma_wait3A_81] : memref<10240x128xf32, #tpu.memory_space<vmem_shared>> -> memref<10240x128xf32, #tpu.memory_space<vmem_shared>>
      tpu.wait_indirect_dma semaphore(%run_scoped3A_70 : memref<!tpu.dma_semaphore, #tpu.memory_space<semaphore_mem>>) src(%arg9 : memref<128x128xf32, #tpu.memory_space<vmem>>) dst(%dma_wait3A_82 : memref<10240x128xf32, #tpu.memory_space<vmem_shared>>)
      tpu.yield
    }) : () -> ()
    %dma_wait3A_61 = arith.constant 39 : i32
    %dma_wait3A_62 = arith.constant 0 : i32
    %dma_wait3A_63 = tpu.memref_slice %arg7[%dma_wait3A_61, %dma_wait3A_62] : memref<40x128xi32, #tpu.memory_space<vmem>> -> memref<1x128xi32, #tpu.memory_space<vmem>>
    %dma_wait3A_64 = tpu.memref_squeeze %dma_wait3A_63 : memref<1x128xi32, #tpu.memory_space<vmem>> -> memref<128xi32, #tpu.memory_space<vmem>>
    %dma_wait3A_65 = arith.constant 0 : i32
    %dma_wait3A_66 = arith.constant 0 : i32
    %dma_wait3A_67 = tpu.memref_slice %arg2[%dma_wait3A_65, %dma_wait3A_66] : memref<10240x128xf32, #tpu.memory_space<hbm>> -> memref<10240x128xf32, #tpu.memory_space<hbm>>
    tpu.wait_indirect_dma semaphore(%arg13 : memref<!tpu.dma_semaphore, #tpu.memory_space<semaphore_mem>>) src(%dma_wait3A_67 : memref<10240x128xf32, #tpu.memory_space<hbm>>) dst(%arg10 : memref<128x128xf32, #tpu.memory_space<vmem>>)
    %run_scoped3A_68 = arith.constant 39 : i32
    "tpu.region"() ({
      %run_scoped3A_70 = tpu.sem_alloc : memref<!tpu.dma_semaphore, #tpu.memory_space<semaphore_mem>>
      %dma_start3A_71 = arith.constant 0 : i32
      %dma_start3A_72 = tpu.memref_slice %arg8[%run_scoped3A_68, %dma_start3A_71] : memref<40x128xi32, #tpu.memory_space<vmem>> -> memref<1x128xi32, #tpu.memory_space<vmem>>
      %dma_start3A_73 = tpu.memref_squeeze %dma_start3A_72 : memref<1x128xi32, #tpu.memory_space<vmem>> -> memref<128xi32, #tpu.memory_space<vmem>>
      %dma_start3A_74 = arith.constant 0 : i32
      %dma_start3A_75 = arith.constant 0 : i32
      %dma_start3A_76 = tpu.memref_slice %arg11[%dma_start3A_74, %dma_start3A_75] : memref<10240x128xf32, #tpu.memory_space<vmem_shared>> -> memref<10240x128xf32, #tpu.memory_space<vmem_shared>>
      tpu.enqueue_indirect_dma source(%arg10 : memref<128x128xf32, #tpu.memory_space<vmem>>) target(%dma_start3A_76 : memref<10240x128xf32, #tpu.memory_space<vmem_shared>>) offsets(%dma_start3A_73 : memref<128xi32, #tpu.memory_space<vmem>>) semaphore(%run_scoped3A_70 : memref<!tpu.dma_semaphore, #tpu.memory_space<semaphore_mem>>) {add = true}
      %dma_wait3A_77 = arith.constant 0 : i32
      %dma_wait3A_78 = tpu.memref_slice %arg8[%run_scoped3A_68, %dma_wait3A_77] : memref<40x128xi32, #tpu.memory_space<vmem>> -> memref<1x128xi32, #tpu.memory_space<vmem>>
      %dma_wait3A_79 = tpu.memref_squeeze %dma_wait3A_78 : memref<1x128xi32, #tpu.memory_space<vmem>> -> memref<128xi32, #tpu.memory_space<vmem>>
      %dma_wait3A_80 = arith.constant 0 : i32
      %dma_wait3A_81 = arith.constant 0 : i32
      %dma_wait3A_82 = tpu.memref_slice %arg11[%dma_wait3A_80, %dma_wait3A_81] : memref<10240x128xf32, #tpu.memory_space<vmem_shared>> -> memref<10240x128xf32, #tpu.memory_space<vmem_shared>>
      tpu.wait_indirect_dma semaphore(%run_scoped3A_70 : memref<!tpu.dma_semaphore, #tpu.memory_space<semaphore_mem>>) src(%arg10 : memref<128x128xf32, #tpu.memory_space<vmem>>) dst(%dma_wait3A_82 : memref<10240x128xf32, #tpu.memory_space<vmem_shared>>)
      tpu.yield
    }) : () -> ()
    %barrier3A_69 = arith.constant 0 : index
    tpu.barrier barrier_id(%barrier3A_69)
    "tpu.region"() ({
      %run_scoped3A_70 = tpu.sem_alloc : memref<!tpu.dma_semaphore, #tpu.memory_space<semaphore_mem>>
      %dma_start3A_71 = arith.constant 0 : i32
      %dma_start3A_72 = tpu.memref_slice %arg6[%arg0, %mul3A_2, %dma_start3A_71] : memref<2x10240x128xf32, #tpu.memory_space<hbm>> -> memref<1x640x128xf32, #tpu.memory_space<hbm>>
      %dma_start3A_73 = tpu.memref_squeeze %dma_start3A_72 : memref<1x640x128xf32, #tpu.memory_space<hbm>> -> memref<640x128xf32, #tpu.memory_space<hbm>>
      %dma_start3A_74 = arith.constant 0 : i32
      %dma_start3A_75 = tpu.memref_slice %arg11[%mul3A_2, %dma_start3A_74] : memref<10240x128xf32, #tpu.memory_space<vmem_shared>> -> memref<640x128xf32, #tpu.memory_space<vmem_shared>>
      tpu.enqueue_dma source(%dma_start3A_75 : memref<640x128xf32, #tpu.memory_space<vmem_shared>>) target(%dma_start3A_73 : memref<640x128xf32, #tpu.memory_space<hbm>>) target_semaphore(%run_scoped3A_70 : memref<!tpu.dma_semaphore, #tpu.memory_space<semaphore_mem>>)
      %dma_wait3A_76 = arith.constant 0 : i32
      %dma_wait3A_77 = tpu.memref_slice %arg6[%arg0, %mul3A_2, %dma_wait3A_76] : memref<2x10240x128xf32, #tpu.memory_space<hbm>> -> memref<1x640x128xf32, #tpu.memory_space<hbm>>
      %dma_wait3A_78 = tpu.memref_squeeze %dma_wait3A_77 : memref<1x640x128xf32, #tpu.memory_space<hbm>> -> memref<640x128xf32, #tpu.memory_space<hbm>>
      %dma_wait3A_79 = arith.constant 0 : i32
      %dma_wait3A_80 = tpu.memref_slice %arg11[%mul3A_2, %dma_wait3A_79] : memref<10240x128xf32, #tpu.memory_space<vmem_shared>> -> memref<640x128xf32, #tpu.memory_space<vmem_shared>>
      tpu.wait_dma2 semaphore(%run_scoped3A_70 : memref<!tpu.dma_semaphore, #tpu.memory_space<semaphore_mem>>) src(%dma_wait3A_80 : memref<640x128xf32, #tpu.memory_space<vmem_shared>>) dst(%dma_wait3A_78 : memref<640x128xf32, #tpu.memory_space<hbm>>)
      tpu.yield
    }) : () -> ()
    return
  }
}

#map = affine_map<(d0, d1) -> (0, 0)>
#map1 = affine_map<(d0, d1) -> (0, 0, 0)>
module attributes {stable_mosaic.version = 14 : i64} {
  func.func @body(%arg0: i32, %arg1: i32, %arg2: memref<10240x32xf32, #tpu.memory_space<hbm>>, %arg3: memref<32x80x128xi32, #tpu.memory_space<hbm>>, %arg4: memref<32x80x128xi32, #tpu.memory_space<hbm>>, %arg5: memref<10240x32xf32, #tpu.memory_space<hbm>>, %arg6: memref<2x10240x32xf32, #tpu.memory_space<hbm>>, %arg7: memref<80x128xi32, #tpu.memory_space<vmem>>, %arg8: memref<80x128xi32, #tpu.memory_space<vmem>>, %arg9: memref<128x32xf32, #tpu.memory_space<vmem>>, %arg10: memref<128x32xf32, #tpu.memory_space<vmem>>, %arg11: memref<10240x32xf32, #tpu.memory_space<vmem_shared>>, %arg12: memref<!tpu.dma_semaphore, #tpu.memory_space<semaphore_mem>>, %arg13: memref<!tpu.dma_semaphore, #tpu.memory_space<semaphore_mem>>) attributes {dimension_semantics = [#tpu.dimension_semantics<core_parallel>, #tpu.dimension_semantics<subcore_parallel>], iteration_bounds = array<i64: 2, 16>, scalar_prefetch = 0 : i64, scratch_operands = 7 : i64, tpu.core_type = #tpu.core_type<sc_vector_subcore>, window_params = [{transform_indices = #map}, {transform_indices = #map1}, {transform_indices = #map1}, {transform_indices = #map}, {transform_indices = #map1}]} {
    %mul3A = arith.constant 16 : i32
    %mul3A_0 = arith.muli %arg0, %mul3A : i32
    %add3A = arith.addi %mul3A_0, %arg1 : i32
    %mul3A_1 = arith.constant 640 : i32
    %mul3A_2 = arith.muli %arg1, %mul3A_1 : i32
    "tpu.region"() ({
      %run_scoped3A_35 = tpu.sem_alloc : memref<!tpu.dma_semaphore, #tpu.memory_space<semaphore_mem>>
      %dma_start3A_36 = arith.constant 0 : i32
      %dma_start3A_37 = tpu.memref_slice %arg11[%mul3A_2, %dma_start3A_36] : memref<10240x32xf32, #tpu.memory_space<vmem_shared>> -> memref<640x32xf32, #tpu.memory_space<vmem_shared>>
      %dma_start3A_38 = arith.constant 0 : i32
      %dma_start3A_39 = tpu.memref_slice %arg5[%mul3A_2, %dma_start3A_38] : memref<10240x32xf32, #tpu.memory_space<hbm>> -> memref<640x32xf32, #tpu.memory_space<hbm>>
      tpu.enqueue_dma source(%dma_start3A_39 : memref<640x32xf32, #tpu.memory_space<hbm>>) target(%dma_start3A_37 : memref<640x32xf32, #tpu.memory_space<vmem_shared>>) target_semaphore(%run_scoped3A_35 : memref<!tpu.dma_semaphore, #tpu.memory_space<semaphore_mem>>)
      %dma_wait3A_40 = arith.constant 0 : i32
      %dma_wait3A_41 = tpu.memref_slice %arg11[%mul3A_2, %dma_wait3A_40] : memref<10240x32xf32, #tpu.memory_space<vmem_shared>> -> memref<640x32xf32, #tpu.memory_space<vmem_shared>>
      %dma_wait3A_42 = arith.constant 0 : i32
      %dma_wait3A_43 = tpu.memref_slice %arg5[%mul3A_2, %dma_wait3A_42] : memref<10240x32xf32, #tpu.memory_space<hbm>> -> memref<640x32xf32, #tpu.memory_space<hbm>>
      tpu.wait_dma2 semaphore(%run_scoped3A_35 : memref<!tpu.dma_semaphore, #tpu.memory_space<semaphore_mem>>) src(%dma_wait3A_43 : memref<640x32xf32, #tpu.memory_space<hbm>>) dst(%dma_wait3A_41 : memref<640x32xf32, #tpu.memory_space<vmem_shared>>)
      tpu.yield
    }) : () -> ()
    "tpu.region"() ({
      %run_scoped3A_35 = tpu.sem_alloc : memref<!tpu.dma_semaphore, #tpu.memory_space<semaphore_mem>>
      %dma_start3A_36 = arith.constant 0 : i32
      %dma_start3A_37 = arith.constant 0 : i32
      %dma_start3A_38 = tpu.memref_slice %arg3[%add3A, %dma_start3A_36, %dma_start3A_37] : memref<32x80x128xi32, #tpu.memory_space<hbm>> -> memref<1x80x128xi32, #tpu.memory_space<hbm>>
      %dma_start3A_39 = tpu.memref_squeeze %dma_start3A_38 : memref<1x80x128xi32, #tpu.memory_space<hbm>> -> memref<80x128xi32, #tpu.memory_space<hbm>>
      %dma_start3A_40 = arith.constant 0 : i32
      %dma_start3A_41 = arith.constant 0 : i32
      %dma_start3A_42 = tpu.memref_slice %arg3[%add3A, %dma_start3A_40, %dma_start3A_41] : memref<32x80x128xi32, #tpu.memory_space<hbm>> -> memref<1x80x128xi32, #tpu.memory_space<hbm>>
      %dma_start3A_43 = tpu.memref_squeeze %dma_start3A_42 : memref<1x80x128xi32, #tpu.memory_space<hbm>> -> memref<80x128xi32, #tpu.memory_space<hbm>>
      tpu.enqueue_dma source(%dma_start3A_43 : memref<80x128xi32, #tpu.memory_space<hbm>>) target(%arg7 : memref<80x128xi32, #tpu.memory_space<vmem>>) target_semaphore(%run_scoped3A_35 : memref<!tpu.dma_semaphore, #tpu.memory_space<semaphore_mem>>)
      %dma_wait3A_44 = arith.constant 0 : i32
      %dma_wait3A_45 = arith.constant 0 : i32
      %dma_wait3A_46 = tpu.memref_slice %arg3[%add3A, %dma_wait3A_44, %dma_wait3A_45] : memref<32x80x128xi32, #tpu.memory_space<hbm>> -> memref<1x80x128xi32, #tpu.memory_space<hbm>>
      %dma_wait3A_47 = tpu.memref_squeeze %dma_wait3A_46 : memref<1x80x128xi32, #tpu.memory_space<hbm>> -> memref<80x128xi32, #tpu.memory_space<hbm>>
      %dma_wait3A_48 = arith.constant 0 : i32
      %dma_wait3A_49 = arith.constant 0 : i32
      %dma_wait3A_50 = tpu.memref_slice %arg3[%add3A, %dma_wait3A_48, %dma_wait3A_49] : memref<32x80x128xi32, #tpu.memory_space<hbm>> -> memref<1x80x128xi32, #tpu.memory_space<hbm>>
      %dma_wait3A_51 = tpu.memref_squeeze %dma_wait3A_50 : memref<1x80x128xi32, #tpu.memory_space<hbm>> -> memref<80x128xi32, #tpu.memory_space<hbm>>
      tpu.wait_dma2 semaphore(%run_scoped3A_35 : memref<!tpu.dma_semaphore, #tpu.memory_space<semaphore_mem>>) src(%dma_wait3A_51 : memref<80x128xi32, #tpu.memory_space<hbm>>) dst(%arg7 : memref<80x128xi32, #tpu.memory_space<vmem>>)
      tpu.yield
    }) : () -> ()
    "tpu.region"() ({
      %run_scoped3A_35 = tpu.sem_alloc : memref<!tpu.dma_semaphore, #tpu.memory_space<semaphore_mem>>
      %dma_start3A_36 = arith.constant 0 : i32
      %dma_start3A_37 = arith.constant 0 : i32
      %dma_start3A_38 = tpu.memref_slice %arg4[%add3A, %dma_start3A_36, %dma_start3A_37] : memref<32x80x128xi32, #tpu.memory_space<hbm>> -> memref<1x80x128xi32, #tpu.memory_space<hbm>>
      %dma_start3A_39 = tpu.memref_squeeze %dma_start3A_38 : memref<1x80x128xi32, #tpu.memory_space<hbm>> -> memref<80x128xi32, #tpu.memory_space<hbm>>
      %dma_start3A_40 = arith.constant 0 : i32
      %dma_start3A_41 = arith.constant 0 : i32
      %dma_start3A_42 = tpu.memref_slice %arg4[%add3A, %dma_start3A_40, %dma_start3A_41] : memref<32x80x128xi32, #tpu.memory_space<hbm>> -> memref<1x80x128xi32, #tpu.memory_space<hbm>>
      %dma_start3A_43 = tpu.memref_squeeze %dma_start3A_42 : memref<1x80x128xi32, #tpu.memory_space<hbm>> -> memref<80x128xi32, #tpu.memory_space<hbm>>
      tpu.enqueue_dma source(%dma_start3A_43 : memref<80x128xi32, #tpu.memory_space<hbm>>) target(%arg8 : memref<80x128xi32, #tpu.memory_space<vmem>>) target_semaphore(%run_scoped3A_35 : memref<!tpu.dma_semaphore, #tpu.memory_space<semaphore_mem>>)
      %dma_wait3A_44 = arith.constant 0 : i32
      %dma_wait3A_45 = arith.constant 0 : i32
      %dma_wait3A_46 = tpu.memref_slice %arg4[%add3A, %dma_wait3A_44, %dma_wait3A_45] : memref<32x80x128xi32, #tpu.memory_space<hbm>> -> memref<1x80x128xi32, #tpu.memory_space<hbm>>
      %dma_wait3A_47 = tpu.memref_squeeze %dma_wait3A_46 : memref<1x80x128xi32, #tpu.memory_space<hbm>> -> memref<80x128xi32, #tpu.memory_space<hbm>>
      %dma_wait3A_48 = arith.constant 0 : i32
      %dma_wait3A_49 = arith.constant 0 : i32
      %dma_wait3A_50 = tpu.memref_slice %arg4[%add3A, %dma_wait3A_48, %dma_wait3A_49] : memref<32x80x128xi32, #tpu.memory_space<hbm>> -> memref<1x80x128xi32, #tpu.memory_space<hbm>>
      %dma_wait3A_51 = tpu.memref_squeeze %dma_wait3A_50 : memref<1x80x128xi32, #tpu.memory_space<hbm>> -> memref<80x128xi32, #tpu.memory_space<hbm>>
      tpu.wait_dma2 semaphore(%run_scoped3A_35 : memref<!tpu.dma_semaphore, #tpu.memory_space<semaphore_mem>>) src(%dma_wait3A_51 : memref<80x128xi32, #tpu.memory_space<hbm>>) dst(%arg8 : memref<80x128xi32, #tpu.memory_space<vmem>>)
      tpu.yield
    }) : () -> ()
    %barrier3A = arith.constant 0 : index
    tpu.barrier barrier_id(%barrier3A)
    %dma_start3A = arith.constant 0 : i32
    %dma_start3A_3 = arith.constant 0 : i32
    %dma_start3A_4 = tpu.memref_slice %arg7[%dma_start3A, %dma_start3A_3] : memref<80x128xi32, #tpu.memory_space<vmem>> -> memref<1x128xi32, #tpu.memory_space<vmem>>
    %dma_start3A_5 = tpu.memref_squeeze %dma_start3A_4 : memref<1x128xi32, #tpu.memory_space<vmem>> -> memref<128xi32, #tpu.memory_space<vmem>>
    %dma_start3A_6 = arith.constant 0 : i32
    %dma_start3A_7 = arith.constant 0 : i32
    %dma_start3A_8 = tpu.memref_slice %arg2[%dma_start3A_6, %dma_start3A_7] : memref<10240x32xf32, #tpu.memory_space<hbm>> -> memref<10240x32xf32, #tpu.memory_space<hbm>>
    tpu.enqueue_indirect_dma source(%dma_start3A_8 : memref<10240x32xf32, #tpu.memory_space<hbm>>) target(%arg9 : memref<128x32xf32, #tpu.memory_space<vmem>>) offsets(%dma_start3A_5 : memref<128xi32, #tpu.memory_space<vmem>>) semaphore(%arg12 : memref<!tpu.dma_semaphore, #tpu.memory_space<semaphore_mem>>)
    %dma_start3A_9 = arith.constant 1 : i32
    %dma_start3A_10 = arith.constant 0 : i32
    %dma_start3A_11 = tpu.memref_slice %arg7[%dma_start3A_9, %dma_start3A_10] : memref<80x128xi32, #tpu.memory_space<vmem>> -> memref<1x128xi32, #tpu.memory_space<vmem>>
    %dma_start3A_12 = tpu.memref_squeeze %dma_start3A_11 : memref<1x128xi32, #tpu.memory_space<vmem>> -> memref<128xi32, #tpu.memory_space<vmem>>
    %dma_start3A_13 = arith.constant 0 : i32
    %dma_start3A_14 = arith.constant 0 : i32
    %dma_start3A_15 = tpu.memref_slice %arg2[%dma_start3A_13, %dma_start3A_14] : memref<10240x32xf32, #tpu.memory_space<hbm>> -> memref<10240x32xf32, #tpu.memory_space<hbm>>
    tpu.enqueue_indirect_dma source(%dma_start3A_15 : memref<10240x32xf32, #tpu.memory_space<hbm>>) target(%arg10 : memref<128x32xf32, #tpu.memory_space<vmem>>) offsets(%dma_start3A_12 : memref<128xi32, #tpu.memory_space<vmem>>) semaphore(%arg13 : memref<!tpu.dma_semaphore, #tpu.memory_space<semaphore_mem>>)
    %scan3A = arith.constant 0 : i32
    %scan3A_16 = arith.constant 39 : i32
    %scan3A_17 = arith.addi %scan3A, %scan3A_16 : i32
    %scan3A_18 = arith.constant 1 : i32
    scf.for %scan3A_35 = %scan3A to %scan3A_17 step %scan3A_18  : i32 {
      %mul3A_36 = arith.constant 2 : i32
      %mul3A_37 = arith.muli %scan3A_35, %mul3A_36 : i32
      %add3A_38 = arith.constant 0 : i32
      %add3A_39 = arith.addi %add3A_38, %mul3A_37 : i32
      %add3A_40 = arith.constant 0 : i32
      %add3A_41 = arith.addi %add3A_39, %add3A_40 : i32
      %dma_wait3A_42 = arith.constant 0 : i32
      %dma_wait3A_43 = tpu.memref_slice %arg7[%add3A_41, %dma_wait3A_42] : memref<80x128xi32, #tpu.memory_space<vmem>> -> memref<1x128xi32, #tpu.memory_space<vmem>>
      %dma_wait3A_44 = tpu.memref_squeeze %dma_wait3A_43 : memref<1x128xi32, #tpu.memory_space<vmem>> -> memref<128xi32, #tpu.memory_space<vmem>>
      %dma_wait3A_45 = arith.constant 0 : i32
      %dma_wait3A_46 = arith.constant 0 : i32
      %dma_wait3A_47 = tpu.memref_slice %arg2[%dma_wait3A_45, %dma_wait3A_46] : memref<10240x32xf32, #tpu.memory_space<hbm>> -> memref<10240x32xf32, #tpu.memory_space<hbm>>
      tpu.wait_indirect_dma semaphore(%arg12 : memref<!tpu.dma_semaphore, #tpu.memory_space<semaphore_mem>>) src(%dma_wait3A_47 : memref<10240x32xf32, #tpu.memory_space<hbm>>) dst(%arg9 : memref<128x32xf32, #tpu.memory_space<vmem>>)
      "tpu.region"() ({
        %run_scoped3A_72 = tpu.sem_alloc : memref<!tpu.dma_semaphore, #tpu.memory_space<semaphore_mem>>
        %dma_start3A_73 = arith.constant 0 : i32
        %dma_start3A_74 = tpu.memref_slice %arg8[%add3A_41, %dma_start3A_73] : memref<80x128xi32, #tpu.memory_space<vmem>> -> memref<1x128xi32, #tpu.memory_space<vmem>>
        %dma_start3A_75 = tpu.memref_squeeze %dma_start3A_74 : memref<1x128xi32, #tpu.memory_space<vmem>> -> memref<128xi32, #tpu.memory_space<vmem>>
        %dma_start3A_76 = arith.constant 0 : i32
        %dma_start3A_77 = arith.constant 0 : i32
        %dma_start3A_78 = tpu.memref_slice %arg11[%dma_start3A_76, %dma_start3A_77] : memref<10240x32xf32, #tpu.memory_space<vmem_shared>> -> memref<10240x32xf32, #tpu.memory_space<vmem_shared>>
        tpu.enqueue_indirect_dma source(%arg9 : memref<128x32xf32, #tpu.memory_space<vmem>>) target(%dma_start3A_78 : memref<10240x32xf32, #tpu.memory_space<vmem_shared>>) offsets(%dma_start3A_75 : memref<128xi32, #tpu.memory_space<vmem>>) semaphore(%run_scoped3A_72 : memref<!tpu.dma_semaphore, #tpu.memory_space<semaphore_mem>>) {add = true}
        %dma_wait3A_79 = arith.constant 0 : i32
        %dma_wait3A_80 = tpu.memref_slice %arg8[%add3A_41, %dma_wait3A_79] : memref<80x128xi32, #tpu.memory_space<vmem>> -> memref<1x128xi32, #tpu.memory_space<vmem>>
        %dma_wait3A_81 = tpu.memref_squeeze %dma_wait3A_80 : memref<1x128xi32, #tpu.memory_space<vmem>> -> memref<128xi32, #tpu.memory_space<vmem>>
        %dma_wait3A_82 = arith.constant 0 : i32
        %dma_wait3A_83 = arith.constant 0 : i32
        %dma_wait3A_84 = tpu.memref_slice %arg11[%dma_wait3A_82, %dma_wait3A_83] : memref<10240x32xf32, #tpu.memory_space<vmem_shared>> -> memref<10240x32xf32, #tpu.memory_space<vmem_shared>>
        tpu.wait_indirect_dma semaphore(%run_scoped3A_72 : memref<!tpu.dma_semaphore, #tpu.memory_space<semaphore_mem>>) src(%arg9 : memref<128x32xf32, #tpu.memory_space<vmem>>) dst(%dma_wait3A_84 : memref<10240x32xf32, #tpu.memory_space<vmem_shared>>)
        tpu.yield
      }) : () -> ()
      %add3A_48 = arith.constant 2 : i32
      %add3A_49 = arith.addi %add3A_41, %add3A_48 : i32
      %dma_start3A_50 = arith.constant 0 : i32
      %dma_start3A_51 = tpu.memref_slice %arg7[%add3A_49, %dma_start3A_50] : memref<80x128xi32, #tpu.memory_space<vmem>> -> memref<1x128xi32, #tpu.memory_space<vmem>>
      %dma_start3A_52 = tpu.memref_squeeze %dma_start3A_51 : memref<1x128xi32, #tpu.memory_space<vmem>> -> memref<128xi32, #tpu.memory_space<vmem>>
      %dma_start3A_53 = arith.constant 0 : i32
      %dma_start3A_54 = arith.constant 0 : i32
      %dma_start3A_55 = tpu.memref_slice %arg2[%dma_start3A_53, %dma_start3A_54] : memref<10240x32xf32, #tpu.memory_space<hbm>> -> memref<10240x32xf32, #tpu.memory_space<hbm>>
      tpu.enqueue_indirect_dma source(%dma_start3A_55 : memref<10240x32xf32, #tpu.memory_space<hbm>>) target(%arg9 : memref<128x32xf32, #tpu.memory_space<vmem>>) offsets(%dma_start3A_52 : memref<128xi32, #tpu.memory_space<vmem>>) semaphore(%arg12 : memref<!tpu.dma_semaphore, #tpu.memory_space<semaphore_mem>>)
      %add3A_56 = arith.constant 1 : i32
      %add3A_57 = arith.addi %add3A_39, %add3A_56 : i32
      %dma_wait3A_58 = arith.constant 0 : i32
      %dma_wait3A_59 = tpu.memref_slice %arg7[%add3A_57, %dma_wait3A_58] : memref<80x128xi32, #tpu.memory_space<vmem>> -> memref<1x128xi32, #tpu.memory_space<vmem>>
      %dma_wait3A_60 = tpu.memref_squeeze %dma_wait3A_59 : memref<1x128xi32, #tpu.memory_space<vmem>> -> memref<128xi32, #tpu.memory_space<vmem>>
      %dma_wait3A_61 = arith.constant 0 : i32
      %dma_wait3A_62 = arith.constant 0 : i32
      %dma_wait3A_63 = tpu.memref_slice %arg2[%dma_wait3A_61, %dma_wait3A_62] : memref<10240x32xf32, #tpu.memory_space<hbm>> -> memref<10240x32xf32, #tpu.memory_space<hbm>>
      tpu.wait_indirect_dma semaphore(%arg13 : memref<!tpu.dma_semaphore, #tpu.memory_space<semaphore_mem>>) src(%dma_wait3A_63 : memref<10240x32xf32, #tpu.memory_space<hbm>>) dst(%arg10 : memref<128x32xf32, #tpu.memory_space<vmem>>)
      "tpu.region"() ({
        %run_scoped3A_72 = tpu.sem_alloc : memref<!tpu.dma_semaphore, #tpu.memory_space<semaphore_mem>>
        %dma_start3A_73 = arith.constant 0 : i32
        %dma_start3A_74 = tpu.memref_slice %arg8[%add3A_57, %dma_start3A_73] : memref<80x128xi32, #tpu.memory_space<vmem>> -> memref<1x128xi32, #tpu.memory_space<vmem>>
        %dma_start3A_75 = tpu.memref_squeeze %dma_start3A_74 : memref<1x128xi32, #tpu.memory_space<vmem>> -> memref<128xi32, #tpu.memory_space<vmem>>
        %dma_start3A_76 = arith.constant 0 : i32
        %dma_start3A_77 = arith.constant 0 : i32
        %dma_start3A_78 = tpu.memref_slice %arg11[%dma_start3A_76, %dma_start3A_77] : memref<10240x32xf32, #tpu.memory_space<vmem_shared>> -> memref<10240x32xf32, #tpu.memory_space<vmem_shared>>
        tpu.enqueue_indirect_dma source(%arg10 : memref<128x32xf32, #tpu.memory_space<vmem>>) target(%dma_start3A_78 : memref<10240x32xf32, #tpu.memory_space<vmem_shared>>) offsets(%dma_start3A_75 : memref<128xi32, #tpu.memory_space<vmem>>) semaphore(%run_scoped3A_72 : memref<!tpu.dma_semaphore, #tpu.memory_space<semaphore_mem>>) {add = true}
        %dma_wait3A_79 = arith.constant 0 : i32
        %dma_wait3A_80 = tpu.memref_slice %arg8[%add3A_57, %dma_wait3A_79] : memref<80x128xi32, #tpu.memory_space<vmem>> -> memref<1x128xi32, #tpu.memory_space<vmem>>
        %dma_wait3A_81 = tpu.memref_squeeze %dma_wait3A_80 : memref<1x128xi32, #tpu.memory_space<vmem>> -> memref<128xi32, #tpu.memory_space<vmem>>
        %dma_wait3A_82 = arith.constant 0 : i32
        %dma_wait3A_83 = arith.constant 0 : i32
        %dma_wait3A_84 = tpu.memref_slice %arg11[%dma_wait3A_82, %dma_wait3A_83] : memref<10240x32xf32, #tpu.memory_space<vmem_shared>> -> memref<10240x32xf32, #tpu.memory_space<vmem_shared>>
        tpu.wait_indirect_dma semaphore(%run_scoped3A_72 : memref<!tpu.dma_semaphore, #tpu.memory_space<semaphore_mem>>) src(%arg10 : memref<128x32xf32, #tpu.memory_space<vmem>>) dst(%dma_wait3A_84 : memref<10240x32xf32, #tpu.memory_space<vmem_shared>>)
        tpu.yield
      }) : () -> ()
      %add3A_64 = arith.constant 2 : i32
      %add3A_65 = arith.addi %add3A_57, %add3A_64 : i32
      %dma_start3A_66 = arith.constant 0 : i32
      %dma_start3A_67 = tpu.memref_slice %arg7[%add3A_65, %dma_start3A_66] : memref<80x128xi32, #tpu.memory_space<vmem>> -> memref<1x128xi32, #tpu.memory_space<vmem>>
      %dma_start3A_68 = tpu.memref_squeeze %dma_start3A_67 : memref<1x128xi32, #tpu.memory_space<vmem>> -> memref<128xi32, #tpu.memory_space<vmem>>
      %dma_start3A_69 = arith.constant 0 : i32
      %dma_start3A_70 = arith.constant 0 : i32
      %dma_start3A_71 = tpu.memref_slice %arg2[%dma_start3A_69, %dma_start3A_70] : memref<10240x32xf32, #tpu.memory_space<hbm>> -> memref<10240x32xf32, #tpu.memory_space<hbm>>
      tpu.enqueue_indirect_dma source(%dma_start3A_71 : memref<10240x32xf32, #tpu.memory_space<hbm>>) target(%arg10 : memref<128x32xf32, #tpu.memory_space<vmem>>) offsets(%dma_start3A_68 : memref<128xi32, #tpu.memory_space<vmem>>) semaphore(%arg13 : memref<!tpu.dma_semaphore, #tpu.memory_space<semaphore_mem>>)
    }
    %scan3A_19 = arith.constant 39 : i32
    %dma_wait3A = arith.constant 78 : i32
    %dma_wait3A_20 = arith.constant 0 : i32
    %dma_wait3A_21 = tpu.memref_slice %arg7[%dma_wait3A, %dma_wait3A_20] : memref<80x128xi32, #tpu.memory_space<vmem>> -> memref<1x128xi32, #tpu.memory_space<vmem>>
    %dma_wait3A_22 = tpu.memref_squeeze %dma_wait3A_21 : memref<1x128xi32, #tpu.memory_space<vmem>> -> memref<128xi32, #tpu.memory_space<vmem>>
    %dma_wait3A_23 = arith.constant 0 : i32
    %dma_wait3A_24 = arith.constant 0 : i32
    %dma_wait3A_25 = tpu.memref_slice %arg2[%dma_wait3A_23, %dma_wait3A_24] : memref<10240x32xf32, #tpu.memory_space<hbm>> -> memref<10240x32xf32, #tpu.memory_space<hbm>>
    tpu.wait_indirect_dma semaphore(%arg12 : memref<!tpu.dma_semaphore, #tpu.memory_space<semaphore_mem>>) src(%dma_wait3A_25 : memref<10240x32xf32, #tpu.memory_space<hbm>>) dst(%arg9 : memref<128x32xf32, #tpu.memory_space<vmem>>)
    %run_scoped3A = arith.constant 78 : i32
    "tpu.region"() ({
      %run_scoped3A_35 = tpu.sem_alloc : memref<!tpu.dma_semaphore, #tpu.memory_space<semaphore_mem>>
      %dma_start3A_36 = arith.constant 0 : i32
      %dma_start3A_37 = tpu.memref_slice %arg8[%run_scoped3A, %dma_start3A_36] : memref<80x128xi32, #tpu.memory_space<vmem>> -> memref<1x128xi32, #tpu.memory_space<vmem>>
      %dma_start3A_38 = tpu.memref_squeeze %dma_start3A_37 : memref<1x128xi32, #tpu.memory_space<vmem>> -> memref<128xi32, #tpu.memory_space<vmem>>
      %dma_start3A_39 = arith.constant 0 : i32
      %dma_start3A_40 = arith.constant 0 : i32
      %dma_start3A_41 = tpu.memref_slice %arg11[%dma_start3A_39, %dma_start3A_40] : memref<10240x32xf32, #tpu.memory_space<vmem_shared>> -> memref<10240x32xf32, #tpu.memory_space<vmem_shared>>
      tpu.enqueue_indirect_dma source(%arg9 : memref<128x32xf32, #tpu.memory_space<vmem>>) target(%dma_start3A_41 : memref<10240x32xf32, #tpu.memory_space<vmem_shared>>) offsets(%dma_start3A_38 : memref<128xi32, #tpu.memory_space<vmem>>) semaphore(%run_scoped3A_35 : memref<!tpu.dma_semaphore, #tpu.memory_space<semaphore_mem>>) {add = true}
      %dma_wait3A_42 = arith.constant 0 : i32
      %dma_wait3A_43 = tpu.memref_slice %arg8[%run_scoped3A, %dma_wait3A_42] : memref<80x128xi32, #tpu.memory_space<vmem>> -> memref<1x128xi32, #tpu.memory_space<vmem>>
      %dma_wait3A_44 = tpu.memref_squeeze %dma_wait3A_43 : memref<1x128xi32, #tpu.memory_space<vmem>> -> memref<128xi32, #tpu.memory_space<vmem>>
      %dma_wait3A_45 = arith.constant 0 : i32
      %dma_wait3A_46 = arith.constant 0 : i32
      %dma_wait3A_47 = tpu.memref_slice %arg11[%dma_wait3A_45, %dma_wait3A_46] : memref<10240x32xf32, #tpu.memory_space<vmem_shared>> -> memref<10240x32xf32, #tpu.memory_space<vmem_shared>>
      tpu.wait_indirect_dma semaphore(%run_scoped3A_35 : memref<!tpu.dma_semaphore, #tpu.memory_space<semaphore_mem>>) src(%arg9 : memref<128x32xf32, #tpu.memory_space<vmem>>) dst(%dma_wait3A_47 : memref<10240x32xf32, #tpu.memory_space<vmem_shared>>)
      tpu.yield
    }) : () -> ()
    %dma_wait3A_26 = arith.constant 79 : i32
    %dma_wait3A_27 = arith.constant 0 : i32
    %dma_wait3A_28 = tpu.memref_slice %arg7[%dma_wait3A_26, %dma_wait3A_27] : memref<80x128xi32, #tpu.memory_space<vmem>> -> memref<1x128xi32, #tpu.memory_space<vmem>>
    %dma_wait3A_29 = tpu.memref_squeeze %dma_wait3A_28 : memref<1x128xi32, #tpu.memory_space<vmem>> -> memref<128xi32, #tpu.memory_space<vmem>>
    %dma_wait3A_30 = arith.constant 0 : i32
    %dma_wait3A_31 = arith.constant 0 : i32
    %dma_wait3A_32 = tpu.memref_slice %arg2[%dma_wait3A_30, %dma_wait3A_31] : memref<10240x32xf32, #tpu.memory_space<hbm>> -> memref<10240x32xf32, #tpu.memory_space<hbm>>
    tpu.wait_indirect_dma semaphore(%arg13 : memref<!tpu.dma_semaphore, #tpu.memory_space<semaphore_mem>>) src(%dma_wait3A_32 : memref<10240x32xf32, #tpu.memory_space<hbm>>) dst(%arg10 : memref<128x32xf32, #tpu.memory_space<vmem>>)
    %run_scoped3A_33 = arith.constant 79 : i32
    "tpu.region"() ({
      %run_scoped3A_35 = tpu.sem_alloc : memref<!tpu.dma_semaphore, #tpu.memory_space<semaphore_mem>>
      %dma_start3A_36 = arith.constant 0 : i32
      %dma_start3A_37 = tpu.memref_slice %arg8[%run_scoped3A_33, %dma_start3A_36] : memref<80x128xi32, #tpu.memory_space<vmem>> -> memref<1x128xi32, #tpu.memory_space<vmem>>
      %dma_start3A_38 = tpu.memref_squeeze %dma_start3A_37 : memref<1x128xi32, #tpu.memory_space<vmem>> -> memref<128xi32, #tpu.memory_space<vmem>>
      %dma_start3A_39 = arith.constant 0 : i32
      %dma_start3A_40 = arith.constant 0 : i32
      %dma_start3A_41 = tpu.memref_slice %arg11[%dma_start3A_39, %dma_start3A_40] : memref<10240x32xf32, #tpu.memory_space<vmem_shared>> -> memref<10240x32xf32, #tpu.memory_space<vmem_shared>>
      tpu.enqueue_indirect_dma source(%arg10 : memref<128x32xf32, #tpu.memory_space<vmem>>) target(%dma_start3A_41 : memref<10240x32xf32, #tpu.memory_space<vmem_shared>>) offsets(%dma_start3A_38 : memref<128xi32, #tpu.memory_space<vmem>>) semaphore(%run_scoped3A_35 : memref<!tpu.dma_semaphore, #tpu.memory_space<semaphore_mem>>) {add = true}
      %dma_wait3A_42 = arith.constant 0 : i32
      %dma_wait3A_43 = tpu.memref_slice %arg8[%run_scoped3A_33, %dma_wait3A_42] : memref<80x128xi32, #tpu.memory_space<vmem>> -> memref<1x128xi32, #tpu.memory_space<vmem>>
      %dma_wait3A_44 = tpu.memref_squeeze %dma_wait3A_43 : memref<1x128xi32, #tpu.memory_space<vmem>> -> memref<128xi32, #tpu.memory_space<vmem>>
      %dma_wait3A_45 = arith.constant 0 : i32
      %dma_wait3A_46 = arith.constant 0 : i32
      %dma_wait3A_47 = tpu.memref_slice %arg11[%dma_wait3A_45, %dma_wait3A_46] : memref<10240x32xf32, #tpu.memory_space<vmem_shared>> -> memref<10240x32xf32, #tpu.memory_space<vmem_shared>>
      tpu.wait_indirect_dma semaphore(%run_scoped3A_35 : memref<!tpu.dma_semaphore, #tpu.memory_space<semaphore_mem>>) src(%arg10 : memref<128x32xf32, #tpu.memory_space<vmem>>) dst(%dma_wait3A_47 : memref<10240x32xf32, #tpu.memory_space<vmem_shared>>)
      tpu.yield
    }) : () -> ()
    %barrier3A_34 = arith.constant 0 : index
    tpu.barrier barrier_id(%barrier3A_34)
    "tpu.region"() ({
      %run_scoped3A_35 = tpu.sem_alloc : memref<!tpu.dma_semaphore, #tpu.memory_space<semaphore_mem>>
      %dma_start3A_36 = arith.constant 0 : i32
      %dma_start3A_37 = tpu.memref_slice %arg6[%arg0, %mul3A_2, %dma_start3A_36] : memref<2x10240x32xf32, #tpu.memory_space<hbm>> -> memref<1x640x32xf32, #tpu.memory_space<hbm>>
      %dma_start3A_38 = tpu.memref_squeeze %dma_start3A_37 : memref<1x640x32xf32, #tpu.memory_space<hbm>> -> memref<640x32xf32, #tpu.memory_space<hbm>>
      %dma_start3A_39 = arith.constant 0 : i32
      %dma_start3A_40 = tpu.memref_slice %arg11[%mul3A_2, %dma_start3A_39] : memref<10240x32xf32, #tpu.memory_space<vmem_shared>> -> memref<640x32xf32, #tpu.memory_space<vmem_shared>>
      tpu.enqueue_dma source(%dma_start3A_40 : memref<640x32xf32, #tpu.memory_space<vmem_shared>>) target(%dma_start3A_38 : memref<640x32xf32, #tpu.memory_space<hbm>>) target_semaphore(%run_scoped3A_35 : memref<!tpu.dma_semaphore, #tpu.memory_space<semaphore_mem>>)
      %dma_wait3A_41 = arith.constant 0 : i32
      %dma_wait3A_42 = tpu.memref_slice %arg6[%arg0, %mul3A_2, %dma_wait3A_41] : memref<2x10240x32xf32, #tpu.memory_space<hbm>> -> memref<1x640x32xf32, #tpu.memory_space<hbm>>
      %dma_wait3A_43 = tpu.memref_squeeze %dma_wait3A_42 : memref<1x640x32xf32, #tpu.memory_space<hbm>> -> memref<640x32xf32, #tpu.memory_space<hbm>>
      %dma_wait3A_44 = arith.constant 0 : i32
      %dma_wait3A_45 = tpu.memref_slice %arg11[%mul3A_2, %dma_wait3A_44] : memref<10240x32xf32, #tpu.memory_space<vmem_shared>> -> memref<640x32xf32, #tpu.memory_space<vmem_shared>>
      tpu.wait_dma2 semaphore(%run_scoped3A_35 : memref<!tpu.dma_semaphore, #tpu.memory_space<semaphore_mem>>) src(%dma_wait3A_45 : memref<640x32xf32, #tpu.memory_space<vmem_shared>>) dst(%dma_wait3A_43 : memref<640x32xf32, #tpu.memory_space<hbm>>)
      tpu.yield
    }) : () -> ()
    return
  }
}

#map = affine_map<(d0, d1) -> (0, 0)>
#map1 = affine_map<(d0, d1) -> (0, 0, 0)>
module attributes {stable_mosaic.version = 14 : i64} {
  func.func @body(%arg0: i32, %arg1: i32, %arg2: memref<10240x128xf32, #tpu.memory_space<hbm>>, %arg3: memref<32x80x128xi32, #tpu.memory_space<hbm>>, %arg4: memref<32x80x128xi32, #tpu.memory_space<hbm>>, %arg5: memref<10240x128xf32, #tpu.memory_space<hbm>>, %arg6: memref<2x10240x128xf32, #tpu.memory_space<hbm>>, %arg7: memref<40x128xi32, #tpu.memory_space<vmem>>, %arg8: memref<40x128xi32, #tpu.memory_space<vmem>>, %arg9: memref<128x128xf32, #tpu.memory_space<vmem>>, %arg10: memref<128x128xf32, #tpu.memory_space<vmem>>, %arg11: memref<10240x128xf32, #tpu.memory_space<vmem_shared>>, %arg12: memref<!tpu.dma_semaphore, #tpu.memory_space<semaphore_mem>>, %arg13: memref<!tpu.dma_semaphore, #tpu.memory_space<semaphore_mem>>) attributes {dimension_semantics = [#tpu.dimension_semantics<core_parallel>, #tpu.dimension_semantics<subcore_parallel>], iteration_bounds = array<i64: 2, 16>, scalar_prefetch = 0 : i64, scratch_operands = 7 : i64, tpu.core_type = #tpu.core_type<sc_vector_subcore>, window_params = [{transform_indices = #map}, {transform_indices = #map1}, {transform_indices = #map1}, {transform_indices = #map}, {transform_indices = #map1}]} {
    %mul3A = arith.constant 16 : i32
    %mul3A_0 = arith.muli %arg0, %mul3A : i32
    %add3A = arith.addi %mul3A_0, %arg1 : i32
    %mul3A_1 = arith.constant 640 : i32
    %mul3A_2 = arith.muli %arg1, %mul3A_1 : i32
    "tpu.region"() ({
      %run_scoped3A_70 = tpu.sem_alloc : memref<!tpu.dma_semaphore, #tpu.memory_space<semaphore_mem>>
      %dma_start3A_71 = arith.constant 0 : i32
      %dma_start3A_72 = tpu.memref_slice %arg11[%mul3A_2, %dma_start3A_71] : memref<10240x128xf32, #tpu.memory_space<vmem_shared>> -> memref<640x128xf32, #tpu.memory_space<vmem_shared>>
      %dma_start3A_73 = arith.constant 0 : i32
      %dma_start3A_74 = tpu.memref_slice %arg5[%mul3A_2, %dma_start3A_73] : memref<10240x128xf32, #tpu.memory_space<hbm>> -> memref<640x128xf32, #tpu.memory_space<hbm>>
      tpu.enqueue_dma source(%dma_start3A_74 : memref<640x128xf32, #tpu.memory_space<hbm>>) target(%dma_start3A_72 : memref<640x128xf32, #tpu.memory_space<vmem_shared>>) target_semaphore(%run_scoped3A_70 : memref<!tpu.dma_semaphore, #tpu.memory_space<semaphore_mem>>)
      %dma_wait3A_75 = arith.constant 0 : i32
      %dma_wait3A_76 = tpu.memref_slice %arg11[%mul3A_2, %dma_wait3A_75] : memref<10240x128xf32, #tpu.memory_space<vmem_shared>> -> memref<640x128xf32, #tpu.memory_space<vmem_shared>>
      %dma_wait3A_77 = arith.constant 0 : i32
      %dma_wait3A_78 = tpu.memref_slice %arg5[%mul3A_2, %dma_wait3A_77] : memref<10240x128xf32, #tpu.memory_space<hbm>> -> memref<640x128xf32, #tpu.memory_space<hbm>>
      tpu.wait_dma2 semaphore(%run_scoped3A_70 : memref<!tpu.dma_semaphore, #tpu.memory_space<semaphore_mem>>) src(%dma_wait3A_78 : memref<640x128xf32, #tpu.memory_space<hbm>>) dst(%dma_wait3A_76 : memref<640x128xf32, #tpu.memory_space<vmem_shared>>)
      tpu.yield
    }) : () -> ()
    "tpu.region"() ({
      %run_scoped3A_70 = tpu.sem_alloc : memref<!tpu.dma_semaphore, #tpu.memory_space<semaphore_mem>>
      %dma_start3A_71 = arith.constant 0 : i32
      %dma_start3A_72 = arith.constant 0 : i32
      %dma_start3A_73 = tpu.memref_slice %arg3[%add3A, %dma_start3A_71, %dma_start3A_72] : memref<32x80x128xi32, #tpu.memory_space<hbm>> -> memref<1x40x128xi32, #tpu.memory_space<hbm>>
      %dma_start3A_74 = tpu.memref_squeeze %dma_start3A_73 : memref<1x40x128xi32, #tpu.memory_space<hbm>> -> memref<40x128xi32, #tpu.memory_space<hbm>>
      %dma_start3A_75 = arith.constant 0 : i32
      %dma_start3A_76 = arith.constant 0 : i32
      %dma_start3A_77 = tpu.memref_slice %arg3[%add3A, %dma_start3A_75, %dma_start3A_76] : memref<32x80x128xi32, #tpu.memory_space<hbm>> -> memref<1x40x128xi32, #tpu.memory_space<hbm>>
      %dma_start3A_78 = tpu.memref_squeeze %dma_start3A_77 : memref<1x40x128xi32, #tpu.memory_space<hbm>> -> memref<40x128xi32, #tpu.memory_space<hbm>>
      tpu.enqueue_dma source(%dma_start3A_78 : memref<40x128xi32, #tpu.memory_space<hbm>>) target(%arg7 : memref<40x128xi32, #tpu.memory_space<vmem>>) target_semaphore(%run_scoped3A_70 : memref<!tpu.dma_semaphore, #tpu.memory_space<semaphore_mem>>)
      %dma_wait3A_79 = arith.constant 0 : i32
      %dma_wait3A_80 = arith.constant 0 : i32
      %dma_wait3A_81 = tpu.memref_slice %arg3[%add3A, %dma_wait3A_79, %dma_wait3A_80] : memref<32x80x128xi32, #tpu.memory_space<hbm>> -> memref<1x40x128xi32, #tpu.memory_space<hbm>>
      %dma_wait3A_82 = tpu.memref_squeeze %dma_wait3A_81 : memref<1x40x128xi32, #tpu.memory_space<hbm>> -> memref<40x128xi32, #tpu.memory_space<hbm>>
      %dma_wait3A_83 = arith.constant 0 : i32
      %dma_wait3A_84 = arith.constant 0 : i32
      %dma_wait3A_85 = tpu.memref_slice %arg3[%add3A, %dma_wait3A_83, %dma_wait3A_84] : memref<32x80x128xi32, #tpu.memory_space<hbm>> -> memref<1x40x128xi32, #tpu.memory_space<hbm>>
      %dma_wait3A_86 = tpu.memref_squeeze %dma_wait3A_85 : memref<1x40x128xi32, #tpu.memory_space<hbm>> -> memref<40x128xi32, #tpu.memory_space<hbm>>
      tpu.wait_dma2 semaphore(%run_scoped3A_70 : memref<!tpu.dma_semaphore, #tpu.memory_space<semaphore_mem>>) src(%dma_wait3A_86 : memref<40x128xi32, #tpu.memory_space<hbm>>) dst(%arg7 : memref<40x128xi32, #tpu.memory_space<vmem>>)
      tpu.yield
    }) : () -> ()
    "tpu.region"() ({
      %run_scoped3A_70 = tpu.sem_alloc : memref<!tpu.dma_semaphore, #tpu.memory_space<semaphore_mem>>
      %dma_start3A_71 = arith.constant 0 : i32
      %dma_start3A_72 = arith.constant 0 : i32
      %dma_start3A_73 = tpu.memref_slice %arg4[%add3A, %dma_start3A_71, %dma_start3A_72] : memref<32x80x128xi32, #tpu.memory_space<hbm>> -> memref<1x40x128xi32, #tpu.memory_space<hbm>>
      %dma_start3A_74 = tpu.memref_squeeze %dma_start3A_73 : memref<1x40x128xi32, #tpu.memory_space<hbm>> -> memref<40x128xi32, #tpu.memory_space<hbm>>
      %dma_start3A_75 = arith.constant 0 : i32
      %dma_start3A_76 = arith.constant 0 : i32
      %dma_start3A_77 = tpu.memref_slice %arg4[%add3A, %dma_start3A_75, %dma_start3A_76] : memref<32x80x128xi32, #tpu.memory_space<hbm>> -> memref<1x40x128xi32, #tpu.memory_space<hbm>>
      %dma_start3A_78 = tpu.memref_squeeze %dma_start3A_77 : memref<1x40x128xi32, #tpu.memory_space<hbm>> -> memref<40x128xi32, #tpu.memory_space<hbm>>
      tpu.enqueue_dma source(%dma_start3A_78 : memref<40x128xi32, #tpu.memory_space<hbm>>) target(%arg8 : memref<40x128xi32, #tpu.memory_space<vmem>>) target_semaphore(%run_scoped3A_70 : memref<!tpu.dma_semaphore, #tpu.memory_space<semaphore_mem>>)
      %dma_wait3A_79 = arith.constant 0 : i32
      %dma_wait3A_80 = arith.constant 0 : i32
      %dma_wait3A_81 = tpu.memref_slice %arg4[%add3A, %dma_wait3A_79, %dma_wait3A_80] : memref<32x80x128xi32, #tpu.memory_space<hbm>> -> memref<1x40x128xi32, #tpu.memory_space<hbm>>
      %dma_wait3A_82 = tpu.memref_squeeze %dma_wait3A_81 : memref<1x40x128xi32, #tpu.memory_space<hbm>> -> memref<40x128xi32, #tpu.memory_space<hbm>>
      %dma_wait3A_83 = arith.constant 0 : i32
      %dma_wait3A_84 = arith.constant 0 : i32
      %dma_wait3A_85 = tpu.memref_slice %arg4[%add3A, %dma_wait3A_83, %dma_wait3A_84] : memref<32x80x128xi32, #tpu.memory_space<hbm>> -> memref<1x40x128xi32, #tpu.memory_space<hbm>>
      %dma_wait3A_86 = tpu.memref_squeeze %dma_wait3A_85 : memref<1x40x128xi32, #tpu.memory_space<hbm>> -> memref<40x128xi32, #tpu.memory_space<hbm>>
      tpu.wait_dma2 semaphore(%run_scoped3A_70 : memref<!tpu.dma_semaphore, #tpu.memory_space<semaphore_mem>>) src(%dma_wait3A_86 : memref<40x128xi32, #tpu.memory_space<hbm>>) dst(%arg8 : memref<40x128xi32, #tpu.memory_space<vmem>>)
      tpu.yield
    }) : () -> ()
    %barrier3A = arith.constant 0 : index
    tpu.barrier barrier_id(%barrier3A)
    %dma_start3A = arith.constant 0 : i32
    %dma_start3A_3 = arith.constant 0 : i32
    %dma_start3A_4 = tpu.memref_slice %arg7[%dma_start3A, %dma_start3A_3] : memref<40x128xi32, #tpu.memory_space<vmem>> -> memref<1x128xi32, #tpu.memory_space<vmem>>
    %dma_start3A_5 = tpu.memref_squeeze %dma_start3A_4 : memref<1x128xi32, #tpu.memory_space<vmem>> -> memref<128xi32, #tpu.memory_space<vmem>>
    %dma_start3A_6 = arith.constant 0 : i32
    %dma_start3A_7 = arith.constant 0 : i32
    %dma_start3A_8 = tpu.memref_slice %arg2[%dma_start3A_6, %dma_start3A_7] : memref<10240x128xf32, #tpu.memory_space<hbm>> -> memref<10240x128xf32, #tpu.memory_space<hbm>>
    tpu.enqueue_indirect_dma source(%dma_start3A_8 : memref<10240x128xf32, #tpu.memory_space<hbm>>) target(%arg9 : memref<128x128xf32, #tpu.memory_space<vmem>>) offsets(%dma_start3A_5 : memref<128xi32, #tpu.memory_space<vmem>>) semaphore(%arg12 : memref<!tpu.dma_semaphore, #tpu.memory_space<semaphore_mem>>)
    %dma_start3A_9 = arith.constant 1 : i32
    %dma_start3A_10 = arith.constant 0 : i32
    %dma_start3A_11 = tpu.memref_slice %arg7[%dma_start3A_9, %dma_start3A_10] : memref<40x128xi32, #tpu.memory_space<vmem>> -> memref<1x128xi32, #tpu.memory_space<vmem>>
    %dma_start3A_12 = tpu.memref_squeeze %dma_start3A_11 : memref<1x128xi32, #tpu.memory_space<vmem>> -> memref<128xi32, #tpu.memory_space<vmem>>
    %dma_start3A_13 = arith.constant 0 : i32
    %dma_start3A_14 = arith.constant 0 : i32
    %dma_start3A_15 = tpu.memref_slice %arg2[%dma_start3A_13, %dma_start3A_14] : memref<10240x128xf32, #tpu.memory_space<hbm>> -> memref<10240x128xf32, #tpu.memory_space<hbm>>
    tpu.enqueue_indirect_dma source(%dma_start3A_15 : memref<10240x128xf32, #tpu.memory_space<hbm>>) target(%arg10 : memref<128x128xf32, #tpu.memory_space<vmem>>) offsets(%dma_start3A_12 : memref<128xi32, #tpu.memory_space<vmem>>) semaphore(%arg13 : memref<!tpu.dma_semaphore, #tpu.memory_space<semaphore_mem>>)
    %scan3A = arith.constant 0 : i32
    %scan3A_16 = arith.constant 19 : i32
    %scan3A_17 = arith.addi %scan3A, %scan3A_16 : i32
    %scan3A_18 = arith.constant 1 : i32
    scf.for %scan3A_70 = %scan3A to %scan3A_17 step %scan3A_18  : i32 {
      %mul3A_71 = arith.constant 2 : i32
      %mul3A_72 = arith.muli %scan3A_70, %mul3A_71 : i32
      %add3A_73 = arith.constant 0 : i32
      %add3A_74 = arith.addi %add3A_73, %mul3A_72 : i32
      %add3A_75 = arith.constant 0 : i32
      %add3A_76 = arith.addi %add3A_74, %add3A_75 : i32
      %dma_wait3A_77 = arith.constant 0 : i32
      %dma_wait3A_78 = tpu.memref_slice %arg7[%add3A_76, %dma_wait3A_77] : memref<40x128xi32, #tpu.memory_space<vmem>> -> memref<1x128xi32, #tpu.memory_space<vmem>>
      %dma_wait3A_79 = tpu.memref_squeeze %dma_wait3A_78 : memref<1x128xi32, #tpu.memory_space<vmem>> -> memref<128xi32, #tpu.memory_space<vmem>>
      %dma_wait3A_80 = arith.constant 0 : i32
      %dma_wait3A_81 = arith.constant 0 : i32
      %dma_wait3A_82 = tpu.memref_slice %arg2[%dma_wait3A_80, %dma_wait3A_81] : memref<10240x128xf32, #tpu.memory_space<hbm>> -> memref<10240x128xf32, #tpu.memory_space<hbm>>
      tpu.wait_indirect_dma semaphore(%arg12 : memref<!tpu.dma_semaphore, #tpu.memory_space<semaphore_mem>>) src(%dma_wait3A_82 : memref<10240x128xf32, #tpu.memory_space<hbm>>) dst(%arg9 : memref<128x128xf32, #tpu.memory_space<vmem>>)
      "tpu.region"() ({
        %run_scoped3A_107 = tpu.sem_alloc : memref<!tpu.dma_semaphore, #tpu.memory_space<semaphore_mem>>
        %dma_start3A_108 = arith.constant 0 : i32
        %dma_start3A_109 = tpu.memref_slice %arg8[%add3A_76, %dma_start3A_108] : memref<40x128xi32, #tpu.memory_space<vmem>> -> memref<1x128xi32, #tpu.memory_space<vmem>>
        %dma_start3A_110 = tpu.memref_squeeze %dma_start3A_109 : memref<1x128xi32, #tpu.memory_space<vmem>> -> memref<128xi32, #tpu.memory_space<vmem>>
        %dma_start3A_111 = arith.constant 0 : i32
        %dma_start3A_112 = arith.constant 0 : i32
        %dma_start3A_113 = tpu.memref_slice %arg11[%dma_start3A_111, %dma_start3A_112] : memref<10240x128xf32, #tpu.memory_space<vmem_shared>> -> memref<10240x128xf32, #tpu.memory_space<vmem_shared>>
        tpu.enqueue_indirect_dma source(%arg9 : memref<128x128xf32, #tpu.memory_space<vmem>>) target(%dma_start3A_113 : memref<10240x128xf32, #tpu.memory_space<vmem_shared>>) offsets(%dma_start3A_110 : memref<128xi32, #tpu.memory_space<vmem>>) semaphore(%run_scoped3A_107 : memref<!tpu.dma_semaphore, #tpu.memory_space<semaphore_mem>>) {add = true}
        %dma_wait3A_114 = arith.constant 0 : i32
        %dma_wait3A_115 = tpu.memref_slice %arg8[%add3A_76, %dma_wait3A_114] : memref<40x128xi32, #tpu.memory_space<vmem>> -> memref<1x128xi32, #tpu.memory_space<vmem>>
        %dma_wait3A_116 = tpu.memref_squeeze %dma_wait3A_115 : memref<1x128xi32, #tpu.memory_space<vmem>> -> memref<128xi32, #tpu.memory_space<vmem>>
        %dma_wait3A_117 = arith.constant 0 : i32
        %dma_wait3A_118 = arith.constant 0 : i32
        %dma_wait3A_119 = tpu.memref_slice %arg11[%dma_wait3A_117, %dma_wait3A_118] : memref<10240x128xf32, #tpu.memory_space<vmem_shared>> -> memref<10240x128xf32, #tpu.memory_space<vmem_shared>>
        tpu.wait_indirect_dma semaphore(%run_scoped3A_107 : memref<!tpu.dma_semaphore, #tpu.memory_space<semaphore_mem>>) src(%arg9 : memref<128x128xf32, #tpu.memory_space<vmem>>) dst(%dma_wait3A_119 : memref<10240x128xf32, #tpu.memory_space<vmem_shared>>)
        tpu.yield
      }) : () -> ()
      %add3A_83 = arith.constant 2 : i32
      %add3A_84 = arith.addi %add3A_76, %add3A_83 : i32
      %dma_start3A_85 = arith.constant 0 : i32
      %dma_start3A_86 = tpu.memref_slice %arg7[%add3A_84, %dma_start3A_85] : memref<40x128xi32, #tpu.memory_space<vmem>> -> memref<1x128xi32, #tpu.memory_space<vmem>>
      %dma_start3A_87 = tpu.memref_squeeze %dma_start3A_86 : memref<1x128xi32, #tpu.memory_space<vmem>> -> memref<128xi32, #tpu.memory_space<vmem>>
      %dma_start3A_88 = arith.constant 0 : i32
      %dma_start3A_89 = arith.constant 0 : i32
      %dma_start3A_90 = tpu.memref_slice %arg2[%dma_start3A_88, %dma_start3A_89] : memref<10240x128xf32, #tpu.memory_space<hbm>> -> memref<10240x128xf32, #tpu.memory_space<hbm>>
      tpu.enqueue_indirect_dma source(%dma_start3A_90 : memref<10240x128xf32, #tpu.memory_space<hbm>>) target(%arg9 : memref<128x128xf32, #tpu.memory_space<vmem>>) offsets(%dma_start3A_87 : memref<128xi32, #tpu.memory_space<vmem>>) semaphore(%arg12 : memref<!tpu.dma_semaphore, #tpu.memory_space<semaphore_mem>>)
      %add3A_91 = arith.constant 1 : i32
      %add3A_92 = arith.addi %add3A_74, %add3A_91 : i32
      %dma_wait3A_93 = arith.constant 0 : i32
      %dma_wait3A_94 = tpu.memref_slice %arg7[%add3A_92, %dma_wait3A_93] : memref<40x128xi32, #tpu.memory_space<vmem>> -> memref<1x128xi32, #tpu.memory_space<vmem>>
      %dma_wait3A_95 = tpu.memref_squeeze %dma_wait3A_94 : memref<1x128xi32, #tpu.memory_space<vmem>> -> memref<128xi32, #tpu.memory_space<vmem>>
      %dma_wait3A_96 = arith.constant 0 : i32
      %dma_wait3A_97 = arith.constant 0 : i32
      %dma_wait3A_98 = tpu.memref_slice %arg2[%dma_wait3A_96, %dma_wait3A_97] : memref<10240x128xf32, #tpu.memory_space<hbm>> -> memref<10240x128xf32, #tpu.memory_space<hbm>>
      tpu.wait_indirect_dma semaphore(%arg13 : memref<!tpu.dma_semaphore, #tpu.memory_space<semaphore_mem>>) src(%dma_wait3A_98 : memref<10240x128xf32, #tpu.memory_space<hbm>>) dst(%arg10 : memref<128x128xf32, #tpu.memory_space<vmem>>)
      "tpu.region"() ({
        %run_scoped3A_107 = tpu.sem_alloc : memref<!tpu.dma_semaphore, #tpu.memory_space<semaphore_mem>>
        %dma_start3A_108 = arith.constant 0 : i32
        %dma_start3A_109 = tpu.memref_slice %arg8[%add3A_92, %dma_start3A_108] : memref<40x128xi32, #tpu.memory_space<vmem>> -> memref<1x128xi32, #tpu.memory_space<vmem>>
        %dma_start3A_110 = tpu.memref_squeeze %dma_start3A_109 : memref<1x128xi32, #tpu.memory_space<vmem>> -> memref<128xi32, #tpu.memory_space<vmem>>
        %dma_start3A_111 = arith.constant 0 : i32
        %dma_start3A_112 = arith.constant 0 : i32
        %dma_start3A_113 = tpu.memref_slice %arg11[%dma_start3A_111, %dma_start3A_112] : memref<10240x128xf32, #tpu.memory_space<vmem_shared>> -> memref<10240x128xf32, #tpu.memory_space<vmem_shared>>
        tpu.enqueue_indirect_dma source(%arg10 : memref<128x128xf32, #tpu.memory_space<vmem>>) target(%dma_start3A_113 : memref<10240x128xf32, #tpu.memory_space<vmem_shared>>) offsets(%dma_start3A_110 : memref<128xi32, #tpu.memory_space<vmem>>) semaphore(%run_scoped3A_107 : memref<!tpu.dma_semaphore, #tpu.memory_space<semaphore_mem>>) {add = true}
        %dma_wait3A_114 = arith.constant 0 : i32
        %dma_wait3A_115 = tpu.memref_slice %arg8[%add3A_92, %dma_wait3A_114] : memref<40x128xi32, #tpu.memory_space<vmem>> -> memref<1x128xi32, #tpu.memory_space<vmem>>
        %dma_wait3A_116 = tpu.memref_squeeze %dma_wait3A_115 : memref<1x128xi32, #tpu.memory_space<vmem>> -> memref<128xi32, #tpu.memory_space<vmem>>
        %dma_wait3A_117 = arith.constant 0 : i32
        %dma_wait3A_118 = arith.constant 0 : i32
        %dma_wait3A_119 = tpu.memref_slice %arg11[%dma_wait3A_117, %dma_wait3A_118] : memref<10240x128xf32, #tpu.memory_space<vmem_shared>> -> memref<10240x128xf32, #tpu.memory_space<vmem_shared>>
        tpu.wait_indirect_dma semaphore(%run_scoped3A_107 : memref<!tpu.dma_semaphore, #tpu.memory_space<semaphore_mem>>) src(%arg10 : memref<128x128xf32, #tpu.memory_space<vmem>>) dst(%dma_wait3A_119 : memref<10240x128xf32, #tpu.memory_space<vmem_shared>>)
        tpu.yield
      }) : () -> ()
      %add3A_99 = arith.constant 2 : i32
      %add3A_100 = arith.addi %add3A_92, %add3A_99 : i32
      %dma_start3A_101 = arith.constant 0 : i32
      %dma_start3A_102 = tpu.memref_slice %arg7[%add3A_100, %dma_start3A_101] : memref<40x128xi32, #tpu.memory_space<vmem>> -> memref<1x128xi32, #tpu.memory_space<vmem>>
      %dma_start3A_103 = tpu.memref_squeeze %dma_start3A_102 : memref<1x128xi32, #tpu.memory_space<vmem>> -> memref<128xi32, #tpu.memory_space<vmem>>
      %dma_start3A_104 = arith.constant 0 : i32
      %dma_start3A_105 = arith.constant 0 : i32
      %dma_start3A_106 = tpu.memref_slice %arg2[%dma_start3A_104, %dma_start3A_105] : memref<10240x128xf32, #tpu.memory_space<hbm>> -> memref<10240x128xf32, #tpu.memory_space<hbm>>
      tpu.enqueue_indirect_dma source(%dma_start3A_106 : memref<10240x128xf32, #tpu.memory_space<hbm>>) target(%arg10 : memref<128x128xf32, #tpu.memory_space<vmem>>) offsets(%dma_start3A_103 : memref<128xi32, #tpu.memory_space<vmem>>) semaphore(%arg13 : memref<!tpu.dma_semaphore, #tpu.memory_space<semaphore_mem>>)
    }
    %scan3A_19 = arith.constant 19 : i32
    %dma_wait3A = arith.constant 38 : i32
    %dma_wait3A_20 = arith.constant 0 : i32
    %dma_wait3A_21 = tpu.memref_slice %arg7[%dma_wait3A, %dma_wait3A_20] : memref<40x128xi32, #tpu.memory_space<vmem>> -> memref<1x128xi32, #tpu.memory_space<vmem>>
    %dma_wait3A_22 = tpu.memref_squeeze %dma_wait3A_21 : memref<1x128xi32, #tpu.memory_space<vmem>> -> memref<128xi32, #tpu.memory_space<vmem>>
    %dma_wait3A_23 = arith.constant 0 : i32
    %dma_wait3A_24 = arith.constant 0 : i32
    %dma_wait3A_25 = tpu.memref_slice %arg2[%dma_wait3A_23, %dma_wait3A_24] : memref<10240x128xf32, #tpu.memory_space<hbm>> -> memref<10240x128xf32, #tpu.memory_space<hbm>>
    tpu.wait_indirect_dma semaphore(%arg12 : memref<!tpu.dma_semaphore, #tpu.memory_space<semaphore_mem>>) src(%dma_wait3A_25 : memref<10240x128xf32, #tpu.memory_space<hbm>>) dst(%arg9 : memref<128x128xf32, #tpu.memory_space<vmem>>)
    %run_scoped3A = arith.constant 38 : i32
    "tpu.region"() ({
      %run_scoped3A_70 = tpu.sem_alloc : memref<!tpu.dma_semaphore, #tpu.memory_space<semaphore_mem>>
      %dma_start3A_71 = arith.constant 0 : i32
      %dma_start3A_72 = tpu.memref_slice %arg8[%run_scoped3A, %dma_start3A_71] : memref<40x128xi32, #tpu.memory_space<vmem>> -> memref<1x128xi32, #tpu.memory_space<vmem>>
      %dma_start3A_73 = tpu.memref_squeeze %dma_start3A_72 : memref<1x128xi32, #tpu.memory_space<vmem>> -> memref<128xi32, #tpu.memory_space<vmem>>
      %dma_start3A_74 = arith.constant 0 : i32
      %dma_start3A_75 = arith.constant 0 : i32
      %dma_start3A_76 = tpu.memref_slice %arg11[%dma_start3A_74, %dma_start3A_75] : memref<10240x128xf32, #tpu.memory_space<vmem_shared>> -> memref<10240x128xf32, #tpu.memory_space<vmem_shared>>
      tpu.enqueue_indirect_dma source(%arg9 : memref<128x128xf32, #tpu.memory_space<vmem>>) target(%dma_start3A_76 : memref<10240x128xf32, #tpu.memory_space<vmem_shared>>) offsets(%dma_start3A_73 : memref<128xi32, #tpu.memory_space<vmem>>) semaphore(%run_scoped3A_70 : memref<!tpu.dma_semaphore, #tpu.memory_space<semaphore_mem>>) {add = true}
      %dma_wait3A_77 = arith.constant 0 : i32
      %dma_wait3A_78 = tpu.memref_slice %arg8[%run_scoped3A, %dma_wait3A_77] : memref<40x128xi32, #tpu.memory_space<vmem>> -> memref<1x128xi32, #tpu.memory_space<vmem>>
      %dma_wait3A_79 = tpu.memref_squeeze %dma_wait3A_78 : memref<1x128xi32, #tpu.memory_space<vmem>> -> memref<128xi32, #tpu.memory_space<vmem>>
      %dma_wait3A_80 = arith.constant 0 : i32
      %dma_wait3A_81 = arith.constant 0 : i32
      %dma_wait3A_82 = tpu.memref_slice %arg11[%dma_wait3A_80, %dma_wait3A_81] : memref<10240x128xf32, #tpu.memory_space<vmem_shared>> -> memref<10240x128xf32, #tpu.memory_space<vmem_shared>>
      tpu.wait_indirect_dma semaphore(%run_scoped3A_70 : memref<!tpu.dma_semaphore, #tpu.memory_space<semaphore_mem>>) src(%arg9 : memref<128x128xf32, #tpu.memory_space<vmem>>) dst(%dma_wait3A_82 : memref<10240x128xf32, #tpu.memory_space<vmem_shared>>)
      tpu.yield
    }) : () -> ()
    %dma_wait3A_26 = arith.constant 39 : i32
    %dma_wait3A_27 = arith.constant 0 : i32
    %dma_wait3A_28 = tpu.memref_slice %arg7[%dma_wait3A_26, %dma_wait3A_27] : memref<40x128xi32, #tpu.memory_space<vmem>> -> memref<1x128xi32, #tpu.memory_space<vmem>>
    %dma_wait3A_29 = tpu.memref_squeeze %dma_wait3A_28 : memref<1x128xi32, #tpu.memory_space<vmem>> -> memref<128xi32, #tpu.memory_space<vmem>>
    %dma_wait3A_30 = arith.constant 0 : i32
    %dma_wait3A_31 = arith.constant 0 : i32
    %dma_wait3A_32 = tpu.memref_slice %arg2[%dma_wait3A_30, %dma_wait3A_31] : memref<10240x128xf32, #tpu.memory_space<hbm>> -> memref<10240x128xf32, #tpu.memory_space<hbm>>
    tpu.wait_indirect_dma semaphore(%arg13 : memref<!tpu.dma_semaphore, #tpu.memory_space<semaphore_mem>>) src(%dma_wait3A_32 : memref<10240x128xf32, #tpu.memory_space<hbm>>) dst(%arg10 : memref<128x128xf32, #tpu.memory_space<vmem>>)
    %run_scoped3A_33 = arith.constant 39 : i32
    "tpu.region"() ({
      %run_scoped3A_70 = tpu.sem_alloc : memref<!tpu.dma_semaphore, #tpu.memory_space<semaphore_mem>>
      %dma_start3A_71 = arith.constant 0 : i32
      %dma_start3A_72 = tpu.memref_slice %arg8[%run_scoped3A_33, %dma_start3A_71] : memref<40x128xi32, #tpu.memory_space<vmem>> -> memref<1x128xi32, #tpu.memory_space<vmem>>
      %dma_start3A_73 = tpu.memref_squeeze %dma_start3A_72 : memref<1x128xi32, #tpu.memory_space<vmem>> -> memref<128xi32, #tpu.memory_space<vmem>>
      %dma_start3A_74 = arith.constant 0 : i32
      %dma_start3A_75 = arith.constant 0 : i32
      %dma_start3A_76 = tpu.memref_slice %arg11[%dma_start3A_74, %dma_start3A_75] : memref<10240x128xf32, #tpu.memory_space<vmem_shared>> -> memref<10240x128xf32, #tpu.memory_space<vmem_shared>>
      tpu.enqueue_indirect_dma source(%arg10 : memref<128x128xf32, #tpu.memory_space<vmem>>) target(%dma_start3A_76 : memref<10240x128xf32, #tpu.memory_space<vmem_shared>>) offsets(%dma_start3A_73 : memref<128xi32, #tpu.memory_space<vmem>>) semaphore(%run_scoped3A_70 : memref<!tpu.dma_semaphore, #tpu.memory_space<semaphore_mem>>) {add = true}
      %dma_wait3A_77 = arith.constant 0 : i32
      %dma_wait3A_78 = tpu.memref_slice %arg8[%run_scoped3A_33, %dma_wait3A_77] : memref<40x128xi32, #tpu.memory_space<vmem>> -> memref<1x128xi32, #tpu.memory_space<vmem>>
      %dma_wait3A_79 = tpu.memref_squeeze %dma_wait3A_78 : memref<1x128xi32, #tpu.memory_space<vmem>> -> memref<128xi32, #tpu.memory_space<vmem>>
      %dma_wait3A_80 = arith.constant 0 : i32
      %dma_wait3A_81 = arith.constant 0 : i32
      %dma_wait3A_82 = tpu.memref_slice %arg11[%dma_wait3A_80, %dma_wait3A_81] : memref<10240x128xf32, #tpu.memory_space<vmem_shared>> -> memref<10240x128xf32, #tpu.memory_space<vmem_shared>>
      tpu.wait_indirect_dma semaphore(%run_scoped3A_70 : memref<!tpu.dma_semaphore, #tpu.memory_space<semaphore_mem>>) src(%arg10 : memref<128x128xf32, #tpu.memory_space<vmem>>) dst(%dma_wait3A_82 : memref<10240x128xf32, #tpu.memory_space<vmem_shared>>)
      tpu.yield
    }) : () -> ()
    "tpu.region"() ({
      %run_scoped3A_70 = tpu.sem_alloc : memref<!tpu.dma_semaphore, #tpu.memory_space<semaphore_mem>>
      %dma_start3A_71 = arith.constant 40 : i32
      %dma_start3A_72 = arith.constant 0 : i32
      %dma_start3A_73 = tpu.memref_slice %arg3[%add3A, %dma_start3A_71, %dma_start3A_72] : memref<32x80x128xi32, #tpu.memory_space<hbm>> -> memref<1x40x128xi32, #tpu.memory_space<hbm>>
      %dma_start3A_74 = tpu.memref_squeeze %dma_start3A_73 : memref<1x40x128xi32, #tpu.memory_space<hbm>> -> memref<40x128xi32, #tpu.memory_space<hbm>>
      %dma_start3A_75 = arith.constant 40 : i32
      %dma_start3A_76 = arith.constant 0 : i32
      %dma_start3A_77 = tpu.memref_slice %arg3[%add3A, %dma_start3A_75, %dma_start3A_76] : memref<32x80x128xi32, #tpu.memory_space<hbm>> -> memref<1x40x128xi32, #tpu.memory_space<hbm>>
      %dma_start3A_78 = tpu.memref_squeeze %dma_start3A_77 : memref<1x40x128xi32, #tpu.memory_space<hbm>> -> memref<40x128xi32, #tpu.memory_space<hbm>>
      tpu.enqueue_dma source(%dma_start3A_78 : memref<40x128xi32, #tpu.memory_space<hbm>>) target(%arg7 : memref<40x128xi32, #tpu.memory_space<vmem>>) target_semaphore(%run_scoped3A_70 : memref<!tpu.dma_semaphore, #tpu.memory_space<semaphore_mem>>)
      %dma_wait3A_79 = arith.constant 40 : i32
      %dma_wait3A_80 = arith.constant 0 : i32
      %dma_wait3A_81 = tpu.memref_slice %arg3[%add3A, %dma_wait3A_79, %dma_wait3A_80] : memref<32x80x128xi32, #tpu.memory_space<hbm>> -> memref<1x40x128xi32, #tpu.memory_space<hbm>>
      %dma_wait3A_82 = tpu.memref_squeeze %dma_wait3A_81 : memref<1x40x128xi32, #tpu.memory_space<hbm>> -> memref<40x128xi32, #tpu.memory_space<hbm>>
      %dma_wait3A_83 = arith.constant 40 : i32
      %dma_wait3A_84 = arith.constant 0 : i32
      %dma_wait3A_85 = tpu.memref_slice %arg3[%add3A, %dma_wait3A_83, %dma_wait3A_84] : memref<32x80x128xi32, #tpu.memory_space<hbm>> -> memref<1x40x128xi32, #tpu.memory_space<hbm>>
      %dma_wait3A_86 = tpu.memref_squeeze %dma_wait3A_85 : memref<1x40x128xi32, #tpu.memory_space<hbm>> -> memref<40x128xi32, #tpu.memory_space<hbm>>
      tpu.wait_dma2 semaphore(%run_scoped3A_70 : memref<!tpu.dma_semaphore, #tpu.memory_space<semaphore_mem>>) src(%dma_wait3A_86 : memref<40x128xi32, #tpu.memory_space<hbm>>) dst(%arg7 : memref<40x128xi32, #tpu.memory_space<vmem>>)
      tpu.yield
    }) : () -> ()
    "tpu.region"() ({
      %run_scoped3A_70 = tpu.sem_alloc : memref<!tpu.dma_semaphore, #tpu.memory_space<semaphore_mem>>
      %dma_start3A_71 = arith.constant 40 : i32
      %dma_start3A_72 = arith.constant 0 : i32
      %dma_start3A_73 = tpu.memref_slice %arg4[%add3A, %dma_start3A_71, %dma_start3A_72] : memref<32x80x128xi32, #tpu.memory_space<hbm>> -> memref<1x40x128xi32, #tpu.memory_space<hbm>>
      %dma_start3A_74 = tpu.memref_squeeze %dma_start3A_73 : memref<1x40x128xi32, #tpu.memory_space<hbm>> -> memref<40x128xi32, #tpu.memory_space<hbm>>
      %dma_start3A_75 = arith.constant 40 : i32
      %dma_start3A_76 = arith.constant 0 : i32
      %dma_start3A_77 = tpu.memref_slice %arg4[%add3A, %dma_start3A_75, %dma_start3A_76] : memref<32x80x128xi32, #tpu.memory_space<hbm>> -> memref<1x40x128xi32, #tpu.memory_space<hbm>>
      %dma_start3A_78 = tpu.memref_squeeze %dma_start3A_77 : memref<1x40x128xi32, #tpu.memory_space<hbm>> -> memref<40x128xi32, #tpu.memory_space<hbm>>
      tpu.enqueue_dma source(%dma_start3A_78 : memref<40x128xi32, #tpu.memory_space<hbm>>) target(%arg8 : memref<40x128xi32, #tpu.memory_space<vmem>>) target_semaphore(%run_scoped3A_70 : memref<!tpu.dma_semaphore, #tpu.memory_space<semaphore_mem>>)
      %dma_wait3A_79 = arith.constant 40 : i32
      %dma_wait3A_80 = arith.constant 0 : i32
      %dma_wait3A_81 = tpu.memref_slice %arg4[%add3A, %dma_wait3A_79, %dma_wait3A_80] : memref<32x80x128xi32, #tpu.memory_space<hbm>> -> memref<1x40x128xi32, #tpu.memory_space<hbm>>
      %dma_wait3A_82 = tpu.memref_squeeze %dma_wait3A_81 : memref<1x40x128xi32, #tpu.memory_space<hbm>> -> memref<40x128xi32, #tpu.memory_space<hbm>>
      %dma_wait3A_83 = arith.constant 40 : i32
      %dma_wait3A_84 = arith.constant 0 : i32
      %dma_wait3A_85 = tpu.memref_slice %arg4[%add3A, %dma_wait3A_83, %dma_wait3A_84] : memref<32x80x128xi32, #tpu.memory_space<hbm>> -> memref<1x40x128xi32, #tpu.memory_space<hbm>>
      %dma_wait3A_86 = tpu.memref_squeeze %dma_wait3A_85 : memref<1x40x128xi32, #tpu.memory_space<hbm>> -> memref<40x128xi32, #tpu.memory_space<hbm>>
      tpu.wait_dma2 semaphore(%run_scoped3A_70 : memref<!tpu.dma_semaphore, #tpu.memory_space<semaphore_mem>>) src(%dma_wait3A_86 : memref<40x128xi32, #tpu.memory_space<hbm>>) dst(%arg8 : memref<40x128xi32, #tpu.memory_space<vmem>>)
      tpu.yield
    }) : () -> ()
    %dma_start3A_34 = arith.constant 0 : i32
    %dma_start3A_35 = arith.constant 0 : i32
    %dma_start3A_36 = tpu.memref_slice %arg7[%dma_start3A_34, %dma_start3A_35] : memref<40x128xi32, #tpu.memory_space<vmem>> -> memref<1x128xi32, #tpu.memory_space<vmem>>
    %dma_start3A_37 = tpu.memref_squeeze %dma_start3A_36 : memref<1x128xi32, #tpu.memory_space<vmem>> -> memref<128xi32, #tpu.memory_space<vmem>>
    %dma_start3A_38 = arith.constant 0 : i32
    %dma_start3A_39 = arith.constant 0 : i32
    %dma_start3A_40 = tpu.memref_slice %arg2[%dma_start3A_38, %dma_start3A_39] : memref<10240x128xf32, #tpu.memory_space<hbm>> -> memref<10240x128xf32, #tpu.memory_space<hbm>>
    tpu.enqueue_indirect_dma source(%dma_start3A_40 : memref<10240x128xf32, #tpu.memory_space<hbm>>) target(%arg9 : memref<128x128xf32, #tpu.memory_space<vmem>>) offsets(%dma_start3A_37 : memref<128xi32, #tpu.memory_space<vmem>>) semaphore(%arg12 : memref<!tpu.dma_semaphore, #tpu.memory_space<semaphore_mem>>)
    %dma_start3A_41 = arith.constant 1 : i32
    %dma_start3A_42 = arith.constant 0 : i32
    %dma_start3A_43 = tpu.memref_slice %arg7[%dma_start3A_41, %dma_start3A_42] : memref<40x128xi32, #tpu.memory_space<vmem>> -> memref<1x128xi32, #tpu.memory_space<vmem>>
    %dma_start3A_44 = tpu.memref_squeeze %dma_start3A_43 : memref<1x128xi32, #tpu.memory_space<vmem>> -> memref<128xi32, #tpu.memory_space<vmem>>
    %dma_start3A_45 = arith.constant 0 : i32
    %dma_start3A_46 = arith.constant 0 : i32
    %dma_start3A_47 = tpu.memref_slice %arg2[%dma_start3A_45, %dma_start3A_46] : memref<10240x128xf32, #tpu.memory_space<hbm>> -> memref<10240x128xf32, #tpu.memory_space<hbm>>
    tpu.enqueue_indirect_dma source(%dma_start3A_47 : memref<10240x128xf32, #tpu.memory_space<hbm>>) target(%arg10 : memref<128x128xf32, #tpu.memory_space<vmem>>) offsets(%dma_start3A_44 : memref<128xi32, #tpu.memory_space<vmem>>) semaphore(%arg13 : memref<!tpu.dma_semaphore, #tpu.memory_space<semaphore_mem>>)
    %scan3A_48 = arith.constant 0 : i32
    %scan3A_49 = arith.constant 19 : i32
    %scan3A_50 = arith.addi %scan3A_48, %scan3A_49 : i32
    %scan3A_51 = arith.constant 1 : i32
    scf.for %scan3A_70 = %scan3A_48 to %scan3A_50 step %scan3A_51  : i32 {
      %mul3A_71 = arith.constant 2 : i32
      %mul3A_72 = arith.muli %scan3A_70, %mul3A_71 : i32
      %add3A_73 = arith.constant 0 : i32
      %add3A_74 = arith.addi %add3A_73, %mul3A_72 : i32
      %add3A_75 = arith.constant 0 : i32
      %add3A_76 = arith.addi %add3A_74, %add3A_75 : i32
      %dma_wait3A_77 = arith.constant 0 : i32
      %dma_wait3A_78 = tpu.memref_slice %arg7[%add3A_76, %dma_wait3A_77] : memref<40x128xi32, #tpu.memory_space<vmem>> -> memref<1x128xi32, #tpu.memory_space<vmem>>
      %dma_wait3A_79 = tpu.memref_squeeze %dma_wait3A_78 : memref<1x128xi32, #tpu.memory_space<vmem>> -> memref<128xi32, #tpu.memory_space<vmem>>
      %dma_wait3A_80 = arith.constant 0 : i32
      %dma_wait3A_81 = arith.constant 0 : i32
      %dma_wait3A_82 = tpu.memref_slice %arg2[%dma_wait3A_80, %dma_wait3A_81] : memref<10240x128xf32, #tpu.memory_space<hbm>> -> memref<10240x128xf32, #tpu.memory_space<hbm>>
      tpu.wait_indirect_dma semaphore(%arg12 : memref<!tpu.dma_semaphore, #tpu.memory_space<semaphore_mem>>) src(%dma_wait3A_82 : memref<10240x128xf32, #tpu.memory_space<hbm>>) dst(%arg9 : memref<128x128xf32, #tpu.memory_space<vmem>>)
      "tpu.region"() ({
        %run_scoped3A_107 = tpu.sem_alloc : memref<!tpu.dma_semaphore, #tpu.memory_space<semaphore_mem>>
        %dma_start3A_108 = arith.constant 0 : i32
        %dma_start3A_109 = tpu.memref_slice %arg8[%add3A_76, %dma_start3A_108] : memref<40x128xi32, #tpu.memory_space<vmem>> -> memref<1x128xi32, #tpu.memory_space<vmem>>
        %dma_start3A_110 = tpu.memref_squeeze %dma_start3A_109 : memref<1x128xi32, #tpu.memory_space<vmem>> -> memref<128xi32, #tpu.memory_space<vmem>>
        %dma_start3A_111 = arith.constant 0 : i32
        %dma_start3A_112 = arith.constant 0 : i32
        %dma_start3A_113 = tpu.memref_slice %arg11[%dma_start3A_111, %dma_start3A_112] : memref<10240x128xf32, #tpu.memory_space<vmem_shared>> -> memref<10240x128xf32, #tpu.memory_space<vmem_shared>>
        tpu.enqueue_indirect_dma source(%arg9 : memref<128x128xf32, #tpu.memory_space<vmem>>) target(%dma_start3A_113 : memref<10240x128xf32, #tpu.memory_space<vmem_shared>>) offsets(%dma_start3A_110 : memref<128xi32, #tpu.memory_space<vmem>>) semaphore(%run_scoped3A_107 : memref<!tpu.dma_semaphore, #tpu.memory_space<semaphore_mem>>) {add = true}
        %dma_wait3A_114 = arith.constant 0 : i32
        %dma_wait3A_115 = tpu.memref_slice %arg8[%add3A_76, %dma_wait3A_114] : memref<40x128xi32, #tpu.memory_space<vmem>> -> memref<1x128xi32, #tpu.memory_space<vmem>>
        %dma_wait3A_116 = tpu.memref_squeeze %dma_wait3A_115 : memref<1x128xi32, #tpu.memory_space<vmem>> -> memref<128xi32, #tpu.memory_space<vmem>>
        %dma_wait3A_117 = arith.constant 0 : i32
        %dma_wait3A_118 = arith.constant 0 : i32
        %dma_wait3A_119 = tpu.memref_slice %arg11[%dma_wait3A_117, %dma_wait3A_118] : memref<10240x128xf32, #tpu.memory_space<vmem_shared>> -> memref<10240x128xf32, #tpu.memory_space<vmem_shared>>
        tpu.wait_indirect_dma semaphore(%run_scoped3A_107 : memref<!tpu.dma_semaphore, #tpu.memory_space<semaphore_mem>>) src(%arg9 : memref<128x128xf32, #tpu.memory_space<vmem>>) dst(%dma_wait3A_119 : memref<10240x128xf32, #tpu.memory_space<vmem_shared>>)
        tpu.yield
      }) : () -> ()
      %add3A_83 = arith.constant 2 : i32
      %add3A_84 = arith.addi %add3A_76, %add3A_83 : i32
      %dma_start3A_85 = arith.constant 0 : i32
      %dma_start3A_86 = tpu.memref_slice %arg7[%add3A_84, %dma_start3A_85] : memref<40x128xi32, #tpu.memory_space<vmem>> -> memref<1x128xi32, #tpu.memory_space<vmem>>
      %dma_start3A_87 = tpu.memref_squeeze %dma_start3A_86 : memref<1x128xi32, #tpu.memory_space<vmem>> -> memref<128xi32, #tpu.memory_space<vmem>>
      %dma_start3A_88 = arith.constant 0 : i32
      %dma_start3A_89 = arith.constant 0 : i32
      %dma_start3A_90 = tpu.memref_slice %arg2[%dma_start3A_88, %dma_start3A_89] : memref<10240x128xf32, #tpu.memory_space<hbm>> -> memref<10240x128xf32, #tpu.memory_space<hbm>>
      tpu.enqueue_indirect_dma source(%dma_start3A_90 : memref<10240x128xf32, #tpu.memory_space<hbm>>) target(%arg9 : memref<128x128xf32, #tpu.memory_space<vmem>>) offsets(%dma_start3A_87 : memref<128xi32, #tpu.memory_space<vmem>>) semaphore(%arg12 : memref<!tpu.dma_semaphore, #tpu.memory_space<semaphore_mem>>)
      %add3A_91 = arith.constant 1 : i32
      %add3A_92 = arith.addi %add3A_74, %add3A_91 : i32
      %dma_wait3A_93 = arith.constant 0 : i32
      %dma_wait3A_94 = tpu.memref_slice %arg7[%add3A_92, %dma_wait3A_93] : memref<40x128xi32, #tpu.memory_space<vmem>> -> memref<1x128xi32, #tpu.memory_space<vmem>>
      %dma_wait3A_95 = tpu.memref_squeeze %dma_wait3A_94 : memref<1x128xi32, #tpu.memory_space<vmem>> -> memref<128xi32, #tpu.memory_space<vmem>>
      %dma_wait3A_96 = arith.constant 0 : i32
      %dma_wait3A_97 = arith.constant 0 : i32
      %dma_wait3A_98 = tpu.memref_slice %arg2[%dma_wait3A_96, %dma_wait3A_97] : memref<10240x128xf32, #tpu.memory_space<hbm>> -> memref<10240x128xf32, #tpu.memory_space<hbm>>
      tpu.wait_indirect_dma semaphore(%arg13 : memref<!tpu.dma_semaphore, #tpu.memory_space<semaphore_mem>>) src(%dma_wait3A_98 : memref<10240x128xf32, #tpu.memory_space<hbm>>) dst(%arg10 : memref<128x128xf32, #tpu.memory_space<vmem>>)
      "tpu.region"() ({
        %run_scoped3A_107 = tpu.sem_alloc : memref<!tpu.dma_semaphore, #tpu.memory_space<semaphore_mem>>
        %dma_start3A_108 = arith.constant 0 : i32
        %dma_start3A_109 = tpu.memref_slice %arg8[%add3A_92, %dma_start3A_108] : memref<40x128xi32, #tpu.memory_space<vmem>> -> memref<1x128xi32, #tpu.memory_space<vmem>>
        %dma_start3A_110 = tpu.memref_squeeze %dma_start3A_109 : memref<1x128xi32, #tpu.memory_space<vmem>> -> memref<128xi32, #tpu.memory_space<vmem>>
        %dma_start3A_111 = arith.constant 0 : i32
        %dma_start3A_112 = arith.constant 0 : i32
        %dma_start3A_113 = tpu.memref_slice %arg11[%dma_start3A_111, %dma_start3A_112] : memref<10240x128xf32, #tpu.memory_space<vmem_shared>> -> memref<10240x128xf32, #tpu.memory_space<vmem_shared>>
        tpu.enqueue_indirect_dma source(%arg10 : memref<128x128xf32, #tpu.memory_space<vmem>>) target(%dma_start3A_113 : memref<10240x128xf32, #tpu.memory_space<vmem_shared>>) offsets(%dma_start3A_110 : memref<128xi32, #tpu.memory_space<vmem>>) semaphore(%run_scoped3A_107 : memref<!tpu.dma_semaphore, #tpu.memory_space<semaphore_mem>>) {add = true}
        %dma_wait3A_114 = arith.constant 0 : i32
        %dma_wait3A_115 = tpu.memref_slice %arg8[%add3A_92, %dma_wait3A_114] : memref<40x128xi32, #tpu.memory_space<vmem>> -> memref<1x128xi32, #tpu.memory_space<vmem>>
        %dma_wait3A_116 = tpu.memref_squeeze %dma_wait3A_115 : memref<1x128xi32, #tpu.memory_space<vmem>> -> memref<128xi32, #tpu.memory_space<vmem>>
        %dma_wait3A_117 = arith.constant 0 : i32
        %dma_wait3A_118 = arith.constant 0 : i32
        %dma_wait3A_119 = tpu.memref_slice %arg11[%dma_wait3A_117, %dma_wait3A_118] : memref<10240x128xf32, #tpu.memory_space<vmem_shared>> -> memref<10240x128xf32, #tpu.memory_space<vmem_shared>>
        tpu.wait_indirect_dma semaphore(%run_scoped3A_107 : memref<!tpu.dma_semaphore, #tpu.memory_space<semaphore_mem>>) src(%arg10 : memref<128x128xf32, #tpu.memory_space<vmem>>) dst(%dma_wait3A_119 : memref<10240x128xf32, #tpu.memory_space<vmem_shared>>)
        tpu.yield
      }) : () -> ()
      %add3A_99 = arith.constant 2 : i32
      %add3A_100 = arith.addi %add3A_92, %add3A_99 : i32
      %dma_start3A_101 = arith.constant 0 : i32
      %dma_start3A_102 = tpu.memref_slice %arg7[%add3A_100, %dma_start3A_101] : memref<40x128xi32, #tpu.memory_space<vmem>> -> memref<1x128xi32, #tpu.memory_space<vmem>>
      %dma_start3A_103 = tpu.memref_squeeze %dma_start3A_102 : memref<1x128xi32, #tpu.memory_space<vmem>> -> memref<128xi32, #tpu.memory_space<vmem>>
      %dma_start3A_104 = arith.constant 0 : i32
      %dma_start3A_105 = arith.constant 0 : i32
      %dma_start3A_106 = tpu.memref_slice %arg2[%dma_start3A_104, %dma_start3A_105] : memref<10240x128xf32, #tpu.memory_space<hbm>> -> memref<10240x128xf32, #tpu.memory_space<hbm>>
      tpu.enqueue_indirect_dma source(%dma_start3A_106 : memref<10240x128xf32, #tpu.memory_space<hbm>>) target(%arg10 : memref<128x128xf32, #tpu.memory_space<vmem>>) offsets(%dma_start3A_103 : memref<128xi32, #tpu.memory_space<vmem>>) semaphore(%arg13 : memref<!tpu.dma_semaphore, #tpu.memory_space<semaphore_mem>>)
    }
    %scan3A_52 = arith.constant 19 : i32
    %dma_wait3A_53 = arith.constant 38 : i32
    %dma_wait3A_54 = arith.constant 0 : i32
    %dma_wait3A_55 = tpu.memref_slice %arg7[%dma_wait3A_53, %dma_wait3A_54] : memref<40x128xi32, #tpu.memory_space<vmem>> -> memref<1x128xi32, #tpu.memory_space<vmem>>
    %dma_wait3A_56 = tpu.memref_squeeze %dma_wait3A_55 : memref<1x128xi32, #tpu.memory_space<vmem>> -> memref<128xi32, #tpu.memory_space<vmem>>
    %dma_wait3A_57 = arith.constant 0 : i32
    %dma_wait3A_58 = arith.constant 0 : i32
    %dma_wait3A_59 = tpu.memref_slice %arg2[%dma_wait3A_57, %dma_wait3A_58] : memref<10240x128xf32, #tpu.memory_space<hbm>> -> memref<10240x128xf32, #tpu.memory_space<hbm>>
    tpu.wait_indirect_dma semaphore(%arg12 : memref<!tpu.dma_semaphore, #tpu.memory_space<semaphore_mem>>) src(%dma_wait3A_59 : memref<10240x128xf32, #tpu.memory_space<hbm>>) dst(%arg9 : memref<128x128xf32, #tpu.memory_space<vmem>>)
    %run_scoped3A_60 = arith.constant 38 : i32
    "tpu.region"() ({
      %run_scoped3A_70 = tpu.sem_alloc : memref<!tpu.dma_semaphore, #tpu.memory_space<semaphore_mem>>
      %dma_start3A_71 = arith.constant 0 : i32
      %dma_start3A_72 = tpu.memref_slice %arg8[%run_scoped3A_60, %dma_start3A_71] : memref<40x128xi32, #tpu.memory_space<vmem>> -> memref<1x128xi32, #tpu.memory_space<vmem>>
      %dma_start3A_73 = tpu.memref_squeeze %dma_start3A_72 : memref<1x128xi32, #tpu.memory_space<vmem>> -> memref<128xi32, #tpu.memory_space<vmem>>
      %dma_start3A_74 = arith.constant 0 : i32
      %dma_start3A_75 = arith.constant 0 : i32
      %dma_start3A_76 = tpu.memref_slice %arg11[%dma_start3A_74, %dma_start3A_75] : memref<10240x128xf32, #tpu.memory_space<vmem_shared>> -> memref<10240x128xf32, #tpu.memory_space<vmem_shared>>
      tpu.enqueue_indirect_dma source(%arg9 : memref<128x128xf32, #tpu.memory_space<vmem>>) target(%dma_start3A_76 : memref<10240x128xf32, #tpu.memory_space<vmem_shared>>) offsets(%dma_start3A_73 : memref<128xi32, #tpu.memory_space<vmem>>) semaphore(%run_scoped3A_70 : memref<!tpu.dma_semaphore, #tpu.memory_space<semaphore_mem>>) {add = true}
      %dma_wait3A_77 = arith.constant 0 : i32
      %dma_wait3A_78 = tpu.memref_slice %arg8[%run_scoped3A_60, %dma_wait3A_77] : memref<40x128xi32, #tpu.memory_space<vmem>> -> memref<1x128xi32, #tpu.memory_space<vmem>>
      %dma_wait3A_79 = tpu.memref_squeeze %dma_wait3A_78 : memref<1x128xi32, #tpu.memory_space<vmem>> -> memref<128xi32, #tpu.memory_space<vmem>>
      %dma_wait3A_80 = arith.constant 0 : i32
      %dma_wait3A_81 = arith.constant 0 : i32
      %dma_wait3A_82 = tpu.memref_slice %arg11[%dma_wait3A_80, %dma_wait3A_81] : memref<10240x128xf32, #tpu.memory_space<vmem_shared>> -> memref<10240x128xf32, #tpu.memory_space<vmem_shared>>
      tpu.wait_indirect_dma semaphore(%run_scoped3A_70 : memref<!tpu.dma_semaphore, #tpu.memory_space<semaphore_mem>>) src(%arg9 : memref<128x128xf32, #tpu.memory_space<vmem>>) dst(%dma_wait3A_82 : memref<10240x128xf32, #tpu.memory_space<vmem_shared>>)
      tpu.yield
    }) : () -> ()
    %dma_wait3A_61 = arith.constant 39 : i32
    %dma_wait3A_62 = arith.constant 0 : i32
    %dma_wait3A_63 = tpu.memref_slice %arg7[%dma_wait3A_61, %dma_wait3A_62] : memref<40x128xi32, #tpu.memory_space<vmem>> -> memref<1x128xi32, #tpu.memory_space<vmem>>
    %dma_wait3A_64 = tpu.memref_squeeze %dma_wait3A_63 : memref<1x128xi32, #tpu.memory_space<vmem>> -> memref<128xi32, #tpu.memory_space<vmem>>
    %dma_wait3A_65 = arith.constant 0 : i32
    %dma_wait3A_66 = arith.constant 0 : i32
    %dma_wait3A_67 = tpu.memref_slice %arg2[%dma_wait3A_65, %dma_wait3A_66] : memref<10240x128xf32, #tpu.memory_space<hbm>> -> memref<10240x128xf32, #tpu.memory_space<hbm>>
    tpu.wait_indirect_dma semaphore(%arg13 : memref<!tpu.dma_semaphore, #tpu.memory_space<semaphore_mem>>) src(%dma_wait3A_67 : memref<10240x128xf32, #tpu.memory_space<hbm>>) dst(%arg10 : memref<128x128xf32, #tpu.memory_space<vmem>>)
    %run_scoped3A_68 = arith.constant 39 : i32
    "tpu.region"() ({
      %run_scoped3A_70 = tpu.sem_alloc : memref<!tpu.dma_semaphore, #tpu.memory_space<semaphore_mem>>
      %dma_start3A_71 = arith.constant 0 : i32
      %dma_start3A_72 = tpu.memref_slice %arg8[%run_scoped3A_68, %dma_start3A_71] : memref<40x128xi32, #tpu.memory_space<vmem>> -> memref<1x128xi32, #tpu.memory_space<vmem>>
      %dma_start3A_73 = tpu.memref_squeeze %dma_start3A_72 : memref<1x128xi32, #tpu.memory_space<vmem>> -> memref<128xi32, #tpu.memory_space<vmem>>
      %dma_start3A_74 = arith.constant 0 : i32
      %dma_start3A_75 = arith.constant 0 : i32
      %dma_start3A_76 = tpu.memref_slice %arg11[%dma_start3A_74, %dma_start3A_75] : memref<10240x128xf32, #tpu.memory_space<vmem_shared>> -> memref<10240x128xf32, #tpu.memory_space<vmem_shared>>
      tpu.enqueue_indirect_dma source(%arg10 : memref<128x128xf32, #tpu.memory_space<vmem>>) target(%dma_start3A_76 : memref<10240x128xf32, #tpu.memory_space<vmem_shared>>) offsets(%dma_start3A_73 : memref<128xi32, #tpu.memory_space<vmem>>) semaphore(%run_scoped3A_70 : memref<!tpu.dma_semaphore, #tpu.memory_space<semaphore_mem>>) {add = true}
      %dma_wait3A_77 = arith.constant 0 : i32
      %dma_wait3A_78 = tpu.memref_slice %arg8[%run_scoped3A_68, %dma_wait3A_77] : memref<40x128xi32, #tpu.memory_space<vmem>> -> memref<1x128xi32, #tpu.memory_space<vmem>>
      %dma_wait3A_79 = tpu.memref_squeeze %dma_wait3A_78 : memref<1x128xi32, #tpu.memory_space<vmem>> -> memref<128xi32, #tpu.memory_space<vmem>>
      %dma_wait3A_80 = arith.constant 0 : i32
      %dma_wait3A_81 = arith.constant 0 : i32
      %dma_wait3A_82 = tpu.memref_slice %arg11[%dma_wait3A_80, %dma_wait3A_81] : memref<10240x128xf32, #tpu.memory_space<vmem_shared>> -> memref<10240x128xf32, #tpu.memory_space<vmem_shared>>
      tpu.wait_indirect_dma semaphore(%run_scoped3A_70 : memref<!tpu.dma_semaphore, #tpu.memory_space<semaphore_mem>>) src(%arg10 : memref<128x128xf32, #tpu.memory_space<vmem>>) dst(%dma_wait3A_82 : memref<10240x128xf32, #tpu.memory_space<vmem_shared>>)
      tpu.yield
    }) : () -> ()
    %barrier3A_69 = arith.constant 0 : index
    tpu.barrier barrier_id(%barrier3A_69)
    "tpu.region"() ({
      %run_scoped3A_70 = tpu.sem_alloc : memref<!tpu.dma_semaphore, #tpu.memory_space<semaphore_mem>>
      %dma_start3A_71 = arith.constant 0 : i32
      %dma_start3A_72 = tpu.memref_slice %arg6[%arg0, %mul3A_2, %dma_start3A_71] : memref<2x10240x128xf32, #tpu.memory_space<hbm>> -> memref<1x640x128xf32, #tpu.memory_space<hbm>>
      %dma_start3A_73 = tpu.memref_squeeze %dma_start3A_72 : memref<1x640x128xf32, #tpu.memory_space<hbm>> -> memref<640x128xf32, #tpu.memory_space<hbm>>
      %dma_start3A_74 = arith.constant 0 : i32
      %dma_start3A_75 = tpu.memref_slice %arg11[%mul3A_2, %dma_start3A_74] : memref<10240x128xf32, #tpu.memory_space<vmem_shared>> -> memref<640x128xf32, #tpu.memory_space<vmem_shared>>
      tpu.enqueue_dma source(%dma_start3A_75 : memref<640x128xf32, #tpu.memory_space<vmem_shared>>) target(%dma_start3A_73 : memref<640x128xf32, #tpu.memory_space<hbm>>) target_semaphore(%run_scoped3A_70 : memref<!tpu.dma_semaphore, #tpu.memory_space<semaphore_mem>>)
      %dma_wait3A_76 = arith.constant 0 : i32
      %dma_wait3A_77 = tpu.memref_slice %arg6[%arg0, %mul3A_2, %dma_wait3A_76] : memref<2x10240x128xf32, #tpu.memory_space<hbm>> -> memref<1x640x128xf32, #tpu.memory_space<hbm>>
      %dma_wait3A_78 = tpu.memref_squeeze %dma_wait3A_77 : memref<1x640x128xf32, #tpu.memory_space<hbm>> -> memref<640x128xf32, #tpu.memory_space<hbm>>
      %dma_wait3A_79 = arith.constant 0 : i32
      %dma_wait3A_80 = tpu.memref_slice %arg11[%mul3A_2, %dma_wait3A_79] : memref<10240x128xf32, #tpu.memory_space<vmem_shared>> -> memref<640x128xf32, #tpu.memory_space<vmem_shared>>
      tpu.wait_dma2 semaphore(%run_scoped3A_70 : memref<!tpu.dma_semaphore, #tpu.memory_space<semaphore_mem>>) src(%dma_wait3A_80 : memref<640x128xf32, #tpu.memory_space<vmem_shared>>) dst(%dma_wait3A_78 : memref<640x128xf32, #tpu.memory_space<hbm>>)
      tpu.yield
    }) : () -> ()
    return
  }
}

#map = affine_map<(d0, d1) -> (0, 0)>
#map1 = affine_map<(d0, d1) -> (0, 0, 0)>
module attributes {stable_mosaic.version = 14 : i64} {
  func.func @body(%arg0: i32, %arg1: i32, %arg2: memref<10240x32xf32, #tpu.memory_space<hbm>>, %arg3: memref<32x80x128xi32, #tpu.memory_space<hbm>>, %arg4: memref<32x80x128xi32, #tpu.memory_space<hbm>>, %arg5: memref<10240x32xf32, #tpu.memory_space<hbm>>, %arg6: memref<2x10240x32xf32, #tpu.memory_space<hbm>>, %arg7: memref<80x128xi32, #tpu.memory_space<vmem>>, %arg8: memref<80x128xi32, #tpu.memory_space<vmem>>, %arg9: memref<128x32xf32, #tpu.memory_space<vmem>>, %arg10: memref<128x32xf32, #tpu.memory_space<vmem>>, %arg11: memref<10240x32xf32, #tpu.memory_space<vmem_shared>>, %arg12: memref<!tpu.dma_semaphore, #tpu.memory_space<semaphore_mem>>, %arg13: memref<!tpu.dma_semaphore, #tpu.memory_space<semaphore_mem>>) attributes {dimension_semantics = [#tpu.dimension_semantics<core_parallel>, #tpu.dimension_semantics<subcore_parallel>], iteration_bounds = array<i64: 2, 16>, scalar_prefetch = 0 : i64, scratch_operands = 7 : i64, tpu.core_type = #tpu.core_type<sc_vector_subcore>, window_params = [{transform_indices = #map}, {transform_indices = #map1}, {transform_indices = #map1}, {transform_indices = #map}, {transform_indices = #map1}]} {
    %mul3A = arith.constant 16 : i32
    %mul3A_0 = arith.muli %arg0, %mul3A : i32
    %add3A = arith.addi %mul3A_0, %arg1 : i32
    %mul3A_1 = arith.constant 640 : i32
    %mul3A_2 = arith.muli %arg1, %mul3A_1 : i32
    "tpu.region"() ({
      %run_scoped3A_35 = tpu.sem_alloc : memref<!tpu.dma_semaphore, #tpu.memory_space<semaphore_mem>>
      %dma_start3A_36 = arith.constant 0 : i32
      %dma_start3A_37 = tpu.memref_slice %arg11[%mul3A_2, %dma_start3A_36] : memref<10240x32xf32, #tpu.memory_space<vmem_shared>> -> memref<640x32xf32, #tpu.memory_space<vmem_shared>>
      %dma_start3A_38 = arith.constant 0 : i32
      %dma_start3A_39 = tpu.memref_slice %arg5[%mul3A_2, %dma_start3A_38] : memref<10240x32xf32, #tpu.memory_space<hbm>> -> memref<640x32xf32, #tpu.memory_space<hbm>>
      tpu.enqueue_dma source(%dma_start3A_39 : memref<640x32xf32, #tpu.memory_space<hbm>>) target(%dma_start3A_37 : memref<640x32xf32, #tpu.memory_space<vmem_shared>>) target_semaphore(%run_scoped3A_35 : memref<!tpu.dma_semaphore, #tpu.memory_space<semaphore_mem>>)
      %dma_wait3A_40 = arith.constant 0 : i32
      %dma_wait3A_41 = tpu.memref_slice %arg11[%mul3A_2, %dma_wait3A_40] : memref<10240x32xf32, #tpu.memory_space<vmem_shared>> -> memref<640x32xf32, #tpu.memory_space<vmem_shared>>
      %dma_wait3A_42 = arith.constant 0 : i32
      %dma_wait3A_43 = tpu.memref_slice %arg5[%mul3A_2, %dma_wait3A_42] : memref<10240x32xf32, #tpu.memory_space<hbm>> -> memref<640x32xf32, #tpu.memory_space<hbm>>
      tpu.wait_dma2 semaphore(%run_scoped3A_35 : memref<!tpu.dma_semaphore, #tpu.memory_space<semaphore_mem>>) src(%dma_wait3A_43 : memref<640x32xf32, #tpu.memory_space<hbm>>) dst(%dma_wait3A_41 : memref<640x32xf32, #tpu.memory_space<vmem_shared>>)
      tpu.yield
    }) : () -> ()
    "tpu.region"() ({
      %run_scoped3A_35 = tpu.sem_alloc : memref<!tpu.dma_semaphore, #tpu.memory_space<semaphore_mem>>
      %dma_start3A_36 = arith.constant 0 : i32
      %dma_start3A_37 = arith.constant 0 : i32
      %dma_start3A_38 = tpu.memref_slice %arg3[%add3A, %dma_start3A_36, %dma_start3A_37] : memref<32x80x128xi32, #tpu.memory_space<hbm>> -> memref<1x80x128xi32, #tpu.memory_space<hbm>>
      %dma_start3A_39 = tpu.memref_squeeze %dma_start3A_38 : memref<1x80x128xi32, #tpu.memory_space<hbm>> -> memref<80x128xi32, #tpu.memory_space<hbm>>
      %dma_start3A_40 = arith.constant 0 : i32
      %dma_start3A_41 = arith.constant 0 : i32
      %dma_start3A_42 = tpu.memref_slice %arg3[%add3A, %dma_start3A_40, %dma_start3A_41] : memref<32x80x128xi32, #tpu.memory_space<hbm>> -> memref<1x80x128xi32, #tpu.memory_space<hbm>>
      %dma_start3A_43 = tpu.memref_squeeze %dma_start3A_42 : memref<1x80x128xi32, #tpu.memory_space<hbm>> -> memref<80x128xi32, #tpu.memory_space<hbm>>
      tpu.enqueue_dma source(%dma_start3A_43 : memref<80x128xi32, #tpu.memory_space<hbm>>) target(%arg7 : memref<80x128xi32, #tpu.memory_space<vmem>>) target_semaphore(%run_scoped3A_35 : memref<!tpu.dma_semaphore, #tpu.memory_space<semaphore_mem>>)
      %dma_wait3A_44 = arith.constant 0 : i32
      %dma_wait3A_45 = arith.constant 0 : i32
      %dma_wait3A_46 = tpu.memref_slice %arg3[%add3A, %dma_wait3A_44, %dma_wait3A_45] : memref<32x80x128xi32, #tpu.memory_space<hbm>> -> memref<1x80x128xi32, #tpu.memory_space<hbm>>
      %dma_wait3A_47 = tpu.memref_squeeze %dma_wait3A_46 : memref<1x80x128xi32, #tpu.memory_space<hbm>> -> memref<80x128xi32, #tpu.memory_space<hbm>>
      %dma_wait3A_48 = arith.constant 0 : i32
      %dma_wait3A_49 = arith.constant 0 : i32
      %dma_wait3A_50 = tpu.memref_slice %arg3[%add3A, %dma_wait3A_48, %dma_wait3A_49] : memref<32x80x128xi32, #tpu.memory_space<hbm>> -> memref<1x80x128xi32, #tpu.memory_space<hbm>>
      %dma_wait3A_51 = tpu.memref_squeeze %dma_wait3A_50 : memref<1x80x128xi32, #tpu.memory_space<hbm>> -> memref<80x128xi32, #tpu.memory_space<hbm>>
      tpu.wait_dma2 semaphore(%run_scoped3A_35 : memref<!tpu.dma_semaphore, #tpu.memory_space<semaphore_mem>>) src(%dma_wait3A_51 : memref<80x128xi32, #tpu.memory_space<hbm>>) dst(%arg7 : memref<80x128xi32, #tpu.memory_space<vmem>>)
      tpu.yield
    }) : () -> ()
    "tpu.region"() ({
      %run_scoped3A_35 = tpu.sem_alloc : memref<!tpu.dma_semaphore, #tpu.memory_space<semaphore_mem>>
      %dma_start3A_36 = arith.constant 0 : i32
      %dma_start3A_37 = arith.constant 0 : i32
      %dma_start3A_38 = tpu.memref_slice %arg4[%add3A, %dma_start3A_36, %dma_start3A_37] : memref<32x80x128xi32, #tpu.memory_space<hbm>> -> memref<1x80x128xi32, #tpu.memory_space<hbm>>
      %dma_start3A_39 = tpu.memref_squeeze %dma_start3A_38 : memref<1x80x128xi32, #tpu.memory_space<hbm>> -> memref<80x128xi32, #tpu.memory_space<hbm>>
      %dma_start3A_40 = arith.constant 0 : i32
      %dma_start3A_41 = arith.constant 0 : i32
      %dma_start3A_42 = tpu.memref_slice %arg4[%add3A, %dma_start3A_40, %dma_start3A_41] : memref<32x80x128xi32, #tpu.memory_space<hbm>> -> memref<1x80x128xi32, #tpu.memory_space<hbm>>
      %dma_start3A_43 = tpu.memref_squeeze %dma_start3A_42 : memref<1x80x128xi32, #tpu.memory_space<hbm>> -> memref<80x128xi32, #tpu.memory_space<hbm>>
      tpu.enqueue_dma source(%dma_start3A_43 : memref<80x128xi32, #tpu.memory_space<hbm>>) target(%arg8 : memref<80x128xi32, #tpu.memory_space<vmem>>) target_semaphore(%run_scoped3A_35 : memref<!tpu.dma_semaphore, #tpu.memory_space<semaphore_mem>>)
      %dma_wait3A_44 = arith.constant 0 : i32
      %dma_wait3A_45 = arith.constant 0 : i32
      %dma_wait3A_46 = tpu.memref_slice %arg4[%add3A, %dma_wait3A_44, %dma_wait3A_45] : memref<32x80x128xi32, #tpu.memory_space<hbm>> -> memref<1x80x128xi32, #tpu.memory_space<hbm>>
      %dma_wait3A_47 = tpu.memref_squeeze %dma_wait3A_46 : memref<1x80x128xi32, #tpu.memory_space<hbm>> -> memref<80x128xi32, #tpu.memory_space<hbm>>
      %dma_wait3A_48 = arith.constant 0 : i32
      %dma_wait3A_49 = arith.constant 0 : i32
      %dma_wait3A_50 = tpu.memref_slice %arg4[%add3A, %dma_wait3A_48, %dma_wait3A_49] : memref<32x80x128xi32, #tpu.memory_space<hbm>> -> memref<1x80x128xi32, #tpu.memory_space<hbm>>
      %dma_wait3A_51 = tpu.memref_squeeze %dma_wait3A_50 : memref<1x80x128xi32, #tpu.memory_space<hbm>> -> memref<80x128xi32, #tpu.memory_space<hbm>>
      tpu.wait_dma2 semaphore(%run_scoped3A_35 : memref<!tpu.dma_semaphore, #tpu.memory_space<semaphore_mem>>) src(%dma_wait3A_51 : memref<80x128xi32, #tpu.memory_space<hbm>>) dst(%arg8 : memref<80x128xi32, #tpu.memory_space<vmem>>)
      tpu.yield
    }) : () -> ()
    %barrier3A = arith.constant 0 : index
    tpu.barrier barrier_id(%barrier3A)
    %dma_start3A = arith.constant 0 : i32
    %dma_start3A_3 = arith.constant 0 : i32
    %dma_start3A_4 = tpu.memref_slice %arg7[%dma_start3A, %dma_start3A_3] : memref<80x128xi32, #tpu.memory_space<vmem>> -> memref<1x128xi32, #tpu.memory_space<vmem>>
    %dma_start3A_5 = tpu.memref_squeeze %dma_start3A_4 : memref<1x128xi32, #tpu.memory_space<vmem>> -> memref<128xi32, #tpu.memory_space<vmem>>
    %dma_start3A_6 = arith.constant 0 : i32
    %dma_start3A_7 = arith.constant 0 : i32
    %dma_start3A_8 = tpu.memref_slice %arg2[%dma_start3A_6, %dma_start3A_7] : memref<10240x32xf32, #tpu.memory_space<hbm>> -> memref<10240x32xf32, #tpu.memory_space<hbm>>
    tpu.enqueue_indirect_dma source(%dma_start3A_8 : memref<10240x32xf32, #tpu.memory_space<hbm>>) target(%arg9 : memref<128x32xf32, #tpu.memory_space<vmem>>) offsets(%dma_start3A_5 : memref<128xi32, #tpu.memory_space<vmem>>) semaphore(%arg12 : memref<!tpu.dma_semaphore, #tpu.memory_space<semaphore_mem>>)
    %dma_start3A_9 = arith.constant 1 : i32
    %dma_start3A_10 = arith.constant 0 : i32
    %dma_start3A_11 = tpu.memref_slice %arg7[%dma_start3A_9, %dma_start3A_10] : memref<80x128xi32, #tpu.memory_space<vmem>> -> memref<1x128xi32, #tpu.memory_space<vmem>>
    %dma_start3A_12 = tpu.memref_squeeze %dma_start3A_11 : memref<1x128xi32, #tpu.memory_space<vmem>> -> memref<128xi32, #tpu.memory_space<vmem>>
    %dma_start3A_13 = arith.constant 0 : i32
    %dma_start3A_14 = arith.constant 0 : i32
    %dma_start3A_15 = tpu.memref_slice %arg2[%dma_start3A_13, %dma_start3A_14] : memref<10240x32xf32, #tpu.memory_space<hbm>> -> memref<10240x32xf32, #tpu.memory_space<hbm>>
    tpu.enqueue_indirect_dma source(%dma_start3A_15 : memref<10240x32xf32, #tpu.memory_space<hbm>>) target(%arg10 : memref<128x32xf32, #tpu.memory_space<vmem>>) offsets(%dma_start3A_12 : memref<128xi32, #tpu.memory_space<vmem>>) semaphore(%arg13 : memref<!tpu.dma_semaphore, #tpu.memory_space<semaphore_mem>>)
    %scan3A = arith.constant 0 : i32
    %scan3A_16 = arith.constant 39 : i32
    %scan3A_17 = arith.addi %scan3A, %scan3A_16 : i32
    %scan3A_18 = arith.constant 1 : i32
    scf.for %scan3A_35 = %scan3A to %scan3A_17 step %scan3A_18  : i32 {
      %mul3A_36 = arith.constant 2 : i32
      %mul3A_37 = arith.muli %scan3A_35, %mul3A_36 : i32
      %add3A_38 = arith.constant 0 : i32
      %add3A_39 = arith.addi %add3A_38, %mul3A_37 : i32
      %add3A_40 = arith.constant 0 : i32
      %add3A_41 = arith.addi %add3A_39, %add3A_40 : i32
      %dma_wait3A_42 = arith.constant 0 : i32
      %dma_wait3A_43 = tpu.memref_slice %arg7[%add3A_41, %dma_wait3A_42] : memref<80x128xi32, #tpu.memory_space<vmem>> -> memref<1x128xi32, #tpu.memory_space<vmem>>
      %dma_wait3A_44 = tpu.memref_squeeze %dma_wait3A_43 : memref<1x128xi32, #tpu.memory_space<vmem>> -> memref<128xi32, #tpu.memory_space<vmem>>
      %dma_wait3A_45 = arith.constant 0 : i32
      %dma_wait3A_46 = arith.constant 0 : i32
      %dma_wait3A_47 = tpu.memref_slice %arg2[%dma_wait3A_45, %dma_wait3A_46] : memref<10240x32xf32, #tpu.memory_space<hbm>> -> memref<10240x32xf32, #tpu.memory_space<hbm>>
      tpu.wait_indirect_dma semaphore(%arg12 : memref<!tpu.dma_semaphore, #tpu.memory_space<semaphore_mem>>) src(%dma_wait3A_47 : memref<10240x32xf32, #tpu.memory_space<hbm>>) dst(%arg9 : memref<128x32xf32, #tpu.memory_space<vmem>>)
      "tpu.region"() ({
        %run_scoped3A_72 = tpu.sem_alloc : memref<!tpu.dma_semaphore, #tpu.memory_space<semaphore_mem>>
        %dma_start3A_73 = arith.constant 0 : i32
        %dma_start3A_74 = tpu.memref_slice %arg8[%add3A_41, %dma_start3A_73] : memref<80x128xi32, #tpu.memory_space<vmem>> -> memref<1x128xi32, #tpu.memory_space<vmem>>
        %dma_start3A_75 = tpu.memref_squeeze %dma_start3A_74 : memref<1x128xi32, #tpu.memory_space<vmem>> -> memref<128xi32, #tpu.memory_space<vmem>>
        %dma_start3A_76 = arith.constant 0 : i32
        %dma_start3A_77 = arith.constant 0 : i32
        %dma_start3A_78 = tpu.memref_slice %arg11[%dma_start3A_76, %dma_start3A_77] : memref<10240x32xf32, #tpu.memory_space<vmem_shared>> -> memref<10240x32xf32, #tpu.memory_space<vmem_shared>>
        tpu.enqueue_indirect_dma source(%arg9 : memref<128x32xf32, #tpu.memory_space<vmem>>) target(%dma_start3A_78 : memref<10240x32xf32, #tpu.memory_space<vmem_shared>>) offsets(%dma_start3A_75 : memref<128xi32, #tpu.memory_space<vmem>>) semaphore(%run_scoped3A_72 : memref<!tpu.dma_semaphore, #tpu.memory_space<semaphore_mem>>) {add = true}
        %dma_wait3A_79 = arith.constant 0 : i32
        %dma_wait3A_80 = tpu.memref_slice %arg8[%add3A_41, %dma_wait3A_79] : memref<80x128xi32, #tpu.memory_space<vmem>> -> memref<1x128xi32, #tpu.memory_space<vmem>>
        %dma_wait3A_81 = tpu.memref_squeeze %dma_wait3A_80 : memref<1x128xi32, #tpu.memory_space<vmem>> -> memref<128xi32, #tpu.memory_space<vmem>>
        %dma_wait3A_82 = arith.constant 0 : i32
        %dma_wait3A_83 = arith.constant 0 : i32
        %dma_wait3A_84 = tpu.memref_slice %arg11[%dma_wait3A_82, %dma_wait3A_83] : memref<10240x32xf32, #tpu.memory_space<vmem_shared>> -> memref<10240x32xf32, #tpu.memory_space<vmem_shared>>
        tpu.wait_indirect_dma semaphore(%run_scoped3A_72 : memref<!tpu.dma_semaphore, #tpu.memory_space<semaphore_mem>>) src(%arg9 : memref<128x32xf32, #tpu.memory_space<vmem>>) dst(%dma_wait3A_84 : memref<10240x32xf32, #tpu.memory_space<vmem_shared>>)
        tpu.yield
      }) : () -> ()
      %add3A_48 = arith.constant 2 : i32
      %add3A_49 = arith.addi %add3A_41, %add3A_48 : i32
      %dma_start3A_50 = arith.constant 0 : i32
      %dma_start3A_51 = tpu.memref_slice %arg7[%add3A_49, %dma_start3A_50] : memref<80x128xi32, #tpu.memory_space<vmem>> -> memref<1x128xi32, #tpu.memory_space<vmem>>
      %dma_start3A_52 = tpu.memref_squeeze %dma_start3A_51 : memref<1x128xi32, #tpu.memory_space<vmem>> -> memref<128xi32, #tpu.memory_space<vmem>>
      %dma_start3A_53 = arith.constant 0 : i32
      %dma_start3A_54 = arith.constant 0 : i32
      %dma_start3A_55 = tpu.memref_slice %arg2[%dma_start3A_53, %dma_start3A_54] : memref<10240x32xf32, #tpu.memory_space<hbm>> -> memref<10240x32xf32, #tpu.memory_space<hbm>>
      tpu.enqueue_indirect_dma source(%dma_start3A_55 : memref<10240x32xf32, #tpu.memory_space<hbm>>) target(%arg9 : memref<128x32xf32, #tpu.memory_space<vmem>>) offsets(%dma_start3A_52 : memref<128xi32, #tpu.memory_space<vmem>>) semaphore(%arg12 : memref<!tpu.dma_semaphore, #tpu.memory_space<semaphore_mem>>)
      %add3A_56 = arith.constant 1 : i32
      %add3A_57 = arith.addi %add3A_39, %add3A_56 : i32
      %dma_wait3A_58 = arith.constant 0 : i32
      %dma_wait3A_59 = tpu.memref_slice %arg7[%add3A_57, %dma_wait3A_58] : memref<80x128xi32, #tpu.memory_space<vmem>> -> memref<1x128xi32, #tpu.memory_space<vmem>>
      %dma_wait3A_60 = tpu.memref_squeeze %dma_wait3A_59 : memref<1x128xi32, #tpu.memory_space<vmem>> -> memref<128xi32, #tpu.memory_space<vmem>>
      %dma_wait3A_61 = arith.constant 0 : i32
      %dma_wait3A_62 = arith.constant 0 : i32
      %dma_wait3A_63 = tpu.memref_slice %arg2[%dma_wait3A_61, %dma_wait3A_62] : memref<10240x32xf32, #tpu.memory_space<hbm>> -> memref<10240x32xf32, #tpu.memory_space<hbm>>
      tpu.wait_indirect_dma semaphore(%arg13 : memref<!tpu.dma_semaphore, #tpu.memory_space<semaphore_mem>>) src(%dma_wait3A_63 : memref<10240x32xf32, #tpu.memory_space<hbm>>) dst(%arg10 : memref<128x32xf32, #tpu.memory_space<vmem>>)
      "tpu.region"() ({
        %run_scoped3A_72 = tpu.sem_alloc : memref<!tpu.dma_semaphore, #tpu.memory_space<semaphore_mem>>
        %dma_start3A_73 = arith.constant 0 : i32
        %dma_start3A_74 = tpu.memref_slice %arg8[%add3A_57, %dma_start3A_73] : memref<80x128xi32, #tpu.memory_space<vmem>> -> memref<1x128xi32, #tpu.memory_space<vmem>>
        %dma_start3A_75 = tpu.memref_squeeze %dma_start3A_74 : memref<1x128xi32, #tpu.memory_space<vmem>> -> memref<128xi32, #tpu.memory_space<vmem>>
        %dma_start3A_76 = arith.constant 0 : i32
        %dma_start3A_77 = arith.constant 0 : i32
        %dma_start3A_78 = tpu.memref_slice %arg11[%dma_start3A_76, %dma_start3A_77] : memref<10240x32xf32, #tpu.memory_space<vmem_shared>> -> memref<10240x32xf32, #tpu.memory_space<vmem_shared>>
        tpu.enqueue_indirect_dma source(%arg10 : memref<128x32xf32, #tpu.memory_space<vmem>>) target(%dma_start3A_78 : memref<10240x32xf32, #tpu.memory_space<vmem_shared>>) offsets(%dma_start3A_75 : memref<128xi32, #tpu.memory_space<vmem>>) semaphore(%run_scoped3A_72 : memref<!tpu.dma_semaphore, #tpu.memory_space<semaphore_mem>>) {add = true}
        %dma_wait3A_79 = arith.constant 0 : i32
        %dma_wait3A_80 = tpu.memref_slice %arg8[%add3A_57, %dma_wait3A_79] : memref<80x128xi32, #tpu.memory_space<vmem>> -> memref<1x128xi32, #tpu.memory_space<vmem>>
        %dma_wait3A_81 = tpu.memref_squeeze %dma_wait3A_80 : memref<1x128xi32, #tpu.memory_space<vmem>> -> memref<128xi32, #tpu.memory_space<vmem>>
        %dma_wait3A_82 = arith.constant 0 : i32
        %dma_wait3A_83 = arith.constant 0 : i32
        %dma_wait3A_84 = tpu.memref_slice %arg11[%dma_wait3A_82, %dma_wait3A_83] : memref<10240x32xf32, #tpu.memory_space<vmem_shared>> -> memref<10240x32xf32, #tpu.memory_space<vmem_shared>>
        tpu.wait_indirect_dma semaphore(%run_scoped3A_72 : memref<!tpu.dma_semaphore, #tpu.memory_space<semaphore_mem>>) src(%arg10 : memref<128x32xf32, #tpu.memory_space<vmem>>) dst(%dma_wait3A_84 : memref<10240x32xf32, #tpu.memory_space<vmem_shared>>)
        tpu.yield
      }) : () -> ()
      %add3A_64 = arith.constant 2 : i32
      %add3A_65 = arith.addi %add3A_57, %add3A_64 : i32
      %dma_start3A_66 = arith.constant 0 : i32
      %dma_start3A_67 = tpu.memref_slice %arg7[%add3A_65, %dma_start3A_66] : memref<80x128xi32, #tpu.memory_space<vmem>> -> memref<1x128xi32, #tpu.memory_space<vmem>>
      %dma_start3A_68 = tpu.memref_squeeze %dma_start3A_67 : memref<1x128xi32, #tpu.memory_space<vmem>> -> memref<128xi32, #tpu.memory_space<vmem>>
      %dma_start3A_69 = arith.constant 0 : i32
      %dma_start3A_70 = arith.constant 0 : i32
      %dma_start3A_71 = tpu.memref_slice %arg2[%dma_start3A_69, %dma_start3A_70] : memref<10240x32xf32, #tpu.memory_space<hbm>> -> memref<10240x32xf32, #tpu.memory_space<hbm>>
      tpu.enqueue_indirect_dma source(%dma_start3A_71 : memref<10240x32xf32, #tpu.memory_space<hbm>>) target(%arg10 : memref<128x32xf32, #tpu.memory_space<vmem>>) offsets(%dma_start3A_68 : memref<128xi32, #tpu.memory_space<vmem>>) semaphore(%arg13 : memref<!tpu.dma_semaphore, #tpu.memory_space<semaphore_mem>>)
    }
    %scan3A_19 = arith.constant 39 : i32
    %dma_wait3A = arith.constant 78 : i32
    %dma_wait3A_20 = arith.constant 0 : i32
    %dma_wait3A_21 = tpu.memref_slice %arg7[%dma_wait3A, %dma_wait3A_20] : memref<80x128xi32, #tpu.memory_space<vmem>> -> memref<1x128xi32, #tpu.memory_space<vmem>>
    %dma_wait3A_22 = tpu.memref_squeeze %dma_wait3A_21 : memref<1x128xi32, #tpu.memory_space<vmem>> -> memref<128xi32, #tpu.memory_space<vmem>>
    %dma_wait3A_23 = arith.constant 0 : i32
    %dma_wait3A_24 = arith.constant 0 : i32
    %dma_wait3A_25 = tpu.memref_slice %arg2[%dma_wait3A_23, %dma_wait3A_24] : memref<10240x32xf32, #tpu.memory_space<hbm>> -> memref<10240x32xf32, #tpu.memory_space<hbm>>
    tpu.wait_indirect_dma semaphore(%arg12 : memref<!tpu.dma_semaphore, #tpu.memory_space<semaphore_mem>>) src(%dma_wait3A_25 : memref<10240x32xf32, #tpu.memory_space<hbm>>) dst(%arg9 : memref<128x32xf32, #tpu.memory_space<vmem>>)
    %run_scoped3A = arith.constant 78 : i32
    "tpu.region"() ({
      %run_scoped3A_35 = tpu.sem_alloc : memref<!tpu.dma_semaphore, #tpu.memory_space<semaphore_mem>>
      %dma_start3A_36 = arith.constant 0 : i32
      %dma_start3A_37 = tpu.memref_slice %arg8[%run_scoped3A, %dma_start3A_36] : memref<80x128xi32, #tpu.memory_space<vmem>> -> memref<1x128xi32, #tpu.memory_space<vmem>>
      %dma_start3A_38 = tpu.memref_squeeze %dma_start3A_37 : memref<1x128xi32, #tpu.memory_space<vmem>> -> memref<128xi32, #tpu.memory_space<vmem>>
      %dma_start3A_39 = arith.constant 0 : i32
      %dma_start3A_40 = arith.constant 0 : i32
      %dma_start3A_41 = tpu.memref_slice %arg11[%dma_start3A_39, %dma_start3A_40] : memref<10240x32xf32, #tpu.memory_space<vmem_shared>> -> memref<10240x32xf32, #tpu.memory_space<vmem_shared>>
      tpu.enqueue_indirect_dma source(%arg9 : memref<128x32xf32, #tpu.memory_space<vmem>>) target(%dma_start3A_41 : memref<10240x32xf32, #tpu.memory_space<vmem_shared>>) offsets(%dma_start3A_38 : memref<128xi32, #tpu.memory_space<vmem>>) semaphore(%run_scoped3A_35 : memref<!tpu.dma_semaphore, #tpu.memory_space<semaphore_mem>>) {add = true}
      %dma_wait3A_42 = arith.constant 0 : i32
      %dma_wait3A_43 = tpu.memref_slice %arg8[%run_scoped3A, %dma_wait3A_42] : memref<80x128xi32, #tpu.memory_space<vmem>> -> memref<1x128xi32, #tpu.memory_space<vmem>>
      %dma_wait3A_44 = tpu.memref_squeeze %dma_wait3A_43 : memref<1x128xi32, #tpu.memory_space<vmem>> -> memref<128xi32, #tpu.memory_space<vmem>>
      %dma_wait3A_45 = arith.constant 0 : i32
      %dma_wait3A_46 = arith.constant 0 : i32
      %dma_wait3A_47 = tpu.memref_slice %arg11[%dma_wait3A_45, %dma_wait3A_46] : memref<10240x32xf32, #tpu.memory_space<vmem_shared>> -> memref<10240x32xf32, #tpu.memory_space<vmem_shared>>
      tpu.wait_indirect_dma semaphore(%run_scoped3A_35 : memref<!tpu.dma_semaphore, #tpu.memory_space<semaphore_mem>>) src(%arg9 : memref<128x32xf32, #tpu.memory_space<vmem>>) dst(%dma_wait3A_47 : memref<10240x32xf32, #tpu.memory_space<vmem_shared>>)
      tpu.yield
    }) : () -> ()
    %dma_wait3A_26 = arith.constant 79 : i32
    %dma_wait3A_27 = arith.constant 0 : i32
    %dma_wait3A_28 = tpu.memref_slice %arg7[%dma_wait3A_26, %dma_wait3A_27] : memref<80x128xi32, #tpu.memory_space<vmem>> -> memref<1x128xi32, #tpu.memory_space<vmem>>
    %dma_wait3A_29 = tpu.memref_squeeze %dma_wait3A_28 : memref<1x128xi32, #tpu.memory_space<vmem>> -> memref<128xi32, #tpu.memory_space<vmem>>
    %dma_wait3A_30 = arith.constant 0 : i32
    %dma_wait3A_31 = arith.constant 0 : i32
    %dma_wait3A_32 = tpu.memref_slice %arg2[%dma_wait3A_30, %dma_wait3A_31] : memref<10240x32xf32, #tpu.memory_space<hbm>> -> memref<10240x32xf32, #tpu.memory_space<hbm>>
    tpu.wait_indirect_dma semaphore(%arg13 : memref<!tpu.dma_semaphore, #tpu.memory_space<semaphore_mem>>) src(%dma_wait3A_32 : memref<10240x32xf32, #tpu.memory_space<hbm>>) dst(%arg10 : memref<128x32xf32, #tpu.memory_space<vmem>>)
    %run_scoped3A_33 = arith.constant 79 : i32
    "tpu.region"() ({
      %run_scoped3A_35 = tpu.sem_alloc : memref<!tpu.dma_semaphore, #tpu.memory_space<semaphore_mem>>
      %dma_start3A_36 = arith.constant 0 : i32
      %dma_start3A_37 = tpu.memref_slice %arg8[%run_scoped3A_33, %dma_start3A_36] : memref<80x128xi32, #tpu.memory_space<vmem>> -> memref<1x128xi32, #tpu.memory_space<vmem>>
      %dma_start3A_38 = tpu.memref_squeeze %dma_start3A_37 : memref<1x128xi32, #tpu.memory_space<vmem>> -> memref<128xi32, #tpu.memory_space<vmem>>
      %dma_start3A_39 = arith.constant 0 : i32
      %dma_start3A_40 = arith.constant 0 : i32
      %dma_start3A_41 = tpu.memref_slice %arg11[%dma_start3A_39, %dma_start3A_40] : memref<10240x32xf32, #tpu.memory_space<vmem_shared>> -> memref<10240x32xf32, #tpu.memory_space<vmem_shared>>
      tpu.enqueue_indirect_dma source(%arg10 : memref<128x32xf32, #tpu.memory_space<vmem>>) target(%dma_start3A_41 : memref<10240x32xf32, #tpu.memory_space<vmem_shared>>) offsets(%dma_start3A_38 : memref<128xi32, #tpu.memory_space<vmem>>) semaphore(%run_scoped3A_35 : memref<!tpu.dma_semaphore, #tpu.memory_space<semaphore_mem>>) {add = true}
      %dma_wait3A_42 = arith.constant 0 : i32
      %dma_wait3A_43 = tpu.memref_slice %arg8[%run_scoped3A_33, %dma_wait3A_42] : memref<80x128xi32, #tpu.memory_space<vmem>> -> memref<1x128xi32, #tpu.memory_space<vmem>>
      %dma_wait3A_44 = tpu.memref_squeeze %dma_wait3A_43 : memref<1x128xi32, #tpu.memory_space<vmem>> -> memref<128xi32, #tpu.memory_space<vmem>>
      %dma_wait3A_45 = arith.constant 0 : i32
      %dma_wait3A_46 = arith.constant 0 : i32
      %dma_wait3A_47 = tpu.memref_slice %arg11[%dma_wait3A_45, %dma_wait3A_46] : memref<10240x32xf32, #tpu.memory_space<vmem_shared>> -> memref<10240x32xf32, #tpu.memory_space<vmem_shared>>
      tpu.wait_indirect_dma semaphore(%run_scoped3A_35 : memref<!tpu.dma_semaphore, #tpu.memory_space<semaphore_mem>>) src(%arg10 : memref<128x32xf32, #tpu.memory_space<vmem>>) dst(%dma_wait3A_47 : memref<10240x32xf32, #tpu.memory_space<vmem_shared>>)
      tpu.yield
    }) : () -> ()
    %barrier3A_34 = arith.constant 0 : index
    tpu.barrier barrier_id(%barrier3A_34)
    "tpu.region"() ({
      %run_scoped3A_35 = tpu.sem_alloc : memref<!tpu.dma_semaphore, #tpu.memory_space<semaphore_mem>>
      %dma_start3A_36 = arith.constant 0 : i32
      %dma_start3A_37 = tpu.memref_slice %arg6[%arg0, %mul3A_2, %dma_start3A_36] : memref<2x10240x32xf32, #tpu.memory_space<hbm>> -> memref<1x640x32xf32, #tpu.memory_space<hbm>>
      %dma_start3A_38 = tpu.memref_squeeze %dma_start3A_37 : memref<1x640x32xf32, #tpu.memory_space<hbm>> -> memref<640x32xf32, #tpu.memory_space<hbm>>
      %dma_start3A_39 = arith.constant 0 : i32
      %dma_start3A_40 = tpu.memref_slice %arg11[%mul3A_2, %dma_start3A_39] : memref<10240x32xf32, #tpu.memory_space<vmem_shared>> -> memref<640x32xf32, #tpu.memory_space<vmem_shared>>
      tpu.enqueue_dma source(%dma_start3A_40 : memref<640x32xf32, #tpu.memory_space<vmem_shared>>) target(%dma_start3A_38 : memref<640x32xf32, #tpu.memory_space<hbm>>) target_semaphore(%run_scoped3A_35 : memref<!tpu.dma_semaphore, #tpu.memory_space<semaphore_mem>>)
      %dma_wait3A_41 = arith.constant 0 : i32
      %dma_wait3A_42 = tpu.memref_slice %arg6[%arg0, %mul3A_2, %dma_wait3A_41] : memref<2x10240x32xf32, #tpu.memory_space<hbm>> -> memref<1x640x32xf32, #tpu.memory_space<hbm>>
      %dma_wait3A_43 = tpu.memref_squeeze %dma_wait3A_42 : memref<1x640x32xf32, #tpu.memory_space<hbm>> -> memref<640x32xf32, #tpu.memory_space<hbm>>
      %dma_wait3A_44 = arith.constant 0 : i32
      %dma_wait3A_45 = tpu.memref_slice %arg11[%mul3A_2, %dma_wait3A_44] : memref<10240x32xf32, #tpu.memory_space<vmem_shared>> -> memref<640x32xf32, #tpu.memory_space<vmem_shared>>
      tpu.wait_dma2 semaphore(%run_scoped3A_35 : memref<!tpu.dma_semaphore, #tpu.memory_space<semaphore_mem>>) src(%dma_wait3A_45 : memref<640x32xf32, #tpu.memory_space<vmem_shared>>) dst(%dma_wait3A_43 : memref<640x32xf32, #tpu.memory_space<hbm>>)
      tpu.yield
    }) : () -> ()
    return
  }
}

module attributes {stable_mosaic.version = 14 : i64} {
  func.func @_pre_body(%arg0: memref<10240x128xf32, #tpu.memory_space<vmem>>, %arg1: memref<128x128xf32, #tpu.memory_space<vmem>>, %arg2: memref<128x128xf32, #tpu.memory_space<vmem>>, %arg3: memref<1x128xf32, #tpu.memory_space<vmem>>, %arg4: memref<10240x128xf32, #tpu.memory_space<vmem>>, %arg5: memref<10240x128xf32, #tpu.memory_space<vmem>>) attributes {dimension_semantics = [], scalar_prefetch = 0 : i64, scratch_operands = 0 : i64, tpu.core_type = #tpu.core_type<tc>} {
    %get3A = arith.constant 0 : index
    %get3A_0 = arith.constant 0 : index
    %get3A_1 = vector.load %arg0[%get3A, %get3A_0] : memref<10240x128xf32, #tpu.memory_space<vmem>>, vector<10240x128xf32>
    %get3A_2 = arith.constant 0 : index
    %get3A_3 = arith.constant 0 : index
    %get3A_4 = vector.load %arg1[%get3A_2, %get3A_3] : memref<128x128xf32, #tpu.memory_space<vmem>>, vector<128x128xf32>
    %dot_general3A = arith.constant dense<0.000000e+00> : vector<10240x128xf32>
    %dot_general3A_5 = tpu.matmul %get3A_1, %get3A_4, %dot_general3A {dimension_numbers = #tpu.dot_dimension_numbers<[1], [0], [0], [1], [0, 0, 1, 1], [], []>, transpose_lhs_hint = false} : vector<10240x128xf32>, vector<128x128xf32>, vector<10240x128xf32> -> vector<10240x128xf32>
    %swap3A = arith.constant 0 : index
    %swap3A_6 = arith.constant 0 : index
    %swap3A_7 = vector.load %arg4[%swap3A, %swap3A_6] : memref<10240x128xf32, #tpu.memory_space<vmem>>, vector<10240x128xf32>
    tpu.vector_store %arg4[%swap3A, %swap3A_6], %dot_general3A_5 {strides = array<i32>} : memref<10240x128xf32, #tpu.memory_space<vmem>>, vector<10240x128xf32>,
    %get3A_8 = arith.constant 0 : index
    %get3A_9 = arith.constant 0 : index
    %get3A_10 = vector.load %arg2[%get3A_8, %get3A_9] : memref<128x128xf32, #tpu.memory_space<vmem>>, vector<128x128xf32>
    %dot_general3A_11 = arith.constant dense<0.000000e+00> : vector<10240x128xf32>
    %dot_general3A_12 = tpu.matmul %get3A_1, %get3A_10, %dot_general3A_11 {dimension_numbers = #tpu.dot_dimension_numbers<[1], [0], [0], [1], [0, 0, 1, 1], [], []>, transpose_lhs_hint = false} : vector<10240x128xf32>, vector<128x128xf32>, vector<10240x128xf32> -> vector<10240x128xf32>
    %get3A_13 = arith.constant 0 : index
    %get3A_14 = arith.constant 0 : index
    %get3A_15 = vector.load %arg3[%get3A_13, %get3A_14] : memref<1x128xf32, #tpu.memory_space<vmem>>, vector<1x128xf32>
    %add3A = vector.broadcast %get3A_15 : vector<1x128xf32> to vector<10240x128xf32>
    %add3A_16 = arith.addf %dot_general3A_12, %add3A : vector<10240x128xf32>
    %swap3A_17 = arith.constant 0 : index
    %swap3A_18 = arith.constant 0 : index
    %swap3A_19 = vector.load %arg5[%swap3A_17, %swap3A_18] : memref<10240x128xf32, #tpu.memory_space<vmem>>, vector<10240x128xf32>
    tpu.vector_store %arg5[%swap3A_17, %swap3A_18], %add3A_16 {strides = array<i32>} : memref<10240x128xf32, #tpu.memory_space<vmem>>, vector<10240x128xf32>,
    return
  }
}

module attributes {stable_mosaic.version = 14 : i64} {
  func.func @_mid_body(%arg0: memref<2x10240x128xf32, #tpu.memory_space<vmem>>, %arg1: memref<10240x128xf32, #tpu.memory_space<vmem>>, %arg2: memref<1x128xf32, #tpu.memory_space<vmem>>, %arg3: memref<1x128xf32, #tpu.memory_space<vmem>>, %arg4: memref<128x32xf32, #tpu.memory_space<vmem>>, %arg5: memref<128x32xf32, #tpu.memory_space<vmem>>, %arg6: memref<1x32xf32, #tpu.memory_space<vmem>>, %arg7: memref<10240x32xf32, #tpu.memory_space<vmem>>, %arg8: memref<10240x32xf32, #tpu.memory_space<vmem>>) attributes {dimension_semantics = [], scalar_prefetch = 0 : i64, scratch_operands = 0 : i64, tpu.core_type = #tpu.core_type<tc>} {
    %get3A = arith.constant 0 : index
    %get3A_0 = arith.constant 0 : index
    %get3A_1 = arith.constant 0 : index
    %get3A_2 = vector.load %arg0[%get3A, %get3A_0, %get3A_1] : memref<2x10240x128xf32, #tpu.memory_space<vmem>>, vector<1x10240x128xf32>
    %get3A_3 = vector.shape_cast %get3A_2 : vector<1x10240x128xf32> to vector<10240x128xf32>
    %get3A_4 = arith.constant 1 : index
    %get3A_5 = arith.constant 0 : index
    %get3A_6 = arith.constant 0 : index
    %get3A_7 = vector.load %arg0[%get3A_4, %get3A_5, %get3A_6] : memref<2x10240x128xf32, #tpu.memory_space<vmem>>, vector<1x10240x128xf32>
    %get3A_8 = vector.shape_cast %get3A_7 : vector<1x10240x128xf32> to vector<10240x128xf32>
    %add3A = arith.addf %get3A_3, %get3A_8 : vector<10240x128xf32>
    %get3A_9 = arith.constant 0 : index
    %get3A_10 = arith.constant 0 : index
    %get3A_11 = vector.load %arg1[%get3A_9, %get3A_10] : memref<10240x128xf32, #tpu.memory_space<vmem>>, vector<10240x128xf32>
    %add3A_12 = arith.addf %add3A, %get3A_11 : vector<10240x128xf32>
    %get3A_13 = arith.constant 0 : index
    %get3A_14 = arith.constant 0 : index
    %get3A_15 = vector.load %arg2[%get3A_13, %get3A_14] : memref<1x128xf32, #tpu.memory_space<vmem>>, vector<1x128xf32>
    %get3A_16 = arith.constant 0 : index
    %get3A_17 = arith.constant 0 : index
    %get3A_18 = vector.load %arg3[%get3A_16, %get3A_17] : memref<1x128xf32, #tpu.memory_space<vmem>>, vector<1x128xf32>
    %iota3A = tpu.iota {dimensions = array<i32: 0>} : vector<10240x1xi32>
    %lt3A = arith.constant 10000 : i32
    %lt3A_19 = vector.broadcast %lt3A : i32 to vector<10240x1xi32>
    %lt3A_20 = arith.cmpi slt, %iota3A, %lt3A_19 : vector<10240x1xi32>
    %jit3A = arith.constant 0.000000e+00 : f32
    %broadcast_in_dim3A = vector.shape_cast %lt3A_20 : vector<10240x1xi1> to vector<10240x1xi1>
    %broadcast_in_dim3A_21 = vector.broadcast %broadcast_in_dim3A : vector<10240x1xi1> to vector<10240x128xi1>
    %broadcast_in_dim3A_22 = vector.broadcast %jit3A : f32 to vector<10240x128xf32>
    %select_n3A = arith.select %broadcast_in_dim3A_21, %add3A_12, %broadcast_in_dim3A_22 : vector<10240x128xi1>, vector<10240x128xf32>
    %reduce_sum3A = arith.constant dense<0.000000e+00> : vector<128xf32>
    %reduce_sum3A_23 = vector.multi_reduction <add>, %select_n3A, %reduce_sum3A [0] : vector<10240x128xf32> to vector<128xf32>
    %broadcast_in_dim3A_24 = vector.shape_cast %reduce_sum3A_23 : vector<128xf32> to vector<1x128xf32>
    %div3A = arith.constant 1.000000e+04 : f32
    %div3A_25 = vector.broadcast %div3A : f32 to vector<1x128xf32>
    %div3A_26 = arith.divf %broadcast_in_dim3A_24, %div3A_25 : vector<1x128xf32>
    %sub3A = vector.broadcast %div3A_26 : vector<1x128xf32> to vector<10240x128xf32>
    %sub3A_27 = arith.subf %select_n3A, %sub3A : vector<10240x128xf32>
    %jit3A_28 = arith.constant 0.000000e+00 : f32
    %broadcast_in_dim3A_29 = vector.shape_cast %lt3A_20 : vector<10240x1xi1> to vector<10240x1xi1>
    %broadcast_in_dim3A_30 = vector.broadcast %broadcast_in_dim3A_29 : vector<10240x1xi1> to vector<10240x128xi1>
    %broadcast_in_dim3A_31 = vector.broadcast %jit3A_28 : f32 to vector<10240x128xf32>
    %select_n3A_32 = arith.select %broadcast_in_dim3A_30, %sub3A_27, %broadcast_in_dim3A_31 : vector<10240x128xi1>, vector<10240x128xf32>
    %mul3A = arith.mulf %select_n3A_32, %select_n3A_32 : vector<10240x128xf32>
    %reduce_sum3A_33 = arith.constant dense<0.000000e+00> : vector<128xf32>
    %reduce_sum3A_34 = vector.multi_reduction <add>, %mul3A, %reduce_sum3A_33 [0] : vector<10240x128xf32> to vector<128xf32>
    %broadcast_in_dim3A_35 = vector.shape_cast %reduce_sum3A_34 : vector<128xf32> to vector<1x128xf32>
    %div3A_36 = arith.constant 1.000000e+04 : f32
    %div3A_37 = vector.broadcast %div3A_36 : f32 to vector<1x128xf32>
    %div3A_38 = arith.divf %broadcast_in_dim3A_35, %div3A_37 : vector<1x128xf32>
    %sub3A_39 = vector.broadcast %div3A_26 : vector<1x128xf32> to vector<10240x128xf32>
    %sub3A_40 = arith.subf %select_n3A, %sub3A_39 : vector<10240x128xf32>
    %add3A_41 = arith.constant 9.99999974E-6 : f32
    %add3A_42 = vector.broadcast %add3A_41 : f32 to vector<1x128xf32>
    %add3A_43 = arith.addf %div3A_38, %add3A_42 : vector<1x128xf32>
    %rsqrt3A = math.rsqrt %add3A_43 : vector<1x128xf32>
    %mul3A_44 = vector.broadcast %rsqrt3A : vector<1x128xf32> to vector<10240x128xf32>
    %mul3A_45 = arith.mulf %sub3A_40, %mul3A_44 : vector<10240x128xf32>
    %mul3A_46 = vector.broadcast %get3A_15 : vector<1x128xf32> to vector<10240x128xf32>
    %mul3A_47 = arith.mulf %mul3A_45, %mul3A_46 : vector<10240x128xf32>
    %add3A_48 = vector.broadcast %get3A_18 : vector<1x128xf32> to vector<10240x128xf32>
    %add3A_49 = arith.addf %mul3A_47, %add3A_48 : vector<10240x128xf32>
    %max3A = arith.constant 0.000000e+00 : f32
    %max3A_50 = vector.broadcast %max3A : f32 to vector<10240x128xf32>
    %max3A_51 = arith.maximumf %add3A_49, %max3A_50 : vector<10240x128xf32>
    %jit3A_52 = arith.constant 0.000000e+00 : f32
    %broadcast_in_dim3A_53 = vector.shape_cast %lt3A_20 : vector<10240x1xi1> to vector<10240x1xi1>
    %broadcast_in_dim3A_54 = vector.broadcast %broadcast_in_dim3A_53 : vector<10240x1xi1> to vector<10240x128xi1>
    %broadcast_in_dim3A_55 = vector.broadcast %jit3A_52 : f32 to vector<10240x128xf32>
    %select_n3A_56 = arith.select %broadcast_in_dim3A_54, %max3A_51, %broadcast_in_dim3A_55 : vector<10240x128xi1>, vector<10240x128xf32>
    %get3A_57 = arith.constant 0 : index
    %get3A_58 = arith.constant 0 : index
    %get3A_59 = vector.load %arg4[%get3A_57, %get3A_58] : memref<128x32xf32, #tpu.memory_space<vmem>>, vector<128x32xf32>
    %dot_general3A = arith.constant dense<0.000000e+00> : vector<10240x32xf32>
    %dot_general3A_60 = tpu.matmul %select_n3A_56, %get3A_59, %dot_general3A {dimension_numbers = #tpu.dot_dimension_numbers<[1], [0], [0], [1], [0, 0, 1, 1], [], []>, transpose_lhs_hint = false} : vector<10240x128xf32>, vector<128x32xf32>, vector<10240x32xf32> -> vector<10240x32xf32>
    %swap3A = arith.constant 0 : index
    %swap3A_61 = arith.constant 0 : index
    %swap3A_62 = vector.load %arg7[%swap3A, %swap3A_61] : memref<10240x32xf32, #tpu.memory_space<vmem>>, vector<10240x32xf32>
    tpu.vector_store %arg7[%swap3A, %swap3A_61], %dot_general3A_60 {strides = array<i32>} : memref<10240x32xf32, #tpu.memory_space<vmem>>, vector<10240x32xf32>,
    %get3A_63 = arith.constant 0 : index
    %get3A_64 = arith.constant 0 : index
    %get3A_65 = vector.load %arg5[%get3A_63, %get3A_64] : memref<128x32xf32, #tpu.memory_space<vmem>>, vector<128x32xf32>
    %dot_general3A_66 = arith.constant dense<0.000000e+00> : vector<10240x32xf32>
    %dot_general3A_67 = tpu.matmul %select_n3A_56, %get3A_65, %dot_general3A_66 {dimension_numbers = #tpu.dot_dimension_numbers<[1], [0], [0], [1], [0, 0, 1, 1], [], []>, transpose_lhs_hint = false} : vector<10240x128xf32>, vector<128x32xf32>, vector<10240x32xf32> -> vector<10240x32xf32>
    %get3A_68 = arith.constant 0 : index
    %get3A_69 = arith.constant 0 : index
    %get3A_70 = vector.load %arg6[%get3A_68, %get3A_69] : memref<1x32xf32, #tpu.memory_space<vmem>>, vector<1x32xf32>
    %add3A_71 = vector.broadcast %get3A_70 : vector<1x32xf32> to vector<10240x32xf32>
    %add3A_72 = arith.addf %dot_general3A_67, %add3A_71 : vector<10240x32xf32>
    %swap3A_73 = arith.constant 0 : index
    %swap3A_74 = arith.constant 0 : index
    %swap3A_75 = vector.load %arg8[%swap3A_73, %swap3A_74] : memref<10240x32xf32, #tpu.memory_space<vmem>>, vector<10240x32xf32>
    tpu.vector_store %arg8[%swap3A_73, %swap3A_74], %add3A_72 {strides = array<i32>} : memref<10240x32xf32, #tpu.memory_space<vmem>>, vector<10240x32xf32>,
    return
  }
}

module attributes {stable_mosaic.version = 14 : i64} {
  func.func @_post_body(%arg0: memref<2x10240x32xf32, #tpu.memory_space<vmem>>, %arg1: memref<10240x32xf32, #tpu.memory_space<vmem>>, %arg2: memref<1x32xf32, #tpu.memory_space<vmem>>, %arg3: memref<1x32xf32, #tpu.memory_space<vmem>>, %arg4: memref<10240x32xf32, #tpu.memory_space<vmem>>) attributes {dimension_semantics = [], scalar_prefetch = 0 : i64, scratch_operands = 0 : i64, tpu.core_type = #tpu.core_type<tc>} {
    %get3A = arith.constant 0 : index
    %get3A_0 = arith.constant 0 : index
    %get3A_1 = arith.constant 0 : index
    %get3A_2 = vector.load %arg0[%get3A, %get3A_0, %get3A_1] : memref<2x10240x32xf32, #tpu.memory_space<vmem>>, vector<1x10240x32xf32>
    %get3A_3 = vector.shape_cast %get3A_2 : vector<1x10240x32xf32> to vector<10240x32xf32>
    %get3A_4 = arith.constant 1 : index
    %get3A_5 = arith.constant 0 : index
    %get3A_6 = arith.constant 0 : index
    %get3A_7 = vector.load %arg0[%get3A_4, %get3A_5, %get3A_6] : memref<2x10240x32xf32, #tpu.memory_space<vmem>>, vector<1x10240x32xf32>
    %get3A_8 = vector.shape_cast %get3A_7 : vector<1x10240x32xf32> to vector<10240x32xf32>
    %add3A = arith.addf %get3A_3, %get3A_8 : vector<10240x32xf32>
    %get3A_9 = arith.constant 0 : index
    %get3A_10 = arith.constant 0 : index
    %get3A_11 = vector.load %arg1[%get3A_9, %get3A_10] : memref<10240x32xf32, #tpu.memory_space<vmem>>, vector<10240x32xf32>
    %add3A_12 = arith.addf %add3A, %get3A_11 : vector<10240x32xf32>
    %get3A_13 = arith.constant 0 : index
    %get3A_14 = arith.constant 0 : index
    %get3A_15 = vector.load %arg2[%get3A_13, %get3A_14] : memref<1x32xf32, #tpu.memory_space<vmem>>, vector<1x32xf32>
    %get3A_16 = arith.constant 0 : index
    %get3A_17 = arith.constant 0 : index
    %get3A_18 = vector.load %arg3[%get3A_16, %get3A_17] : memref<1x32xf32, #tpu.memory_space<vmem>>, vector<1x32xf32>
    %iota3A = tpu.iota {dimensions = array<i32: 0>} : vector<10240x1xi32>
    %lt3A = arith.constant 10000 : i32
    %lt3A_19 = vector.broadcast %lt3A : i32 to vector<10240x1xi32>
    %lt3A_20 = arith.cmpi slt, %iota3A, %lt3A_19 : vector<10240x1xi32>
    %jit3A = arith.constant 0.000000e+00 : f32
    %broadcast_in_dim3A = vector.shape_cast %lt3A_20 : vector<10240x1xi1> to vector<10240x1xi1>
    %broadcast_in_dim3A_21 = vector.broadcast %broadcast_in_dim3A : vector<10240x1xi1> to vector<10240x32xi1>
    %broadcast_in_dim3A_22 = vector.broadcast %jit3A : f32 to vector<10240x32xf32>
    %select_n3A = arith.select %broadcast_in_dim3A_21, %add3A_12, %broadcast_in_dim3A_22 : vector<10240x32xi1>, vector<10240x32xf32>
    %reduce_sum3A = arith.constant dense<0.000000e+00> : vector<32xf32>
    %reduce_sum3A_23 = vector.multi_reduction <add>, %select_n3A, %reduce_sum3A [0] : vector<10240x32xf32> to vector<32xf32>
    %broadcast_in_dim3A_24 = vector.shape_cast %reduce_sum3A_23 : vector<32xf32> to vector<1x32xf32>
    %div3A = arith.constant 1.000000e+04 : f32
    %div3A_25 = vector.broadcast %div3A : f32 to vector<1x32xf32>
    %div3A_26 = arith.divf %broadcast_in_dim3A_24, %div3A_25 : vector<1x32xf32>
    %sub3A = vector.broadcast %div3A_26 : vector<1x32xf32> to vector<10240x32xf32>
    %sub3A_27 = arith.subf %select_n3A, %sub3A : vector<10240x32xf32>
    %jit3A_28 = arith.constant 0.000000e+00 : f32
    %broadcast_in_dim3A_29 = vector.shape_cast %lt3A_20 : vector<10240x1xi1> to vector<10240x1xi1>
    %broadcast_in_dim3A_30 = vector.broadcast %broadcast_in_dim3A_29 : vector<10240x1xi1> to vector<10240x32xi1>
    %broadcast_in_dim3A_31 = vector.broadcast %jit3A_28 : f32 to vector<10240x32xf32>
    %select_n3A_32 = arith.select %broadcast_in_dim3A_30, %sub3A_27, %broadcast_in_dim3A_31 : vector<10240x32xi1>, vector<10240x32xf32>
    %mul3A = arith.mulf %select_n3A_32, %select_n3A_32 : vector<10240x32xf32>
    %reduce_sum3A_33 = arith.constant dense<0.000000e+00> : vector<32xf32>
    %reduce_sum3A_34 = vector.multi_reduction <add>, %mul3A, %reduce_sum3A_33 [0] : vector<10240x32xf32> to vector<32xf32>
    %broadcast_in_dim3A_35 = vector.shape_cast %reduce_sum3A_34 : vector<32xf32> to vector<1x32xf32>
    %div3A_36 = arith.constant 1.000000e+04 : f32
    %div3A_37 = vector.broadcast %div3A_36 : f32 to vector<1x32xf32>
    %div3A_38 = arith.divf %broadcast_in_dim3A_35, %div3A_37 : vector<1x32xf32>
    %sub3A_39 = vector.broadcast %div3A_26 : vector<1x32xf32> to vector<10240x32xf32>
    %sub3A_40 = arith.subf %select_n3A, %sub3A_39 : vector<10240x32xf32>
    %add3A_41 = arith.constant 9.99999974E-6 : f32
    %add3A_42 = vector.broadcast %add3A_41 : f32 to vector<1x32xf32>
    %add3A_43 = arith.addf %div3A_38, %add3A_42 : vector<1x32xf32>
    %rsqrt3A = math.rsqrt %add3A_43 : vector<1x32xf32>
    %mul3A_44 = vector.broadcast %rsqrt3A : vector<1x32xf32> to vector<10240x32xf32>
    %mul3A_45 = arith.mulf %sub3A_40, %mul3A_44 : vector<10240x32xf32>
    %mul3A_46 = vector.broadcast %get3A_15 : vector<1x32xf32> to vector<10240x32xf32>
    %mul3A_47 = arith.mulf %mul3A_45, %mul3A_46 : vector<10240x32xf32>
    %add3A_48 = vector.broadcast %get3A_18 : vector<1x32xf32> to vector<10240x32xf32>
    %add3A_49 = arith.addf %mul3A_47, %add3A_48 : vector<10240x32xf32>
    %max3A = arith.constant 0.000000e+00 : f32
    %max3A_50 = vector.broadcast %max3A : f32 to vector<10240x32xf32>
    %max3A_51 = arith.maximumf %add3A_49, %max3A_50 : vector<10240x32xf32>
    %jit3A_52 = arith.constant 0.000000e+00 : f32
    %broadcast_in_dim3A_53 = vector.shape_cast %lt3A_20 : vector<10240x1xi1> to vector<10240x1xi1>
    %broadcast_in_dim3A_54 = vector.broadcast %broadcast_in_dim3A_53 : vector<10240x1xi1> to vector<10240x32xi1>
    %broadcast_in_dim3A_55 = vector.broadcast %jit3A_52 : f32 to vector<10240x32xf32>
    %select_n3A_56 = arith.select %broadcast_in_dim3A_54, %max3A_51, %broadcast_in_dim3A_55 : vector<10240x32xi1>, vector<10240x32xf32>
    %swap3A = arith.constant 0 : index
    %swap3A_57 = arith.constant 0 : index
    %swap3A_58 = vector.load %arg4[%swap3A, %swap3A_57] : memref<10240x32xf32, #tpu.memory_space<vmem>>, vector<10240x32xf32>
    tpu.vector_store %arg4[%swap3A, %swap3A_57], %select_n3A_56 {strides = array<i32>} : memref<10240x32xf32, #tpu.memory_space<vmem>>, vector<10240x32xf32>,
    return
  }
}

module attributes {stable_mosaic.version = 14 : i64} {
  func.func @_pre_body(%arg0: memref<10240x160xf32, #tpu.memory_space<vmem>>, %arg1: memref<160x128xf32, #tpu.memory_space<vmem>>, %arg2: memref<160x128xf32, #tpu.memory_space<vmem>>, %arg3: memref<1x128xf32, #tpu.memory_space<vmem>>, %arg4: memref<10240x128xf32, #tpu.memory_space<vmem>>, %arg5: memref<10240x128xf32, #tpu.memory_space<vmem>>) attributes {dimension_semantics = [], scalar_prefetch = 0 : i64, scratch_operands = 0 : i64, tpu.core_type = #tpu.core_type<tc>} {
    %get3A = arith.constant 0 : index
    %get3A_0 = arith.constant 0 : index
    %get3A_1 = vector.load %arg0[%get3A, %get3A_0] : memref<10240x160xf32, #tpu.memory_space<vmem>>, vector<10240x160xf32>
    %get3A_2 = arith.constant 0 : index
    %get3A_3 = arith.constant 0 : index
    %get3A_4 = vector.load %arg1[%get3A_2, %get3A_3] : memref<160x128xf32, #tpu.memory_space<vmem>>, vector<160x128xf32>
    %dot_general3A = arith.constant dense<0.000000e+00> : vector<10240x128xf32>
    %dot_general3A_5 = tpu.matmul %get3A_1, %get3A_4, %dot_general3A {dimension_numbers = #tpu.dot_dimension_numbers<[1], [0], [0], [1], [0, 0, 1, 1], [], []>, transpose_lhs_hint = false} : vector<10240x160xf32>, vector<160x128xf32>, vector<10240x128xf32> -> vector<10240x128xf32>
    %swap3A = arith.constant 0 : index
    %swap3A_6 = arith.constant 0 : index
    %swap3A_7 = vector.load %arg4[%swap3A, %swap3A_6] : memref<10240x128xf32, #tpu.memory_space<vmem>>, vector<10240x128xf32>
    tpu.vector_store %arg4[%swap3A, %swap3A_6], %dot_general3A_5 {strides = array<i32>} : memref<10240x128xf32, #tpu.memory_space<vmem>>, vector<10240x128xf32>,
    %get3A_8 = arith.constant 0 : index
    %get3A_9 = arith.constant 0 : index
    %get3A_10 = vector.load %arg2[%get3A_8, %get3A_9] : memref<160x128xf32, #tpu.memory_space<vmem>>, vector<160x128xf32>
    %dot_general3A_11 = arith.constant dense<0.000000e+00> : vector<10240x128xf32>
    %dot_general3A_12 = tpu.matmul %get3A_1, %get3A_10, %dot_general3A_11 {dimension_numbers = #tpu.dot_dimension_numbers<[1], [0], [0], [1], [0, 0, 1, 1], [], []>, transpose_lhs_hint = false} : vector<10240x160xf32>, vector<160x128xf32>, vector<10240x128xf32> -> vector<10240x128xf32>
    %get3A_13 = arith.constant 0 : index
    %get3A_14 = arith.constant 0 : index
    %get3A_15 = vector.load %arg3[%get3A_13, %get3A_14] : memref<1x128xf32, #tpu.memory_space<vmem>>, vector<1x128xf32>
    %add3A = vector.broadcast %get3A_15 : vector<1x128xf32> to vector<10240x128xf32>
    %add3A_16 = arith.addf %dot_general3A_12, %add3A : vector<10240x128xf32>
    %swap3A_17 = arith.constant 0 : index
    %swap3A_18 = arith.constant 0 : index
    %swap3A_19 = vector.load %arg5[%swap3A_17, %swap3A_18] : memref<10240x128xf32, #tpu.memory_space<vmem>>, vector<10240x128xf32>
    tpu.vector_store %arg5[%swap3A_17, %swap3A_18], %add3A_16 {strides = array<i32>} : memref<10240x128xf32, #tpu.memory_space<vmem>>, vector<10240x128xf32>,
    return
  }
}

module attributes {stable_mosaic.version = 14 : i64} {
  func.func @_pre_body(%arg0: memref<10240x192xf32, #tpu.memory_space<vmem>>, %arg1: memref<192x128xf32, #tpu.memory_space<vmem>>, %arg2: memref<192x128xf32, #tpu.memory_space<vmem>>, %arg3: memref<1x128xf32, #tpu.memory_space<vmem>>, %arg4: memref<10240x128xf32, #tpu.memory_space<vmem>>, %arg5: memref<10240x128xf32, #tpu.memory_space<vmem>>) attributes {dimension_semantics = [], scalar_prefetch = 0 : i64, scratch_operands = 0 : i64, tpu.core_type = #tpu.core_type<tc>} {
    %get3A = arith.constant 0 : index
    %get3A_0 = arith.constant 0 : index
    %get3A_1 = vector.load %arg0[%get3A, %get3A_0] : memref<10240x192xf32, #tpu.memory_space<vmem>>, vector<10240x192xf32>
    %get3A_2 = arith.constant 0 : index
    %get3A_3 = arith.constant 0 : index
    %get3A_4 = vector.load %arg1[%get3A_2, %get3A_3] : memref<192x128xf32, #tpu.memory_space<vmem>>, vector<192x128xf32>
    %dot_general3A = arith.constant dense<0.000000e+00> : vector<10240x128xf32>
    %dot_general3A_5 = tpu.matmul %get3A_1, %get3A_4, %dot_general3A {dimension_numbers = #tpu.dot_dimension_numbers<[1], [0], [0], [1], [0, 0, 1, 1], [], []>, transpose_lhs_hint = false} : vector<10240x192xf32>, vector<192x128xf32>, vector<10240x128xf32> -> vector<10240x128xf32>
    %swap3A = arith.constant 0 : index
    %swap3A_6 = arith.constant 0 : index
    %swap3A_7 = vector.load %arg4[%swap3A, %swap3A_6] : memref<10240x128xf32, #tpu.memory_space<vmem>>, vector<10240x128xf32>
    tpu.vector_store %arg4[%swap3A, %swap3A_6], %dot_general3A_5 {strides = array<i32>} : memref<10240x128xf32, #tpu.memory_space<vmem>>, vector<10240x128xf32>,
    %get3A_8 = arith.constant 0 : index
    %get3A_9 = arith.constant 0 : index
    %get3A_10 = vector.load %arg2[%get3A_8, %get3A_9] : memref<192x128xf32, #tpu.memory_space<vmem>>, vector<192x128xf32>
    %dot_general3A_11 = arith.constant dense<0.000000e+00> : vector<10240x128xf32>
    %dot_general3A_12 = tpu.matmul %get3A_1, %get3A_10, %dot_general3A_11 {dimension_numbers = #tpu.dot_dimension_numbers<[1], [0], [0], [1], [0, 0, 1, 1], [], []>, transpose_lhs_hint = false} : vector<10240x192xf32>, vector<192x128xf32>, vector<10240x128xf32> -> vector<10240x128xf32>
    %get3A_13 = arith.constant 0 : index
    %get3A_14 = arith.constant 0 : index
    %get3A_15 = vector.load %arg3[%get3A_13, %get3A_14] : memref<1x128xf32, #tpu.memory_space<vmem>>, vector<1x128xf32>
    %add3A = vector.broadcast %get3A_15 : vector<1x128xf32> to vector<10240x128xf32>
    %add3A_16 = arith.addf %dot_general3A_12, %add3A : vector<10240x128xf32>
    %swap3A_17 = arith.constant 0 : index
    %swap3A_18 = arith.constant 0 : index
    %swap3A_19 = vector.load %arg5[%swap3A_17, %swap3A_18] : memref<10240x128xf32, #tpu.memory_space<vmem>>, vector<10240x128xf32>
    tpu.vector_store %arg5[%swap3A_17, %swap3A_18], %add3A_16 {strides = array<i32>} : memref<10240x128xf32, #tpu.memory_space<vmem>>, vector<10240x128xf32>,
    return
  }
}

</mosaic_0001>

<sc_bundles>
// kernel: kernel.17.cloned.1.call-start
scs
__scs_entry_jumppad:
0x0: {  	(pc) =	sbr.rel $0x88, $3  }
0x1: {  	(tag) =	ssettag $0x0;
	lr =	simm.s32 $0x1  }
0x2: {  	[smem:$0x3F81] =	sst lr;
	_ =	strace $0xD0000000  }
0x3: {  	_ = 	snop  }
0x4: {  	_ = 	snop  }
0x5: {  	_ = 	snop  }
0x6: {  	_ = 	snop  }
0x7: {  	_ = 	snop  }
__scs_overlays_trampoline_lowered:
0x8: {  	[smem:$0x3F90] =	sst s0  }
0x9: {  	[smem:$0x3F91] =	sst s1  }
0xa: {  	[smem:$0x3F92] =	sst s2  }
0xb: {  	[smem:$0x3F93] =	sst s3  }
0xc: {  	[smem:$0x3F94] =	sst s4  }
0xd: {  	[smem:$0x3F95] =	sst s5  }
0xe: {  	[smem:$0x3F96] =	sst s6  }
0xf: {  	[smem:$0x3F97] =	sst s7  }
0x10: {  	[smem:$0x3F98] =	sst s8  }
0x11: {  	[smem:$0x3F99] =	sst s9;
	s0 =	simm.s32 @!p0 $0x0  }
0x12: {  	s1 =	sld [smem:$0x3F7F];
	s0 =	simm.s32 @p0 $0x1  }
0x13: {  	[smem:$0x3F9A] =	sst s0;
	s0 =	simm.s32 @!p1 $0x0  }
0x14: {  	s2 =	sld [smem:$0x3F7E];
	s0 =	simm.s32 @p1 $0x1  }
0x15: {  	[smem:$0x3F9B] =	sst s0;
	s0 =	simm.s32 @!p2 $0x0  }
0x16: {  	s3 =	sld [smem:$0x3FDB];
	s0 =	simm.s32 @p2 $0x1  }
0x17: {  	s4 =	simm.s32 $0x1BF5;
	[smem:$0x3F9D] =	sst s0  }
0x18: {  	s0 =	sld [smem:$0x3F80];
	_ =	swait.ge [sflag:s4], $0x0  }
0x19: {  	s7 =	sld [smem:$0x3F81]  }
0x1a: {  	s8 =	sadd.s32 $0xFFFFE003, lr  }
0x1b: {  	s9 =	sadd.s32 $0xFFFFFEF7, lr;
	s5 =	simm.s32 $0xFFFFFFFF;
	p2 =	slt.u32 s8, $0xFFFFF086  }
0x1c: {  	p1 =	slt.u32 s9, $0xF7A;
	s5 =	simm.s32 @!p2 $0x0  }
0x1d: {  	s5 =	simm.s32 @p1 $0x1;
	p0 =	seq.s32 s7, s2  }
0x1e: {  	s7 =	smul.u32 @!p0 $0xF7A, s2;
	p2 =	seq.s32 @!p0 s5, $0x0  }
0x1f: {  	s9 =	smul.u32 $0xF7A, s1;
	s8 =	simm.s32 @!p0 $0x1BF5;
	p2 =	por !p2, p0  }
0x20: {  	[sflag:s8] =	ssyncset.s32 @!p0 $0xFFFFF086;
	s6 =	sadd.s32 @!p0 s3, s7;
	s7 =	simm.s32 @!p0 $0x108  }
0x21: {  	s3 =	sadd.s32 s3, s9;
	s6 =	sadd.s32 @!p0 $0x88, s6;
	s7 =	simm.s32 @p2 $0x1082  }
0x22: {  	[simem:s7], [sflag:s8] =	dma.local @!p0 [hbm:s6], $0xF7A  }
0x23: {  	s9 =	sor.u32 $0xD0000000, s2;
	s6 =	simm.s32 $0x108;
	_ =	swait.ge @!p0 [sflag:s8], $0x0  }
0x24: {  	s3 =	sadd.s32 $0x88, s3;
	s6 =	simm.s32 @!p1 $0x1082;
	[sflag:s4] =	ssyncset.s32 $0xFFFFF086  }
0x25: {  	[simem:s6], [sflag:s4] =	dma.local [hbm:s3], $0xF7A  }
0x26: {  	[smem:$0x3F81] =	sst s1;
	(tag) =	ssettag s2;
	_ =	strace s9  }
0x27: {  	s1 =	sld [smem:$0x3F91]  }
0x28: {  	s2 =	sld [smem:$0x3F92]  }
0x29: {  	s4 =	sld [smem:$0x3F94]  }
0x2a: {  	p0 =	seq.s32 s5, $0x0;
	s5 =	sld [smem:$0x3F95]  }
0x2b: {  	s6 =	sld [smem:$0x3F96]  }
0x2c: {  	s7 =	sld [smem:$0x3F97]  }
0x2d: {  	s3 =	simm.s32 $0x108;
	s8 =	sld [smem:$0x3F98]  }
0x2e: {  	s3 =	simm.s32 @!p0 $0x1082;
	s9 =	sld [smem:$0x3F99]  }
0x2f: {  	lr =	sadd.s32 s0, s3;
	s0 =	sld [smem:$0x3F90]  }
0x30: {  	s3 =	sld [smem:$0x3F93]  }
0x31: {  	[smem:$0x3F9C] =	sst s10  }
0x32: {  	s10 =	sld [smem:$0x3F9A];
	_ =	sdelay $0x3  }
0x33: {  	p0 =	seq.s32 s10, $0x1;
	s10 =	sld [smem:$0x3F9C];
	_ =	sdelay $0x3  }
0x34: {  	[smem:$0x3F9C] =	sst s10  }
0x35: {  	s10 =	sld [smem:$0x3F9B];
	_ =	sdelay $0x3  }
0x36: {  	p1 =	seq.s32 s10, $0x1;
	s10 =	sld [smem:$0x3F9C];
	_ =	sdelay $0x3  }
0x37: {  	[smem:$0x3F9C] =	sst s10  }
0x38: {  	s10 =	sld [smem:$0x3F9D]  }
0x39: {  	_ = 	snop;
	(pc) =	sbr.ind lr, $3  }
0x3a: {  	_ = 	snop  }
0x3b: {  	_ = 	snop  }
0x3c: {  	p2 =	seq.s32 s10, $0x1;
	s10 =	sld [smem:$0x3F9C]  }
0x3d: {  	_ =	shalt  }
0x3e: {  	_ =	shalt  }
0x3f: {  	_ =	shalt  }
0x40: {  	_ =	shalt  }
0x41: {  	_ =	shalt  }
0x42: {  	_ =	shalt  }
0x43: {  	_ =	shalt  }
0x44: {  	_ =	shalt  }
0x45: {  	_ =	shalt  }
0x46: {  	_ =	shalt  }
0x47: {  	_ =	shalt  }
0x48: {  	_ =	shalt  }
0x49: {  	_ =	shalt  }
0x4a: {  	_ =	shalt  }
0x4b: {  	_ =	shalt  }
0x4c: {  	_ =	shalt  }
0x4d: {  	_ =	shalt  }
0x4e: {  	_ =	shalt  }
0x4f: {  	_ =	shalt  }
0x50: {  	_ =	shalt  }
0x51: {  	_ =	shalt  }
0x52: {  	_ =	shalt  }
0x53: {  	_ =	shalt  }
0x54: {  	_ =	shalt  }
0x55: {  	_ =	shalt  }
0x56: {  	_ =	shalt  }
0x57: {  	_ =	shalt  }
0x58: {  	_ =	shalt  }
0x59: {  	_ =	shalt  }
0x5a: {  	_ =	shalt  }
0x5b: {  	_ =	shalt  }
0x5c: {  	_ =	shalt  }
0x5d: {  	_ =	shalt  }
0x5e: {  	_ =	shalt  }
0x5f: {  	_ =	shalt  }
0x60: {  	_ =	shalt  }
0x61: {  	_ =	shalt  }
0x62: {  	_ =	shalt  }
0x63: {  	_ =	shalt  }
0x64: {  	_ =	shalt  }
0x65: {  	_ =	shalt  }
0x66: {  	_ =	shalt  }
0x67: {  	_ =	shalt  }
0x68: {  	_ =	shalt  }
0x69: {  	_ =	shalt  }
0x6a: {  	_ =	shalt  }
0x6b: {  	_ =	shalt  }
0x6c: {  	_ =	shalt  }
0x6d: {  	_ =	shalt  }
0x6e: {  	_ =	shalt  }
0x6f: {  	_ =	shalt  }
0x70: {  	_ =	shalt  }
0x71: {  	_ =	shalt  }
0x72: {  	_ =	shalt  }
0x73: {  	_ =	shalt  }
0x74: {  	_ =	shalt  }
0x75: {  	_ =	shalt  }
0x76: {  	_ =	shalt  }
0x77: {  	_ =	shalt  }
0x78: {  	_ =	shalt  }
0x79: {  	_ =	shalt  }
0x7a: {  	_ =	shalt  }
0x7b: {  	_ =	shalt  }
0x7c: {  	_ =	shalt  }
0x7d: {  	_ =	shalt  }
0x7e: {  	_ =	shalt  }
0x7f: {  	_ =	shalt  }
0x80: {  	_ =	shalt  }
0x81: {  	_ =	shalt  }
0x82: {  	_ =	shalt  }
0x83: {  	_ =	shalt  }
0x84: {  	_ =	shalt  }
0x85: {  	_ =	shalt  }
0x86: {  	_ =	shalt  }
0x87: {  	_ =	shalt  }
.Lfunc_end0:
.L_simem_size_0:
called_computation_lowered:
.L_overlay_start_0:
0x88: {  	s2 =	sld [smem:$0x3FD9]  }
0x89: {  	s3 =	sld [smem:$0x3FFE];
	_ =	sdelay $0x1  }
0x8a: {  	s1 =	srdreg.scid  }
0x8b: {  	s0 =	sand.u32 $0x1, s1  }
0x8c: {  	s17 =	sshll.u32 s0, $0xA;
	s2 =	sadd.s32 s3, s2  }
0x8d: {  	s2 =	sadd.s32 s2, s17  }
0x8e: {  	[smem:$0x3FA8] =	sst s2  }
0x8f: {  	_ = 	snop  }
0x90: {  	s2 =	sld [smem:$0x3FD0];
	(tm) =	ssettm $0x1  }
0x91: {  	s18 =	sld [smem:$0x3FFB];
	_ =	sdelay $0x3  }
0x92: {  	_ =	strace s18  }
0x93: {  	s3 =	sld [smem:$0x3FFC];
	_ =	sdelay $0x3  }
0x94: {  	_ =	strace s3  }
0x95: {  	s3 =	sld [smem:$0x3FFD];
	_ =	sdelay $0x3  }
0x96: {  	_ =	strace s3  }
0x97: {  	_ =	strace $0x8FFFFFFF  }
0x98: {  	s19 =	sld [smem:$0x3FDB];
	_ =	sdelay $0x1  }
0x99: {  	s4 =	simm.s32 $_scs_section_size  }
0x9a: {  	s5 =	simm.s32 $_size__tile_overlayer_lowered;
	s6 =	simm.s32 $_tile_overlayer_lowered  }
0x9b: {  	s22 =	simm.s32 $0x1BFF;
	s21 =	sshll.u32 s6, $0x1;
	s3 =	sadd.s32 s4, s19  }
0x9c: {  	s7 =	simm.s32 $0x0;
	s20 =	sshll.u32 s5, $0x1;
	s5 =	sadd.s32 s21, s3  }
0x9d: {  	[timem:s7], [sflag:s22] =	dma.local [hbm:s5], s20  }
0x9e: {  	_ =	swait.ge [sflag:s22], s20  }
0x9f: {  	s4 =	ssub.s32 $0x0, s20;
	[sflag:s22] =	ssyncset.done $0x0  }
0xa0: {  	[sflag:s22] =	ssyncadd.s32 s4;
	_ =	sdelay $0x1  }
0xa1: {  	s23 =	simm.s32 $0x1B8B  }
0xa2: {  	_ =	swait.ge [sflag:s23], $0x1  }
0xa3: {  	[sflag:s23] =	ssyncset.done $0x0  }
0xa4: {  	s25 =	simm.s32 $0x1B8E;
	s24 =	sld [smem:$0x3FFE];
	[sflag:s23] =	ssyncadd.s32 $0xFFFFFFFF  }
0xa5: {  	s26 =	simm.s32 $execute0_lowered;
	[smem:$0x3FD2] =	sst s25  }
0xa6: {  	s5 =	sshll.u32 s26, $0x1;
	_ =	strace $0x80000046;
	[dreg:$0x1] =	wrdreg $0xFFFFFFFF  }
0xa7: {  	s28 =	simm.s32 $_size_execute0_lowered;
	s3 =	sadd.s32 s3, s5;
	[dreg:$0x0] =	wrdreg $0x0  }
0xa8: {  	s5 =	sshll.u32 s28, $0x1;
	[dreg:$0x2] =	wrdreg s3  }
0xa9: {  	[dreg:$0x3] =	wrdreg s5  }
0xaa: {  	[dreg:$0x4] =	wrdreg $0xC0  }
0xab: {  	_ =	task [dreg:s7], $0x5FFFF  }
0xac: {  	[dreg:$0x1] =	wrdreg $0xFFFFFFFF  }
0xad: {  	[dreg:$0x0] =	wrdreg $0x60  }
0xae: {  	[dreg:$0x2] =	wrdreg s2  }
0xaf: {  	[dreg:$0x3] =	wrdreg s24  }
0xb0: {  	[dreg:$0x4] =	wrdreg $0xA8000  }
0xb1: {  	[dreg:$0x5] =	wrdreg $0x9  }
0xb2: {  	_ =	task.clear_ibuf [dreg:s7], $0x6FFFF;
	_ =	strace $0x90000046  }
0xb3: {  	s29 =	simm.s32 $0x9;
	_ =	strace $0x80000048  }
0xb4: {  	_ =	swait.ge [sflag:s29], $0x1  }
0xb5: {  	[sflag:s29] =	ssyncadd.s32 $0xFFFFFFFF  }
0xb6: {  	_ =	strace $0x90000048  }
0xb7: {  	_ =	sfence  }
0xb8: {  	s30 =	sld [smem:$0x0];
	_ =	sdelay $0x2  }
0xb9: {  	s31 =	sshll.u32 s1, $0xD;
	s1 =	sshrl.u32 s1, $0x2  }
0xba: {  	s3 =	sand.u32 $0x4000, s31;
	s1 =	sadd.s32 s1, s30  }
0xbb: {  	s0 =	sor.u32 s3, s0;
	s1 =	sshll.u32 s1, $0x11  }
0xbc: {  	s0 =	sor.u32 s1, s0  }
0xbd: {  	s0 =	sadd.s32 $0x8F2B, s0  }
0xbe: {  	[sflag:s0] =	ssyncadd.remote.s32 $0x1  }
0xbf: {  	_ =	sfence.sel $0xFFFF  }
0xc0: {  	[dreg:$0x0] =	wrdreg $0xFFFFFFFF;
	(pc) =	sbr.abs _section_cstart, $3  }
0xc1: {  	[dreg:$0x1] =	wrdreg $0xFFFFFFFF  }
0xc2: {  	_ =	task.clear_ibuf [dreg:s7], $0x2FFFF;
	_ =	strace $0x9FFFFFFF  }
0xc3: {  	(tm) =	ssettm $0x7FFFFFFF  }
tec
execute0_lowered:
.L_overlay_start_1:
0x0: {  	(tag) =	ssettag $0x1  }
0x1: {  	s1 =	rddreg [dreg:$0x0]  }
0x2: {  	s5 =	rddreg [dreg:$0x1]  }
0x3: {  	s3 =	rddreg [dreg:$0x2]  }
0x4: {  	s0 =	rddreg [dreg:$0x3];
	s4 =	simm.s32 $0x0;
	s2 =	stileid.u32  }
0x5: {  	s6 =	srdreg.scid;
	s15 =	simm.s32 $0x1400;
	s16 =	simm.s32 $0x80  }
0x6: {  	s17 =	simm.s32 $0x2800;
	s18 =	simm.s32 $0x6800;
	s19 =	simm.s32 $0x1  }
0x7: {  	s20 =	simm.s32 $0x2;
	s21 =	simm.s32 $0x2700;
	s22 =	simm.s32 $0x2780  }
0x8: {  	s23 =	simm.s32 $0x0;
	[smem:$0x7FF] =	sst s4;
	s7 =	smul.u32 $0x14000, s2  }
0x9: {  	s6 =	sand.u32 $0x1, s6;
	s9 =	sadd.s32 $0x6C00, s5;
	s10 =	sadd.s32 $0x10C00, s5  }
0xa: {  	s30 =	sshll.u32 s2, $0x6;
	_ =	strace $0x80000047;
	s8 =	smul.u32 $0x140000, s6  }
0xb: {  	s12 =	sshll.u32 s6, $0x4;
	s6 =	ssub.s32 $0x2, s6;
	s11 =	sshrl.u32 s7, $0x3  }
0xc: {  	s12 =	sor.u32 s2, s12;
	s26 =	sshrl.u32 s6, $0x1;
	s14 =	sadd.s32 s7, s3  }
0xd: {  	s11 =	sadd.s32 s11, s5;
	s8 =	sadd.s32 s7, s8;
	s28 =	smul.u32 $0x2800, s12  }
0xe: {  	s29 =	ssub.s32 s6, s26;
	s6 =	sor.u32 $0x1C03, s30;
	s8 =	sshrl.u32 s8, $0x3  }
0xf: {  	s12 =	smax.u32 s29, $0x1;
	s13 =	sadd.s32 s8, s5;
	s31 =	sshrl.u32 s28, $0x3  }
0x10: {  	s5 =	sadd.s32 $0x1AC00, s11;
	s7 =	sadd.s32 s9, s31;
	s11 =	sadd.s32 $0x280, s31  }
0x11: {  	s8 =	sadd.s32 s10, s31;
	s9 =	sadd.s32 s9, s11;
	s10 =	sadd.s32 s10, s11  }
0x12: {  	s11 =	sadd.s32 $0x42C00, s13;
	s13 =	sshrl.u32 s14, $0x3;
	s14 =	simm.s32 $0x3  }
.LBB2_1:
0x13: {  	[spmem:s13], [sflag:s6] =	dma.local [hbm:s5], $0x2800  }
0x14: {  	_ =	swait.ge [sflag:s14], $0x2800  }
0x15: {  	[sflag:s14] =	ssyncset.done $0x0  }
0x16: {  	[sflag:s14] =	ssyncadd.s32 $0xFFFFD800  }
0x17: {  	[tilespmem:s4], [sflag:$0x3] =	stream.linear.gather [hbm4b:s7+s4], $0x1400, $0x38;
	[tilespmem:$0x1E800] =	vst v63  }
0x18: {  	_ =	swait.ge [sflag:s14], $0x1400  }
0x19: {  	[sflag:s14] =	ssyncset.done $0x0  }
0x1a: {  	[sflag:s14] =	ssyncadd.s32 $0xFFFFEC00  }
0x1b: {  	[tilespmem:s15], [sflag:$0x3] =	stream.linear.gather [hbm4b:s8+s4], $0x1400, $0x38;
	[tilespmem:$0x1E800] =	vst v63  }
0x1c: {  	_ =	swait.ge [sflag:s14], $0x1400  }
0x1d: {  	[sflag:s14] =	ssyncset.done $0x0  }
0x1e: {  	[sflag:s14] =	ssyncadd.s32 $0xFFFFEC00  }
0x1f: {  	[bflag:$0x0] =	sbarrier.arrive $0xFFFF  }
0x20: {  	[tilespmem:s17], [sflag:$0x1] =	stream.indirect.gather [hbm4b:s1+s16], $0x80, s4, s16, $0xb8;
	[tilespmem:$0x1E800] =	vst v63  }
0x21: {  	_ = 	snop  }
0x22: {  	[tilespmem:s18], [sflag:$0x2] =	stream.indirect.gather [hbm4b:s1+s16], $0x80, s16, s16, $0xb8;
	[tilespmem:$0x1E800] =	vst v63  }
0x23: {  	_ =	swait.ge [sflag:s19], $0x4000  }
0x24: {  	[sflag:s19] =	ssyncset.done $0x0  }
0x25: {  	s24 =	simm.s32 $0x1400;
	[sflag:s19] =	ssyncadd.s32 $0xFFFFC000  }
0x26: {  	[spmem:s3] =	stream.indirect.scatter.add.f32 [tilespmem:s17], [sflag:$0x3], $0x80, s24, s16, $0xb8;
	[tilespmem:$0x1E800] =	vst v63  }
0x27: {  	_ =	swait.ge [sflag:s14], $0x4000  }
0x28: {  	[sflag:s14] =	ssyncset.done $0x0  }
0x29: {  	s30 =	simm.s32 $0x100;
	[sflag:s14] =	ssyncadd.s32 $0xFFFFC000  }
0x2a: {  	[tilespmem:s17], [sflag:$0x1] =	stream.indirect.gather [hbm4b:s1+s16], $0x80, s30, s16, $0xb8;
	[tilespmem:$0x1E800] =	vst v63  }
0x2b: {  	_ =	swait.ge [sflag:s20], $0x4000  }
0x2c: {  	[sflag:s20] =	ssyncset.done $0x0  }
0x2d: {  	s31 =	simm.s32 $0x1480;
	[sflag:s20] =	ssyncadd.s32 $0xFFFFC000  }
0x2e: {  	[spmem:s3] =	stream.indirect.scatter.add.f32 [tilespmem:s18], [sflag:$0x3], $0x80, s31, s16, $0xb8;
	[tilespmem:$0x1E800] =	vst v63  }
0x2f: {  	_ =	swait.ge [sflag:s14], $0x4000  }
0x30: {  	[sflag:s14] =	ssyncset.done $0x0  }
0x31: {  	s25 =	simm.s32 $0x180;
	s24 =	simm.s32 $0x400;
	[sflag:s14] =	ssyncadd.s32 $0xFFFFC000  }
.LBB2_2:
0x32: {  	[tilespmem:s18], [sflag:$0x2] =	stream.indirect.gather [hbm4b:s1+s16], $0x80, s25, s16, $0xb8;
	[tilespmem:$0x1E800] =	vst v63  }
0x33: {  	s25 =	smov.u32 s24  }
0x34: {  	p0 =	sne.s32 s24, $0x4800;
	s24 =	sadd.s32 $0x400, s24;
	_ =	swait.ge [sflag:s19], $0x4000  }
0x35: {  	s25 =	sshra.s32 s25, $0x2;
	[sflag:s19] =	ssyncset.done $0x0  }
0x36: {  	s26 =	sadd.s32 $0x1400, s25;
	[sflag:s19] =	ssyncadd.s32 $0xFFFFC000  }
0x37: {  	[spmem:s3] =	stream.indirect.scatter.add.f32 [tilespmem:s17], [sflag:$0x3], $0x80, s26, s16, $0xb8;
	[tilespmem:$0x1E800] =	vst v63  }
0x38: {  	_ =	swait.ge [sflag:s14], $0x4000  }
0x39: {  	[sflag:s14] =	ssyncset.done $0x0  }
0x3a: {  	s26 =	sadd.s32 $0x100, s25;
	[sflag:s14] =	ssyncadd.s32 $0xFFFFC000  }
0x3b: {  	[tilespmem:s17], [sflag:$0x1] =	stream.indirect.gather [hbm4b:s1+s16], $0x80, s26, s16, $0xb8;
	[tilespmem:$0x1E800] =	vst v63  }
0x3c: {  	_ =	swait.ge [sflag:s20], $0x4000  }
0x3d: {  	[sflag:s20] =	ssyncset.done $0x0  }
.Ltmp0:
0x3e: {  	s26 =	sadd.s32 $0x1480, s25;
	[sflag:s20] =	ssyncadd.s32 $0xFFFFC000;
	(pc) =	sbr.rel @p0 .LBB2_2-.Ltmp0, $4  }
0x3f: {  	[spmem:s3] =	stream.indirect.scatter.add.f32 [tilespmem:s18], [sflag:$0x3], $0x80, s26, s16, $0xb8;
	[tilespmem:$0x1E800] =	vst v63  }
0x40: {  	_ =	swait.ge [sflag:s14], $0x4000  }
0x41: {  	[sflag:s14] =	ssyncset.done $0x0  }
0x42: {  	s25 =	sadd.s32 $0x180, s25;
	[sflag:s14] =	ssyncadd.s32 $0xFFFFC000  }
0x43: {  	[tilespmem:s18], [sflag:$0x2] =	stream.indirect.gather [hbm4b:s1+s16], $0x80, s25, s16, $0xb8;
	[tilespmem:$0x1E800] =	vst v63  }
0x44: {  	_ =	swait.ge [sflag:s19], $0x4000  }
0x45: {  	[sflag:s19] =	ssyncset.done $0x0  }
0x46: {  	[sflag:s19] =	ssyncadd.s32 $0xFFFFC000  }
0x47: {  	[spmem:s3] =	stream.indirect.scatter.add.f32 [tilespmem:s17], [sflag:$0x3], $0x80, s21, s16, $0xb8;
	[tilespmem:$0x1E800] =	vst v63  }
0x48: {  	_ =	swait.ge [sflag:s14], $0x4000  }
0x49: {  	[sflag:s14] =	ssyncset.done $0x0  }
0x4a: {  	[sflag:s14] =	ssyncadd.s32 $0xFFFFC000  }
0x4b: {  	_ =	swait.ge [sflag:s20], $0x4000  }
0x4c: {  	[sflag:s20] =	ssyncset.done $0x0  }
0x4d: {  	[sflag:s20] =	ssyncadd.s32 $0xFFFFC000  }
0x4e: {  	[spmem:s3] =	stream.indirect.scatter.add.f32 [tilespmem:s18], [sflag:$0x3], $0x80, s22, s16, $0xb8;
	[tilespmem:$0x1E800] =	vst v63  }
0x4f: {  	_ =	swait.ge [sflag:s14], $0x4000  }
0x50: {  	[sflag:s14] =	ssyncset.done $0x0  }
0x51: {  	s24 =	simm.s32 $0x0;
	[sflag:s14] =	ssyncadd.s32 $0xFFFFC000  }
0x52: {  	[tilespmem:s24], [sflag:$0x3] =	stream.linear.gather [hbm4b:s9+s24], $0x1400, $0x38;
	[tilespmem:$0x1E800] =	vst v63  }
0x53: {  	_ =	swait.ge [sflag:s14], $0x1400  }
0x54: {  	[sflag:s14] =	ssyncset.done $0x0  }
0x55: {  	[sflag:s14] =	ssyncadd.s32 $0xFFFFEC00  }
0x56: {  	[tilespmem:s15], [sflag:$0x3] =	stream.linear.gather [hbm4b:s10+s24], $0x1400, $0x38;
	[tilespmem:$0x1E800] =	vst v63  }
0x57: {  	_ =	swait.ge [sflag:s14], $0x1400  }
0x58: {  	[sflag:s14] =	ssyncset.done $0x0  }
0x59: {  	[sflag:s14] =	ssyncadd.s32 $0xFFFFEC00  }
0x5a: {  	[tilespmem:s17], [sflag:$0x1] =	stream.indirect.gather [hbm4b:s1+s16], $0x80, s24, s16, $0xb8;
	[tilespmem:$0x1E800] =	vst v63  }
0x5b: {  	_ = 	snop  }
0x5c: {  	[tilespmem:s18], [sflag:$0x2] =	stream.indirect.gather [hbm4b:s1+s16], $0x80, s16, s16, $0xb8;
	[tilespmem:$0x1E800] =	vst v63  }
0x5d: {  	_ =	swait.ge [sflag:s19], $0x4000  }
0x5e: {  	[sflag:s19] =	ssyncset.done $0x0  }
0x5f: {  	s29 =	simm.s32 $0x1400;
	[sflag:s19] =	ssyncadd.s32 $0xFFFFC000  }
0x60: {  	[spmem:s3] =	stream.indirect.scatter.add.f32 [tilespmem:s17], [sflag:$0x3], $0x80, s29, s16, $0xb8;
	[tilespmem:$0x1E800] =	vst v63  }
0x61: {  	_ =	swait.ge [sflag:s14], $0x4000  }
0x62: {  	[sflag:s14] =	ssyncset.done $0x0  }
0x63: {  	s30 =	simm.s32 $0x100;
	[sflag:s14] =	ssyncadd.s32 $0xFFFFC000  }
0x64: {  	[tilespmem:s17], [sflag:$0x1] =	stream.indirect.gather [hbm4b:s1+s16], $0x80, s30, s16, $0xb8;
	[tilespmem:$0x1E800] =	vst v63  }
0x65: {  	_ =	swait.ge [sflag:s20], $0x4000  }
0x66: {  	[sflag:s20] =	ssyncset.done $0x0  }
0x67: {  	s31 =	simm.s32 $0x1480;
	[sflag:s20] =	ssyncadd.s32 $0xFFFFC000  }
0x68: {  	[spmem:s3] =	stream.indirect.scatter.add.f32 [tilespmem:s18], [sflag:$0x3], $0x80, s31, s16, $0xb8;
	[tilespmem:$0x1E800] =	vst v63  }
0x69: {  	_ =	swait.ge [sflag:s14], $0x4000  }
0x6a: {  	[sflag:s14] =	ssyncset.done $0x0  }
0x6b: {  	s25 =	simm.s32 $0x180;
	s24 =	simm.s32 $0x400;
	[sflag:s14] =	ssyncadd.s32 $0xFFFFC000  }
.LBB2_4:
0x6c: {  	[tilespmem:s18], [sflag:$0x2] =	stream.indirect.gather [hbm4b:s1+s16], $0x80, s25, s16, $0xb8;
	[tilespmem:$0x1E800] =	vst v63  }
0x6d: {  	s25 =	smov.u32 s24  }
0x6e: {  	p0 =	sne.s32 s24, $0x4800;
	s24 =	sadd.s32 $0x400, s24;
	_ =	swait.ge [sflag:s19], $0x4000  }
0x6f: {  	s25 =	sshra.s32 s25, $0x2;
	[sflag:s19] =	ssyncset.done $0x0  }
0x70: {  	s26 =	sadd.s32 $0x1400, s25;
	[sflag:s19] =	ssyncadd.s32 $0xFFFFC000  }
0x71: {  	[spmem:s3] =	stream.indirect.scatter.add.f32 [tilespmem:s17], [sflag:$0x3], $0x80, s26, s16, $0xb8;
	[tilespmem:$0x1E800] =	vst v63  }
0x72: {  	_ =	swait.ge [sflag:s14], $0x4000  }
0x73: {  	[sflag:s14] =	ssyncset.done $0x0  }
0x74: {  	s26 =	sadd.s32 $0x100, s25;
	[sflag:s14] =	ssyncadd.s32 $0xFFFFC000  }
0x75: {  	[tilespmem:s17], [sflag:$0x1] =	stream.indirect.gather [hbm4b:s1+s16], $0x80, s26, s16, $0xb8;
	[tilespmem:$0x1E800] =	vst v63  }
0x76: {  	_ =	swait.ge [sflag:s20], $0x4000  }
0x77: {  	[sflag:s20] =	ssyncset.done $0x0  }
.Ltmp1:
0x78: {  	s26 =	sadd.s32 $0x1480, s25;
	[sflag:s20] =	ssyncadd.s32 $0xFFFFC000;
	(pc) =	sbr.rel @p0 .LBB2_4-.Ltmp1, $4  }
0x79: {  	[spmem:s3] =	stream.indirect.scatter.add.f32 [tilespmem:s18], [sflag:$0x3], $0x80, s26, s16, $0xb8;
	[tilespmem:$0x1E800] =	vst v63  }
0x7a: {  	_ =	swait.ge [sflag:s14], $0x4000  }
0x7b: {  	[sflag:s14] =	ssyncset.done $0x0  }
0x7c: {  	s25 =	sadd.s32 $0x180, s25;
	[sflag:s14] =	ssyncadd.s32 $0xFFFFC000  }
0x7d: {  	[tilespmem:s18], [sflag:$0x2] =	stream.indirect.gather [hbm4b:s1+s16], $0x80, s25, s16, $0xb8;
	[tilespmem:$0x1E800] =	vst v63  }
0x7e: {  	_ =	swait.ge [sflag:s19], $0x4000  }
0x7f: {  	[sflag:s19] =	ssyncset.done $0x0  }
0x80: {  	[sflag:s19] =	ssyncadd.s32 $0xFFFFC000  }
0x81: {  	[spmem:s3] =	stream.indirect.scatter.add.f32 [tilespmem:s17], [sflag:$0x3], $0x80, s21, s16, $0xb8;
	[tilespmem:$0x1E800] =	vst v63  }
0x82: {  	_ =	swait.ge [sflag:s14], $0x4000  }
0x83: {  	[sflag:s14] =	ssyncset.done $0x0  }
0x84: {  	[sflag:s14] =	ssyncadd.s32 $0xFFFFC000  }
0x85: {  	_ =	swait.ge [sflag:s20], $0x4000  }
0x86: {  	[sflag:s20] =	ssyncset.done $0x0  }
0x87: {  	[sflag:s20] =	ssyncadd.s32 $0xFFFFC000  }
0x88: {  	[spmem:s3] =	stream.indirect.scatter.add.f32 [tilespmem:s18], [sflag:$0x3], $0x80, s22, s16, $0xb8;
	[tilespmem:$0x1E800] =	vst v63  }
0x89: {  	_ =	swait.ge [sflag:s14], $0x4000  }
0x8a: {  	s23 =	sadd.s32 $0x1, s23;
	[sflag:s14] =	ssyncset.done $0x0  }
0x8b: {  	p0 =	sne.s32 s23, s12;
	[sflag:s14] =	ssyncadd.s32 $0xFFFFC000  }
.Ltmp2:
0x8c: {  	[bflag:$0x0] =	sbarrier.arrive $0xFFFF;
	(pc) =	sbr.rel @p0 .LBB2_1-.Ltmp2, $4  }
0x8d: {  	[hbm:s11], [sflag:s6] =	dma.local [spmem:s13], $0x2800  }
0x8e: {  	_ =	swait.ge [sflag:s14], $0x2800  }
0x8f: {  	[sflag:s14] =	ssyncset.done $0x0  }
0x90: {  	[sflag:s14] =	ssyncadd.s32 $0xFFFFD800  }
0x91: {  	_ =	sfence.sel $0x180000  }
0x92: {  	[bflag:$0x0] =	sbarrier.arrive $0xFFFF  }
0x93: {  	p0 =	sne.s32 s2, $0x0;
	_ =	strace $0x90000047  }
0x94: {  	s0 =	sadd.s32 @!p0 $0x100000, s0;
	[bflag:$0x2] =	sbarrier.arrive $0xFFFF  }
0x95: {  	[sflag:s0] =	ssyncadd.tile.s32 @!p0 $0x1;
	_ =	shalt  }
.Lfunc_end2:
_tile_overlayer_lowered:
.L_overlay_start_2:
0x96: {  	(tag) =	ssettag $0x2  }
0x97: {  	s0 =	rddreg [dreg:$0x0];
	s2 =	stileid.u32  }
0x98: {  	s1 =	rddreg [dreg:$0x1];
	p0 =	sne.s32 s2, $0x0  }
0x99: {  	s3 =	rddreg [dreg:$0x2];
	[bflag:$0x3] =	sbarrier.arrive $0xFFFF;
	s2 =	simm.s32 @!p0 $0x1C03  }
0x9a: {  	[timem:s3], [sflag:s2] =	dma.local @!p0 [hbm:s0], s1  }
0x9b: {  	s0 =	simm.s32 @!p0 $0x3  }
0x9c: {  	_ =	swait.ge @!p0 [sflag:s0], s1  }
0x9d: {  	s1 =	ssub.s32 @!p0 $0x0, s1;
	[sflag:s0] =	ssyncset.done @!p0 $0x0  }
0x9e: {  	[sflag:s0] =	ssyncadd.s32 @!p0 s1  }
0x9f: {  	[bflag:$0x3] =	sbarrier.arrive $0xFFFF  }
0xa0: {  	_ =	shalt  }

// kernel: kernel.20.cloned.1.call-start
scs
__scs_entry_jumppad:
0x0: {  	(pc) =	sbr.rel $0x88, $3  }
0x1: {  	(tag) =	ssettag $0x0;
	lr =	simm.s32 $0x1  }
0x2: {  	[smem:$0x3F81] =	sst lr;
	_ =	strace $0xD0000000  }
0x3: {  	_ = 	snop  }
0x4: {  	_ = 	snop  }
0x5: {  	_ = 	snop  }
0x6: {  	_ = 	snop  }
0x7: {  	_ = 	snop  }
__scs_overlays_trampoline_lowered:
0x8: {  	[smem:$0x3F90] =	sst s0  }
0x9: {  	[smem:$0x3F91] =	sst s1  }
0xa: {  	[smem:$0x3F92] =	sst s2  }
0xb: {  	[smem:$0x3F93] =	sst s3  }
0xc: {  	[smem:$0x3F94] =	sst s4  }
0xd: {  	[smem:$0x3F95] =	sst s5  }
0xe: {  	[smem:$0x3F96] =	sst s6  }
0xf: {  	[smem:$0x3F97] =	sst s7  }
0x10: {  	[smem:$0x3F98] =	sst s8  }
0x11: {  	[smem:$0x3F99] =	sst s9;
	s0 =	simm.s32 @!p0 $0x0  }
0x12: {  	s1 =	sld [smem:$0x3F7F];
	s0 =	simm.s32 @p0 $0x1  }
0x13: {  	[smem:$0x3F9A] =	sst s0;
	s0 =	simm.s32 @!p1 $0x0  }
0x14: {  	s2 =	sld [smem:$0x3F7E];
	s0 =	simm.s32 @p1 $0x1  }
0x15: {  	[smem:$0x3F9B] =	sst s0;
	s0 =	simm.s32 @!p2 $0x0  }
0x16: {  	s3 =	sld [smem:$0x3FDB];
	s0 =	simm.s32 @p2 $0x1  }
0x17: {  	s4 =	simm.s32 $0x1BF5;
	[smem:$0x3F9D] =	sst s0  }
0x18: {  	s0 =	sld [smem:$0x3F80];
	_ =	swait.ge [sflag:s4], $0x0  }
0x19: {  	s7 =	sld [smem:$0x3F81]  }
0x1a: {  	s8 =	sadd.s32 $0xFFFFE003, lr  }
0x1b: {  	s9 =	sadd.s32 $0xFFFFFEF7, lr;
	s5 =	simm.s32 $0xFFFFFFFF;
	p2 =	slt.u32 s8, $0xFFFFF086  }
0x1c: {  	p1 =	slt.u32 s9, $0xF7A;
	s5 =	simm.s32 @!p2 $0x0  }
0x1d: {  	s5 =	simm.s32 @p1 $0x1;
	p0 =	seq.s32 s7, s2  }
0x1e: {  	s7 =	smul.u32 @!p0 $0xF7A, s2;
	p2 =	seq.s32 @!p0 s5, $0x0  }
0x1f: {  	s9 =	smul.u32 $0xF7A, s1;
	s8 =	simm.s32 @!p0 $0x1BF5;
	p2 =	por !p2, p0  }
0x20: {  	[sflag:s8] =	ssyncset.s32 @!p0 $0xFFFFF086;
	s6 =	sadd.s32 @!p0 s3, s7;
	s7 =	simm.s32 @!p0 $0x108  }
0x21: {  	s3 =	sadd.s32 s3, s9;
	s6 =	sadd.s32 @!p0 $0x88, s6;
	s7 =	simm.s32 @p2 $0x1082  }
0x22: {  	[simem:s7], [sflag:s8] =	dma.local @!p0 [hbm:s6], $0xF7A  }
0x23: {  	s9 =	sor.u32 $0xD0000000, s2;
	s6 =	simm.s32 $0x108;
	_ =	swait.ge @!p0 [sflag:s8], $0x0  }
0x24: {  	s3 =	sadd.s32 $0x88, s3;
	s6 =	simm.s32 @!p1 $0x1082;
	[sflag:s4] =	ssyncset.s32 $0xFFFFF086  }
0x25: {  	[simem:s6], [sflag:s4] =	dma.local [hbm:s3], $0xF7A  }
0x26: {  	[smem:$0x3F81] =	sst s1;
	(tag) =	ssettag s2;
	_ =	strace s9  }
0x27: {  	s1 =	sld [smem:$0x3F91]  }
0x28: {  	s2 =	sld [smem:$0x3F92]  }
0x29: {  	s4 =	sld [smem:$0x3F94]  }
0x2a: {  	p0 =	seq.s32 s5, $0x0;
	s5 =	sld [smem:$0x3F95]  }
0x2b: {  	s6 =	sld [smem:$0x3F96]  }
0x2c: {  	s7 =	sld [smem:$0x3F97]  }
0x2d: {  	s3 =	simm.s32 $0x108;
	s8 =	sld [smem:$0x3F98]  }
0x2e: {  	s3 =	simm.s32 @!p0 $0x1082;
	s9 =	sld [smem:$0x3F99]  }
0x2f: {  	lr =	sadd.s32 s0, s3;
	s0 =	sld [smem:$0x3F90]  }
0x30: {  	s3 =	sld [smem:$0x3F93]  }
0x31: {  	[smem:$0x3F9C] =	sst s10  }
0x32: {  	s10 =	sld [smem:$0x3F9A];
	_ =	sdelay $0x3  }
0x33: {  	p0 =	seq.s32 s10, $0x1;
	s10 =	sld [smem:$0x3F9C];
	_ =	sdelay $0x3  }
0x34: {  	[smem:$0x3F9C] =	sst s10  }
0x35: {  	s10 =	sld [smem:$0x3F9B];
	_ =	sdelay $0x3  }
0x36: {  	p1 =	seq.s32 s10, $0x1;
	s10 =	sld [smem:$0x3F9C];
	_ =	sdelay $0x3  }
0x37: {  	[smem:$0x3F9C] =	sst s10  }
0x38: {  	s10 =	sld [smem:$0x3F9D]  }
0x39: {  	_ = 	snop;
	(pc) =	sbr.ind lr, $3  }
0x3a: {  	_ = 	snop  }
0x3b: {  	_ = 	snop  }
0x3c: {  	p2 =	seq.s32 s10, $0x1;
	s10 =	sld [smem:$0x3F9C]  }
0x3d: {  	_ =	shalt  }
0x3e: {  	_ =	shalt  }
0x3f: {  	_ =	shalt  }
0x40: {  	_ =	shalt  }
0x41: {  	_ =	shalt  }
0x42: {  	_ =	shalt  }
0x43: {  	_ =	shalt  }
0x44: {  	_ =	shalt  }
0x45: {  	_ =	shalt  }
0x46: {  	_ =	shalt  }
0x47: {  	_ =	shalt  }
0x48: {  	_ =	shalt  }
0x49: {  	_ =	shalt  }
0x4a: {  	_ =	shalt  }
0x4b: {  	_ =	shalt  }
0x4c: {  	_ =	shalt  }
0x4d: {  	_ =	shalt  }
0x4e: {  	_ =	shalt  }
0x4f: {  	_ =	shalt  }
0x50: {  	_ =	shalt  }
0x51: {  	_ =	shalt  }
0x52: {  	_ =	shalt  }
0x53: {  	_ =	shalt  }
0x54: {  	_ =	shalt  }
0x55: {  	_ =	shalt  }
0x56: {  	_ =	shalt  }
0x57: {  	_ =	shalt  }
0x58: {  	_ =	shalt  }
0x59: {  	_ =	shalt  }
0x5a: {  	_ =	shalt  }
0x5b: {  	_ =	shalt  }
0x5c: {  	_ =	shalt  }
0x5d: {  	_ =	shalt  }
0x5e: {  	_ =	shalt  }
0x5f: {  	_ =	shalt  }
0x60: {  	_ =	shalt  }
0x61: {  	_ =	shalt  }
0x62: {  	_ =	shalt  }
0x63: {  	_ =	shalt  }
0x64: {  	_ =	shalt  }
0x65: {  	_ =	shalt  }
0x66: {  	_ =	shalt  }
0x67: {  	_ =	shalt  }
0x68: {  	_ =	shalt  }
0x69: {  	_ =	shalt  }
0x6a: {  	_ =	shalt  }
0x6b: {  	_ =	shalt  }
0x6c: {  	_ =	shalt  }
0x6d: {  	_ =	shalt  }
0x6e: {  	_ =	shalt  }
0x6f: {  	_ =	shalt  }
0x70: {  	_ =	shalt  }
0x71: {  	_ =	shalt  }
0x72: {  	_ =	shalt  }
0x73: {  	_ =	shalt  }
0x74: {  	_ =	shalt  }
0x75: {  	_ =	shalt  }
0x76: {  	_ =	shalt  }
0x77: {  	_ =	shalt  }
0x78: {  	_ =	shalt  }
0x79: {  	_ =	shalt  }
0x7a: {  	_ =	shalt  }
0x7b: {  	_ =	shalt  }
0x7c: {  	_ =	shalt  }
0x7d: {  	_ =	shalt  }
0x7e: {  	_ =	shalt  }
0x7f: {  	_ =	shalt  }
0x80: {  	_ =	shalt  }
0x81: {  	_ =	shalt  }
0x82: {  	_ =	shalt  }
0x83: {  	_ =	shalt  }
0x84: {  	_ =	shalt  }
0x85: {  	_ =	shalt  }
0x86: {  	_ =	shalt  }
0x87: {  	_ =	shalt  }
.Lfunc_end0:
.L_simem_size_0:
called_computation.1_lowered:
.L_overlay_start_0:
0x88: {  	s2 =	sld [smem:$0x3FD9]  }
0x89: {  	s3 =	sld [smem:$0x3FFE];
	_ =	sdelay $0x1  }
0x8a: {  	s1 =	srdreg.scid  }
0x8b: {  	s0 =	sand.u32 $0x1, s1  }
0x8c: {  	s17 =	sshll.u32 s0, $0xA;
	s2 =	sadd.s32 s3, s2  }
0x8d: {  	s2 =	sadd.s32 s2, s17  }
0x8e: {  	[smem:$0x3FA8] =	sst s2  }
0x8f: {  	_ = 	snop  }
0x90: {  	s2 =	sld [smem:$0x3FD0];
	(tm) =	ssettm $0x1  }
0x91: {  	s18 =	sld [smem:$0x3FFB];
	_ =	sdelay $0x3  }
0x92: {  	_ =	strace s18  }
0x93: {  	s3 =	sld [smem:$0x3FFC];
	_ =	sdelay $0x3  }
0x94: {  	_ =	strace s3  }
0x95: {  	s3 =	sld [smem:$0x3FFD];
	_ =	sdelay $0x3  }
0x96: {  	_ =	strace s3  }
0x97: {  	_ =	strace $0x8FFFFFFF  }
0x98: {  	s19 =	sld [smem:$0x3FDB];
	_ =	sdelay $0x1  }
0x99: {  	s4 =	simm.s32 $_scs_section_size  }
0x9a: {  	s5 =	simm.s32 $_size__tile_overlayer_lowered;
	s6 =	simm.s32 $_tile_overlayer_lowered  }
0x9b: {  	s22 =	simm.s32 $0x1BFF;
	s21 =	sshll.u32 s6, $0x1;
	s3 =	sadd.s32 s4, s19  }
0x9c: {  	s7 =	simm.s32 $0x0;
	s20 =	sshll.u32 s5, $0x1;
	s5 =	sadd.s32 s21, s3  }
0x9d: {  	[timem:s7], [sflag:s22] =	dma.local [hbm:s5], s20  }
0x9e: {  	_ =	swait.ge [sflag:s22], s20  }
0x9f: {  	s4 =	ssub.s32 $0x0, s20;
	[sflag:s22] =	ssyncset.done $0x0  }
0xa0: {  	[sflag:s22] =	ssyncadd.s32 s4;
	_ =	sdelay $0x1  }
0xa1: {  	s23 =	simm.s32 $0x1B8B  }
0xa2: {  	_ =	swait.ge [sflag:s23], $0x1  }
0xa3: {  	[sflag:s23] =	ssyncset.done $0x0  }
0xa4: {  	s25 =	simm.s32 $0x1B8E;
	s24 =	sld [smem:$0x3FFE];
	[sflag:s23] =	ssyncadd.s32 $0xFFFFFFFF  }
0xa5: {  	s26 =	simm.s32 $execute0_lowered;
	[smem:$0x3FD2] =	sst s25  }
0xa6: {  	s5 =	sshll.u32 s26, $0x1;
	_ =	strace $0x80000049;
	[dreg:$0x1] =	wrdreg $0xFFFFFFFF  }
0xa7: {  	s28 =	simm.s32 $_size_execute0_lowered;
	s3 =	sadd.s32 s3, s5;
	[dreg:$0x0] =	wrdreg $0x0  }
0xa8: {  	s5 =	sshll.u32 s28, $0x1;
	[dreg:$0x2] =	wrdreg s3  }
0xa9: {  	[dreg:$0x3] =	wrdreg s5  }
0xaa: {  	[dreg:$0x4] =	wrdreg $0xC0  }
0xab: {  	_ =	task [dreg:s7], $0x5FFFF  }
0xac: {  	[dreg:$0x1] =	wrdreg $0xFFFFFFFF  }
0xad: {  	[dreg:$0x0] =	wrdreg $0x60  }
0xae: {  	[dreg:$0x2] =	wrdreg s24  }
0xaf: {  	[dreg:$0x3] =	wrdreg s2  }
0xb0: {  	[dreg:$0x4] =	wrdreg $0x70000  }
0xb1: {  	[dreg:$0x5] =	wrdreg $0x9  }
0xb2: {  	_ =	task.clear_ibuf [dreg:s7], $0x6FFFF;
	_ =	strace $0x90000049  }
0xb3: {  	s29 =	simm.s32 $0x9;
	_ =	strace $0x8000004B  }
0xb4: {  	_ =	swait.ge [sflag:s29], $0x1  }
0xb5: {  	[sflag:s29] =	ssyncadd.s32 $0xFFFFFFFF  }
0xb6: {  	_ =	strace $0x9000004B  }
0xb7: {  	_ =	sfence  }
0xb8: {  	s30 =	sld [smem:$0x0];
	_ =	sdelay $0x2  }
0xb9: {  	s31 =	sshll.u32 s1, $0xD;
	s1 =	sshrl.u32 s1, $0x2  }
0xba: {  	s3 =	sand.u32 $0x4000, s31;
	s1 =	sadd.s32 s1, s30  }
0xbb: {  	s0 =	sor.u32 s3, s0;
	s1 =	sshll.u32 s1, $0x11  }
0xbc: {  	s0 =	sor.u32 s1, s0  }
0xbd: {  	s0 =	sadd.s32 $0x8F2B, s0  }
0xbe: {  	[sflag:s0] =	ssyncadd.remote.s32 $0x1  }
0xbf: {  	_ =	sfence.sel $0xFFFF  }
0xc0: {  	[dreg:$0x0] =	wrdreg $0xFFFFFFFF;
	(pc) =	sbr.abs _section_cstart, $3  }
0xc1: {  	[dreg:$0x1] =	wrdreg $0xFFFFFFFF  }
0xc2: {  	_ =	task.clear_ibuf [dreg:s7], $0x2FFFF;
	_ =	strace $0x9FFFFFFF  }
0xc3: {  	(tm) =	ssettm $0x7FFFFFFF  }
tec
execute0_lowered:
.L_overlay_start_1:
0x0: {  	(tag) =	ssettag $0x1  }
0x1: {  	s5 =	rddreg [dreg:$0x0]  }
0x2: {  	s9 =	rddreg [dreg:$0x1]  }
0x3: {  	s1 =	rddreg [dreg:$0x2];
	s2 =	srdreg.scid  }
0x4: {  	s0 =	rddreg [dreg:$0x3];
	s3 =	simm.s32 $0x0;
	s14 =	simm.s32 $0x80  }
0x5: {  	s15 =	simm.s32 $0x5000;
	s16 =	simm.s32 $0x6000;
	s17 =	simm.s32 $0x1  }
0x6: {  	s18 =	simm.s32 $0x2;
	s19 =	simm.s32 $0x4F00;
	s20 =	simm.s32 $0x4F80  }
0x7: {  	s21 =	simm.s32 $0x0;
	s6 =	sand.u32 $0x1, s2;
	s2 =	stileid.u32  }
0x8: {  	[smem:$0x7FF] =	sst s3;
	s4 =	sshll.u32 s6, $0x4;
	s8 =	smul.u32 $0x5000, s2  }
0x9: {  	_ =	strace $0x8000004A;
	s10 =	ssub.s32 $0x2, s6;
	s6 =	smul.u32 $0x50000, s6  }
0xa: {  	s30 =	sshll.u32 s2, $0x6;
	s7 =	sor.u32 s2, s4;
	s4 =	sadd.s32 $0x42C00, s5  }
0xb: {  	s12 =	sshrl.u32 s10, $0x1;
	s7 =	smul.u32 $0x500, s7;
	s11 =	sshrl.u32 s8, $0x3  }
0xc: {  	s10 =	ssub.s32 s10, s12;
	s29 =	sadd.s32 s8, s1;
	s8 =	sadd.s32 s8, s6  }
0xd: {  	s6 =	sor.u32 $0x1C03, s30;
	s12 =	simm.s32 $0x3;
	s31 =	sshrl.u32 s8, $0x3  }
0xe: {  	s10 =	smax.u32 s10, $0x1;
	s13 =	sadd.s32 s7, s5;
	s5 =	sadd.s32 s11, s5  }
0xf: {  	s9 =	sadd.s32 s9, s31;
	s11 =	sshrl.u32 s29, $0x3;
	s5 =	sadd.s32 $0x4CC00, s5  }
0x10: {  	s7 =	sadd.s32 $0x6C00, s13;
	s8 =	sadd.s32 $0x10C00, s13;
	s13 =	simm.s32 $0x2800  }
.LBB2_1:
0x11: {  	[spmem:s11], [sflag:s6] =	dma.local [hbm:s5], $0xA00  }
0x12: {  	_ =	swait.ge [sflag:s12], $0xA00  }
0x13: {  	[sflag:s12] =	ssyncset.done $0x0  }
0x14: {  	[sflag:s12] =	ssyncadd.s32 $0xFFFFF600  }
0x15: {  	[tilespmem:s3], [sflag:$0x3] =	stream.linear.gather [hbm4b:s7+s3], $0x2800, $0x38;
	[tilespmem:$0xC000] =	vst v63  }
0x16: {  	_ =	swait.ge [sflag:s12], $0x2800  }
0x17: {  	[sflag:s12] =	ssyncset.done $0x0  }
0x18: {  	[sflag:s12] =	ssyncadd.s32 $0xFFFFD800  }
0x19: {  	[tilespmem:s13], [sflag:$0x3] =	stream.linear.gather [hbm4b:s8+s3], $0x2800, $0x38;
	[tilespmem:$0xC000] =	vst v63  }
0x1a: {  	_ =	swait.ge [sflag:s12], $0x2800  }
0x1b: {  	[sflag:s12] =	ssyncset.done $0x0  }
0x1c: {  	[sflag:s12] =	ssyncadd.s32 $0xFFFFD800  }
0x1d: {  	[bflag:$0x0] =	sbarrier.arrive $0xFFFF  }
0x1e: {  	[tilespmem:s15], [sflag:$0x1] =	stream.indirect.gather [hbm4b:s4+s14], $0x20, s3, s14, $0xb8;
	[tilespmem:$0xC000] =	vst v63  }
0x1f: {  	_ = 	snop  }
0x20: {  	[tilespmem:s16], [sflag:$0x2] =	stream.indirect.gather [hbm4b:s4+s14], $0x20, s14, s14, $0xb8;
	[tilespmem:$0xC000] =	vst v63  }
0x21: {  	_ =	swait.ge [sflag:s17], $0x1000  }
0x22: {  	[sflag:s17] =	ssyncset.done $0x0  }
0x23: {  	s22 =	simm.s32 $0x2800;
	[sflag:s17] =	ssyncadd.s32 $0xFFFFF000  }
0x24: {  	[spmem:s1] =	stream.indirect.scatter.add.f32 [tilespmem:s15], [sflag:$0x3], $0x20, s22, s14, $0xb8;
	[tilespmem:$0xC000] =	vst v63  }
0x25: {  	_ =	swait.ge [sflag:s12], $0x1000  }
0x26: {  	[sflag:s12] =	ssyncset.done $0x0  }
0x27: {  	s30 =	simm.s32 $0x100;
	[sflag:s12] =	ssyncadd.s32 $0xFFFFF000  }
0x28: {  	[tilespmem:s15], [sflag:$0x1] =	stream.indirect.gather [hbm4b:s4+s14], $0x20, s30, s14, $0xb8;
	[tilespmem:$0xC000] =	vst v63  }
0x29: {  	_ =	swait.ge [sflag:s18], $0x1000  }
0x2a: {  	[sflag:s18] =	ssyncset.done $0x0  }
0x2b: {  	s31 =	simm.s32 $0x2880;
	[sflag:s18] =	ssyncadd.s32 $0xFFFFF000  }
0x2c: {  	[spmem:s1] =	stream.indirect.scatter.add.f32 [tilespmem:s16], [sflag:$0x3], $0x20, s31, s14, $0xb8;
	[tilespmem:$0xC000] =	vst v63  }
0x2d: {  	_ =	swait.ge [sflag:s12], $0x1000  }
0x2e: {  	[sflag:s12] =	ssyncset.done $0x0  }
0x2f: {  	s23 =	simm.s32 $0x180;
	s22 =	simm.s32 $0x400;
	[sflag:s12] =	ssyncadd.s32 $0xFFFFF000  }
.LBB2_2:
0x30: {  	[tilespmem:s16], [sflag:$0x2] =	stream.indirect.gather [hbm4b:s4+s14], $0x20, s23, s14, $0xb8;
	[tilespmem:$0xC000] =	vst v63  }
0x31: {  	s23 =	smov.u32 s22  }
0x32: {  	p0 =	sne.s32 s22, $0x9800;
	s22 =	sadd.s32 $0x400, s22;
	_ =	swait.ge [sflag:s17], $0x1000  }
0x33: {  	s23 =	sshra.s32 s23, $0x2;
	[sflag:s17] =	ssyncset.done $0x0  }
0x34: {  	s24 =	sadd.s32 $0x2800, s23;
	[sflag:s17] =	ssyncadd.s32 $0xFFFFF000  }
0x35: {  	[spmem:s1] =	stream.indirect.scatter.add.f32 [tilespmem:s15], [sflag:$0x3], $0x20, s24, s14, $0xb8;
	[tilespmem:$0xC000] =	vst v63  }
0x36: {  	_ =	swait.ge [sflag:s12], $0x1000  }
0x37: {  	[sflag:s12] =	ssyncset.done $0x0  }
0x38: {  	s24 =	sadd.s32 $0x100, s23;
	[sflag:s12] =	ssyncadd.s32 $0xFFFFF000  }
0x39: {  	[tilespmem:s15], [sflag:$0x1] =	stream.indirect.gather [hbm4b:s4+s14], $0x20, s24, s14, $0xb8;
	[tilespmem:$0xC000] =	vst v63  }
0x3a: {  	_ =	swait.ge [sflag:s18], $0x1000  }
0x3b: {  	[sflag:s18] =	ssyncset.done $0x0  }
.Ltmp0:
0x3c: {  	s24 =	sadd.s32 $0x2880, s23;
	[sflag:s18] =	ssyncadd.s32 $0xFFFFF000;
	(pc) =	sbr.rel @p0 .LBB2_2-.Ltmp0, $4  }
0x3d: {  	[spmem:s1] =	stream.indirect.scatter.add.f32 [tilespmem:s16], [sflag:$0x3], $0x20, s24, s14, $0xb8;
	[tilespmem:$0xC000] =	vst v63  }
0x3e: {  	_ =	swait.ge [sflag:s12], $0x1000  }
0x3f: {  	[sflag:s12] =	ssyncset.done $0x0  }
0x40: {  	s23 =	sadd.s32 $0x180, s23;
	[sflag:s12] =	ssyncadd.s32 $0xFFFFF000  }
0x41: {  	[tilespmem:s16], [sflag:$0x2] =	stream.indirect.gather [hbm4b:s4+s14], $0x20, s23, s14, $0xb8;
	[tilespmem:$0xC000] =	vst v63  }
0x42: {  	_ =	swait.ge [sflag:s17], $0x1000  }
0x43: {  	[sflag:s17] =	ssyncset.done $0x0  }
0x44: {  	[sflag:s17] =	ssyncadd.s32 $0xFFFFF000  }
0x45: {  	[spmem:s1] =	stream.indirect.scatter.add.f32 [tilespmem:s15], [sflag:$0x3], $0x20, s19, s14, $0xb8;
	[tilespmem:$0xC000] =	vst v63  }
0x46: {  	_ =	swait.ge [sflag:s12], $0x1000  }
0x47: {  	[sflag:s12] =	ssyncset.done $0x0  }
0x48: {  	[sflag:s12] =	ssyncadd.s32 $0xFFFFF000  }
0x49: {  	_ =	swait.ge [sflag:s18], $0x1000  }
0x4a: {  	[sflag:s18] =	ssyncset.done $0x0  }
0x4b: {  	[sflag:s18] =	ssyncadd.s32 $0xFFFFF000  }
0x4c: {  	[spmem:s1] =	stream.indirect.scatter.add.f32 [tilespmem:s16], [sflag:$0x3], $0x20, s20, s14, $0xb8;
	[tilespmem:$0xC000] =	vst v63  }
0x4d: {  	_ =	swait.ge [sflag:s12], $0x1000  }
0x4e: {  	s21 =	sadd.s32 $0x1, s21;
	[sflag:s12] =	ssyncset.done $0x0  }
0x4f: {  	p0 =	sne.s32 s21, s10;
	[sflag:s12] =	ssyncadd.s32 $0xFFFFF000  }
.Ltmp1:
0x50: {  	[bflag:$0x0] =	sbarrier.arrive $0xFFFF;
	(pc) =	sbr.rel @p0 .LBB2_1-.Ltmp1, $4  }
0x51: {  	[hbm:s9], [sflag:s6] =	dma.local [spmem:s11], $0xA00  }
0x52: {  	_ =	swait.ge [sflag:s12], $0xA00  }
0x53: {  	[sflag:s12] =	ssyncset.done $0x0  }
0x54: {  	[sflag:s12] =	ssyncadd.s32 $0xFFFFF600  }
0x55: {  	_ =	sfence.sel $0x180000  }
0x56: {  	[bflag:$0x0] =	sbarrier.arrive $0xFFFF  }
0x57: {  	p0 =	sne.s32 s2, $0x0;
	_ =	strace $0x9000004A  }
0x58: {  	s0 =	sadd.s32 @!p0 $0x100000, s0;
	[bflag:$0x2] =	sbarrier.arrive $0xFFFF  }
0x59: {  	[sflag:s0] =	ssyncadd.tile.s32 @!p0 $0x1;
	_ =	shalt  }
.Lfunc_end2:
_tile_overlayer_lowered:
.L_overlay_start_2:
0x5a: {  	(tag) =	ssettag $0x2  }
0x5b: {  	s0 =	rddreg [dreg:$0x0];
	s2 =	stileid.u32  }
0x5c: {  	s1 =	rddreg [dreg:$0x1];
	p0 =	sne.s32 s2, $0x0  }
0x5d: {  	s3 =	rddreg [dreg:$0x2];
	[bflag:$0x3] =	sbarrier.arrive $0xFFFF;
	s2 =	simm.s32 @!p0 $0x1C03  }
0x5e: {  	[timem:s3], [sflag:s2] =	dma.local @!p0 [hbm:s0], s1  }
0x5f: {  	s0 =	simm.s32 @!p0 $0x3  }
0x60: {  	_ =	swait.ge @!p0 [sflag:s0], s1  }
0x61: {  	s1 =	ssub.s32 @!p0 $0x0, s1;
	[sflag:s0] =	ssyncset.done @!p0 $0x0  }
0x62: {  	[sflag:s0] =	ssyncadd.s32 @!p0 s1  }
0x63: {  	[bflag:$0x3] =	sbarrier.arrive $0xFFFF  }
0x64: {  	_ =	shalt  }

// kernel: kernel.23.cloned.1.call-start
scs
__scs_entry_jumppad:
0x0: {  	(pc) =	sbr.rel $0x88, $3  }
0x1: {  	(tag) =	ssettag $0x0;
	lr =	simm.s32 $0x1  }
0x2: {  	[smem:$0x3F81] =	sst lr;
	_ =	strace $0xD0000000  }
0x3: {  	_ = 	snop  }
0x4: {  	_ = 	snop  }
0x5: {  	_ = 	snop  }
0x6: {  	_ = 	snop  }
0x7: {  	_ = 	snop  }
__scs_overlays_trampoline_lowered:
0x8: {  	[smem:$0x3F90] =	sst s0  }
0x9: {  	[smem:$0x3F91] =	sst s1  }
0xa: {  	[smem:$0x3F92] =	sst s2  }
0xb: {  	[smem:$0x3F93] =	sst s3  }
0xc: {  	[smem:$0x3F94] =	sst s4  }
0xd: {  	[smem:$0x3F95] =	sst s5  }
0xe: {  	[smem:$0x3F96] =	sst s6  }
0xf: {  	[smem:$0x3F97] =	sst s7  }
0x10: {  	[smem:$0x3F98] =	sst s8  }
0x11: {  	[smem:$0x3F99] =	sst s9;
	s0 =	simm.s32 @!p0 $0x0  }
0x12: {  	s1 =	sld [smem:$0x3F7F];
	s0 =	simm.s32 @p0 $0x1  }
0x13: {  	[smem:$0x3F9A] =	sst s0;
	s0 =	simm.s32 @!p1 $0x0  }
0x14: {  	s2 =	sld [smem:$0x3F7E];
	s0 =	simm.s32 @p1 $0x1  }
0x15: {  	[smem:$0x3F9B] =	sst s0;
	s0 =	simm.s32 @!p2 $0x0  }
0x16: {  	s3 =	sld [smem:$0x3FDB];
	s0 =	simm.s32 @p2 $0x1  }
0x17: {  	s4 =	simm.s32 $0x1BF5;
	[smem:$0x3F9D] =	sst s0  }
0x18: {  	s0 =	sld [smem:$0x3F80];
	_ =	swait.ge [sflag:s4], $0x0  }
0x19: {  	s7 =	sld [smem:$0x3F81]  }
0x1a: {  	s8 =	sadd.s32 $0xFFFFE003, lr  }
0x1b: {  	s9 =	sadd.s32 $0xFFFFFEF7, lr;
	s5 =	simm.s32 $0xFFFFFFFF;
	p2 =	slt.u32 s8, $0xFFFFF086  }
0x1c: {  	p1 =	slt.u32 s9, $0xF7A;
	s5 =	simm.s32 @!p2 $0x0  }
0x1d: {  	s5 =	simm.s32 @p1 $0x1;
	p0 =	seq.s32 s7, s2  }
0x1e: {  	s7 =	smul.u32 @!p0 $0xF7A, s2;
	p2 =	seq.s32 @!p0 s5, $0x0  }
0x1f: {  	s9 =	smul.u32 $0xF7A, s1;
	s8 =	simm.s32 @!p0 $0x1BF5;
	p2 =	por !p2, p0  }
0x20: {  	[sflag:s8] =	ssyncset.s32 @!p0 $0xFFFFF086;
	s6 =	sadd.s32 @!p0 s3, s7;
	s7 =	simm.s32 @!p0 $0x108  }
0x21: {  	s3 =	sadd.s32 s3, s9;
	s6 =	sadd.s32 @!p0 $0x88, s6;
	s7 =	simm.s32 @p2 $0x1082  }
0x22: {  	[simem:s7], [sflag:s8] =	dma.local @!p0 [hbm:s6], $0xF7A  }
0x23: {  	s9 =	sor.u32 $0xD0000000, s2;
	s6 =	simm.s32 $0x108;
	_ =	swait.ge @!p0 [sflag:s8], $0x0  }
0x24: {  	s3 =	sadd.s32 $0x88, s3;
	s6 =	simm.s32 @!p1 $0x1082;
	[sflag:s4] =	ssyncset.s32 $0xFFFFF086  }
0x25: {  	[simem:s6], [sflag:s4] =	dma.local [hbm:s3], $0xF7A  }
0x26: {  	[smem:$0x3F81] =	sst s1;
	(tag) =	ssettag s2;
	_ =	strace s9  }
0x27: {  	s1 =	sld [smem:$0x3F91]  }
0x28: {  	s2 =	sld [smem:$0x3F92]  }
0x29: {  	s4 =	sld [smem:$0x3F94]  }
0x2a: {  	p0 =	seq.s32 s5, $0x0;
	s5 =	sld [smem:$0x3F95]  }
0x2b: {  	s6 =	sld [smem:$0x3F96]  }
0x2c: {  	s7 =	sld [smem:$0x3F97]  }
0x2d: {  	s3 =	simm.s32 $0x108;
	s8 =	sld [smem:$0x3F98]  }
0x2e: {  	s3 =	simm.s32 @!p0 $0x1082;
	s9 =	sld [smem:$0x3F99]  }
0x2f: {  	lr =	sadd.s32 s0, s3;
	s0 =	sld [smem:$0x3F90]  }
0x30: {  	s3 =	sld [smem:$0x3F93]  }
0x31: {  	[smem:$0x3F9C] =	sst s10  }
0x32: {  	s10 =	sld [smem:$0x3F9A];
	_ =	sdelay $0x3  }
0x33: {  	p0 =	seq.s32 s10, $0x1;
	s10 =	sld [smem:$0x3F9C];
	_ =	sdelay $0x3  }
0x34: {  	[smem:$0x3F9C] =	sst s10  }
0x35: {  	s10 =	sld [smem:$0x3F9B];
	_ =	sdelay $0x3  }
0x36: {  	p1 =	seq.s32 s10, $0x1;
	s10 =	sld [smem:$0x3F9C];
	_ =	sdelay $0x3  }
0x37: {  	[smem:$0x3F9C] =	sst s10  }
0x38: {  	s10 =	sld [smem:$0x3F9D]  }
0x39: {  	_ = 	snop;
	(pc) =	sbr.ind lr, $3  }
0x3a: {  	_ = 	snop  }
0x3b: {  	_ = 	snop  }
0x3c: {  	p2 =	seq.s32 s10, $0x1;
	s10 =	sld [smem:$0x3F9C]  }
0x3d: {  	_ =	shalt  }
0x3e: {  	_ =	shalt  }
0x3f: {  	_ =	shalt  }
0x40: {  	_ =	shalt  }
0x41: {  	_ =	shalt  }
0x42: {  	_ =	shalt  }
0x43: {  	_ =	shalt  }
0x44: {  	_ =	shalt  }
0x45: {  	_ =	shalt  }
0x46: {  	_ =	shalt  }
0x47: {  	_ =	shalt  }
0x48: {  	_ =	shalt  }
0x49: {  	_ =	shalt  }
0x4a: {  	_ =	shalt  }
0x4b: {  	_ =	shalt  }
0x4c: {  	_ =	shalt  }
0x4d: {  	_ =	shalt  }
0x4e: {  	_ =	shalt  }
0x4f: {  	_ =	shalt  }
0x50: {  	_ =	shalt  }
0x51: {  	_ =	shalt  }
0x52: {  	_ =	shalt  }
0x53: {  	_ =	shalt  }
0x54: {  	_ =	shalt  }
0x55: {  	_ =	shalt  }
0x56: {  	_ =	shalt  }
0x57: {  	_ =	shalt  }
0x58: {  	_ =	shalt  }
0x59: {  	_ =	shalt  }
0x5a: {  	_ =	shalt  }
0x5b: {  	_ =	shalt  }
0x5c: {  	_ =	shalt  }
0x5d: {  	_ =	shalt  }
0x5e: {  	_ =	shalt  }
0x5f: {  	_ =	shalt  }
0x60: {  	_ =	shalt  }
0x61: {  	_ =	shalt  }
0x62: {  	_ =	shalt  }
0x63: {  	_ =	shalt  }
0x64: {  	_ =	shalt  }
0x65: {  	_ =	shalt  }
0x66: {  	_ =	shalt  }
0x67: {  	_ =	shalt  }
0x68: {  	_ =	shalt  }
0x69: {  	_ =	shalt  }
0x6a: {  	_ =	shalt  }
0x6b: {  	_ =	shalt  }
0x6c: {  	_ =	shalt  }
0x6d: {  	_ =	shalt  }
0x6e: {  	_ =	shalt  }
0x6f: {  	_ =	shalt  }
0x70: {  	_ =	shalt  }
0x71: {  	_ =	shalt  }
0x72: {  	_ =	shalt  }
0x73: {  	_ =	shalt  }
0x74: {  	_ =	shalt  }
0x75: {  	_ =	shalt  }
0x76: {  	_ =	shalt  }
0x77: {  	_ =	shalt  }
0x78: {  	_ =	shalt  }
0x79: {  	_ =	shalt  }
0x7a: {  	_ =	shalt  }
0x7b: {  	_ =	shalt  }
0x7c: {  	_ =	shalt  }
0x7d: {  	_ =	shalt  }
0x7e: {  	_ =	shalt  }
0x7f: {  	_ =	shalt  }
0x80: {  	_ =	shalt  }
0x81: {  	_ =	shalt  }
0x82: {  	_ =	shalt  }
0x83: {  	_ =	shalt  }
0x84: {  	_ =	shalt  }
0x85: {  	_ =	shalt  }
0x86: {  	_ =	shalt  }
0x87: {  	_ =	shalt  }
.Lfunc_end0:
.L_simem_size_0:
called_computation.2_lowered:
.L_overlay_start_0:
0x88: {  	s2 =	sld [smem:$0x3FD9]  }
0x89: {  	s3 =	sld [smem:$0x3FFE];
	_ =	sdelay $0x1  }
0x8a: {  	s1 =	srdreg.scid  }
0x8b: {  	s0 =	sand.u32 $0x1, s1  }
0x8c: {  	s17 =	sshll.u32 s0, $0xA;
	s2 =	sadd.s32 s3, s2  }
0x8d: {  	s2 =	sadd.s32 s2, s17  }
0x8e: {  	[smem:$0x3FA8] =	sst s2  }
0x8f: {  	_ = 	snop  }
0x90: {  	s2 =	sld [smem:$0x3FD0];
	(tm) =	ssettm $0x1  }
0x91: {  	s18 =	sld [smem:$0x3FFB];
	_ =	sdelay $0x3  }
0x92: {  	_ =	strace s18  }
0x93: {  	s3 =	sld [smem:$0x3FFC];
	_ =	sdelay $0x3  }
0x94: {  	_ =	strace s3  }
0x95: {  	s3 =	sld [smem:$0x3FFD];
	_ =	sdelay $0x3  }
0x96: {  	_ =	strace s3  }
0x97: {  	_ =	strace $0x8FFFFFFF  }
0x98: {  	s19 =	sld [smem:$0x3FDB];
	_ =	sdelay $0x1  }
0x99: {  	s4 =	simm.s32 $_scs_section_size  }
0x9a: {  	s5 =	simm.s32 $_size__tile_overlayer_lowered;
	s6 =	simm.s32 $_tile_overlayer_lowered  }
0x9b: {  	s22 =	simm.s32 $0x1BFF;
	s21 =	sshll.u32 s6, $0x1;
	s3 =	sadd.s32 s4, s19  }
0x9c: {  	s7 =	simm.s32 $0x0;
	s20 =	sshll.u32 s5, $0x1;
	s5 =	sadd.s32 s21, s3  }
0x9d: {  	[timem:s7], [sflag:s22] =	dma.local [hbm:s5], s20  }
0x9e: {  	_ =	swait.ge [sflag:s22], s20  }
0x9f: {  	s4 =	ssub.s32 $0x0, s20;
	[sflag:s22] =	ssyncset.done $0x0  }
0xa0: {  	[sflag:s22] =	ssyncadd.s32 s4;
	_ =	sdelay $0x1  }
0xa1: {  	s23 =	simm.s32 $0x1B8B  }
0xa2: {  	_ =	swait.ge [sflag:s23], $0x1  }
0xa3: {  	[sflag:s23] =	ssyncset.done $0x0  }
0xa4: {  	s25 =	simm.s32 $0x1B8E;
	s24 =	sld [smem:$0x3FFE];
	[sflag:s23] =	ssyncadd.s32 $0xFFFFFFFF  }
0xa5: {  	s26 =	simm.s32 $execute0_lowered;
	[smem:$0x3FD2] =	sst s25  }
0xa6: {  	s5 =	sshll.u32 s26, $0x1;
	_ =	strace $0x8000004C;
	[dreg:$0x1] =	wrdreg $0xFFFFFFFF  }
0xa7: {  	s28 =	simm.s32 $_size_execute0_lowered;
	s3 =	sadd.s32 s3, s5;
	[dreg:$0x0] =	wrdreg $0x0  }
0xa8: {  	s5 =	sshll.u32 s28, $0x1;
	[dreg:$0x2] =	wrdreg s3  }
0xa9: {  	[dreg:$0x3] =	wrdreg s5  }
0xaa: {  	[dreg:$0x4] =	wrdreg $0xC0  }
0xab: {  	_ =	task [dreg:s7], $0x5FFFF  }
0xac: {  	[dreg:$0x1] =	wrdreg $0xFFFFFFFF  }
0xad: {  	[dreg:$0x0] =	wrdreg $0x60  }
0xae: {  	[dreg:$0x2] =	wrdreg s2  }
0xaf: {  	[dreg:$0x3] =	wrdreg s24  }
0xb0: {  	[dreg:$0x4] =	wrdreg $0xA8000  }
0xb1: {  	[dreg:$0x5] =	wrdreg $0x9  }
0xb2: {  	_ =	task.clear_ibuf [dreg:s7], $0x6FFFF;
	_ =	strace $0x9000004C  }
0xb3: {  	s29 =	simm.s32 $0x9;
	_ =	strace $0x8000004E  }
0xb4: {  	_ =	swait.ge [sflag:s29], $0x1  }
0xb5: {  	[sflag:s29] =	ssyncadd.s32 $0xFFFFFFFF  }
0xb6: {  	_ =	strace $0x9000004E  }
0xb7: {  	_ =	sfence  }
0xb8: {  	s30 =	sld [smem:$0x0];
	_ =	sdelay $0x2  }
0xb9: {  	s31 =	sshll.u32 s1, $0xD;
	s1 =	sshrl.u32 s1, $0x2  }
0xba: {  	s3 =	sand.u32 $0x4000, s31;
	s1 =	sadd.s32 s1, s30  }
0xbb: {  	s0 =	sor.u32 s3, s0;
	s1 =	sshll.u32 s1, $0x11  }
0xbc: {  	s0 =	sor.u32 s1, s0  }
0xbd: {  	s0 =	sadd.s32 $0x8F2B, s0  }
0xbe: {  	[sflag:s0] =	ssyncadd.remote.s32 $0x1  }
0xbf: {  	_ =	sfence.sel $0xFFFF  }
0xc0: {  	[dreg:$0x0] =	wrdreg $0xFFFFFFFF;
	(pc) =	sbr.abs _section_cstart, $3  }
0xc1: {  	[dreg:$0x1] =	wrdreg $0xFFFFFFFF  }
0xc2: {  	_ =	task.clear_ibuf [dreg:s7], $0x2FFFF;
	_ =	strace $0x9FFFFFFF  }
0xc3: {  	(tm) =	ssettm $0x7FFFFFFF  }
tec
execute0_lowered:
.L_overlay_start_1:
0x0: {  	(tag) =	ssettag $0x1  }
0x1: {  	s1 =	rddreg [dreg:$0x0]  }
0x2: {  	s5 =	rddreg [dreg:$0x1]  }
0x3: {  	s3 =	rddreg [dreg:$0x2]  }
0x4: {  	s0 =	rddreg [dreg:$0x3];
	s4 =	simm.s32 $0x0;
	s2 =	stileid.u32  }
0x5: {  	s6 =	srdreg.scid;
	s15 =	simm.s32 $0x1400;
	s16 =	simm.s32 $0x80  }
0x6: {  	s17 =	simm.s32 $0x2800;
	s18 =	simm.s32 $0x6800;
	s19 =	simm.s32 $0x1  }
0x7: {  	s20 =	simm.s32 $0x2;
	s21 =	simm.s32 $0x2700;
	s22 =	simm.s32 $0x2780  }
0x8: {  	s23 =	simm.s32 $0x0;
	[smem:$0x7FF] =	sst s4;
	s7 =	smul.u32 $0x14000, s2  }
0x9: {  	s6 =	sand.u32 $0x1, s6;
	s9 =	sadd.s32 $0x6C00, s5;
	s10 =	sadd.s32 $0x10C00, s5  }
0xa: {  	s30 =	sshll.u32 s2, $0x6;
	_ =	strace $0x8000004D;
	s8 =	smul.u32 $0x140000, s6  }
0xb: {  	s12 =	sshll.u32 s6, $0x4;
	s6 =	ssub.s32 $0x2, s6;
	s11 =	sshrl.u32 s7, $0x3  }
0xc: {  	s12 =	sor.u32 s2, s12;
	s26 =	sshrl.u32 s6, $0x1;
	s14 =	sadd.s32 s7, s3  }
0xd: {  	s11 =	sadd.s32 s11, s5;
	s8 =	sadd.s32 s7, s8;
	s28 =	smul.u32 $0x2800, s12  }
0xe: {  	s29 =	ssub.s32 s6, s26;
	s6 =	sor.u32 $0x1C03, s30;
	s8 =	sshrl.u32 s8, $0x3  }
0xf: {  	s12 =	smax.u32 s29, $0x1;
	s13 =	sadd.s32 s8, s5;
	s31 =	sshrl.u32 s28, $0x3  }
0x10: {  	s5 =	sadd.s32 $0x1AC00, s11;
	s7 =	sadd.s32 s9, s31;
	s11 =	sadd.s32 $0x280, s31  }
0x11: {  	s8 =	sadd.s32 s10, s31;
	s9 =	sadd.s32 s9, s11;
	s10 =	sadd.s32 s10, s11  }
0x12: {  	s11 =	sadd.s32 $0x7EC00, s13;
	s13 =	sshrl.u32 s14, $0x3;
	s14 =	simm.s32 $0x3  }
.LBB2_1:
0x13: {  	[spmem:s13], [sflag:s6] =	dma.local [hbm:s5], $0x2800  }
0x14: {  	_ =	swait.ge [sflag:s14], $0x2800  }
0x15: {  	[sflag:s14] =	ssyncset.done $0x0  }
0x16: {  	[sflag:s14] =	ssyncadd.s32 $0xFFFFD800  }
0x17: {  	[tilespmem:s4], [sflag:$0x3] =	stream.linear.gather [hbm4b:s7+s4], $0x1400, $0x38;
	[tilespmem:$0x1E800] =	vst v63  }
0x18: {  	_ =	swait.ge [sflag:s14], $0x1400  }
0x19: {  	[sflag:s14] =	ssyncset.done $0x0  }
0x1a: {  	[sflag:s14] =	ssyncadd.s32 $0xFFFFEC00  }
0x1b: {  	[tilespmem:s15], [sflag:$0x3] =	stream.linear.gather [hbm4b:s8+s4], $0x1400, $0x38;
	[tilespmem:$0x1E800] =	vst v63  }
0x1c: {  	_ =	swait.ge [sflag:s14], $0x1400  }
0x1d: {  	[sflag:s14] =	ssyncset.done $0x0  }
0x1e: {  	[sflag:s14] =	ssyncadd.s32 $0xFFFFEC00  }
0x1f: {  	[bflag:$0x0] =	sbarrier.arrive $0xFFFF  }
0x20: {  	[tilespmem:s17], [sflag:$0x1] =	stream.indirect.gather [hbm4b:s1+s16], $0x80, s4, s16, $0xb8;
	[tilespmem:$0x1E800] =	vst v63  }
0x21: {  	_ = 	snop  }
0x22: {  	[tilespmem:s18], [sflag:$0x2] =	stream.indirect.gather [hbm4b:s1+s16], $0x80, s16, s16, $0xb8;
	[tilespmem:$0x1E800] =	vst v63  }
0x23: {  	_ =	swait.ge [sflag:s19], $0x4000  }
0x24: {  	[sflag:s19] =	ssyncset.done $0x0  }
0x25: {  	s24 =	simm.s32 $0x1400;
	[sflag:s19] =	ssyncadd.s32 $0xFFFFC000  }
0x26: {  	[spmem:s3] =	stream.indirect.scatter.add.f32 [tilespmem:s17], [sflag:$0x3], $0x80, s24, s16, $0xb8;
	[tilespmem:$0x1E800] =	vst v63  }
0x27: {  	_ =	swait.ge [sflag:s14], $0x4000  }
0x28: {  	[sflag:s14] =	ssyncset.done $0x0  }
0x29: {  	s30 =	simm.s32 $0x100;
	[sflag:s14] =	ssyncadd.s32 $0xFFFFC000  }
0x2a: {  	[tilespmem:s17], [sflag:$0x1] =	stream.indirect.gather [hbm4b:s1+s16], $0x80, s30, s16, $0xb8;
	[tilespmem:$0x1E800] =	vst v63  }
0x2b: {  	_ =	swait.ge [sflag:s20], $0x4000  }
0x2c: {  	[sflag:s20] =	ssyncset.done $0x0  }
0x2d: {  	s31 =	simm.s32 $0x1480;
	[sflag:s20] =	ssyncadd.s32 $0xFFFFC000  }
0x2e: {  	[spmem:s3] =	stream.indirect.scatter.add.f32 [tilespmem:s18], [sflag:$0x3], $0x80, s31, s16, $0xb8;
	[tilespmem:$0x1E800] =	vst v63  }
0x2f: {  	_ =	swait.ge [sflag:s14], $0x4000  }
0x30: {  	[sflag:s14] =	ssyncset.done $0x0  }
0x31: {  	s25 =	simm.s32 $0x180;
	s24 =	simm.s32 $0x400;
	[sflag:s14] =	ssyncadd.s32 $0xFFFFC000  }
.LBB2_2:
0x32: {  	[tilespmem:s18], [sflag:$0x2] =	stream.indirect.gather [hbm4b:s1+s16], $0x80, s25, s16, $0xb8;
	[tilespmem:$0x1E800] =	vst v63  }
0x33: {  	s25 =	smov.u32 s24  }
0x34: {  	p0 =	sne.s32 s24, $0x4800;
	s24 =	sadd.s32 $0x400, s24;
	_ =	swait.ge [sflag:s19], $0x4000  }
0x35: {  	s25 =	sshra.s32 s25, $0x2;
	[sflag:s19] =	ssyncset.done $0x0  }
0x36: {  	s26 =	sadd.s32 $0x1400, s25;
	[sflag:s19] =	ssyncadd.s32 $0xFFFFC000  }
0x37: {  	[spmem:s3] =	stream.indirect.scatter.add.f32 [tilespmem:s17], [sflag:$0x3], $0x80, s26, s16, $0xb8;
	[tilespmem:$0x1E800] =	vst v63  }
0x38: {  	_ =	swait.ge [sflag:s14], $0x4000  }
0x39: {  	[sflag:s14] =	ssyncset.done $0x0  }
0x3a: {  	s26 =	sadd.s32 $0x100, s25;
	[sflag:s14] =	ssyncadd.s32 $0xFFFFC000  }
0x3b: {  	[tilespmem:s17], [sflag:$0x1] =	stream.indirect.gather [hbm4b:s1+s16], $0x80, s26, s16, $0xb8;
	[tilespmem:$0x1E800] =	vst v63  }
0x3c: {  	_ =	swait.ge [sflag:s20], $0x4000  }
0x3d: {  	[sflag:s20] =	ssyncset.done $0x0  }
.Ltmp0:
0x3e: {  	s26 =	sadd.s32 $0x1480, s25;
	[sflag:s20] =	ssyncadd.s32 $0xFFFFC000;
	(pc) =	sbr.rel @p0 .LBB2_2-.Ltmp0, $4  }
0x3f: {  	[spmem:s3] =	stream.indirect.scatter.add.f32 [tilespmem:s18], [sflag:$0x3], $0x80, s26, s16, $0xb8;
	[tilespmem:$0x1E800] =	vst v63  }
0x40: {  	_ =	swait.ge [sflag:s14], $0x4000  }
0x41: {  	[sflag:s14] =	ssyncset.done $0x0  }
0x42: {  	s25 =	sadd.s32 $0x180, s25;
	[sflag:s14] =	ssyncadd.s32 $0xFFFFC000  }
0x43: {  	[tilespmem:s18], [sflag:$0x2] =	stream.indirect.gather [hbm4b:s1+s16], $0x80, s25, s16, $0xb8;
	[tilespmem:$0x1E800] =	vst v63  }
0x44: {  	_ =	swait.ge [sflag:s19], $0x4000  }
0x45: {  	[sflag:s19] =	ssyncset.done $0x0  }
0x46: {  	[sflag:s19] =	ssyncadd.s32 $0xFFFFC000  }
0x47: {  	[spmem:s3] =	stream.indirect.scatter.add.f32 [tilespmem:s17], [sflag:$0x3], $0x80, s21, s16, $0xb8;
	[tilespmem:$0x1E800] =	vst v63  }
0x48: {  	_ =	swait.ge [sflag:s14], $0x4000  }
0x49: {  	[sflag:s14] =	ssyncset.done $0x0  }
0x4a: {  	[sflag:s14] =	ssyncadd.s32 $0xFFFFC000  }
0x4b: {  	_ =	swait.ge [sflag:s20], $0x4000  }
0x4c: {  	[sflag:s20] =	ssyncset.done $0x0  }
0x4d: {  	[sflag:s20] =	ssyncadd.s32 $0xFFFFC000  }
0x4e: {  	[spmem:s3] =	stream.indirect.scatter.add.f32 [tilespmem:s18], [sflag:$0x3], $0x80, s22, s16, $0xb8;
	[tilespmem:$0x1E800] =	vst v63  }
0x4f: {  	_ =	swait.ge [sflag:s14], $0x4000  }
0x50: {  	[sflag:s14] =	ssyncset.done $0x0  }
0x51: {  	s24 =	simm.s32 $0x0;
	[sflag:s14] =	ssyncadd.s32 $0xFFFFC000  }
0x52: {  	[tilespmem:s24], [sflag:$0x3] =	stream.linear.gather [hbm4b:s9+s24], $0x1400, $0x38;
	[tilespmem:$0x1E800] =	vst v63  }
0x53: {  	_ =	swait.ge [sflag:s14], $0x1400  }
0x54: {  	[sflag:s14] =	ssyncset.done $0x0  }
0x55: {  	[sflag:s14] =	ssyncadd.s32 $0xFFFFEC00  }
0x56: {  	[tilespmem:s15], [sflag:$0x3] =	stream.linear.gather [hbm4b:s10+s24], $0x1400, $0x38;
	[tilespmem:$0x1E800] =	vst v63  }
0x57: {  	_ =	swait.ge [sflag:s14], $0x1400  }
0x58: {  	[sflag:s14] =	ssyncset.done $0x0  }
0x59: {  	[sflag:s14] =	ssyncadd.s32 $0xFFFFEC00  }
0x5a: {  	[tilespmem:s17], [sflag:$0x1] =	stream.indirect.gather [hbm4b:s1+s16], $0x80, s24, s16, $0xb8;
	[tilespmem:$0x1E800] =	vst v63  }
0x5b: {  	_ = 	snop  }
0x5c: {  	[tilespmem:s18], [sflag:$0x2] =	stream.indirect.gather [hbm4b:s1+s16], $0x80, s16, s16, $0xb8;
	[tilespmem:$0x1E800] =	vst v63  }
0x5d: {  	_ =	swait.ge [sflag:s19], $0x4000  }
0x5e: {  	[sflag:s19] =	ssyncset.done $0x0  }
0x5f: {  	s29 =	simm.s32 $0x1400;
	[sflag:s19] =	ssyncadd.s32 $0xFFFFC000  }
0x60: {  	[spmem:s3] =	stream.indirect.scatter.add.f32 [tilespmem:s17], [sflag:$0x3], $0x80, s29, s16, $0xb8;
	[tilespmem:$0x1E800] =	vst v63  }
0x61: {  	_ =	swait.ge [sflag:s14], $0x4000  }
0x62: {  	[sflag:s14] =	ssyncset.done $0x0  }
0x63: {  	s30 =	simm.s32 $0x100;
	[sflag:s14] =	ssyncadd.s32 $0xFFFFC000  }
0x64: {  	[tilespmem:s17], [sflag:$0x1] =	stream.indirect.gather [hbm4b:s1+s16], $0x80, s30, s16, $0xb8;
	[tilespmem:$0x1E800] =	vst v63  }
0x65: {  	_ =	swait.ge [sflag:s20], $0x4000  }
0x66: {  	[sflag:s20] =	ssyncset.done $0x0  }
0x67: {  	s31 =	simm.s32 $0x1480;
	[sflag:s20] =	ssyncadd.s32 $0xFFFFC000  }
0x68: {  	[spmem:s3] =	stream.indirect.scatter.add.f32 [tilespmem:s18], [sflag:$0x3], $0x80, s31, s16, $0xb8;
	[tilespmem:$0x1E800] =	vst v63  }
0x69: {  	_ =	swait.ge [sflag:s14], $0x4000  }
0x6a: {  	[sflag:s14] =	ssyncset.done $0x0  }
0x6b: {  	s25 =	simm.s32 $0x180;
	s24 =	simm.s32 $0x400;
	[sflag:s14] =	ssyncadd.s32 $0xFFFFC000  }
.LBB2_4:
0x6c: {  	[tilespmem:s18], [sflag:$0x2] =	stream.indirect.gather [hbm4b:s1+s16], $0x80, s25, s16, $0xb8;
	[tilespmem:$0x1E800] =	vst v63  }
0x6d: {  	s25 =	smov.u32 s24  }
0x6e: {  	p0 =	sne.s32 s24, $0x4800;
	s24 =	sadd.s32 $0x400, s24;
	_ =	swait.ge [sflag:s19], $0x4000  }
0x6f: {  	s25 =	sshra.s32 s25, $0x2;
	[sflag:s19] =	ssyncset.done $0x0  }
0x70: {  	s26 =	sadd.s32 $0x1400, s25;
	[sflag:s19] =	ssyncadd.s32 $0xFFFFC000  }
0x71: {  	[spmem:s3] =	stream.indirect.scatter.add.f32 [tilespmem:s17], [sflag:$0x3], $0x80, s26, s16, $0xb8;
	[tilespmem:$0x1E800] =	vst v63  }
0x72: {  	_ =	swait.ge [sflag:s14], $0x4000  }
0x73: {  	[sflag:s14] =	ssyncset.done $0x0  }
0x74: {  	s26 =	sadd.s32 $0x100, s25;
	[sflag:s14] =	ssyncadd.s32 $0xFFFFC000  }
0x75: {  	[tilespmem:s17], [sflag:$0x1] =	stream.indirect.gather [hbm4b:s1+s16], $0x80, s26, s16, $0xb8;
	[tilespmem:$0x1E800] =	vst v63  }
0x76: {  	_ =	swait.ge [sflag:s20], $0x4000  }
0x77: {  	[sflag:s20] =	ssyncset.done $0x0  }
.Ltmp1:
0x78: {  	s26 =	sadd.s32 $0x1480, s25;
	[sflag:s20] =	ssyncadd.s32 $0xFFFFC000;
	(pc) =	sbr.rel @p0 .LBB2_4-.Ltmp1, $4  }
0x79: {  	[spmem:s3] =	stream.indirect.scatter.add.f32 [tilespmem:s18], [sflag:$0x3], $0x80, s26, s16, $0xb8;
	[tilespmem:$0x1E800] =	vst v63  }
0x7a: {  	_ =	swait.ge [sflag:s14], $0x4000  }
0x7b: {  	[sflag:s14] =	ssyncset.done $0x0  }
0x7c: {  	s25 =	sadd.s32 $0x180, s25;
	[sflag:s14] =	ssyncadd.s32 $0xFFFFC000  }
0x7d: {  	[tilespmem:s18], [sflag:$0x2] =	stream.indirect.gather [hbm4b:s1+s16], $0x80, s25, s16, $0xb8;
	[tilespmem:$0x1E800] =	vst v63  }
0x7e: {  	_ =	swait.ge [sflag:s19], $0x4000  }
0x7f: {  	[sflag:s19] =	ssyncset.done $0x0  }
0x80: {  	[sflag:s19] =	ssyncadd.s32 $0xFFFFC000  }
0x81: {  	[spmem:s3] =	stream.indirect.scatter.add.f32 [tilespmem:s17], [sflag:$0x3], $0x80, s21, s16, $0xb8;
	[tilespmem:$0x1E800] =	vst v63  }
0x82: {  	_ =	swait.ge [sflag:s14], $0x4000  }
0x83: {  	[sflag:s14] =	ssyncset.done $0x0  }
0x84: {  	[sflag:s14] =	ssyncadd.s32 $0xFFFFC000  }
0x85: {  	_ =	swait.ge [sflag:s20], $0x4000  }
0x86: {  	[sflag:s20] =	ssyncset.done $0x0  }
0x87: {  	[sflag:s20] =	ssyncadd.s32 $0xFFFFC000  }
0x88: {  	[spmem:s3] =	stream.indirect.scatter.add.f32 [tilespmem:s18], [sflag:$0x3], $0x80, s22, s16, $0xb8;
	[tilespmem:$0x1E800] =	vst v63  }
0x89: {  	_ =	swait.ge [sflag:s14], $0x4000  }
0x8a: {  	s23 =	sadd.s32 $0x1, s23;
	[sflag:s14] =	ssyncset.done $0x0  }
0x8b: {  	p0 =	sne.s32 s23, s12;
	[sflag:s14] =	ssyncadd.s32 $0xFFFFC000  }
.Ltmp2:
0x8c: {  	[bflag:$0x0] =	sbarrier.arrive $0xFFFF;
	(pc) =	sbr.rel @p0 .LBB2_1-.Ltmp2, $4  }
0x8d: {  	[hbm:s11], [sflag:s6] =	dma.local [spmem:s13], $0x2800  }
0x8e: {  	_ =	swait.ge [sflag:s14], $0x2800  }
0x8f: {  	[sflag:s14] =	ssyncset.done $0x0  }
0x90: {  	[sflag:s14] =	ssyncadd.s32 $0xFFFFD800  }
0x91: {  	_ =	sfence.sel $0x180000  }
0x92: {  	[bflag:$0x0] =	sbarrier.arrive $0xFFFF  }
0x93: {  	p0 =	sne.s32 s2, $0x0;
	_ =	strace $0x9000004D  }
0x94: {  	s0 =	sadd.s32 @!p0 $0x100000, s0;
	[bflag:$0x2] =	sbarrier.arrive $0xFFFF  }
0x95: {  	[sflag:s0] =	ssyncadd.tile.s32 @!p0 $0x1;
	_ =	shalt  }
.Lfunc_end2:
_tile_overlayer_lowered:
.L_overlay_start_2:
0x96: {  	(tag) =	ssettag $0x2  }
0x97: {  	s0 =	rddreg [dreg:$0x0];
	s2 =	stileid.u32  }
0x98: {  	s1 =	rddreg [dreg:$0x1];
	p0 =	sne.s32 s2, $0x0  }
0x99: {  	s3 =	rddreg [dreg:$0x2];
	[bflag:$0x3] =	sbarrier.arrive $0xFFFF;
	s2 =	simm.s32 @!p0 $0x1C03  }
0x9a: {  	[timem:s3], [sflag:s2] =	dma.local @!p0 [hbm:s0], s1  }
0x9b: {  	s0 =	simm.s32 @!p0 $0x3  }
0x9c: {  	_ =	swait.ge @!p0 [sflag:s0], s1  }
0x9d: {  	s1 =	ssub.s32 @!p0 $0x0, s1;
	[sflag:s0] =	ssyncset.done @!p0 $0x0  }
0x9e: {  	[sflag:s0] =	ssyncadd.s32 @!p0 s1  }
0x9f: {  	[bflag:$0x3] =	sbarrier.arrive $0xFFFF  }
0xa0: {  	_ =	shalt  }

// kernel: kernel.26.cloned.1.call-start
scs
__scs_entry_jumppad:
0x0: {  	(pc) =	sbr.rel $0x88, $3  }
0x1: {  	(tag) =	ssettag $0x0;
	lr =	simm.s32 $0x1  }
0x2: {  	[smem:$0x3F81] =	sst lr;
	_ =	strace $0xD0000000  }
0x3: {  	_ = 	snop  }
0x4: {  	_ = 	snop  }
0x5: {  	_ = 	snop  }
0x6: {  	_ = 	snop  }
0x7: {  	_ = 	snop  }
__scs_overlays_trampoline_lowered:
0x8: {  	[smem:$0x3F90] =	sst s0  }
0x9: {  	[smem:$0x3F91] =	sst s1  }
0xa: {  	[smem:$0x3F92] =	sst s2  }
0xb: {  	[smem:$0x3F93] =	sst s3  }
0xc: {  	[smem:$0x3F94] =	sst s4  }
0xd: {  	[smem:$0x3F95] =	sst s5  }
0xe: {  	[smem:$0x3F96] =	sst s6  }
0xf: {  	[smem:$0x3F97] =	sst s7  }
0x10: {  	[smem:$0x3F98] =	sst s8  }
0x11: {  	[smem:$0x3F99] =	sst s9;
	s0 =	simm.s32 @!p0 $0x0  }
0x12: {  	s1 =	sld [smem:$0x3F7F];
	s0 =	simm.s32 @p0 $0x1  }
0x13: {  	[smem:$0x3F9A] =	sst s0;
	s0 =	simm.s32 @!p1 $0x0  }
0x14: {  	s2 =	sld [smem:$0x3F7E];
	s0 =	simm.s32 @p1 $0x1  }
0x15: {  	[smem:$0x3F9B] =	sst s0;
	s0 =	simm.s32 @!p2 $0x0  }
0x16: {  	s3 =	sld [smem:$0x3FDB];
	s0 =	simm.s32 @p2 $0x1  }
0x17: {  	s4 =	simm.s32 $0x1BF5;
	[smem:$0x3F9D] =	sst s0  }
0x18: {  	s0 =	sld [smem:$0x3F80];
	_ =	swait.ge [sflag:s4], $0x0  }
0x19: {  	s7 =	sld [smem:$0x3F81]  }
0x1a: {  	s8 =	sadd.s32 $0xFFFFE003, lr  }
0x1b: {  	s9 =	sadd.s32 $0xFFFFFEF7, lr;
	s5 =	simm.s32 $0xFFFFFFFF;
	p2 =	slt.u32 s8, $0xFFFFF086  }
0x1c: {  	p1 =	slt.u32 s9, $0xF7A;
	s5 =	simm.s32 @!p2 $0x0  }
0x1d: {  	s5 =	simm.s32 @p1 $0x1;
	p0 =	seq.s32 s7, s2  }
0x1e: {  	s7 =	smul.u32 @!p0 $0xF7A, s2;
	p2 =	seq.s32 @!p0 s5, $0x0  }
0x1f: {  	s9 =	smul.u32 $0xF7A, s1;
	s8 =	simm.s32 @!p0 $0x1BF5;
	p2 =	por !p2, p0  }
0x20: {  	[sflag:s8] =	ssyncset.s32 @!p0 $0xFFFFF086;
	s6 =	sadd.s32 @!p0 s3, s7;
	s7 =	simm.s32 @!p0 $0x108  }
0x21: {  	s3 =	sadd.s32 s3, s9;
	s6 =	sadd.s32 @!p0 $0x88, s6;
	s7 =	simm.s32 @p2 $0x1082  }
0x22: {  	[simem:s7], [sflag:s8] =	dma.local @!p0 [hbm:s6], $0xF7A  }
0x23: {  	s9 =	sor.u32 $0xD0000000, s2;
	s6 =	simm.s32 $0x108;
	_ =	swait.ge @!p0 [sflag:s8], $0x0  }
0x24: {  	s3 =	sadd.s32 $0x88, s3;
	s6 =	simm.s32 @!p1 $0x1082;
	[sflag:s4] =	ssyncset.s32 $0xFFFFF086  }
0x25: {  	[simem:s6], [sflag:s4] =	dma.local [hbm:s3], $0xF7A  }
0x26: {  	[smem:$0x3F81] =	sst s1;
	(tag) =	ssettag s2;
	_ =	strace s9  }
0x27: {  	s1 =	sld [smem:$0x3F91]  }
0x28: {  	s2 =	sld [smem:$0x3F92]  }
0x29: {  	s4 =	sld [smem:$0x3F94]  }
0x2a: {  	p0 =	seq.s32 s5, $0x0;
	s5 =	sld [smem:$0x3F95]  }
0x2b: {  	s6 =	sld [smem:$0x3F96]  }
0x2c: {  	s7 =	sld [smem:$0x3F97]  }
0x2d: {  	s3 =	simm.s32 $0x108;
	s8 =	sld [smem:$0x3F98]  }
0x2e: {  	s3 =	simm.s32 @!p0 $0x1082;
	s9 =	sld [smem:$0x3F99]  }
0x2f: {  	lr =	sadd.s32 s0, s3;
	s0 =	sld [smem:$0x3F90]  }
0x30: {  	s3 =	sld [smem:$0x3F93]  }
0x31: {  	[smem:$0x3F9C] =	sst s10  }
0x32: {  	s10 =	sld [smem:$0x3F9A];
	_ =	sdelay $0x3  }
0x33: {  	p0 =	seq.s32 s10, $0x1;
	s10 =	sld [smem:$0x3F9C];
	_ =	sdelay $0x3  }
0x34: {  	[smem:$0x3F9C] =	sst s10  }
0x35: {  	s10 =	sld [smem:$0x3F9B];
	_ =	sdelay $0x3  }
0x36: {  	p1 =	seq.s32 s10, $0x1;
	s10 =	sld [smem:$0x3F9C];
	_ =	sdelay $0x3  }
0x37: {  	[smem:$0x3F9C] =	sst s10  }
0x38: {  	s10 =	sld [smem:$0x3F9D]  }
0x39: {  	_ = 	snop;
	(pc) =	sbr.ind lr, $3  }
0x3a: {  	_ = 	snop  }
0x3b: {  	_ = 	snop  }
0x3c: {  	p2 =	seq.s32 s10, $0x1;
	s10 =	sld [smem:$0x3F9C]  }
0x3d: {  	_ =	shalt  }
0x3e: {  	_ =	shalt  }
0x3f: {  	_ =	shalt  }
0x40: {  	_ =	shalt  }
0x41: {  	_ =	shalt  }
0x42: {  	_ =	shalt  }
0x43: {  	_ =	shalt  }
0x44: {  	_ =	shalt  }
0x45: {  	_ =	shalt  }
0x46: {  	_ =	shalt  }
0x47: {  	_ =	shalt  }
0x48: {  	_ =	shalt  }
0x49: {  	_ =	shalt  }
0x4a: {  	_ =	shalt  }
0x4b: {  	_ =	shalt  }
0x4c: {  	_ =	shalt  }
0x4d: {  	_ =	shalt  }
0x4e: {  	_ =	shalt  }
0x4f: {  	_ =	shalt  }
0x50: {  	_ =	shalt  }
0x51: {  	_ =	shalt  }
0x52: {  	_ =	shalt  }
0x53: {  	_ =	shalt  }
0x54: {  	_ =	shalt  }
0x55: {  	_ =	shalt  }
0x56: {  	_ =	shalt  }
0x57: {  	_ =	shalt  }
0x58: {  	_ =	shalt  }
0x59: {  	_ =	shalt  }
0x5a: {  	_ =	shalt  }
0x5b: {  	_ =	shalt  }
0x5c: {  	_ =	shalt  }
0x5d: {  	_ =	shalt  }
0x5e: {  	_ =	shalt  }
0x5f: {  	_ =	shalt  }
0x60: {  	_ =	shalt  }
0x61: {  	_ =	shalt  }
0x62: {  	_ =	shalt  }
0x63: {  	_ =	shalt  }
0x64: {  	_ =	shalt  }
0x65: {  	_ =	shalt  }
0x66: {  	_ =	shalt  }
0x67: {  	_ =	shalt  }
0x68: {  	_ =	shalt  }
0x69: {  	_ =	shalt  }
0x6a: {  	_ =	shalt  }
0x6b: {  	_ =	shalt  }
0x6c: {  	_ =	shalt  }
0x6d: {  	_ =	shalt  }
0x6e: {  	_ =	shalt  }
0x6f: {  	_ =	shalt  }
0x70: {  	_ =	shalt  }
0x71: {  	_ =	shalt  }
0x72: {  	_ =	shalt  }
0x73: {  	_ =	shalt  }
0x74: {  	_ =	shalt  }
0x75: {  	_ =	shalt  }
0x76: {  	_ =	shalt  }
0x77: {  	_ =	shalt  }
0x78: {  	_ =	shalt  }
0x79: {  	_ =	shalt  }
0x7a: {  	_ =	shalt  }
0x7b: {  	_ =	shalt  }
0x7c: {  	_ =	shalt  }
0x7d: {  	_ =	shalt  }
0x7e: {  	_ =	shalt  }
0x7f: {  	_ =	shalt  }
0x80: {  	_ =	shalt  }
0x81: {  	_ =	shalt  }
0x82: {  	_ =	shalt  }
0x83: {  	_ =	shalt  }
0x84: {  	_ =	shalt  }
0x85: {  	_ =	shalt  }
0x86: {  	_ =	shalt  }
0x87: {  	_ =	shalt  }
.Lfunc_end0:
.L_simem_size_0:
called_computation.3_lowered:
.L_overlay_start_0:
0x88: {  	s2 =	sld [smem:$0x3FD9]  }
0x89: {  	s3 =	sld [smem:$0x3FFE];
	_ =	sdelay $0x1  }
0x8a: {  	s1 =	srdreg.scid  }
0x8b: {  	s0 =	sand.u32 $0x1, s1  }
0x8c: {  	s17 =	sshll.u32 s0, $0xA;
	s2 =	sadd.s32 s3, s2  }
0x8d: {  	s2 =	sadd.s32 s2, s17  }
0x8e: {  	[smem:$0x3FA8] =	sst s2  }
0x8f: {  	_ = 	snop  }
0x90: {  	s2 =	sld [smem:$0x3FD0];
	(tm) =	ssettm $0x1  }
0x91: {  	s18 =	sld [smem:$0x3FFB];
	_ =	sdelay $0x3  }
0x92: {  	_ =	strace s18  }
0x93: {  	s3 =	sld [smem:$0x3FFC];
	_ =	sdelay $0x3  }
0x94: {  	_ =	strace s3  }
0x95: {  	s3 =	sld [smem:$0x3FFD];
	_ =	sdelay $0x3  }
0x96: {  	_ =	strace s3  }
0x97: {  	_ =	strace $0x8FFFFFFF  }
0x98: {  	s19 =	sld [smem:$0x3FDB];
	_ =	sdelay $0x1  }
0x99: {  	s4 =	simm.s32 $_scs_section_size  }
0x9a: {  	s5 =	simm.s32 $_size__tile_overlayer_lowered;
	s6 =	simm.s32 $_tile_overlayer_lowered  }
0x9b: {  	s22 =	simm.s32 $0x1BFF;
	s21 =	sshll.u32 s6, $0x1;
	s3 =	sadd.s32 s4, s19  }
0x9c: {  	s7 =	simm.s32 $0x0;
	s20 =	sshll.u32 s5, $0x1;
	s5 =	sadd.s32 s21, s3  }
0x9d: {  	[timem:s7], [sflag:s22] =	dma.local [hbm:s5], s20  }
0x9e: {  	_ =	swait.ge [sflag:s22], s20  }
0x9f: {  	s4 =	ssub.s32 $0x0, s20;
	[sflag:s22] =	ssyncset.done $0x0  }
0xa0: {  	[sflag:s22] =	ssyncadd.s32 s4;
	_ =	sdelay $0x1  }
0xa1: {  	s23 =	simm.s32 $0x1B8B  }
0xa2: {  	_ =	swait.ge [sflag:s23], $0x1  }
0xa3: {  	[sflag:s23] =	ssyncset.done $0x0  }
0xa4: {  	s25 =	simm.s32 $0x1B8E;
	s24 =	sld [smem:$0x3FFE];
	[sflag:s23] =	ssyncadd.s32 $0xFFFFFFFF  }
0xa5: {  	s26 =	simm.s32 $execute0_lowered;
	[smem:$0x3FD2] =	sst s25  }
0xa6: {  	s5 =	sshll.u32 s26, $0x1;
	_ =	strace $0x8000004F;
	[dreg:$0x1] =	wrdreg $0xFFFFFFFF  }
0xa7: {  	s28 =	simm.s32 $_size_execute0_lowered;
	s3 =	sadd.s32 s3, s5;
	[dreg:$0x0] =	wrdreg $0x0  }
0xa8: {  	s5 =	sshll.u32 s28, $0x1;
	[dreg:$0x2] =	wrdreg s3  }
0xa9: {  	[dreg:$0x3] =	wrdreg s5  }
0xaa: {  	[dreg:$0x4] =	wrdreg $0xC0  }
0xab: {  	_ =	task [dreg:s7], $0x5FFFF  }
0xac: {  	[dreg:$0x1] =	wrdreg $0xFFFFFFFF  }
0xad: {  	[dreg:$0x0] =	wrdreg $0x60  }
0xae: {  	[dreg:$0x2] =	wrdreg s24  }
0xaf: {  	[dreg:$0x3] =	wrdreg s2  }
0xb0: {  	[dreg:$0x4] =	wrdreg $0x70000  }
0xb1: {  	[dreg:$0x5] =	wrdreg $0x9  }
0xb2: {  	_ =	task.clear_ibuf [dreg:s7], $0x6FFFF;
	_ =	strace $0x9000004F  }
0xb3: {  	s29 =	simm.s32 $0x9;
	_ =	strace $0x80000051  }
0xb4: {  	_ =	swait.ge [sflag:s29], $0x1  }
0xb5: {  	[sflag:s29] =	ssyncadd.s32 $0xFFFFFFFF  }
0xb6: {  	_ =	strace $0x90000051  }
0xb7: {  	_ =	sfence  }
0xb8: {  	s30 =	sld [smem:$0x0];
	_ =	sdelay $0x2  }
0xb9: {  	s31 =	sshll.u32 s1, $0xD;
	s1 =	sshrl.u32 s1, $0x2  }
0xba: {  	s3 =	sand.u32 $0x4000, s31;
	s1 =	sadd.s32 s1, s30  }
0xbb: {  	s0 =	sor.u32 s3, s0;
	s1 =	sshll.u32 s1, $0x11  }
0xbc: {  	s0 =	sor.u32 s1, s0  }
0xbd: {  	s0 =	sadd.s32 $0x8F2B, s0  }
0xbe: {  	[sflag:s0] =	ssyncadd.remote.s32 $0x1  }
0xbf: {  	_ =	sfence.sel $0xFFFF  }
0xc0: {  	[dreg:$0x0] =	wrdreg $0xFFFFFFFF;
	(pc) =	sbr.abs _section_cstart, $3  }
0xc1: {  	[dreg:$0x1] =	wrdreg $0xFFFFFFFF  }
0xc2: {  	_ =	task.clear_ibuf [dreg:s7], $0x2FFFF;
	_ =	strace $0x9FFFFFFF  }
0xc3: {  	(tm) =	ssettm $0x7FFFFFFF  }
tec
execute0_lowered:
.L_overlay_start_1:
0x0: {  	(tag) =	ssettag $0x1  }
0x1: {  	s5 =	rddreg [dreg:$0x0]  }
0x2: {  	s9 =	rddreg [dreg:$0x1]  }
0x3: {  	s1 =	rddreg [dreg:$0x2];
	s2 =	srdreg.scid  }
0x4: {  	s0 =	rddreg [dreg:$0x3];
	s3 =	simm.s32 $0x0;
	s14 =	simm.s32 $0x80  }
0x5: {  	s15 =	simm.s32 $0x5000;
	s16 =	simm.s32 $0x6000;
	s17 =	simm.s32 $0x1  }
0x6: {  	s18 =	simm.s32 $0x2;
	s19 =	simm.s32 $0x4F00;
	s20 =	simm.s32 $0x4F80  }
0x7: {  	s21 =	simm.s32 $0x0;
	s6 =	sand.u32 $0x1, s2;
	s2 =	stileid.u32  }
0x8: {  	[smem:$0x7FF] =	sst s3;
	s4 =	sshll.u32 s6, $0x4;
	s8 =	smul.u32 $0x5000, s2  }
0x9: {  	_ =	strace $0x80000050;
	s10 =	ssub.s32 $0x2, s6;
	s6 =	smul.u32 $0x50000, s6  }
0xa: {  	s30 =	sshll.u32 s2, $0x6;
	s7 =	sor.u32 s2, s4;
	s4 =	sadd.s32 $0x42C00, s5  }
0xb: {  	s12 =	sshrl.u32 s10, $0x1;
	s7 =	smul.u32 $0x500, s7;
	s11 =	sshrl.u32 s8, $0x3  }
0xc: {  	s10 =	ssub.s32 s10, s12;
	s29 =	sadd.s32 s8, s1;
	s8 =	sadd.s32 s8, s6  }
0xd: {  	s6 =	sor.u32 $0x1C03, s30;
	s12 =	simm.s32 $0x3;
	s31 =	sshrl.u32 s8, $0x3  }
0xe: {  	s10 =	smax.u32 s10, $0x1;
	s13 =	sadd.s32 s7, s5;
	s5 =	sadd.s32 s11, s5  }
0xf: {  	s9 =	sadd.s32 s9, s31;
	s11 =	sshrl.u32 s29, $0x3;
	s5 =	sadd.s32 $0x4CC00, s5  }
0x10: {  	s7 =	sadd.s32 $0x6C00, s13;
	s8 =	sadd.s32 $0x10C00, s13;
	s13 =	simm.s32 $0x2800  }
.LBB2_1:
0x11: {  	[spmem:s11], [sflag:s6] =	dma.local [hbm:s5], $0xA00  }
0x12: {  	_ =	swait.ge [sflag:s12], $0xA00  }
0x13: {  	[sflag:s12] =	ssyncset.done $0x0  }
0x14: {  	[sflag:s12] =	ssyncadd.s32 $0xFFFFF600  }
0x15: {  	[tilespmem:s3], [sflag:$0x3] =	stream.linear.gather [hbm4b:s7+s3], $0x2800, $0x38;
	[tilespmem:$0xC000] =	vst v63  }
0x16: {  	_ =	swait.ge [sflag:s12], $0x2800  }
0x17: {  	[sflag:s12] =	ssyncset.done $0x0  }
0x18: {  	[sflag:s12] =	ssyncadd.s32 $0xFFFFD800  }
0x19: {  	[tilespmem:s13], [sflag:$0x3] =	stream.linear.gather [hbm4b:s8+s3], $0x2800, $0x38;
	[tilespmem:$0xC000] =	vst v63  }
0x1a: {  	_ =	swait.ge [sflag:s12], $0x2800  }
0x1b: {  	[sflag:s12] =	ssyncset.done $0x0  }
0x1c: {  	[sflag:s12] =	ssyncadd.s32 $0xFFFFD800  }
0x1d: {  	[bflag:$0x0] =	sbarrier.arrive $0xFFFF  }
0x1e: {  	[tilespmem:s15], [sflag:$0x1] =	stream.indirect.gather [hbm4b:s4+s14], $0x20, s3, s14, $0xb8;
	[tilespmem:$0xC000] =	vst v63  }
0x1f: {  	_ = 	snop  }
0x20: {  	[tilespmem:s16], [sflag:$0x2] =	stream.indirect.gather [hbm4b:s4+s14], $0x20, s14, s14, $0xb8;
	[tilespmem:$0xC000] =	vst v63  }
0x21: {  	_ =	swait.ge [sflag:s17], $0x1000  }
0x22: {  	[sflag:s17] =	ssyncset.done $0x0  }
0x23: {  	s22 =	simm.s32 $0x2800;
	[sflag:s17] =	ssyncadd.s32 $0xFFFFF000  }
0x24: {  	[spmem:s1] =	stream.indirect.scatter.add.f32 [tilespmem:s15], [sflag:$0x3], $0x20, s22, s14, $0xb8;
	[tilespmem:$0xC000] =	vst v63  }
0x25: {  	_ =	swait.ge [sflag:s12], $0x1000  }
0x26: {  	[sflag:s12] =	ssyncset.done $0x0  }
0x27: {  	s30 =	simm.s32 $0x100;
	[sflag:s12] =	ssyncadd.s32 $0xFFFFF000  }
0x28: {  	[tilespmem:s15], [sflag:$0x1] =	stream.indirect.gather [hbm4b:s4+s14], $0x20, s30, s14, $0xb8;
	[tilespmem:$0xC000] =	vst v63  }
0x29: {  	_ =	swait.ge [sflag:s18], $0x1000  }
0x2a: {  	[sflag:s18] =	ssyncset.done $0x0  }
0x2b: {  	s31 =	simm.s32 $0x2880;
	[sflag:s18] =	ssyncadd.s32 $0xFFFFF000  }
0x2c: {  	[spmem:s1] =	stream.indirect.scatter.add.f32 [tilespmem:s16], [sflag:$0x3], $0x20, s31, s14, $0xb8;
	[tilespmem:$0xC000] =	vst v63  }
0x2d: {  	_ =	swait.ge [sflag:s12], $0x1000  }
0x2e: {  	[sflag:s12] =	ssyncset.done $0x0  }
0x2f: {  	s23 =	simm.s32 $0x180;
	s22 =	simm.s32 $0x400;
	[sflag:s12] =	ssyncadd.s32 $0xFFFFF000  }
.LBB2_2:
0x30: {  	[tilespmem:s16], [sflag:$0x2] =	stream.indirect.gather [hbm4b:s4+s14], $0x20, s23, s14, $0xb8;
	[tilespmem:$0xC000] =	vst v63  }
0x31: {  	s23 =	smov.u32 s22  }
0x32: {  	p0 =	sne.s32 s22, $0x9800;
	s22 =	sadd.s32 $0x400, s22;
	_ =	swait.ge [sflag:s17], $0x1000  }
0x33: {  	s23 =	sshra.s32 s23, $0x2;
	[sflag:s17] =	ssyncset.done $0x0  }
0x34: {  	s24 =	sadd.s32 $0x2800, s23;
	[sflag:s17] =	ssyncadd.s32 $0xFFFFF000  }
0x35: {  	[spmem:s1] =	stream.indirect.scatter.add.f32 [tilespmem:s15], [sflag:$0x3], $0x20, s24, s14, $0xb8;
	[tilespmem:$0xC000] =	vst v63  }
0x36: {  	_ =	swait.ge [sflag:s12], $0x1000  }
0x37: {  	[sflag:s12] =	ssyncset.done $0x0  }
0x38: {  	s24 =	sadd.s32 $0x100, s23;
	[sflag:s12] =	ssyncadd.s32 $0xFFFFF000  }
0x39: {  	[tilespmem:s15], [sflag:$0x1] =	stream.indirect.gather [hbm4b:s4+s14], $0x20, s24, s14, $0xb8;
	[tilespmem:$0xC000] =	vst v63  }
0x3a: {  	_ =	swait.ge [sflag:s18], $0x1000  }
0x3b: {  	[sflag:s18] =	ssyncset.done $0x0  }
.Ltmp0:
0x3c: {  	s24 =	sadd.s32 $0x2880, s23;
	[sflag:s18] =	ssyncadd.s32 $0xFFFFF000;
	(pc) =	sbr.rel @p0 .LBB2_2-.Ltmp0, $4  }
0x3d: {  	[spmem:s1] =	stream.indirect.scatter.add.f32 [tilespmem:s16], [sflag:$0x3], $0x20, s24, s14, $0xb8;
	[tilespmem:$0xC000] =	vst v63  }
0x3e: {  	_ =	swait.ge [sflag:s12], $0x1000  }
0x3f: {  	[sflag:s12] =	ssyncset.done $0x0  }
0x40: {  	s23 =	sadd.s32 $0x180, s23;
	[sflag:s12] =	ssyncadd.s32 $0xFFFFF000  }
0x41: {  	[tilespmem:s16], [sflag:$0x2] =	stream.indirect.gather [hbm4b:s4+s14], $0x20, s23, s14, $0xb8;
	[tilespmem:$0xC000] =	vst v63  }
0x42: {  	_ =	swait.ge [sflag:s17], $0x1000  }
0x43: {  	[sflag:s17] =	ssyncset.done $0x0  }
0x44: {  	[sflag:s17] =	ssyncadd.s32 $0xFFFFF000  }
0x45: {  	[spmem:s1] =	stream.indirect.scatter.add.f32 [tilespmem:s15], [sflag:$0x3], $0x20, s19, s14, $0xb8;
	[tilespmem:$0xC000] =	vst v63  }
0x46: {  	_ =	swait.ge [sflag:s12], $0x1000  }
0x47: {  	[sflag:s12] =	ssyncset.done $0x0  }
0x48: {  	[sflag:s12] =	ssyncadd.s32 $0xFFFFF000  }
0x49: {  	_ =	swait.ge [sflag:s18], $0x1000  }
0x4a: {  	[sflag:s18] =	ssyncset.done $0x0  }
0x4b: {  	[sflag:s18] =	ssyncadd.s32 $0xFFFFF000  }
0x4c: {  	[spmem:s1] =	stream.indirect.scatter.add.f32 [tilespmem:s16], [sflag:$0x3], $0x20, s20, s14, $0xb8;
	[tilespmem:$0xC000] =	vst v63  }
0x4d: {  	_ =	swait.ge [sflag:s12], $0x1000  }
0x4e: {  	s21 =	sadd.s32 $0x1, s21;
	[sflag:s12] =	ssyncset.done $0x0  }
0x4f: {  	p0 =	sne.s32 s21, s10;
	[sflag:s12] =	ssyncadd.s32 $0xFFFFF000  }
.Ltmp1:
0x50: {  	[bflag:$0x0] =	sbarrier.arrive $0xFFFF;
	(pc) =	sbr.rel @p0 .LBB2_1-.Ltmp1, $4  }
0x51: {  	[hbm:s9], [sflag:s6] =	dma.local [spmem:s11], $0xA00  }
0x52: {  	_ =	swait.ge [sflag:s12], $0xA00  }
0x53: {  	[sflag:s12] =	ssyncset.done $0x0  }
0x54: {  	[sflag:s12] =	ssyncadd.s32 $0xFFFFF600  }
0x55: {  	_ =	sfence.sel $0x180000  }
0x56: {  	[bflag:$0x0] =	sbarrier.arrive $0xFFFF  }
0x57: {  	p0 =	sne.s32 s2, $0x0;
	_ =	strace $0x90000050  }
0x58: {  	s0 =	sadd.s32 @!p0 $0x100000, s0;
	[bflag:$0x2] =	sbarrier.arrive $0xFFFF  }
0x59: {  	[sflag:s0] =	ssyncadd.tile.s32 @!p0 $0x1;
	_ =	shalt  }
.Lfunc_end2:
_tile_overlayer_lowered:
.L_overlay_start_2:
0x5a: {  	(tag) =	ssettag $0x2  }
0x5b: {  	s0 =	rddreg [dreg:$0x0];
	s2 =	stileid.u32  }
0x5c: {  	s1 =	rddreg [dreg:$0x1];
	p0 =	sne.s32 s2, $0x0  }
0x5d: {  	s3 =	rddreg [dreg:$0x2];
	[bflag:$0x3] =	sbarrier.arrive $0xFFFF;
	s2 =	simm.s32 @!p0 $0x1C03  }
0x5e: {  	[timem:s3], [sflag:s2] =	dma.local @!p0 [hbm:s0], s1  }
0x5f: {  	s0 =	simm.s32 @!p0 $0x3  }
0x60: {  	_ =	swait.ge @!p0 [sflag:s0], s1  }
0x61: {  	s1 =	ssub.s32 @!p0 $0x0, s1;
	[sflag:s0] =	ssyncset.done @!p0 $0x0  }
0x62: {  	[sflag:s0] =	ssyncadd.s32 @!p0 s1  }
0x63: {  	[bflag:$0x3] =	sbarrier.arrive $0xFFFF  }
0x64: {  	_ =	shalt  }

// kernel: kernel.29.cloned.1.call-start
scs
__scs_entry_jumppad:
0x0: {  	(pc) =	sbr.rel $0x88, $3  }
0x1: {  	(tag) =	ssettag $0x0;
	lr =	simm.s32 $0x1  }
0x2: {  	[smem:$0x3F81] =	sst lr;
	_ =	strace $0xD0000000  }
0x3: {  	_ = 	snop  }
0x4: {  	_ = 	snop  }
0x5: {  	_ = 	snop  }
0x6: {  	_ = 	snop  }
0x7: {  	_ = 	snop  }
__scs_overlays_trampoline_lowered:
0x8: {  	[smem:$0x3F90] =	sst s0  }
0x9: {  	[smem:$0x3F91] =	sst s1  }
0xa: {  	[smem:$0x3F92] =	sst s2  }
0xb: {  	[smem:$0x3F93] =	sst s3  }
0xc: {  	[smem:$0x3F94] =	sst s4  }
0xd: {  	[smem:$0x3F95] =	sst s5  }
0xe: {  	[smem:$0x3F96] =	sst s6  }
0xf: {  	[smem:$0x3F97] =	sst s7  }
0x10: {  	[smem:$0x3F98] =	sst s8  }
0x11: {  	[smem:$0x3F99] =	sst s9;
	s0 =	simm.s32 @!p0 $0x0  }
0x12: {  	s1 =	sld [smem:$0x3F7F];
	s0 =	simm.s32 @p0 $0x1  }
0x13: {  	[smem:$0x3F9A] =	sst s0;
	s0 =	simm.s32 @!p1 $0x0  }
0x14: {  	s2 =	sld [smem:$0x3F7E];
	s0 =	simm.s32 @p1 $0x1  }
0x15: {  	[smem:$0x3F9B] =	sst s0;
	s0 =	simm.s32 @!p2 $0x0  }
0x16: {  	s3 =	sld [smem:$0x3FDB];
	s0 =	simm.s32 @p2 $0x1  }
0x17: {  	s4 =	simm.s32 $0x1BF5;
	[smem:$0x3F9D] =	sst s0  }
0x18: {  	s0 =	sld [smem:$0x3F80];
	_ =	swait.ge [sflag:s4], $0x0  }
0x19: {  	s7 =	sld [smem:$0x3F81]  }
0x1a: {  	s8 =	sadd.s32 $0xFFFFE003, lr  }
0x1b: {  	s9 =	sadd.s32 $0xFFFFFEF7, lr;
	s5 =	simm.s32 $0xFFFFFFFF;
	p2 =	slt.u32 s8, $0xFFFFF086  }
0x1c: {  	p1 =	slt.u32 s9, $0xF7A;
	s5 =	simm.s32 @!p2 $0x0  }
0x1d: {  	s5 =	simm.s32 @p1 $0x1;
	p0 =	seq.s32 s7, s2  }
0x1e: {  	s7 =	smul.u32 @!p0 $0xF7A, s2;
	p2 =	seq.s32 @!p0 s5, $0x0  }
0x1f: {  	s9 =	smul.u32 $0xF7A, s1;
	s8 =	simm.s32 @!p0 $0x1BF5;
	p2 =	por !p2, p0  }
0x20: {  	[sflag:s8] =	ssyncset.s32 @!p0 $0xFFFFF086;
	s6 =	sadd.s32 @!p0 s3, s7;
	s7 =	simm.s32 @!p0 $0x108  }
0x21: {  	s3 =	sadd.s32 s3, s9;
	s6 =	sadd.s32 @!p0 $0x88, s6;
	s7 =	simm.s32 @p2 $0x1082  }
0x22: {  	[simem:s7], [sflag:s8] =	dma.local @!p0 [hbm:s6], $0xF7A  }
0x23: {  	s9 =	sor.u32 $0xD0000000, s2;
	s6 =	simm.s32 $0x108;
	_ =	swait.ge @!p0 [sflag:s8], $0x0  }
0x24: {  	s3 =	sadd.s32 $0x88, s3;
	s6 =	simm.s32 @!p1 $0x1082;
	[sflag:s4] =	ssyncset.s32 $0xFFFFF086  }
0x25: {  	[simem:s6], [sflag:s4] =	dma.local [hbm:s3], $0xF7A  }
0x26: {  	[smem:$0x3F81] =	sst s1;
	(tag) =	ssettag s2;
	_ =	strace s9  }
0x27: {  	s1 =	sld [smem:$0x3F91]  }
0x28: {  	s2 =	sld [smem:$0x3F92]  }
0x29: {  	s4 =	sld [smem:$0x3F94]  }
0x2a: {  	p0 =	seq.s32 s5, $0x0;
	s5 =	sld [smem:$0x3F95]  }
0x2b: {  	s6 =	sld [smem:$0x3F96]  }
0x2c: {  	s7 =	sld [smem:$0x3F97]  }
0x2d: {  	s3 =	simm.s32 $0x108;
	s8 =	sld [smem:$0x3F98]  }
0x2e: {  	s3 =	simm.s32 @!p0 $0x1082;
	s9 =	sld [smem:$0x3F99]  }
0x2f: {  	lr =	sadd.s32 s0, s3;
	s0 =	sld [smem:$0x3F90]  }
0x30: {  	s3 =	sld [smem:$0x3F93]  }
0x31: {  	[smem:$0x3F9C] =	sst s10  }
0x32: {  	s10 =	sld [smem:$0x3F9A];
	_ =	sdelay $0x3  }
0x33: {  	p0 =	seq.s32 s10, $0x1;
	s10 =	sld [smem:$0x3F9C];
	_ =	sdelay $0x3  }
0x34: {  	[smem:$0x3F9C] =	sst s10  }
0x35: {  	s10 =	sld [smem:$0x3F9B];
	_ =	sdelay $0x3  }
0x36: {  	p1 =	seq.s32 s10, $0x1;
	s10 =	sld [smem:$0x3F9C];
	_ =	sdelay $0x3  }
0x37: {  	[smem:$0x3F9C] =	sst s10  }
0x38: {  	s10 =	sld [smem:$0x3F9D]  }
0x39: {  	_ = 	snop;
	(pc) =	sbr.ind lr, $3  }
0x3a: {  	_ = 	snop  }
0x3b: {  	_ = 	snop  }
0x3c: {  	p2 =	seq.s32 s10, $0x1;
	s10 =	sld [smem:$0x3F9C]  }
0x3d: {  	_ =	shalt  }
0x3e: {  	_ =	shalt  }
0x3f: {  	_ =	shalt  }
0x40: {  	_ =	shalt  }
0x41: {  	_ =	shalt  }
0x42: {  	_ =	shalt  }
0x43: {  	_ =	shalt  }
0x44: {  	_ =	shalt  }
0x45: {  	_ =	shalt  }
0x46: {  	_ =	shalt  }
0x47: {  	_ =	shalt  }
0x48: {  	_ =	shalt  }
0x49: {  	_ =	shalt  }
0x4a: {  	_ =	shalt  }
0x4b: {  	_ =	shalt  }
0x4c: {  	_ =	shalt  }
0x4d: {  	_ =	shalt  }
0x4e: {  	_ =	shalt  }
0x4f: {  	_ =	shalt  }
0x50: {  	_ =	shalt  }
0x51: {  	_ =	shalt  }
0x52: {  	_ =	shalt  }
0x53: {  	_ =	shalt  }
0x54: {  	_ =	shalt  }
0x55: {  	_ =	shalt  }
0x56: {  	_ =	shalt  }
0x57: {  	_ =	shalt  }
0x58: {  	_ =	shalt  }
0x59: {  	_ =	shalt  }
0x5a: {  	_ =	shalt  }
0x5b: {  	_ =	shalt  }
0x5c: {  	_ =	shalt  }
0x5d: {  	_ =	shalt  }
0x5e: {  	_ =	shalt  }
0x5f: {  	_ =	shalt  }
0x60: {  	_ =	shalt  }
0x61: {  	_ =	shalt  }
0x62: {  	_ =	shalt  }
0x63: {  	_ =	shalt  }
0x64: {  	_ =	shalt  }
0x65: {  	_ =	shalt  }
0x66: {  	_ =	shalt  }
0x67: {  	_ =	shalt  }
0x68: {  	_ =	shalt  }
0x69: {  	_ =	shalt  }
0x6a: {  	_ =	shalt  }
0x6b: {  	_ =	shalt  }
0x6c: {  	_ =	shalt  }
0x6d: {  	_ =	shalt  }
0x6e: {  	_ =	shalt  }
0x6f: {  	_ =	shalt  }
0x70: {  	_ =	shalt  }
0x71: {  	_ =	shalt  }
0x72: {  	_ =	shalt  }
0x73: {  	_ =	shalt  }
0x74: {  	_ =	shalt  }
0x75: {  	_ =	shalt  }
0x76: {  	_ =	shalt  }
0x77: {  	_ =	shalt  }
0x78: {  	_ =	shalt  }
0x79: {  	_ =	shalt  }
0x7a: {  	_ =	shalt  }
0x7b: {  	_ =	shalt  }
0x7c: {  	_ =	shalt  }
0x7d: {  	_ =	shalt  }
0x7e: {  	_ =	shalt  }
0x7f: {  	_ =	shalt  }
0x80: {  	_ =	shalt  }
0x81: {  	_ =	shalt  }
0x82: {  	_ =	shalt  }
0x83: {  	_ =	shalt  }
0x84: {  	_ =	shalt  }
0x85: {  	_ =	shalt  }
0x86: {  	_ =	shalt  }
0x87: {  	_ =	shalt  }
.Lfunc_end0:
.L_simem_size_0:
called_computation.4_lowered:
.L_overlay_start_0:
0x88: {  	s2 =	sld [smem:$0x3FD9]  }
0x89: {  	s3 =	sld [smem:$0x3FFE];
	_ =	sdelay $0x1  }
0x8a: {  	s1 =	srdreg.scid  }
0x8b: {  	s0 =	sand.u32 $0x1, s1  }
0x8c: {  	s17 =	sshll.u32 s0, $0xA;
	s2 =	sadd.s32 s3, s2  }
0x8d: {  	s2 =	sadd.s32 s2, s17  }
0x8e: {  	[smem:$0x3FA8] =	sst s2  }
0x8f: {  	_ = 	snop  }
0x90: {  	s2 =	sld [smem:$0x3FD0];
	(tm) =	ssettm $0x1  }
0x91: {  	s18 =	sld [smem:$0x3FFB];
	_ =	sdelay $0x3  }
0x92: {  	_ =	strace s18  }
0x93: {  	s3 =	sld [smem:$0x3FFC];
	_ =	sdelay $0x3  }
0x94: {  	_ =	strace s3  }
0x95: {  	s3 =	sld [smem:$0x3FFD];
	_ =	sdelay $0x3  }
0x96: {  	_ =	strace s3  }
0x97: {  	_ =	strace $0x8FFFFFFF  }
0x98: {  	s19 =	sld [smem:$0x3FDB];
	_ =	sdelay $0x1  }
0x99: {  	s4 =	simm.s32 $_scs_section_size  }
0x9a: {  	s5 =	simm.s32 $_size__tile_overlayer_lowered;
	s6 =	simm.s32 $_tile_overlayer_lowered  }
0x9b: {  	s22 =	simm.s32 $0x1BFF;
	s21 =	sshll.u32 s6, $0x1;
	s3 =	sadd.s32 s4, s19  }
0x9c: {  	s7 =	simm.s32 $0x0;
	s20 =	sshll.u32 s5, $0x1;
	s5 =	sadd.s32 s21, s3  }
0x9d: {  	[timem:s7], [sflag:s22] =	dma.local [hbm:s5], s20  }
0x9e: {  	_ =	swait.ge [sflag:s22], s20  }
0x9f: {  	s4 =	ssub.s32 $0x0, s20;
	[sflag:s22] =	ssyncset.done $0x0  }
0xa0: {  	[sflag:s22] =	ssyncadd.s32 s4;
	_ =	sdelay $0x1  }
0xa1: {  	s23 =	simm.s32 $0x1B8B  }
0xa2: {  	_ =	swait.ge [sflag:s23], $0x1  }
0xa3: {  	[sflag:s23] =	ssyncset.done $0x0  }
0xa4: {  	s25 =	simm.s32 $0x1B8E;
	s24 =	sld [smem:$0x3FFE];
	[sflag:s23] =	ssyncadd.s32 $0xFFFFFFFF  }
0xa5: {  	s26 =	simm.s32 $execute0_lowered;
	[smem:$0x3FD2] =	sst s25  }
0xa6: {  	s5 =	sshll.u32 s26, $0x1;
	_ =	strace $0x80000052;
	[dreg:$0x1] =	wrdreg $0xFFFFFFFF  }
0xa7: {  	s28 =	simm.s32 $_size_execute0_lowered;
	s3 =	sadd.s32 s3, s5;
	[dreg:$0x0] =	wrdreg $0x0  }
0xa8: {  	s5 =	sshll.u32 s28, $0x1;
	[dreg:$0x2] =	wrdreg s3  }
0xa9: {  	[dreg:$0x3] =	wrdreg s5  }
0xaa: {  	[dreg:$0x4] =	wrdreg $0xC0  }
0xab: {  	_ =	task [dreg:s7], $0x5FFFF  }
0xac: {  	[dreg:$0x1] =	wrdreg $0xFFFFFFFF  }
0xad: {  	[dreg:$0x0] =	wrdreg $0x60  }
0xae: {  	[dreg:$0x2] =	wrdreg s2  }
0xaf: {  	[dreg:$0x3] =	wrdreg s24  }
0xb0: {  	[dreg:$0x4] =	wrdreg $0xA8000  }
0xb1: {  	[dreg:$0x5] =	wrdreg $0x9  }
0xb2: {  	_ =	task.clear_ibuf [dreg:s7], $0x6FFFF;
	_ =	strace $0x90000052  }
0xb3: {  	s29 =	simm.s32 $0x9;
	_ =	strace $0x80000054  }
0xb4: {  	_ =	swait.ge [sflag:s29], $0x1  }
0xb5: {  	[sflag:s29] =	ssyncadd.s32 $0xFFFFFFFF  }
0xb6: {  	_ =	strace $0x90000054  }
0xb7: {  	_ =	sfence  }
0xb8: {  	s30 =	sld [smem:$0x0];
	_ =	sdelay $0x2  }
0xb9: {  	s31 =	sshll.u32 s1, $0xD;
	s1 =	sshrl.u32 s1, $0x2  }
0xba: {  	s3 =	sand.u32 $0x4000, s31;
	s1 =	sadd.s32 s1, s30  }
0xbb: {  	s0 =	sor.u32 s3, s0;
	s1 =	sshll.u32 s1, $0x11  }
0xbc: {  	s0 =	sor.u32 s1, s0  }
0xbd: {  	s0 =	sadd.s32 $0x8F2B, s0  }
0xbe: {  	[sflag:s0] =	ssyncadd.remote.s32 $0x1  }
0xbf: {  	_ =	sfence.sel $0xFFFF  }
0xc0: {  	[dreg:$0x0] =	wrdreg $0xFFFFFFFF;
	(pc) =	sbr.abs _section_cstart, $3  }
0xc1: {  	[dreg:$0x1] =	wrdreg $0xFFFFFFFF  }
0xc2: {  	_ =	task.clear_ibuf [dreg:s7], $0x2FFFF;
	_ =	strace $0x9FFFFFFF  }
0xc3: {  	(tm) =	ssettm $0x7FFFFFFF  }
tec
execute0_lowered:
.L_overlay_start_1:
0x0: {  	(tag) =	ssettag $0x1  }
0x1: {  	s1 =	rddreg [dreg:$0x0]  }
0x2: {  	s5 =	rddreg [dreg:$0x1]  }
0x3: {  	s3 =	rddreg [dreg:$0x2]  }
0x4: {  	s0 =	rddreg [dreg:$0x3];
	s4 =	simm.s32 $0x0;
	s2 =	stileid.u32  }
0x5: {  	s6 =	srdreg.scid;
	s15 =	simm.s32 $0x1400;
	s16 =	simm.s32 $0x80  }
0x6: {  	s17 =	simm.s32 $0x2800;
	s18 =	simm.s32 $0x6800;
	s19 =	simm.s32 $0x1  }
0x7: {  	s20 =	simm.s32 $0x2;
	s21 =	simm.s32 $0x2700;
	s22 =	simm.s32 $0x2780  }
0x8: {  	s23 =	simm.s32 $0x0;
	[smem:$0x7FF] =	sst s4;
	s7 =	smul.u32 $0x14000, s2  }
0x9: {  	s6 =	sand.u32 $0x1, s6;
	s9 =	sadd.s32 $0x6C00, s5;
	s10 =	sadd.s32 $0x10C00, s5  }
0xa: {  	s30 =	sshll.u32 s2, $0x6;
	_ =	strace $0x80000053;
	s8 =	smul.u32 $0x140000, s6  }
0xb: {  	s12 =	sshll.u32 s6, $0x4;
	s6 =	ssub.s32 $0x2, s6;
	s11 =	sshrl.u32 s7, $0x3  }
0xc: {  	s12 =	sor.u32 s2, s12;
	s26 =	sshrl.u32 s6, $0x1;
	s14 =	sadd.s32 s7, s3  }
0xd: {  	s11 =	sadd.s32 s11, s5;
	s8 =	sadd.s32 s7, s8;
	s28 =	smul.u32 $0x2800, s12  }
0xe: {  	s29 =	ssub.s32 s6, s26;
	s6 =	sor.u32 $0x1C03, s30;
	s8 =	sshrl.u32 s8, $0x3  }
0xf: {  	s12 =	smax.u32 s29, $0x1;
	s13 =	sadd.s32 s8, s5;
	s31 =	sshrl.u32 s28, $0x3  }
0x10: {  	s5 =	sadd.s32 $0x1AC00, s11;
	s7 =	sadd.s32 s9, s31;
	s11 =	sadd.s32 $0x280, s31  }
0x11: {  	s8 =	sadd.s32 s10, s31;
	s9 =	sadd.s32 s9, s11;
	s10 =	sadd.s32 s10, s11  }
0x12: {  	s11 =	sadd.s32 $0xA6C00, s13;
	s13 =	sshrl.u32 s14, $0x3;
	s14 =	simm.s32 $0x3  }
.LBB2_1:
0x13: {  	[spmem:s13], [sflag:s6] =	dma.local [hbm:s5], $0x2800  }
0x14: {  	_ =	swait.ge [sflag:s14], $0x2800  }
0x15: {  	[sflag:s14] =	ssyncset.done $0x0  }
0x16: {  	[sflag:s14] =	ssyncadd.s32 $0xFFFFD800  }
0x17: {  	[tilespmem:s4], [sflag:$0x3] =	stream.linear.gather [hbm4b:s7+s4], $0x1400, $0x38;
	[tilespmem:$0x1E800] =	vst v63  }
0x18: {  	_ =	swait.ge [sflag:s14], $0x1400  }
0x19: {  	[sflag:s14] =	ssyncset.done $0x0  }
0x1a: {  	[sflag:s14] =	ssyncadd.s32 $0xFFFFEC00  }
0x1b: {  	[tilespmem:s15], [sflag:$0x3] =	stream.linear.gather [hbm4b:s8+s4], $0x1400, $0x38;
	[tilespmem:$0x1E800] =	vst v63  }
0x1c: {  	_ =	swait.ge [sflag:s14], $0x1400  }
0x1d: {  	[sflag:s14] =	ssyncset.done $0x0  }
0x1e: {  	[sflag:s14] =	ssyncadd.s32 $0xFFFFEC00  }
0x1f: {  	[bflag:$0x0] =	sbarrier.arrive $0xFFFF  }
0x20: {  	[tilespmem:s17], [sflag:$0x1] =	stream.indirect.gather [hbm4b:s1+s16], $0x80, s4, s16, $0xb8;
	[tilespmem:$0x1E800] =	vst v63  }
0x21: {  	_ = 	snop  }
0x22: {  	[tilespmem:s18], [sflag:$0x2] =	stream.indirect.gather [hbm4b:s1+s16], $0x80, s16, s16, $0xb8;
	[tilespmem:$0x1E800] =	vst v63  }
0x23: {  	_ =	swait.ge [sflag:s19], $0x4000  }
0x24: {  	[sflag:s19] =	ssyncset.done $0x0  }
0x25: {  	s24 =	simm.s32 $0x1400;
	[sflag:s19] =	ssyncadd.s32 $0xFFFFC000  }
0x26: {  	[spmem:s3] =	stream.indirect.scatter.add.f32 [tilespmem:s17], [sflag:$0x3], $0x80, s24, s16, $0xb8;
	[tilespmem:$0x1E800] =	vst v63  }
0x27: {  	_ =	swait.ge [sflag:s14], $0x4000  }
0x28: {  	[sflag:s14] =	ssyncset.done $0x0  }
0x29: {  	s30 =	simm.s32 $0x100;
	[sflag:s14] =	ssyncadd.s32 $0xFFFFC000  }
0x2a: {  	[tilespmem:s17], [sflag:$0x1] =	stream.indirect.gather [hbm4b:s1+s16], $0x80, s30, s16, $0xb8;
	[tilespmem:$0x1E800] =	vst v63  }
0x2b: {  	_ =	swait.ge [sflag:s20], $0x4000  }
0x2c: {  	[sflag:s20] =	ssyncset.done $0x0  }
0x2d: {  	s31 =	simm.s32 $0x1480;
	[sflag:s20] =	ssyncadd.s32 $0xFFFFC000  }
0x2e: {  	[spmem:s3] =	stream.indirect.scatter.add.f32 [tilespmem:s18], [sflag:$0x3], $0x80, s31, s16, $0xb8;
	[tilespmem:$0x1E800] =	vst v63  }
0x2f: {  	_ =	swait.ge [sflag:s14], $0x4000  }
0x30: {  	[sflag:s14] =	ssyncset.done $0x0  }
0x31: {  	s25 =	simm.s32 $0x180;
	s24 =	simm.s32 $0x400;
	[sflag:s14] =	ssyncadd.s32 $0xFFFFC000  }
.LBB2_2:
0x32: {  	[tilespmem:s18], [sflag:$0x2] =	stream.indirect.gather [hbm4b:s1+s16], $0x80, s25, s16, $0xb8;
	[tilespmem:$0x1E800] =	vst v63  }
0x33: {  	s25 =	smov.u32 s24  }
0x34: {  	p0 =	sne.s32 s24, $0x4800;
	s24 =	sadd.s32 $0x400, s24;
	_ =	swait.ge [sflag:s19], $0x4000  }
0x35: {  	s25 =	sshra.s32 s25, $0x2;
	[sflag:s19] =	ssyncset.done $0x0  }
0x36: {  	s26 =	sadd.s32 $0x1400, s25;
	[sflag:s19] =	ssyncadd.s32 $0xFFFFC000  }
0x37: {  	[spmem:s3] =	stream.indirect.scatter.add.f32 [tilespmem:s17], [sflag:$0x3], $0x80, s26, s16, $0xb8;
	[tilespmem:$0x1E800] =	vst v63  }
0x38: {  	_ =	swait.ge [sflag:s14], $0x4000  }
0x39: {  	[sflag:s14] =	ssyncset.done $0x0  }
0x3a: {  	s26 =	sadd.s32 $0x100, s25;
	[sflag:s14] =	ssyncadd.s32 $0xFFFFC000  }
0x3b: {  	[tilespmem:s17], [sflag:$0x1] =	stream.indirect.gather [hbm4b:s1+s16], $0x80, s26, s16, $0xb8;
	[tilespmem:$0x1E800] =	vst v63  }
0x3c: {  	_ =	swait.ge [sflag:s20], $0x4000  }
0x3d: {  	[sflag:s20] =	ssyncset.done $0x0  }
.Ltmp0:
0x3e: {  	s26 =	sadd.s32 $0x1480, s25;
	[sflag:s20] =	ssyncadd.s32 $0xFFFFC000;
	(pc) =	sbr.rel @p0 .LBB2_2-.Ltmp0, $4  }
0x3f: {  	[spmem:s3] =	stream.indirect.scatter.add.f32 [tilespmem:s18], [sflag:$0x3], $0x80, s26, s16, $0xb8;
	[tilespmem:$0x1E800] =	vst v63  }
0x40: {  	_ =	swait.ge [sflag:s14], $0x4000  }
0x41: {  	[sflag:s14] =	ssyncset.done $0x0  }
0x42: {  	s25 =	sadd.s32 $0x180, s25;
	[sflag:s14] =	ssyncadd.s32 $0xFFFFC000  }
0x43: {  	[tilespmem:s18], [sflag:$0x2] =	stream.indirect.gather [hbm4b:s1+s16], $0x80, s25, s16, $0xb8;
	[tilespmem:$0x1E800] =	vst v63  }
0x44: {  	_ =	swait.ge [sflag:s19], $0x4000  }
0x45: {  	[sflag:s19] =	ssyncset.done $0x0  }
0x46: {  	[sflag:s19] =	ssyncadd.s32 $0xFFFFC000  }
0x47: {  	[spmem:s3] =	stream.indirect.scatter.add.f32 [tilespmem:s17], [sflag:$0x3], $0x80, s21, s16, $0xb8;
	[tilespmem:$0x1E800] =	vst v63  }
0x48: {  	_ =	swait.ge [sflag:s14], $0x4000  }
0x49: {  	[sflag:s14] =	ssyncset.done $0x0  }
0x4a: {  	[sflag:s14] =	ssyncadd.s32 $0xFFFFC000  }
0x4b: {  	_ =	swait.ge [sflag:s20], $0x4000  }
0x4c: {  	[sflag:s20] =	ssyncset.done $0x0  }
0x4d: {  	[sflag:s20] =	ssyncadd.s32 $0xFFFFC000  }
0x4e: {  	[spmem:s3] =	stream.indirect.scatter.add.f32 [tilespmem:s18], [sflag:$0x3], $0x80, s22, s16, $0xb8;
	[tilespmem:$0x1E800] =	vst v63  }
0x4f: {  	_ =	swait.ge [sflag:s14], $0x4000  }
0x50: {  	[sflag:s14] =	ssyncset.done $0x0  }
0x51: {  	s24 =	simm.s32 $0x0;
	[sflag:s14] =	ssyncadd.s32 $0xFFFFC000  }
0x52: {  	[tilespmem:s24], [sflag:$0x3] =	stream.linear.gather [hbm4b:s9+s24], $0x1400, $0x38;
	[tilespmem:$0x1E800] =	vst v63  }
0x53: {  	_ =	swait.ge [sflag:s14], $0x1400  }
0x54: {  	[sflag:s14] =	ssyncset.done $0x0  }
0x55: {  	[sflag:s14] =	ssyncadd.s32 $0xFFFFEC00  }
0x56: {  	[tilespmem:s15], [sflag:$0x3] =	stream.linear.gather [hbm4b:s10+s24], $0x1400, $0x38;
	[tilespmem:$0x1E800] =	vst v63  }
0x57: {  	_ =	swait.ge [sflag:s14], $0x1400  }
0x58: {  	[sflag:s14] =	ssyncset.done $0x0  }
0x59: {  	[sflag:s14] =	ssyncadd.s32 $0xFFFFEC00  }
0x5a: {  	[tilespmem:s17], [sflag:$0x1] =	stream.indirect.gather [hbm4b:s1+s16], $0x80, s24, s16, $0xb8;
	[tilespmem:$0x1E800] =	vst v63  }
0x5b: {  	_ = 	snop  }
0x5c: {  	[tilespmem:s18], [sflag:$0x2] =	stream.indirect.gather [hbm4b:s1+s16], $0x80, s16, s16, $0xb8;
	[tilespmem:$0x1E800] =	vst v63  }
0x5d: {  	_ =	swait.ge [sflag:s19], $0x4000  }
0x5e: {  	[sflag:s19] =	ssyncset.done $0x0  }
0x5f: {  	s29 =	simm.s32 $0x1400;
	[sflag:s19] =	ssyncadd.s32 $0xFFFFC000  }
0x60: {  	[spmem:s3] =	stream.indirect.scatter.add.f32 [tilespmem:s17], [sflag:$0x3], $0x80, s29, s16, $0xb8;
	[tilespmem:$0x1E800] =	vst v63  }
0x61: {  	_ =	swait.ge [sflag:s14], $0x4000  }
0x62: {  	[sflag:s14] =	ssyncset.done $0x0  }
0x63: {  	s30 =	simm.s32 $0x100;
	[sflag:s14] =	ssyncadd.s32 $0xFFFFC000  }
0x64: {  	[tilespmem:s17], [sflag:$0x1] =	stream.indirect.gather [hbm4b:s1+s16], $0x80, s30, s16, $0xb8;
	[tilespmem:$0x1E800] =	vst v63  }
0x65: {  	_ =	swait.ge [sflag:s20], $0x4000  }
0x66: {  	[sflag:s20] =	ssyncset.done $0x0  }
0x67: {  	s31 =	simm.s32 $0x1480;
	[sflag:s20] =	ssyncadd.s32 $0xFFFFC000  }
0x68: {  	[spmem:s3] =	stream.indirect.scatter.add.f32 [tilespmem:s18], [sflag:$0x3], $0x80, s31, s16, $0xb8;
	[tilespmem:$0x1E800] =	vst v63  }
0x69: {  	_ =	swait.ge [sflag:s14], $0x4000  }
0x6a: {  	[sflag:s14] =	ssyncset.done $0x0  }
0x6b: {  	s25 =	simm.s32 $0x180;
	s24 =	simm.s32 $0x400;
	[sflag:s14] =	ssyncadd.s32 $0xFFFFC000  }
.LBB2_4:
0x6c: {  	[tilespmem:s18], [sflag:$0x2] =	stream.indirect.gather [hbm4b:s1+s16], $0x80, s25, s16, $0xb8;
	[tilespmem:$0x1E800] =	vst v63  }
0x6d: {  	s25 =	smov.u32 s24  }
0x6e: {  	p0 =	sne.s32 s24, $0x4800;
	s24 =	sadd.s32 $0x400, s24;
	_ =	swait.ge [sflag:s19], $0x4000  }
0x6f: {  	s25 =	sshra.s32 s25, $0x2;
	[sflag:s19] =	ssyncset.done $0x0  }
0x70: {  	s26 =	sadd.s32 $0x1400, s25;
	[sflag:s19] =	ssyncadd.s32 $0xFFFFC000  }
0x71: {  	[spmem:s3] =	stream.indirect.scatter.add.f32 [tilespmem:s17], [sflag:$0x3], $0x80, s26, s16, $0xb8;
	[tilespmem:$0x1E800] =	vst v63  }
0x72: {  	_ =	swait.ge [sflag:s14], $0x4000  }
0x73: {  	[sflag:s14] =	ssyncset.done $0x0  }
0x74: {  	s26 =	sadd.s32 $0x100, s25;
	[sflag:s14] =	ssyncadd.s32 $0xFFFFC000  }
0x75: {  	[tilespmem:s17], [sflag:$0x1] =	stream.indirect.gather [hbm4b:s1+s16], $0x80, s26, s16, $0xb8;
	[tilespmem:$0x1E800] =	vst v63  }
0x76: {  	_ =	swait.ge [sflag:s20], $0x4000  }
0x77: {  	[sflag:s20] =	ssyncset.done $0x0  }
.Ltmp1:
0x78: {  	s26 =	sadd.s32 $0x1480, s25;
	[sflag:s20] =	ssyncadd.s32 $0xFFFFC000;
	(pc) =	sbr.rel @p0 .LBB2_4-.Ltmp1, $4  }
0x79: {  	[spmem:s3] =	stream.indirect.scatter.add.f32 [tilespmem:s18], [sflag:$0x3], $0x80, s26, s16, $0xb8;
	[tilespmem:$0x1E800] =	vst v63  }
0x7a: {  	_ =	swait.ge [sflag:s14], $0x4000  }
0x7b: {  	[sflag:s14] =	ssyncset.done $0x0  }
0x7c: {  	s25 =	sadd.s32 $0x180, s25;
	[sflag:s14] =	ssyncadd.s32 $0xFFFFC000  }
0x7d: {  	[tilespmem:s18], [sflag:$0x2] =	stream.indirect.gather [hbm4b:s1+s16], $0x80, s25, s16, $0xb8;
	[tilespmem:$0x1E800] =	vst v63  }
0x7e: {  	_ =	swait.ge [sflag:s19], $0x4000  }
0x7f: {  	[sflag:s19] =	ssyncset.done $0x0  }
0x80: {  	[sflag:s19] =	ssyncadd.s32 $0xFFFFC000  }
0x81: {  	[spmem:s3] =	stream.indirect.scatter.add.f32 [tilespmem:s17], [sflag:$0x3], $0x80, s21, s16, $0xb8;
	[tilespmem:$0x1E800] =	vst v63  }
0x82: {  	_ =	swait.ge [sflag:s14], $0x4000  }
0x83: {  	[sflag:s14] =	ssyncset.done $0x0  }
0x84: {  	[sflag:s14] =	ssyncadd.s32 $0xFFFFC000  }
0x85: {  	_ =	swait.ge [sflag:s20], $0x4000  }
0x86: {  	[sflag:s20] =	ssyncset.done $0x0  }
0x87: {  	[sflag:s20] =	ssyncadd.s32 $0xFFFFC000  }
0x88: {  	[spmem:s3] =	stream.indirect.scatter.add.f32 [tilespmem:s18], [sflag:$0x3], $0x80, s22, s16, $0xb8;
	[tilespmem:$0x1E800] =	vst v63  }
0x89: {  	_ =	swait.ge [sflag:s14], $0x4000  }
0x8a: {  	s23 =	sadd.s32 $0x1, s23;
	[sflag:s14] =	ssyncset.done $0x0  }
0x8b: {  	p0 =	sne.s32 s23, s12;
	[sflag:s14] =	ssyncadd.s32 $0xFFFFC000  }
.Ltmp2:
0x8c: {  	[bflag:$0x0] =	sbarrier.arrive $0xFFFF;
	(pc) =	sbr.rel @p0 .LBB2_1-.Ltmp2, $4  }
0x8d: {  	[hbm:s11], [sflag:s6] =	dma.local [spmem:s13], $0x2800  }
0x8e: {  	_ =	swait.ge [sflag:s14], $0x2800  }
0x8f: {  	[sflag:s14] =	ssyncset.done $0x0  }
0x90: {  	[sflag:s14] =	ssyncadd.s32 $0xFFFFD800  }
0x91: {  	_ =	sfence.sel $0x180000  }
0x92: {  	[bflag:$0x0] =	sbarrier.arrive $0xFFFF  }
0x93: {  	p0 =	sne.s32 s2, $0x0;
	_ =	strace $0x90000053  }
0x94: {  	s0 =	sadd.s32 @!p0 $0x100000, s0;
	[bflag:$0x2] =	sbarrier.arrive $0xFFFF  }
0x95: {  	[sflag:s0] =	ssyncadd.tile.s32 @!p0 $0x1;
	_ =	shalt  }
.Lfunc_end2:
_tile_overlayer_lowered:
.L_overlay_start_2:
0x96: {  	(tag) =	ssettag $0x2  }
0x97: {  	s0 =	rddreg [dreg:$0x0];
	s2 =	stileid.u32  }
0x98: {  	s1 =	rddreg [dreg:$0x1];
	p0 =	sne.s32 s2, $0x0  }
0x99: {  	s3 =	rddreg [dreg:$0x2];
	[bflag:$0x3] =	sbarrier.arrive $0xFFFF;
	s2 =	simm.s32 @!p0 $0x1C03  }
0x9a: {  	[timem:s3], [sflag:s2] =	dma.local @!p0 [hbm:s0], s1  }
0x9b: {  	s0 =	simm.s32 @!p0 $0x3  }
0x9c: {  	_ =	swait.ge @!p0 [sflag:s0], s1  }
0x9d: {  	s1 =	ssub.s32 @!p0 $0x0, s1;
	[sflag:s0] =	ssyncset.done @!p0 $0x0  }
0x9e: {  	[sflag:s0] =	ssyncadd.s32 @!p0 s1  }
0x9f: {  	[bflag:$0x3] =	sbarrier.arrive $0xFFFF  }
0xa0: {  	_ =	shalt  }

// kernel: kernel.32.cloned.1.call-start
scs
__scs_entry_jumppad:
0x0: {  	(pc) =	sbr.rel $0x88, $3  }
0x1: {  	(tag) =	ssettag $0x0;
	lr =	simm.s32 $0x1  }
0x2: {  	[smem:$0x3F81] =	sst lr;
	_ =	strace $0xD0000000  }
0x3: {  	_ = 	snop  }
0x4: {  	_ = 	snop  }
0x5: {  	_ = 	snop  }
0x6: {  	_ = 	snop  }
0x7: {  	_ = 	snop  }
__scs_overlays_trampoline_lowered:
0x8: {  	[smem:$0x3F90] =	sst s0  }
0x9: {  	[smem:$0x3F91] =	sst s1  }
0xa: {  	[smem:$0x3F92] =	sst s2  }
0xb: {  	[smem:$0x3F93] =	sst s3  }
0xc: {  	[smem:$0x3F94] =	sst s4  }
0xd: {  	[smem:$0x3F95] =	sst s5  }
0xe: {  	[smem:$0x3F96] =	sst s6  }
0xf: {  	[smem:$0x3F97] =	sst s7  }
0x10: {  	[smem:$0x3F98] =	sst s8  }
0x11: {  	[smem:$0x3F99] =	sst s9;
	s0 =	simm.s32 @!p0 $0x0  }
0x12: {  	s1 =	sld [smem:$0x3F7F];
	s0 =	simm.s32 @p0 $0x1  }
0x13: {  	[smem:$0x3F9A] =	sst s0;
	s0 =	simm.s32 @!p1 $0x0  }
0x14: {  	s2 =	sld [smem:$0x3F7E];
	s0 =	simm.s32 @p1 $0x1  }
0x15: {  	[smem:$0x3F9B] =	sst s0;
	s0 =	simm.s32 @!p2 $0x0  }
0x16: {  	s3 =	sld [smem:$0x3FDB];
	s0 =	simm.s32 @p2 $0x1  }
0x17: {  	s4 =	simm.s32 $0x1BF5;
	[smem:$0x3F9D] =	sst s0  }
0x18: {  	s0 =	sld [smem:$0x3F80];
	_ =	swait.ge [sflag:s4], $0x0  }
0x19: {  	s7 =	sld [smem:$0x3F81]  }
0x1a: {  	s8 =	sadd.s32 $0xFFFFE003, lr  }
0x1b: {  	s9 =	sadd.s32 $0xFFFFFEF7, lr;
	s5 =	simm.s32 $0xFFFFFFFF;
	p2 =	slt.u32 s8, $0xFFFFF086  }
0x1c: {  	p1 =	slt.u32 s9, $0xF7A;
	s5 =	simm.s32 @!p2 $0x0  }
0x1d: {  	s5 =	simm.s32 @p1 $0x1;
	p0 =	seq.s32 s7, s2  }
0x1e: {  	s7 =	smul.u32 @!p0 $0xF7A, s2;
	p2 =	seq.s32 @!p0 s5, $0x0  }
0x1f: {  	s9 =	smul.u32 $0xF7A, s1;
	s8 =	simm.s32 @!p0 $0x1BF5;
	p2 =	por !p2, p0  }
0x20: {  	[sflag:s8] =	ssyncset.s32 @!p0 $0xFFFFF086;
	s6 =	sadd.s32 @!p0 s3, s7;
	s7 =	simm.s32 @!p0 $0x108  }
0x21: {  	s3 =	sadd.s32 s3, s9;
	s6 =	sadd.s32 @!p0 $0x88, s6;
	s7 =	simm.s32 @p2 $0x1082  }
0x22: {  	[simem:s7], [sflag:s8] =	dma.local @!p0 [hbm:s6], $0xF7A  }
0x23: {  	s9 =	sor.u32 $0xD0000000, s2;
	s6 =	simm.s32 $0x108;
	_ =	swait.ge @!p0 [sflag:s8], $0x0  }
0x24: {  	s3 =	sadd.s32 $0x88, s3;
	s6 =	simm.s32 @!p1 $0x1082;
	[sflag:s4] =	ssyncset.s32 $0xFFFFF086  }
0x25: {  	[simem:s6], [sflag:s4] =	dma.local [hbm:s3], $0xF7A  }
0x26: {  	[smem:$0x3F81] =	sst s1;
	(tag) =	ssettag s2;
	_ =	strace s9  }
0x27: {  	s1 =	sld [smem:$0x3F91]  }
0x28: {  	s2 =	sld [smem:$0x3F92]  }
0x29: {  	s4 =	sld [smem:$0x3F94]  }
0x2a: {  	p0 =	seq.s32 s5, $0x0;
	s5 =	sld [smem:$0x3F95]  }
0x2b: {  	s6 =	sld [smem:$0x3F96]  }
0x2c: {  	s7 =	sld [smem:$0x3F97]  }
0x2d: {  	s3 =	simm.s32 $0x108;
	s8 =	sld [smem:$0x3F98]  }
0x2e: {  	s3 =	simm.s32 @!p0 $0x1082;
	s9 =	sld [smem:$0x3F99]  }
0x2f: {  	lr =	sadd.s32 s0, s3;
	s0 =	sld [smem:$0x3F90]  }
0x30: {  	s3 =	sld [smem:$0x3F93]  }
0x31: {  	[smem:$0x3F9C] =	sst s10  }
0x32: {  	s10 =	sld [smem:$0x3F9A];
	_ =	sdelay $0x3  }
0x33: {  	p0 =	seq.s32 s10, $0x1;
	s10 =	sld [smem:$0x3F9C];
	_ =	sdelay $0x3  }
0x34: {  	[smem:$0x3F9C] =	sst s10  }
0x35: {  	s10 =	sld [smem:$0x3F9B];
	_ =	sdelay $0x3  }
0x36: {  	p1 =	seq.s32 s10, $0x1;
	s10 =	sld [smem:$0x3F9C];
	_ =	sdelay $0x3  }
0x37: {  	[smem:$0x3F9C] =	sst s10  }
0x38: {  	s10 =	sld [smem:$0x3F9D]  }
0x39: {  	_ = 	snop;
	(pc) =	sbr.ind lr, $3  }
0x3a: {  	_ = 	snop  }
0x3b: {  	_ = 	snop  }
0x3c: {  	p2 =	seq.s32 s10, $0x1;
	s10 =	sld [smem:$0x3F9C]  }
0x3d: {  	_ =	shalt  }
0x3e: {  	_ =	shalt  }
0x3f: {  	_ =	shalt  }
0x40: {  	_ =	shalt  }
0x41: {  	_ =	shalt  }
0x42: {  	_ =	shalt  }
0x43: {  	_ =	shalt  }
0x44: {  	_ =	shalt  }
0x45: {  	_ =	shalt  }
0x46: {  	_ =	shalt  }
0x47: {  	_ =	shalt  }
0x48: {  	_ =	shalt  }
0x49: {  	_ =	shalt  }
0x4a: {  	_ =	shalt  }
0x4b: {  	_ =	shalt  }
0x4c: {  	_ =	shalt  }
0x4d: {  	_ =	shalt  }
0x4e: {  	_ =	shalt  }
0x4f: {  	_ =	shalt  }
0x50: {  	_ =	shalt  }
0x51: {  	_ =	shalt  }
0x52: {  	_ =	shalt  }
0x53: {  	_ =	shalt  }
0x54: {  	_ =	shalt  }
0x55: {  	_ =	shalt  }
0x56: {  	_ =	shalt  }
0x57: {  	_ =	shalt  }
0x58: {  	_ =	shalt  }
0x59: {  	_ =	shalt  }
0x5a: {  	_ =	shalt  }
0x5b: {  	_ =	shalt  }
0x5c: {  	_ =	shalt  }
0x5d: {  	_ =	shalt  }
0x5e: {  	_ =	shalt  }
0x5f: {  	_ =	shalt  }
0x60: {  	_ =	shalt  }
0x61: {  	_ =	shalt  }
0x62: {  	_ =	shalt  }
0x63: {  	_ =	shalt  }
0x64: {  	_ =	shalt  }
0x65: {  	_ =	shalt  }
0x66: {  	_ =	shalt  }
0x67: {  	_ =	shalt  }
0x68: {  	_ =	shalt  }
0x69: {  	_ =	shalt  }
0x6a: {  	_ =	shalt  }
0x6b: {  	_ =	shalt  }
0x6c: {  	_ =	shalt  }
0x6d: {  	_ =	shalt  }
0x6e: {  	_ =	shalt  }
0x6f: {  	_ =	shalt  }
0x70: {  	_ =	shalt  }
0x71: {  	_ =	shalt  }
0x72: {  	_ =	shalt  }
0x73: {  	_ =	shalt  }
0x74: {  	_ =	shalt  }
0x75: {  	_ =	shalt  }
0x76: {  	_ =	shalt  }
0x77: {  	_ =	shalt  }
0x78: {  	_ =	shalt  }
0x79: {  	_ =	shalt  }
0x7a: {  	_ =	shalt  }
0x7b: {  	_ =	shalt  }
0x7c: {  	_ =	shalt  }
0x7d: {  	_ =	shalt  }
0x7e: {  	_ =	shalt  }
0x7f: {  	_ =	shalt  }
0x80: {  	_ =	shalt  }
0x81: {  	_ =	shalt  }
0x82: {  	_ =	shalt  }
0x83: {  	_ =	shalt  }
0x84: {  	_ =	shalt  }
0x85: {  	_ =	shalt  }
0x86: {  	_ =	shalt  }
0x87: {  	_ =	shalt  }
.Lfunc_end0:
.L_simem_size_0:
called_computation.5_lowered:
.L_overlay_start_0:
0x88: {  	s2 =	sld [smem:$0x3FD9]  }
0x89: {  	s3 =	sld [smem:$0x3FFE];
	_ =	sdelay $0x1  }
0x8a: {  	s1 =	srdreg.scid  }
0x8b: {  	s0 =	sand.u32 $0x1, s1  }
0x8c: {  	s17 =	sshll.u32 s0, $0xA;
	s2 =	sadd.s32 s3, s2  }
0x8d: {  	s2 =	sadd.s32 s2, s17  }
0x8e: {  	[smem:$0x3FA8] =	sst s2  }
0x8f: {  	_ = 	snop  }
0x90: {  	s2 =	sld [smem:$0x3FD0];
	(tm) =	ssettm $0x1  }
0x91: {  	s18 =	sld [smem:$0x3FFB];
	_ =	sdelay $0x3  }
0x92: {  	_ =	strace s18  }
0x93: {  	s3 =	sld [smem:$0x3FFC];
	_ =	sdelay $0x3  }
0x94: {  	_ =	strace s3  }
0x95: {  	s3 =	sld [smem:$0x3FFD];
	_ =	sdelay $0x3  }
0x96: {  	_ =	strace s3  }
0x97: {  	_ =	strace $0x8FFFFFFF  }
0x98: {  	s19 =	sld [smem:$0x3FDB];
	_ =	sdelay $0x1  }
0x99: {  	s4 =	simm.s32 $_scs_section_size  }
0x9a: {  	s5 =	simm.s32 $_size__tile_overlayer_lowered;
	s6 =	simm.s32 $_tile_overlayer_lowered  }
0x9b: {  	s22 =	simm.s32 $0x1BFF;
	s21 =	sshll.u32 s6, $0x1;
	s3 =	sadd.s32 s4, s19  }
0x9c: {  	s7 =	simm.s32 $0x0;
	s20 =	sshll.u32 s5, $0x1;
	s5 =	sadd.s32 s21, s3  }
0x9d: {  	[timem:s7], [sflag:s22] =	dma.local [hbm:s5], s20  }
0x9e: {  	_ =	swait.ge [sflag:s22], s20  }
0x9f: {  	s4 =	ssub.s32 $0x0, s20;
	[sflag:s22] =	ssyncset.done $0x0  }
0xa0: {  	[sflag:s22] =	ssyncadd.s32 s4;
	_ =	sdelay $0x1  }
0xa1: {  	s23 =	simm.s32 $0x1B8B  }
0xa2: {  	_ =	swait.ge [sflag:s23], $0x1  }
0xa3: {  	[sflag:s23] =	ssyncset.done $0x0  }
0xa4: {  	s25 =	simm.s32 $0x1B8E;
	s24 =	sld [smem:$0x3FFE];
	[sflag:s23] =	ssyncadd.s32 $0xFFFFFFFF  }
0xa5: {  	s26 =	simm.s32 $execute0_lowered;
	[smem:$0x3FD2] =	sst s25  }
0xa6: {  	s5 =	sshll.u32 s26, $0x1;
	_ =	strace $0x80000055;
	[dreg:$0x1] =	wrdreg $0xFFFFFFFF  }
0xa7: {  	s28 =	simm.s32 $_size_execute0_lowered;
	s3 =	sadd.s32 s3, s5;
	[dreg:$0x0] =	wrdreg $0x0  }
0xa8: {  	s5 =	sshll.u32 s28, $0x1;
	[dreg:$0x2] =	wrdreg s3  }
0xa9: {  	[dreg:$0x3] =	wrdreg s5  }
0xaa: {  	[dreg:$0x4] =	wrdreg $0xC0  }
0xab: {  	_ =	task [dreg:s7], $0x5FFFF  }
0xac: {  	[dreg:$0x1] =	wrdreg $0xFFFFFFFF  }
0xad: {  	[dreg:$0x0] =	wrdreg $0x60  }
0xae: {  	[dreg:$0x2] =	wrdreg s24  }
0xaf: {  	[dreg:$0x3] =	wrdreg s2  }
0xb0: {  	[dreg:$0x4] =	wrdreg $0x70000  }
0xb1: {  	[dreg:$0x5] =	wrdreg $0x9  }
0xb2: {  	_ =	task.clear_ibuf [dreg:s7], $0x6FFFF;
	_ =	strace $0x90000055  }
0xb3: {  	s29 =	simm.s32 $0x9;
	_ =	strace $0x80000057  }
0xb4: {  	_ =	swait.ge [sflag:s29], $0x1  }
0xb5: {  	[sflag:s29] =	ssyncadd.s32 $0xFFFFFFFF  }
0xb6: {  	_ =	strace $0x90000057  }
0xb7: {  	_ =	sfence  }
0xb8: {  	s30 =	sld [smem:$0x0];
	_ =	sdelay $0x2  }
0xb9: {  	s31 =	sshll.u32 s1, $0xD;
	s1 =	sshrl.u32 s1, $0x2  }
0xba: {  	s3 =	sand.u32 $0x4000, s31;
	s1 =	sadd.s32 s1, s30  }
0xbb: {  	s0 =	sor.u32 s3, s0;
	s1 =	sshll.u32 s1, $0x11  }
0xbc: {  	s0 =	sor.u32 s1, s0  }
0xbd: {  	s0 =	sadd.s32 $0x8F2B, s0  }
0xbe: {  	[sflag:s0] =	ssyncadd.remote.s32 $0x1  }
0xbf: {  	_ =	sfence.sel $0xFFFF  }
0xc0: {  	[dreg:$0x0] =	wrdreg $0xFFFFFFFF;
	(pc) =	sbr.abs _section_cstart, $3  }
0xc1: {  	[dreg:$0x1] =	wrdreg $0xFFFFFFFF  }
0xc2: {  	_ =	task.clear_ibuf [dreg:s7], $0x2FFFF;
	_ =	strace $0x9FFFFFFF  }
0xc3: {  	(tm) =	ssettm $0x7FFFFFFF  }
tec
execute0_lowered:
.L_overlay_start_1:
0x0: {  	(tag) =	ssettag $0x1  }
0x1: {  	s5 =	rddreg [dreg:$0x0]  }
0x2: {  	s9 =	rddreg [dreg:$0x1]  }
0x3: {  	s1 =	rddreg [dreg:$0x2];
	s2 =	srdreg.scid  }
0x4: {  	s0 =	rddreg [dreg:$0x3];
	s3 =	simm.s32 $0x0;
	s14 =	simm.s32 $0x80  }
0x5: {  	s15 =	simm.s32 $0x5000;
	s16 =	simm.s32 $0x6000;
	s17 =	simm.s32 $0x1  }
0x6: {  	s18 =	simm.s32 $0x2;
	s19 =	simm.s32 $0x4F00;
	s20 =	simm.s32 $0x4F80  }
0x7: {  	s21 =	simm.s32 $0x0;
	s6 =	sand.u32 $0x1, s2;
	s2 =	stileid.u32  }
0x8: {  	[smem:$0x7FF] =	sst s3;
	s4 =	sshll.u32 s6, $0x4;
	s8 =	smul.u32 $0x5000, s2  }
0x9: {  	_ =	strace $0x80000056;
	s10 =	ssub.s32 $0x2, s6;
	s6 =	smul.u32 $0x50000, s6  }
0xa: {  	s30 =	sshll.u32 s2, $0x6;
	s7 =	sor.u32 s2, s4;
	s4 =	sadd.s32 $0x1AC00, s5  }
0xb: {  	s12 =	sshrl.u32 s10, $0x1;
	s7 =	smul.u32 $0x500, s7;
	s11 =	sshrl.u32 s8, $0x3  }
0xc: {  	s10 =	ssub.s32 s10, s12;
	s29 =	sadd.s32 s8, s1;
	s8 =	sadd.s32 s8, s6  }
0xd: {  	s6 =	sor.u32 $0x1C03, s30;
	s12 =	simm.s32 $0x3;
	s31 =	sshrl.u32 s8, $0x3  }
0xe: {  	s10 =	smax.u32 s10, $0x1;
	s13 =	sadd.s32 s7, s5;
	s5 =	sadd.s32 s11, s5  }
0xf: {  	s9 =	sadd.s32 s9, s31;
	s11 =	sshrl.u32 s29, $0x3;
	s5 =	sadd.s32 $0x4CC00, s5  }
0x10: {  	s7 =	sadd.s32 $0x6C00, s13;
	s8 =	sadd.s32 $0x10C00, s13;
	s13 =	simm.s32 $0x2800  }
.LBB2_1:
0x11: {  	[spmem:s11], [sflag:s6] =	dma.local [hbm:s5], $0xA00  }
0x12: {  	_ =	swait.ge [sflag:s12], $0xA00  }
0x13: {  	[sflag:s12] =	ssyncset.done $0x0  }
0x14: {  	[sflag:s12] =	ssyncadd.s32 $0xFFFFF600  }
0x15: {  	[tilespmem:s3], [sflag:$0x3] =	stream.linear.gather [hbm4b:s7+s3], $0x2800, $0x38;
	[tilespmem:$0xC000] =	vst v63  }
0x16: {  	_ =	swait.ge [sflag:s12], $0x2800  }
0x17: {  	[sflag:s12] =	ssyncset.done $0x0  }
0x18: {  	[sflag:s12] =	ssyncadd.s32 $0xFFFFD800  }
0x19: {  	[tilespmem:s13], [sflag:$0x3] =	stream.linear.gather [hbm4b:s8+s3], $0x2800, $0x38;
	[tilespmem:$0xC000] =	vst v63  }
0x1a: {  	_ =	swait.ge [sflag:s12], $0x2800  }
0x1b: {  	[sflag:s12] =	ssyncset.done $0x0  }
0x1c: {  	[sflag:s12] =	ssyncadd.s32 $0xFFFFD800  }
0x1d: {  	[bflag:$0x0] =	sbarrier.arrive $0xFFFF  }
0x1e: {  	[tilespmem:s15], [sflag:$0x1] =	stream.indirect.gather [hbm4b:s4+s14], $0x20, s3, s14, $0xb8;
	[tilespmem:$0xC000] =	vst v63  }
0x1f: {  	_ = 	snop  }
0x20: {  	[tilespmem:s16], [sflag:$0x2] =	stream.indirect.gather [hbm4b:s4+s14], $0x20, s14, s14, $0xb8;
	[tilespmem:$0xC000] =	vst v63  }
0x21: {  	_ =	swait.ge [sflag:s17], $0x1000  }
0x22: {  	[sflag:s17] =	ssyncset.done $0x0  }
0x23: {  	s22 =	simm.s32 $0x2800;
	[sflag:s17] =	ssyncadd.s32 $0xFFFFF000  }
0x24: {  	[spmem:s1] =	stream.indirect.scatter.add.f32 [tilespmem:s15], [sflag:$0x3], $0x20, s22, s14, $0xb8;
	[tilespmem:$0xC000] =	vst v63  }
0x25: {  	_ =	swait.ge [sflag:s12], $0x1000  }
0x26: {  	[sflag:s12] =	ssyncset.done $0x0  }
0x27: {  	s30 =	simm.s32 $0x100;
	[sflag:s12] =	ssyncadd.s32 $0xFFFFF000  }
0x28: {  	[tilespmem:s15], [sflag:$0x1] =	stream.indirect.gather [hbm4b:s4+s14], $0x20, s30, s14, $0xb8;
	[tilespmem:$0xC000] =	vst v63  }
0x29: {  	_ =	swait.ge [sflag:s18], $0x1000  }
0x2a: {  	[sflag:s18] =	ssyncset.done $0x0  }
0x2b: {  	s31 =	simm.s32 $0x2880;
	[sflag:s18] =	ssyncadd.s32 $0xFFFFF000  }
0x2c: {  	[spmem:s1] =	stream.indirect.scatter.add.f32 [tilespmem:s16], [sflag:$0x3], $0x20, s31, s14, $0xb8;
	[tilespmem:$0xC000] =	vst v63  }
0x2d: {  	_ =	swait.ge [sflag:s12], $0x1000  }
0x2e: {  	[sflag:s12] =	ssyncset.done $0x0  }
0x2f: {  	s23 =	simm.s32 $0x180;
	s22 =	simm.s32 $0x400;
	[sflag:s12] =	ssyncadd.s32 $0xFFFFF000  }
.LBB2_2:
0x30: {  	[tilespmem:s16], [sflag:$0x2] =	stream.indirect.gather [hbm4b:s4+s14], $0x20, s23, s14, $0xb8;
	[tilespmem:$0xC000] =	vst v63  }
0x31: {  	s23 =	smov.u32 s22  }
0x32: {  	p0 =	sne.s32 s22, $0x9800;
	s22 =	sadd.s32 $0x400, s22;
	_ =	swait.ge [sflag:s17], $0x1000  }
0x33: {  	s23 =	sshra.s32 s23, $0x2;
	[sflag:s17] =	ssyncset.done $0x0  }
0x34: {  	s24 =	sadd.s32 $0x2800, s23;
	[sflag:s17] =	ssyncadd.s32 $0xFFFFF000  }
0x35: {  	[spmem:s1] =	stream.indirect.scatter.add.f32 [tilespmem:s15], [sflag:$0x3], $0x20, s24, s14, $0xb8;
	[tilespmem:$0xC000] =	vst v63  }
0x36: {  	_ =	swait.ge [sflag:s12], $0x1000  }
0x37: {  	[sflag:s12] =	ssyncset.done $0x0  }
0x38: {  	s24 =	sadd.s32 $0x100, s23;
	[sflag:s12] =	ssyncadd.s32 $0xFFFFF000  }
0x39: {  	[tilespmem:s15], [sflag:$0x1] =	stream.indirect.gather [hbm4b:s4+s14], $0x20, s24, s14, $0xb8;
	[tilespmem:$0xC000] =	vst v63  }
0x3a: {  	_ =	swait.ge [sflag:s18], $0x1000  }
0x3b: {  	[sflag:s18] =	ssyncset.done $0x0  }
.Ltmp0:
0x3c: {  	s24 =	sadd.s32 $0x2880, s23;
	[sflag:s18] =	ssyncadd.s32 $0xFFFFF000;
	(pc) =	sbr.rel @p0 .LBB2_2-.Ltmp0, $4  }
0x3d: {  	[spmem:s1] =	stream.indirect.scatter.add.f32 [tilespmem:s16], [sflag:$0x3], $0x20, s24, s14, $0xb8;
	[tilespmem:$0xC000] =	vst v63  }
0x3e: {  	_ =	swait.ge [sflag:s12], $0x1000  }
0x3f: {  	[sflag:s12] =	ssyncset.done $0x0  }
0x40: {  	s23 =	sadd.s32 $0x180, s23;
	[sflag:s12] =	ssyncadd.s32 $0xFFFFF000  }
0x41: {  	[tilespmem:s16], [sflag:$0x2] =	stream.indirect.gather [hbm4b:s4+s14], $0x20, s23, s14, $0xb8;
	[tilespmem:$0xC000] =	vst v63  }
0x42: {  	_ =	swait.ge [sflag:s17], $0x1000  }
0x43: {  	[sflag:s17] =	ssyncset.done $0x0  }
0x44: {  	[sflag:s17] =	ssyncadd.s32 $0xFFFFF000  }
0x45: {  	[spmem:s1] =	stream.indirect.scatter.add.f32 [tilespmem:s15], [sflag:$0x3], $0x20, s19, s14, $0xb8;
	[tilespmem:$0xC000] =	vst v63  }
0x46: {  	_ =	swait.ge [sflag:s12], $0x1000  }
0x47: {  	[sflag:s12] =	ssyncset.done $0x0  }
0x48: {  	[sflag:s12] =	ssyncadd.s32 $0xFFFFF000  }
0x49: {  	_ =	swait.ge [sflag:s18], $0x1000  }
0x4a: {  	[sflag:s18] =	ssyncset.done $0x0  }
0x4b: {  	[sflag:s18] =	ssyncadd.s32 $0xFFFFF000  }
0x4c: {  	[spmem:s1] =	stream.indirect.scatter.add.f32 [tilespmem:s16], [sflag:$0x3], $0x20, s20, s14, $0xb8;
	[tilespmem:$0xC000] =	vst v63  }
0x4d: {  	_ =	swait.ge [sflag:s12], $0x1000  }
0x4e: {  	s21 =	sadd.s32 $0x1, s21;
	[sflag:s12] =	ssyncset.done $0x0  }
0x4f: {  	p0 =	sne.s32 s21, s10;
	[sflag:s12] =	ssyncadd.s32 $0xFFFFF000  }
.Ltmp1:
0x50: {  	[bflag:$0x0] =	sbarrier.arrive $0xFFFF;
	(pc) =	sbr.rel @p0 .LBB2_1-.Ltmp1, $4  }
0x51: {  	[hbm:s9], [sflag:s6] =	dma.local [spmem:s11], $0xA00  }
0x52: {  	_ =	swait.ge [sflag:s12], $0xA00  }
0x53: {  	[sflag:s12] =	ssyncset.done $0x0  }
0x54: {  	[sflag:s12] =	ssyncadd.s32 $0xFFFFF600  }
0x55: {  	_ =	sfence.sel $0x180000  }
0x56: {  	[bflag:$0x0] =	sbarrier.arrive $0xFFFF  }
0x57: {  	p0 =	sne.s32 s2, $0x0;
	_ =	strace $0x90000056  }
0x58: {  	s0 =	sadd.s32 @!p0 $0x100000, s0;
	[bflag:$0x2] =	sbarrier.arrive $0xFFFF  }
0x59: {  	[sflag:s0] =	ssyncadd.tile.s32 @!p0 $0x1;
	_ =	shalt  }
.Lfunc_end2:
_tile_overlayer_lowered:
.L_overlay_start_2:
0x5a: {  	(tag) =	ssettag $0x2  }
0x5b: {  	s0 =	rddreg [dreg:$0x0];
	s2 =	stileid.u32  }
0x5c: {  	s1 =	rddreg [dreg:$0x1];
	p0 =	sne.s32 s2, $0x0  }
0x5d: {  	s3 =	rddreg [dreg:$0x2];
	[bflag:$0x3] =	sbarrier.arrive $0xFFFF;
	s2 =	simm.s32 @!p0 $0x1C03  }
0x5e: {  	[timem:s3], [sflag:s2] =	dma.local @!p0 [hbm:s0], s1  }
0x5f: {  	s0 =	simm.s32 @!p0 $0x3  }
0x60: {  	_ =	swait.ge @!p0 [sflag:s0], s1  }
0x61: {  	s1 =	ssub.s32 @!p0 $0x0, s1;
	[sflag:s0] =	ssyncset.done @!p0 $0x0  }
0x62: {  	[sflag:s0] =	ssyncadd.s32 @!p0 s1  }
0x63: {  	[bflag:$0x3] =	sbarrier.arrive $0xFFFF  }
0x64: {  	_ =	shalt  }

</sc_bundles>
